<compile_context>
chip_gen: v7x
topology: tpu7x:2x2x1
jax: 0.10.2.dev20260603
libtpu: 0.0.44.dev20260713+nightly
codegen_flags: <defaults>
</compile_context>

<pallas_src>
import functools

import jax
import jax.numpy as jnp
from jax import lax
from jax.experimental import pallas as pl
from jax.experimental.pallas import tpu as pltpu
from jax.experimental.pallas import tpu_sc as plsc

_NC = 2
_NS = 16
_NW = _NC * _NS
_L = 16

_CB = 128


def _make_run(B, J, K, C):
    bpw = B // _NW
    nch = bpw // _CB
    ntv = _CB // _L

    mesh = plsc.VectorSubcoreMesh(core_axis_name="c", subcore_axis_name="s")

    @functools.partial(
        pl.kernel,
        mesh=mesh,
        out_type=jax.ShapeDtypeStruct((C, K, B), jnp.float32),
        compiler_params=pltpu.CompilerParams(
            needs_layout_passes=False,
            use_tc_tiling_on_sc=True,
        ),
        scratch_types=(
            [pltpu.VMEM((K * _L,), jnp.int32)]
            + [pltpu.VMEM((_CB, J), jnp.float32) for _ in range(3)]
            + [pltpu.VMEM((K, _CB), jnp.float32) for _ in range(3)]
            + [pltpu.VMEM((_CB * J,), jnp.float32)]
            + [pltpu.SemaphoreType.DMA for _ in range(7)]
        ),
    )
    def run(jin_hbm, patj_hbm, out_hbm, patj_v, *bufs):
        in_b = bufs[:3]
        out_b = bufs[3:6]
        in1d = bufs[6]
        psem = bufs[7]
        isem = bufs[8:11]
        osem = bufs[11:14]
        wid = lax.axis_index("s") * _NC + lax.axis_index("c")
        pat_cp = pltpu.async_copy(patj_hbm, patj_v, psem)
        iota = lax.iota(jnp.int32, _L)
        b0w = wid * bpw
        units = [(ci, c) for ci in range(nch) for c in range(C)]

        def start_in(u):
            ci, c = units[u]
            return pltpu.async_copy(
                jin_hbm.at[c, pl.ds(b0w + ci * _CB, _CB), :],
                in_b[u % 3], isem[u % 3])

        nu = len(units)
        in_cp = {v: start_in(v) for v in range(min(2, nu))}
        out_cp = {}
        pat_cp.wait()
        for u in range(nu):
            ci, c = units[u]
            if u + 2 < nu:
                in_cp[u + 2] = start_in(u + 2)
            in_cp.pop(u).wait()
            if u >= 3:
                out_cp.pop(u - 3).wait()

            ib = in_b[u % 3]
            ob = out_b[u % 3]

            nfull = J // _L
            tail = J - _L

            offs = [t * _L for t in range(nfull)] + [tail]

            def repack(i, carry, ib=ib):
                for s in range(2):
                    b = i * 2 + s
                    base = b * J
                    vals = [ib[b, pl.ds(o, _L)] for o in offs]
                    for o, v in zip(offs, vals):
                        in1d[pl.ds(base + o, _L)] = v
                return carry

            lax.fori_loop(0, _CB // 2, repack, 0)

            bj = [iota * J + (t * _L * J) for t in range(ntv)]

            def body(i, carry, ob=ob):
                for s in range(2):
                    k = i * 2 + s
                    gj = patj_v[pl.ds(k * _L, _L)]
                    vals = [plsc.load_gather(in1d, [bj[t] + gj])
                            for t in range(ntv)]
                    for t in range(ntv):
                        ob[k, pl.ds(t * _L, _L)] = vals[t]
                return carry

            lax.fori_loop(0, K // 2, body, 0)
            out_cp[u] = pltpu.async_copy(
                ob, out_hbm.at[c, :, pl.ds(b0w + ci * _CB, _CB)],
                osem[u % 3])
        for u in sorted(out_cp):
            out_cp.pop(u).wait()

    return run


def kernel(joints, indices):
    B, J, C = joints.shape
    K = indices.shape[0]
    jin = jnp.transpose(joints, (2, 0, 1))
    patj = jnp.repeat(indices.astype(jnp.int32), _L)
    run = _make_run(B, J, K, C)
    out_t = run(jin, patj)
    return jnp.transpose(out_t, (2, 1, 0))

# --- scband reference (transcript-rebuilt; emitter-appended) ---
"""Pipeline reference for scband-joint-map-66099546685949 (READ-ONLY COPY).

The authoritative reference and input builder live on the scoring server;
editing this copy changes nothing except your own understanding.
"""

import jax, jax.numpy as jnp
import numpy as np


def _smplx_coco25_mapping():
    body = np.array([55, 12, 17, 19, 21, 16, 18, 20, 0, 2, 5, 8, 1, 4, 7,
                     56, 57, 58, 59, 60, 61, 62, 63, 64, 65], dtype=np.int32)
    lhand = np.array([20, 37, 38, 39, 66, 25, 26, 27, 67, 28, 29, 30, 68,
                      34, 35, 36, 69, 31, 32, 33, 70], dtype=np.int32)
    rhand = np.array([21, 52, 53, 54, 71, 40, 41, 42, 72, 43, 44, 45, 73,
                      49, 50, 51, 74, 46, 47, 48, 75], dtype=np.int32)
    face = np.arange(76, 127, dtype=np.int32)  # use_face_contour=False
    return np.concatenate([body, lhand, rhand, face])


def setup_inputs(seed: int = 0) -> dict:
    key = jax.random.key(seed)
    joints = jax.random.normal(key, (16384, 127, 3), dtype=jnp.float32)
    indices = jnp.asarray(_smplx_coco25_mapping(), dtype=jnp.int32)
    return {"joints": joints, "indices": indices}


def reference(joints, indices):
    # torch.index_select(joints, dim=1, index=self.indices)
    return jnp.take(joints, indices, axis=1)

if __name__ == "__main__":
    import jax
    _d = setup_inputs()
    print(jax.jit(kernel)(*tuple(_d.values())))

</pallas_src>

<mosaic_0001>
#map = affine_map<(d0, d1) -> (0, 0, 0)>
#map1 = affine_map<(d0, d1) -> (0)>
module attributes {stable_mosaic.version = 14 : i64} {
  func.func @run(%arg0: i32, %arg1: i32, %arg2: memref<3x16384x127xf32, #tpu.memory_space<hbm>>, %arg3: memref<1888xi32, #tpu.memory_space<hbm>>, %arg4: memref<3x118x16384xf32, #tpu.memory_space<hbm>>, %arg5: memref<1888xi32, #tpu.memory_space<vmem>>, %arg6: memref<128x127xf32, #tpu.memory_space<vmem>>, %arg7: memref<128x127xf32, #tpu.memory_space<vmem>>, %arg8: memref<128x127xf32, #tpu.memory_space<vmem>>, %arg9: memref<118x128xf32, #tpu.memory_space<vmem>>, %arg10: memref<118x128xf32, #tpu.memory_space<vmem>>, %arg11: memref<118x128xf32, #tpu.memory_space<vmem>>, %arg12: memref<16256xf32, #tpu.memory_space<vmem>>, %arg13: memref<!tpu.dma_semaphore, #tpu.memory_space<semaphore_mem>>, %arg14: memref<!tpu.dma_semaphore, #tpu.memory_space<semaphore_mem>>, %arg15: memref<!tpu.dma_semaphore, #tpu.memory_space<semaphore_mem>>, %arg16: memref<!tpu.dma_semaphore, #tpu.memory_space<semaphore_mem>>, %arg17: memref<!tpu.dma_semaphore, #tpu.memory_space<semaphore_mem>>, %arg18: memref<!tpu.dma_semaphore, #tpu.memory_space<semaphore_mem>>, %arg19: memref<!tpu.dma_semaphore, #tpu.memory_space<semaphore_mem>>) attributes {dimension_semantics = [#tpu.dimension_semantics<core_parallel>, #tpu.dimension_semantics<subcore_parallel>], iteration_bounds = array<i64: 2, 16>, scalar_prefetch = 0 : i64, scratch_operands = 15 : i64, tpu.core_type = #tpu.core_type<sc_vector_subcore>, window_params = [{transform_indices = #map}, {transform_indices = #map1}, {transform_indices = #map}]} {
    %mul3A = arith.constant 2 : i32
    %mul3A_0 = arith.muli %arg1, %mul3A : i32
    %add3A = arith.addi %mul3A_0, %arg0 : i32
    tpu.enqueue_dma source(%arg3 : memref<1888xi32, #tpu.memory_space<hbm>>) target(%arg5 : memref<1888xi32, #tpu.memory_space<vmem>>) target_semaphore(%arg13 : memref<!tpu.dma_semaphore, #tpu.memory_space<semaphore_mem>>)
    %iota3A = tpu.iota {dimensions = array<i32: 0>} : vector<16xi32>
    %mul3A_1 = arith.constant 512 : i32
    %mul3A_2 = arith.muli %add3A, %mul3A_1 : i32
    %add3A_3 = arith.constant 0 : i32
    %add3A_4 = arith.addi %mul3A_2, %add3A_3 : i32
    %dma_start3A = arith.constant 0 : i32
    %dma_start3A_5 = arith.constant 0 : i32
    %dma_start3A_6 = tpu.memref_slice %arg2[%dma_start3A, %add3A_4, %dma_start3A_5] : memref<3x16384x127xf32, #tpu.memory_space<hbm>> -> memref<1x128x127xf32, #tpu.memory_space<hbm>>
    %dma_start3A_7 = tpu.memref_squeeze %dma_start3A_6 : memref<1x128x127xf32, #tpu.memory_space<hbm>> -> memref<128x127xf32, #tpu.memory_space<hbm>>
    %dma_start3A_8 = arith.constant 0 : i32
    %dma_start3A_9 = tpu.memref_slice %arg2[%dma_start3A, %add3A_4, %dma_start3A_8] : memref<3x16384x127xf32, #tpu.memory_space<hbm>> -> memref<1x128x127xf32, #tpu.memory_space<hbm>>
    %dma_start3A_10 = tpu.memref_squeeze %dma_start3A_9 : memref<1x128x127xf32, #tpu.memory_space<hbm>> -> memref<128x127xf32, #tpu.memory_space<hbm>>
    tpu.enqueue_dma source(%dma_start3A_10 : memref<128x127xf32, #tpu.memory_space<hbm>>) target(%arg6 : memref<128x127xf32, #tpu.memory_space<vmem>>) target_semaphore(%arg14 : memref<!tpu.dma_semaphore, #tpu.memory_space<semaphore_mem>>)
    %add3A_11 = arith.constant 0 : i32
    %add3A_12 = arith.addi %mul3A_2, %add3A_11 : i32
    %dma_start3A_13 = arith.constant 1 : i32
    %dma_start3A_14 = arith.constant 0 : i32
    %dma_start3A_15 = tpu.memref_slice %arg2[%dma_start3A_13, %add3A_12, %dma_start3A_14] : memref<3x16384x127xf32, #tpu.memory_space<hbm>> -> memref<1x128x127xf32, #tpu.memory_space<hbm>>
    %dma_start3A_16 = tpu.memref_squeeze %dma_start3A_15 : memref<1x128x127xf32, #tpu.memory_space<hbm>> -> memref<128x127xf32, #tpu.memory_space<hbm>>
    %dma_start3A_17 = arith.constant 0 : i32
    %dma_start3A_18 = tpu.memref_slice %arg2[%dma_start3A_13, %add3A_12, %dma_start3A_17] : memref<3x16384x127xf32, #tpu.memory_space<hbm>> -> memref<1x128x127xf32, #tpu.memory_space<hbm>>
    %dma_start3A_19 = tpu.memref_squeeze %dma_start3A_18 : memref<1x128x127xf32, #tpu.memory_space<hbm>> -> memref<128x127xf32, #tpu.memory_space<hbm>>
    tpu.enqueue_dma source(%dma_start3A_19 : memref<128x127xf32, #tpu.memory_space<hbm>>) target(%arg7 : memref<128x127xf32, #tpu.memory_space<vmem>>) target_semaphore(%arg15 : memref<!tpu.dma_semaphore, #tpu.memory_space<semaphore_mem>>)
    tpu.wait_dma2 semaphore(%arg13 : memref<!tpu.dma_semaphore, #tpu.memory_space<semaphore_mem>>) src(%arg3 : memref<1888xi32, #tpu.memory_space<hbm>>) dst(%arg5 : memref<1888xi32, #tpu.memory_space<vmem>>)
    %add3A_20 = arith.constant 0 : i32
    %add3A_21 = arith.addi %mul3A_2, %add3A_20 : i32
    %dma_start3A_22 = arith.constant 2 : i32
    %dma_start3A_23 = arith.constant 0 : i32
    %dma_start3A_24 = tpu.memref_slice %arg2[%dma_start3A_22, %add3A_21, %dma_start3A_23] : memref<3x16384x127xf32, #tpu.memory_space<hbm>> -> memref<1x128x127xf32, #tpu.memory_space<hbm>>
    %dma_start3A_25 = tpu.memref_squeeze %dma_start3A_24 : memref<1x128x127xf32, #tpu.memory_space<hbm>> -> memref<128x127xf32, #tpu.memory_space<hbm>>
    %dma_start3A_26 = arith.constant 0 : i32
    %dma_start3A_27 = tpu.memref_slice %arg2[%dma_start3A_22, %add3A_21, %dma_start3A_26] : memref<3x16384x127xf32, #tpu.memory_space<hbm>> -> memref<1x128x127xf32, #tpu.memory_space<hbm>>
    %dma_start3A_28 = tpu.memref_squeeze %dma_start3A_27 : memref<1x128x127xf32, #tpu.memory_space<hbm>> -> memref<128x127xf32, #tpu.memory_space<hbm>>
    tpu.enqueue_dma source(%dma_start3A_28 : memref<128x127xf32, #tpu.memory_space<hbm>>) target(%arg8 : memref<128x127xf32, #tpu.memory_space<vmem>>) target_semaphore(%arg16 : memref<!tpu.dma_semaphore, #tpu.memory_space<semaphore_mem>>)
    %dma_wait3A = arith.constant 0 : i32
    %dma_wait3A_29 = arith.constant 0 : i32
    %dma_wait3A_30 = tpu.memref_slice %arg2[%dma_wait3A, %add3A_4, %dma_wait3A_29] : memref<3x16384x127xf32, #tpu.memory_space<hbm>> -> memref<1x128x127xf32, #tpu.memory_space<hbm>>
    %dma_wait3A_31 = tpu.memref_squeeze %dma_wait3A_30 : memref<1x128x127xf32, #tpu.memory_space<hbm>> -> memref<128x127xf32, #tpu.memory_space<hbm>>
    %dma_wait3A_32 = arith.constant 0 : i32
    %dma_wait3A_33 = tpu.memref_slice %arg2[%dma_wait3A, %add3A_4, %dma_wait3A_32] : memref<3x16384x127xf32, #tpu.memory_space<hbm>> -> memref<1x128x127xf32, #tpu.memory_space<hbm>>
    %dma_wait3A_34 = tpu.memref_squeeze %dma_wait3A_33 : memref<1x128x127xf32, #tpu.memory_space<hbm>> -> memref<128x127xf32, #tpu.memory_space<hbm>>
    tpu.wait_dma2 semaphore(%arg14 : memref<!tpu.dma_semaphore, #tpu.memory_space<semaphore_mem>>) src(%dma_wait3A_34 : memref<128x127xf32, #tpu.memory_space<hbm>>) dst(%arg6 : memref<128x127xf32, #tpu.memory_space<vmem>>)
    %scan3A = arith.constant 0 : i32
    %scan3A_35 = arith.constant 0 : i32
    %scan3A_36 = arith.constant 64 : i32
    %scan3A_37 = arith.addi %scan3A_35, %scan3A_36 : i32
    %scan3A_38 = arith.constant 1 : i32
    scf.for %scan3A_1104 = %scan3A_35 to %scan3A_37 step %scan3A_38  : i32 {
      %mul3A_1105 = arith.constant 2 : i32
      %mul3A_1106 = arith.muli %scan3A_1104, %mul3A_1105 : i32
      %add3A_1107 = arith.constant 0 : i32
      %add3A_1108 = arith.addi %mul3A_1106, %add3A_1107 : i32
      %mul3A_1109 = arith.constant 127 : i32
      %mul3A_1110 = arith.muli %add3A_1108, %mul3A_1109 : i32
      %get3A = arith.index_cast %add3A_1108 : i32 to index
      %get3A_1111 = arith.constant 0 : index
      %get3A_1112 = tpu.vector_load %arg6[%get3A, %get3A_1111] {strides = array<i32>} : memref<128x127xf32, #tpu.memory_space<vmem>>, vector<16xf32>,
      %get3A_1113 = arith.index_cast %add3A_1108 : i32 to index
      %get3A_1114 = arith.constant 16 : index
      %get3A_1115 = tpu.vector_load %arg6[%get3A_1113, %get3A_1114] {strides = array<i32>} : memref<128x127xf32, #tpu.memory_space<vmem>>, vector<16xf32>,
      %get3A_1116 = arith.index_cast %add3A_1108 : i32 to index
      %get3A_1117 = arith.constant 32 : index
      %get3A_1118 = tpu.vector_load %arg6[%get3A_1116, %get3A_1117] {strides = array<i32>} : memref<128x127xf32, #tpu.memory_space<vmem>>, vector<16xf32>,
      %get3A_1119 = arith.index_cast %add3A_1108 : i32 to index
      %get3A_1120 = arith.constant 48 : index
      %get3A_1121 = tpu.vector_load %arg6[%get3A_1119, %get3A_1120] {strides = array<i32>} : memref<128x127xf32, #tpu.memory_space<vmem>>, vector<16xf32>,
      %get3A_1122 = arith.index_cast %add3A_1108 : i32 to index
      %get3A_1123 = arith.constant 64 : index
      %get3A_1124 = tpu.vector_load %arg6[%get3A_1122, %get3A_1123] {strides = array<i32>} : memref<128x127xf32, #tpu.memory_space<vmem>>, vector<16xf32>,
      %get3A_1125 = arith.index_cast %add3A_1108 : i32 to index
      %get3A_1126 = arith.constant 80 : index
      %get3A_1127 = tpu.vector_load %arg6[%get3A_1125, %get3A_1126] {strides = array<i32>} : memref<128x127xf32, #tpu.memory_space<vmem>>, vector<16xf32>,
      %get3A_1128 = arith.index_cast %add3A_1108 : i32 to index
      %get3A_1129 = arith.constant 96 : index
      %get3A_1130 = tpu.vector_load %arg6[%get3A_1128, %get3A_1129] {strides = array<i32>} : memref<128x127xf32, #tpu.memory_space<vmem>>, vector<16xf32>,
      %get3A_1131 = arith.index_cast %add3A_1108 : i32 to index
      %get3A_1132 = arith.constant 111 : index
      %get3A_1133 = tpu.vector_load %arg6[%get3A_1131, %get3A_1132] {strides = array<i32>} : memref<128x127xf32, #tpu.memory_space<vmem>>, vector<16xf32>,
      %add3A_1134 = arith.constant 0 : i32
      %add3A_1135 = arith.addi %mul3A_1110, %add3A_1134 : i32
      %swap3A = arith.index_cast %add3A_1135 : i32 to index
      %swap3A_1136 = tpu.vector_load %arg12[%swap3A] {strides = array<i32>} : memref<16256xf32, #tpu.memory_space<vmem>>, vector<16xf32>,
      tpu.vector_store %arg12[%swap3A], %get3A_1112 {strides = array<i32>} : memref<16256xf32, #tpu.memory_space<vmem>>, vector<16xf32>,
      %add3A_1137 = arith.constant 16 : i32
      %add3A_1138 = arith.addi %mul3A_1110, %add3A_1137 : i32
      %swap3A_1139 = arith.index_cast %add3A_1138 : i32 to index
      %swap3A_1140 = tpu.vector_load %arg12[%swap3A_1139] {strides = array<i32>} : memref<16256xf32, #tpu.memory_space<vmem>>, vector<16xf32>,
      tpu.vector_store %arg12[%swap3A_1139], %get3A_1115 {strides = array<i32>} : memref<16256xf32, #tpu.memory_space<vmem>>, vector<16xf32>,
      %add3A_1141 = arith.constant 32 : i32
      %add3A_1142 = arith.addi %mul3A_1110, %add3A_1141 : i32
      %swap3A_1143 = arith.index_cast %add3A_1142 : i32 to index
      %swap3A_1144 = tpu.vector_load %arg12[%swap3A_1143] {strides = array<i32>} : memref<16256xf32, #tpu.memory_space<vmem>>, vector<16xf32>,
      tpu.vector_store %arg12[%swap3A_1143], %get3A_1118 {strides = array<i32>} : memref<16256xf32, #tpu.memory_space<vmem>>, vector<16xf32>,
      %add3A_1145 = arith.constant 48 : i32
      %add3A_1146 = arith.addi %mul3A_1110, %add3A_1145 : i32
      %swap3A_1147 = arith.index_cast %add3A_1146 : i32 to index
      %swap3A_1148 = tpu.vector_load %arg12[%swap3A_1147] {strides = array<i32>} : memref<16256xf32, #tpu.memory_space<vmem>>, vector<16xf32>,
      tpu.vector_store %arg12[%swap3A_1147], %get3A_1121 {strides = array<i32>} : memref<16256xf32, #tpu.memory_space<vmem>>, vector<16xf32>,
      %add3A_1149 = arith.constant 64 : i32
      %add3A_1150 = arith.addi %mul3A_1110, %add3A_1149 : i32
      %swap3A_1151 = arith.index_cast %add3A_1150 : i32 to index
      %swap3A_1152 = tpu.vector_load %arg12[%swap3A_1151] {strides = array<i32>} : memref<16256xf32, #tpu.memory_space<vmem>>, vector<16xf32>,
      tpu.vector_store %arg12[%swap3A_1151], %get3A_1124 {strides = array<i32>} : memref<16256xf32, #tpu.memory_space<vmem>>, vector<16xf32>,
      %add3A_1153 = arith.constant 80 : i32
      %add3A_1154 = arith.addi %mul3A_1110, %add3A_1153 : i32
      %swap3A_1155 = arith.index_cast %add3A_1154 : i32 to index
      %swap3A_1156 = tpu.vector_load %arg12[%swap3A_1155] {strides = array<i32>} : memref<16256xf32, #tpu.memory_space<vmem>>, vector<16xf32>,
      tpu.vector_store %arg12[%swap3A_1155], %get3A_1127 {strides = array<i32>} : memref<16256xf32, #tpu.memory_space<vmem>>, vector<16xf32>,
      %add3A_1157 = arith.constant 96 : i32
      %add3A_1158 = arith.addi %mul3A_1110, %add3A_1157 : i32
      %swap3A_1159 = arith.index_cast %add3A_1158 : i32 to index
      %swap3A_1160 = tpu.vector_load %arg12[%swap3A_1159] {strides = array<i32>} : memref<16256xf32, #tpu.memory_space<vmem>>, vector<16xf32>,
      tpu.vector_store %arg12[%swap3A_1159], %get3A_1130 {strides = array<i32>} : memref<16256xf32, #tpu.memory_space<vmem>>, vector<16xf32>,
      %add3A_1161 = arith.constant 111 : i32
      %add3A_1162 = arith.addi %mul3A_1110, %add3A_1161 : i32
      %swap3A_1163 = arith.index_cast %add3A_1162 : i32 to index
      %swap3A_1164 = tpu.vector_load %arg12[%swap3A_1163] {strides = array<i32>} : memref<16256xf32, #tpu.memory_space<vmem>>, vector<16xf32>,
      tpu.vector_store %arg12[%swap3A_1163], %get3A_1133 {strides = array<i32>} : memref<16256xf32, #tpu.memory_space<vmem>>, vector<16xf32>,
      %mul3A_1165 = arith.constant 2 : i32
      %mul3A_1166 = arith.muli %scan3A_1104, %mul3A_1165 : i32
      %add3A_1167 = arith.constant 1 : i32
      %add3A_1168 = arith.addi %mul3A_1166, %add3A_1167 : i32
      %mul3A_1169 = arith.constant 127 : i32
      %mul3A_1170 = arith.muli %add3A_1168, %mul3A_1169 : i32
      %get3A_1171 = arith.index_cast %add3A_1168 : i32 to index
      %get3A_1172 = arith.constant 0 : index
      %get3A_1173 = tpu.vector_load %arg6[%get3A_1171, %get3A_1172] {strides = array<i32>} : memref<128x127xf32, #tpu.memory_space<vmem>>, vector<16xf32>,
      %get3A_1174 = arith.index_cast %add3A_1168 : i32 to index
      %get3A_1175 = arith.constant 16 : index
      %get3A_1176 = tpu.vector_load %arg6[%get3A_1174, %get3A_1175] {strides = array<i32>} : memref<128x127xf32, #tpu.memory_space<vmem>>, vector<16xf32>,
      %get3A_1177 = arith.index_cast %add3A_1168 : i32 to index
      %get3A_1178 = arith.constant 32 : index
      %get3A_1179 = tpu.vector_load %arg6[%get3A_1177, %get3A_1178] {strides = array<i32>} : memref<128x127xf32, #tpu.memory_space<vmem>>, vector<16xf32>,
      %get3A_1180 = arith.index_cast %add3A_1168 : i32 to index
      %get3A_1181 = arith.constant 48 : index
      %get3A_1182 = tpu.vector_load %arg6[%get3A_1180, %get3A_1181] {strides = array<i32>} : memref<128x127xf32, #tpu.memory_space<vmem>>, vector<16xf32>,
      %get3A_1183 = arith.index_cast %add3A_1168 : i32 to index
      %get3A_1184 = arith.constant 64 : index
      %get3A_1185 = tpu.vector_load %arg6[%get3A_1183, %get3A_1184] {strides = array<i32>} : memref<128x127xf32, #tpu.memory_space<vmem>>, vector<16xf32>,
      %get3A_1186 = arith.index_cast %add3A_1168 : i32 to index
      %get3A_1187 = arith.constant 80 : index
      %get3A_1188 = tpu.vector_load %arg6[%get3A_1186, %get3A_1187] {strides = array<i32>} : memref<128x127xf32, #tpu.memory_space<vmem>>, vector<16xf32>,
      %get3A_1189 = arith.index_cast %add3A_1168 : i32 to index
      %get3A_1190 = arith.constant 96 : index
      %get3A_1191 = tpu.vector_load %arg6[%get3A_1189, %get3A_1190] {strides = array<i32>} : memref<128x127xf32, #tpu.memory_space<vmem>>, vector<16xf32>,
      %get3A_1192 = arith.index_cast %add3A_1168 : i32 to index
      %get3A_1193 = arith.constant 111 : index
      %get3A_1194 = tpu.vector_load %arg6[%get3A_1192, %get3A_1193] {strides = array<i32>} : memref<128x127xf32, #tpu.memory_space<vmem>>, vector<16xf32>,
      %add3A_1195 = arith.constant 0 : i32
      %add3A_1196 = arith.addi %mul3A_1170, %add3A_1195 : i32
      %swap3A_1197 = arith.index_cast %add3A_1196 : i32 to index
      %swap3A_1198 = tpu.vector_load %arg12[%swap3A_1197] {strides = array<i32>} : memref<16256xf32, #tpu.memory_space<vmem>>, vector<16xf32>,
      tpu.vector_store %arg12[%swap3A_1197], %get3A_1173 {strides = array<i32>} : memref<16256xf32, #tpu.memory_space<vmem>>, vector<16xf32>,
      %add3A_1199 = arith.constant 16 : i32
      %add3A_1200 = arith.addi %mul3A_1170, %add3A_1199 : i32
      %swap3A_1201 = arith.index_cast %add3A_1200 : i32 to index
      %swap3A_1202 = tpu.vector_load %arg12[%swap3A_1201] {strides = array<i32>} : memref<16256xf32, #tpu.memory_space<vmem>>, vector<16xf32>,
      tpu.vector_store %arg12[%swap3A_1201], %get3A_1176 {strides = array<i32>} : memref<16256xf32, #tpu.memory_space<vmem>>, vector<16xf32>,
      %add3A_1203 = arith.constant 32 : i32
      %add3A_1204 = arith.addi %mul3A_1170, %add3A_1203 : i32
      %swap3A_1205 = arith.index_cast %add3A_1204 : i32 to index
      %swap3A_1206 = tpu.vector_load %arg12[%swap3A_1205] {strides = array<i32>} : memref<16256xf32, #tpu.memory_space<vmem>>, vector<16xf32>,
      tpu.vector_store %arg12[%swap3A_1205], %get3A_1179 {strides = array<i32>} : memref<16256xf32, #tpu.memory_space<vmem>>, vector<16xf32>,
      %add3A_1207 = arith.constant 48 : i32
      %add3A_1208 = arith.addi %mul3A_1170, %add3A_1207 : i32
      %swap3A_1209 = arith.index_cast %add3A_1208 : i32 to index
      %swap3A_1210 = tpu.vector_load %arg12[%swap3A_1209] {strides = array<i32>} : memref<16256xf32, #tpu.memory_space<vmem>>, vector<16xf32>,
      tpu.vector_store %arg12[%swap3A_1209], %get3A_1182 {strides = array<i32>} : memref<16256xf32, #tpu.memory_space<vmem>>, vector<16xf32>,
      %add3A_1211 = arith.constant 64 : i32
      %add3A_1212 = arith.addi %mul3A_1170, %add3A_1211 : i32
      %swap3A_1213 = arith.index_cast %add3A_1212 : i32 to index
      %swap3A_1214 = tpu.vector_load %arg12[%swap3A_1213] {strides = array<i32>} : memref<16256xf32, #tpu.memory_space<vmem>>, vector<16xf32>,
      tpu.vector_store %arg12[%swap3A_1213], %get3A_1185 {strides = array<i32>} : memref<16256xf32, #tpu.memory_space<vmem>>, vector<16xf32>,
      %add3A_1215 = arith.constant 80 : i32
      %add3A_1216 = arith.addi %mul3A_1170, %add3A_1215 : i32
      %swap3A_1217 = arith.index_cast %add3A_1216 : i32 to index
      %swap3A_1218 = tpu.vector_load %arg12[%swap3A_1217] {strides = array<i32>} : memref<16256xf32, #tpu.memory_space<vmem>>, vector<16xf32>,
      tpu.vector_store %arg12[%swap3A_1217], %get3A_1188 {strides = array<i32>} : memref<16256xf32, #tpu.memory_space<vmem>>, vector<16xf32>,
      %add3A_1219 = arith.constant 96 : i32
      %add3A_1220 = arith.addi %mul3A_1170, %add3A_1219 : i32
      %swap3A_1221 = arith.index_cast %add3A_1220 : i32 to index
      %swap3A_1222 = tpu.vector_load %arg12[%swap3A_1221] {strides = array<i32>} : memref<16256xf32, #tpu.memory_space<vmem>>, vector<16xf32>,
      tpu.vector_store %arg12[%swap3A_1221], %get3A_1191 {strides = array<i32>} : memref<16256xf32, #tpu.memory_space<vmem>>, vector<16xf32>,
      %add3A_1223 = arith.constant 111 : i32
      %add3A_1224 = arith.addi %mul3A_1170, %add3A_1223 : i32
      %swap3A_1225 = arith.index_cast %add3A_1224 : i32 to index
      %swap3A_1226 = tpu.vector_load %arg12[%swap3A_1225] {strides = array<i32>} : memref<16256xf32, #tpu.memory_space<vmem>>, vector<16xf32>,
      tpu.vector_store %arg12[%swap3A_1225], %get3A_1194 {strides = array<i32>} : memref<16256xf32, #tpu.memory_space<vmem>>, vector<16xf32>,
    }
    %scan3A_39 = arith.constant 64 : i32
    %mul3A_40 = arith.constant 127 : i32
    %mul3A_41 = vector.broadcast %mul3A_40 : i32 to vector<16xi32>
    %mul3A_42 = arith.muli %iota3A, %mul3A_41 : vector<16xi32>
    %add3A_43 = arith.constant 0 : i32
    %add3A_44 = vector.broadcast %add3A_43 : i32 to vector<16xi32>
    %add3A_45 = arith.addi %mul3A_42, %add3A_44 : vector<16xi32>
    %mul3A_46 = arith.constant 127 : i32
    %mul3A_47 = vector.broadcast %mul3A_46 : i32 to vector<16xi32>
    %mul3A_48 = arith.muli %iota3A, %mul3A_47 : vector<16xi32>
    %add3A_49 = arith.constant 2032 : i32
    %add3A_50 = vector.broadcast %add3A_49 : i32 to vector<16xi32>
    %add3A_51 = arith.addi %mul3A_48, %add3A_50 : vector<16xi32>
    %mul3A_52 = arith.constant 127 : i32
    %mul3A_53 = vector.broadcast %mul3A_52 : i32 to vector<16xi32>
    %mul3A_54 = arith.muli %iota3A, %mul3A_53 : vector<16xi32>
    %add3A_55 = arith.constant 4064 : i32
    %add3A_56 = vector.broadcast %add3A_55 : i32 to vector<16xi32>
    %add3A_57 = arith.addi %mul3A_54, %add3A_56 : vector<16xi32>
    %mul3A_58 = arith.constant 127 : i32
    %mul3A_59 = vector.broadcast %mul3A_58 : i32 to vector<16xi32>
    %mul3A_60 = arith.muli %iota3A, %mul3A_59 : vector<16xi32>
    %add3A_61 = arith.constant 6096 : i32
    %add3A_62 = vector.broadcast %add3A_61 : i32 to vector<16xi32>
    %add3A_63 = arith.addi %mul3A_60, %add3A_62 : vector<16xi32>
    %mul3A_64 = arith.constant 127 : i32
    %mul3A_65 = vector.broadcast %mul3A_64 : i32 to vector<16xi32>
    %mul3A_66 = arith.muli %iota3A, %mul3A_65 : vector<16xi32>
    %add3A_67 = arith.constant 8128 : i32
    %add3A_68 = vector.broadcast %add3A_67 : i32 to vector<16xi32>
    %add3A_69 = arith.addi %mul3A_66, %add3A_68 : vector<16xi32>
    %mul3A_70 = arith.constant 127 : i32
    %mul3A_71 = vector.broadcast %mul3A_70 : i32 to vector<16xi32>
    %mul3A_72 = arith.muli %iota3A, %mul3A_71 : vector<16xi32>
    %add3A_73 = arith.constant 10160 : i32
    %add3A_74 = vector.broadcast %add3A_73 : i32 to vector<16xi32>
    %add3A_75 = arith.addi %mul3A_72, %add3A_74 : vector<16xi32>
    %mul3A_76 = arith.constant 127 : i32
    %mul3A_77 = vector.broadcast %mul3A_76 : i32 to vector<16xi32>
    %mul3A_78 = arith.muli %iota3A, %mul3A_77 : vector<16xi32>
    %add3A_79 = arith.constant 12192 : i32
    %add3A_80 = vector.broadcast %add3A_79 : i32 to vector<16xi32>
    %add3A_81 = arith.addi %mul3A_78, %add3A_80 : vector<16xi32>
    %mul3A_82 = arith.constant 127 : i32
    %mul3A_83 = vector.broadcast %mul3A_82 : i32 to vector<16xi32>
    %mul3A_84 = arith.muli %iota3A, %mul3A_83 : vector<16xi32>
    %add3A_85 = arith.constant 14224 : i32
    %add3A_86 = vector.broadcast %add3A_85 : i32 to vector<16xi32>
    %add3A_87 = arith.addi %mul3A_84, %add3A_86 : vector<16xi32>
    %scan3A_88 = arith.constant 0 : i32
    %scan3A_89 = arith.constant 0 : i32
    %scan3A_90 = arith.constant 59 : i32
    %scan3A_91 = arith.addi %scan3A_89, %scan3A_90 : i32
    %scan3A_92 = arith.constant 1 : i32
    scf.for %scan3A_1104 = %scan3A_89 to %scan3A_91 step %scan3A_92  : i32 {
      %mul3A_1105 = arith.constant 2 : i32
      %mul3A_1106 = arith.muli %scan3A_1104, %mul3A_1105 : i32
      %add3A_1107 = arith.constant 0 : i32
      %add3A_1108 = arith.addi %mul3A_1106, %add3A_1107 : i32
      %mul3A_1109 = arith.constant 16 : i32
      %mul3A_1110 = arith.muli %add3A_1108, %mul3A_1109 : i32
      %get3A = arith.index_cast %mul3A_1110 : i32 to index
      %get3A_1111 = tpu.vector_load %arg5[%get3A] {strides = array<i32>} : memref<1888xi32, #tpu.memory_space<vmem>>, vector<16xi32>,
      %add3A_1112 = arith.addi %add3A_45, %get3A_1111 : vector<16xi32>
      %gather3A = tpu.vector_load_idx %arg12[%add3A_1112] : memref<16256xf32, #tpu.memory_space<vmem>>[vector<16xi32>], vector<16xf32>,
      %add3A_1113 = arith.addi %add3A_51, %get3A_1111 : vector<16xi32>
      %gather3A_1114 = tpu.vector_load_idx %arg12[%add3A_1113] : memref<16256xf32, #tpu.memory_space<vmem>>[vector<16xi32>], vector<16xf32>,
      %add3A_1115 = arith.addi %add3A_57, %get3A_1111 : vector<16xi32>
      %gather3A_1116 = tpu.vector_load_idx %arg12[%add3A_1115] : memref<16256xf32, #tpu.memory_space<vmem>>[vector<16xi32>], vector<16xf32>,
      %add3A_1117 = arith.addi %add3A_63, %get3A_1111 : vector<16xi32>
      %gather3A_1118 = tpu.vector_load_idx %arg12[%add3A_1117] : memref<16256xf32, #tpu.memory_space<vmem>>[vector<16xi32>], vector<16xf32>,
      %add3A_1119 = arith.addi %add3A_69, %get3A_1111 : vector<16xi32>
      %gather3A_1120 = tpu.vector_load_idx %arg12[%add3A_1119] : memref<16256xf32, #tpu.memory_space<vmem>>[vector<16xi32>], vector<16xf32>,
      %add3A_1121 = arith.addi %add3A_75, %get3A_1111 : vector<16xi32>
      %gather3A_1122 = tpu.vector_load_idx %arg12[%add3A_1121] : memref<16256xf32, #tpu.memory_space<vmem>>[vector<16xi32>], vector<16xf32>,
      %add3A_1123 = arith.addi %add3A_81, %get3A_1111 : vector<16xi32>
      %gather3A_1124 = tpu.vector_load_idx %arg12[%add3A_1123] : memref<16256xf32, #tpu.memory_space<vmem>>[vector<16xi32>], vector<16xf32>,
      %add3A_1125 = arith.addi %add3A_87, %get3A_1111 : vector<16xi32>
      %gather3A_1126 = tpu.vector_load_idx %arg12[%add3A_1125] : memref<16256xf32, #tpu.memory_space<vmem>>[vector<16xi32>], vector<16xf32>,
      %swap3A = arith.index_cast %add3A_1108 : i32 to index
      %swap3A_1127 = arith.constant 0 : index
      %swap3A_1128 = tpu.vector_load %arg9[%swap3A, %swap3A_1127] {strides = array<i32>} : memref<118x128xf32, #tpu.memory_space<vmem>>, vector<16xf32>,
      tpu.vector_store %arg9[%swap3A, %swap3A_1127], %gather3A {strides = array<i32>} : memref<118x128xf32, #tpu.memory_space<vmem>>, vector<16xf32>,
      %swap3A_1129 = arith.index_cast %add3A_1108 : i32 to index
      %swap3A_1130 = arith.constant 16 : index
      %swap3A_1131 = tpu.vector_load %arg9[%swap3A_1129, %swap3A_1130] {strides = array<i32>} : memref<118x128xf32, #tpu.memory_space<vmem>>, vector<16xf32>,
      tpu.vector_store %arg9[%swap3A_1129, %swap3A_1130], %gather3A_1114 {strides = array<i32>} : memref<118x128xf32, #tpu.memory_space<vmem>>, vector<16xf32>,
      %swap3A_1132 = arith.index_cast %add3A_1108 : i32 to index
      %swap3A_1133 = arith.constant 32 : index
      %swap3A_1134 = tpu.vector_load %arg9[%swap3A_1132, %swap3A_1133] {strides = array<i32>} : memref<118x128xf32, #tpu.memory_space<vmem>>, vector<16xf32>,
      tpu.vector_store %arg9[%swap3A_1132, %swap3A_1133], %gather3A_1116 {strides = array<i32>} : memref<118x128xf32, #tpu.memory_space<vmem>>, vector<16xf32>,
      %swap3A_1135 = arith.index_cast %add3A_1108 : i32 to index
      %swap3A_1136 = arith.constant 48 : index
      %swap3A_1137 = tpu.vector_load %arg9[%swap3A_1135, %swap3A_1136] {strides = array<i32>} : memref<118x128xf32, #tpu.memory_space<vmem>>, vector<16xf32>,
      tpu.vector_store %arg9[%swap3A_1135, %swap3A_1136], %gather3A_1118 {strides = array<i32>} : memref<118x128xf32, #tpu.memory_space<vmem>>, vector<16xf32>,
      %swap3A_1138 = arith.index_cast %add3A_1108 : i32 to index
      %swap3A_1139 = arith.constant 64 : index
      %swap3A_1140 = tpu.vector_load %arg9[%swap3A_1138, %swap3A_1139] {strides = array<i32>} : memref<118x128xf32, #tpu.memory_space<vmem>>, vector<16xf32>,
      tpu.vector_store %arg9[%swap3A_1138, %swap3A_1139], %gather3A_1120 {strides = array<i32>} : memref<118x128xf32, #tpu.memory_space<vmem>>, vector<16xf32>,
      %swap3A_1141 = arith.index_cast %add3A_1108 : i32 to index
      %swap3A_1142 = arith.constant 80 : index
      %swap3A_1143 = tpu.vector_load %arg9[%swap3A_1141, %swap3A_1142] {strides = array<i32>} : memref<118x128xf32, #tpu.memory_space<vmem>>, vector<16xf32>,
      tpu.vector_store %arg9[%swap3A_1141, %swap3A_1142], %gather3A_1122 {strides = array<i32>} : memref<118x128xf32, #tpu.memory_space<vmem>>, vector<16xf32>,
      %swap3A_1144 = arith.index_cast %add3A_1108 : i32 to index
      %swap3A_1145 = arith.constant 96 : index
      %swap3A_1146 = tpu.vector_load %arg9[%swap3A_1144, %swap3A_1145] {strides = array<i32>} : memref<118x128xf32, #tpu.memory_space<vmem>>, vector<16xf32>,
      tpu.vector_store %arg9[%swap3A_1144, %swap3A_1145], %gather3A_1124 {strides = array<i32>} : memref<118x128xf32, #tpu.memory_space<vmem>>, vector<16xf32>,
      %swap3A_1147 = arith.index_cast %add3A_1108 : i32 to index
      %swap3A_1148 = arith.constant 112 : index
      %swap3A_1149 = tpu.vector_load %arg9[%swap3A_1147, %swap3A_1148] {strides = array<i32>} : memref<118x128xf32, #tpu.memory_space<vmem>>, vector<16xf32>,
      tpu.vector_store %arg9[%swap3A_1147, %swap3A_1148], %gather3A_1126 {strides = array<i32>} : memref<118x128xf32, #tpu.memory_space<vmem>>, vector<16xf32>,
      %mul3A_1150 = arith.constant 2 : i32
      %mul3A_1151 = arith.muli %scan3A_1104, %mul3A_1150 : i32
      %add3A_1152 = arith.constant 1 : i32
      %add3A_1153 = arith.addi %mul3A_1151, %add3A_1152 : i32
      %mul3A_1154 = arith.constant 16 : i32
      %mul3A_1155 = arith.muli %add3A_1153, %mul3A_1154 : i32
      %get3A_1156 = arith.index_cast %mul3A_1155 : i32 to index
      %get3A_1157 = tpu.vector_load %arg5[%get3A_1156] {strides = array<i32>} : memref<1888xi32, #tpu.memory_space<vmem>>, vector<16xi32>,
      %add3A_1158 = arith.addi %add3A_45, %get3A_1157 : vector<16xi32>
      %gather3A_1159 = tpu.vector_load_idx %arg12[%add3A_1158] : memref<16256xf32, #tpu.memory_space<vmem>>[vector<16xi32>], vector<16xf32>,
      %add3A_1160 = arith.addi %add3A_51, %get3A_1157 : vector<16xi32>
      %gather3A_1161 = tpu.vector_load_idx %arg12[%add3A_1160] : memref<16256xf32, #tpu.memory_space<vmem>>[vector<16xi32>], vector<16xf32>,
      %add3A_1162 = arith.addi %add3A_57, %get3A_1157 : vector<16xi32>
      %gather3A_1163 = tpu.vector_load_idx %arg12[%add3A_1162] : memref<16256xf32, #tpu.memory_space<vmem>>[vector<16xi32>], vector<16xf32>,
      %add3A_1164 = arith.addi %add3A_63, %get3A_1157 : vector<16xi32>
      %gather3A_1165 = tpu.vector_load_idx %arg12[%add3A_1164] : memref<16256xf32, #tpu.memory_space<vmem>>[vector<16xi32>], vector<16xf32>,
      %add3A_1166 = arith.addi %add3A_69, %get3A_1157 : vector<16xi32>
      %gather3A_1167 = tpu.vector_load_idx %arg12[%add3A_1166] : memref<16256xf32, #tpu.memory_space<vmem>>[vector<16xi32>], vector<16xf32>,
      %add3A_1168 = arith.addi %add3A_75, %get3A_1157 : vector<16xi32>
      %gather3A_1169 = tpu.vector_load_idx %arg12[%add3A_1168] : memref<16256xf32, #tpu.memory_space<vmem>>[vector<16xi32>], vector<16xf32>,
      %add3A_1170 = arith.addi %add3A_81, %get3A_1157 : vector<16xi32>
      %gather3A_1171 = tpu.vector_load_idx %arg12[%add3A_1170] : memref<16256xf32, #tpu.memory_space<vmem>>[vector<16xi32>], vector<16xf32>,
      %add3A_1172 = arith.addi %add3A_87, %get3A_1157 : vector<16xi32>
      %gather3A_1173 = tpu.vector_load_idx %arg12[%add3A_1172] : memref<16256xf32, #tpu.memory_space<vmem>>[vector<16xi32>], vector<16xf32>,
      %swap3A_1174 = arith.index_cast %add3A_1153 : i32 to index
      %swap3A_1175 = arith.constant 0 : index
      %swap3A_1176 = tpu.vector_load %arg9[%swap3A_1174, %swap3A_1175] {strides = array<i32>} : memref<118x128xf32, #tpu.memory_space<vmem>>, vector<16xf32>,
      tpu.vector_store %arg9[%swap3A_1174, %swap3A_1175], %gather3A_1159 {strides = array<i32>} : memref<118x128xf32, #tpu.memory_space<vmem>>, vector<16xf32>,
      %swap3A_1177 = arith.index_cast %add3A_1153 : i32 to index
      %swap3A_1178 = arith.constant 16 : index
      %swap3A_1179 = tpu.vector_load %arg9[%swap3A_1177, %swap3A_1178] {strides = array<i32>} : memref<118x128xf32, #tpu.memory_space<vmem>>, vector<16xf32>,
      tpu.vector_store %arg9[%swap3A_1177, %swap3A_1178], %gather3A_1161 {strides = array<i32>} : memref<118x128xf32, #tpu.memory_space<vmem>>, vector<16xf32>,
      %swap3A_1180 = arith.index_cast %add3A_1153 : i32 to index
      %swap3A_1181 = arith.constant 32 : index
      %swap3A_1182 = tpu.vector_load %arg9[%swap3A_1180, %swap3A_1181] {strides = array<i32>} : memref<118x128xf32, #tpu.memory_space<vmem>>, vector<16xf32>,
      tpu.vector_store %arg9[%swap3A_1180, %swap3A_1181], %gather3A_1163 {strides = array<i32>} : memref<118x128xf32, #tpu.memory_space<vmem>>, vector<16xf32>,
      %swap3A_1183 = arith.index_cast %add3A_1153 : i32 to index
      %swap3A_1184 = arith.constant 48 : index
      %swap3A_1185 = tpu.vector_load %arg9[%swap3A_1183, %swap3A_1184] {strides = array<i32>} : memref<118x128xf32, #tpu.memory_space<vmem>>, vector<16xf32>,
      tpu.vector_store %arg9[%swap3A_1183, %swap3A_1184], %gather3A_1165 {strides = array<i32>} : memref<118x128xf32, #tpu.memory_space<vmem>>, vector<16xf32>,
      %swap3A_1186 = arith.index_cast %add3A_1153 : i32 to index
      %swap3A_1187 = arith.constant 64 : index
      %swap3A_1188 = tpu.vector_load %arg9[%swap3A_1186, %swap3A_1187] {strides = array<i32>} : memref<118x128xf32, #tpu.memory_space<vmem>>, vector<16xf32>,
      tpu.vector_store %arg9[%swap3A_1186, %swap3A_1187], %gather3A_1167 {strides = array<i32>} : memref<118x128xf32, #tpu.memory_space<vmem>>, vector<16xf32>,
      %swap3A_1189 = arith.index_cast %add3A_1153 : i32 to index
      %swap3A_1190 = arith.constant 80 : index
      %swap3A_1191 = tpu.vector_load %arg9[%swap3A_1189, %swap3A_1190] {strides = array<i32>} : memref<118x128xf32, #tpu.memory_space<vmem>>, vector<16xf32>,
      tpu.vector_store %arg9[%swap3A_1189, %swap3A_1190], %gather3A_1169 {strides = array<i32>} : memref<118x128xf32, #tpu.memory_space<vmem>>, vector<16xf32>,
      %swap3A_1192 = arith.index_cast %add3A_1153 : i32 to index
      %swap3A_1193 = arith.constant 96 : index
      %swap3A_1194 = tpu.vector_load %arg9[%swap3A_1192, %swap3A_1193] {strides = array<i32>} : memref<118x128xf32, #tpu.memory_space<vmem>>, vector<16xf32>,
      tpu.vector_store %arg9[%swap3A_1192, %swap3A_1193], %gather3A_1171 {strides = array<i32>} : memref<118x128xf32, #tpu.memory_space<vmem>>, vector<16xf32>,
      %swap3A_1195 = arith.index_cast %add3A_1153 : i32 to index
      %swap3A_1196 = arith.constant 112 : index
      %swap3A_1197 = tpu.vector_load %arg9[%swap3A_1195, %swap3A_1196] {strides = array<i32>} : memref<118x128xf32, #tpu.memory_space<vmem>>, vector<16xf32>,
      tpu.vector_store %arg9[%swap3A_1195, %swap3A_1196], %gather3A_1173 {strides = array<i32>} : memref<118x128xf32, #tpu.memory_space<vmem>>, vector<16xf32>,
    }
    %scan3A_93 = arith.constant 59 : i32
    %add3A_94 = arith.constant 0 : i32
    %add3A_95 = arith.addi %mul3A_2, %add3A_94 : i32
    %dma_start3A_96 = arith.constant 0 : i32
    %dma_start3A_97 = arith.constant 0 : i32
    %dma_start3A_98 = tpu.memref_slice %arg4[%dma_start3A_96, %dma_start3A_97, %add3A_95] : memref<3x118x16384xf32, #tpu.memory_space<hbm>> -> memref<1x118x128xf32, #tpu.memory_space<hbm>>
    %dma_start3A_99 = tpu.memref_squeeze %dma_start3A_98 : memref<1x118x128xf32, #tpu.memory_space<hbm>> -> memref<118x128xf32, #tpu.memory_space<hbm>>
    %dma_start3A_100 = arith.constant 0 : i32
    %dma_start3A_101 = tpu.memref_slice %arg4[%dma_start3A_96, %dma_start3A_100, %add3A_95] : memref<3x118x16384xf32, #tpu.memory_space<hbm>> -> memref<1x118x128xf32, #tpu.memory_space<hbm>>
    %dma_start3A_102 = tpu.memref_squeeze %dma_start3A_101 : memref<1x118x128xf32, #tpu.memory_space<hbm>> -> memref<118x128xf32, #tpu.memory_space<hbm>>
    tpu.enqueue_dma source(%arg9 : memref<118x128xf32, #tpu.memory_space<vmem>>) target(%dma_start3A_102 : memref<118x128xf32, #tpu.memory_space<hbm>>) target_semaphore(%arg17 : memref<!tpu.dma_semaphore, #tpu.memory_space<semaphore_mem>>)
    %add3A_103 = arith.constant 128 : i32
    %add3A_104 = arith.addi %mul3A_2, %add3A_103 : i32
    %dma_start3A_105 = arith.constant 0 : i32
    %dma_start3A_106 = arith.constant 0 : i32
    %dma_start3A_107 = tpu.memref_slice %arg2[%dma_start3A_105, %add3A_104, %dma_start3A_106] : memref<3x16384x127xf32, #tpu.memory_space<hbm>> -> memref<1x128x127xf32, #tpu.memory_space<hbm>>
    %dma_start3A_108 = tpu.memref_squeeze %dma_start3A_107 : memref<1x128x127xf32, #tpu.memory_space<hbm>> -> memref<128x127xf32, #tpu.memory_space<hbm>>
    %dma_start3A_109 = arith.constant 0 : i32
    %dma_start3A_110 = tpu.memref_slice %arg2[%dma_start3A_105, %add3A_104, %dma_start3A_109] : memref<3x16384x127xf32, #tpu.memory_space<hbm>> -> memref<1x128x127xf32, #tpu.memory_space<hbm>>
    %dma_start3A_111 = tpu.memref_squeeze %dma_start3A_110 : memref<1x128x127xf32, #tpu.memory_space<hbm>> -> memref<128x127xf32, #tpu.memory_space<hbm>>
    tpu.enqueue_dma source(%dma_start3A_111 : memref<128x127xf32, #tpu.memory_space<hbm>>) target(%arg6 : memref<128x127xf32, #tpu.memory_space<vmem>>) target_semaphore(%arg14 : memref<!tpu.dma_semaphore, #tpu.memory_space<semaphore_mem>>)
    %dma_wait3A_112 = arith.constant 1 : i32
    %dma_wait3A_113 = arith.constant 0 : i32
    %dma_wait3A_114 = tpu.memref_slice %arg2[%dma_wait3A_112, %add3A_12, %dma_wait3A_113] : memref<3x16384x127xf32, #tpu.memory_space<hbm>> -> memref<1x128x127xf32, #tpu.memory_space<hbm>>
    %dma_wait3A_115 = tpu.memref_squeeze %dma_wait3A_114 : memref<1x128x127xf32, #tpu.memory_space<hbm>> -> memref<128x127xf32, #tpu.memory_space<hbm>>
    %dma_wait3A_116 = arith.constant 0 : i32
    %dma_wait3A_117 = tpu.memref_slice %arg2[%dma_wait3A_112, %add3A_12, %dma_wait3A_116] : memref<3x16384x127xf32, #tpu.memory_space<hbm>> -> memref<1x128x127xf32, #tpu.memory_space<hbm>>
    %dma_wait3A_118 = tpu.memref_squeeze %dma_wait3A_117 : memref<1x128x127xf32, #tpu.memory_space<hbm>> -> memref<128x127xf32, #tpu.memory_space<hbm>>
    tpu.wait_dma2 semaphore(%arg15 : memref<!tpu.dma_semaphore, #tpu.memory_space<semaphore_mem>>) src(%dma_wait3A_118 : memref<128x127xf32, #tpu.memory_space<hbm>>) dst(%arg7 : memref<128x127xf32, #tpu.memory_space<vmem>>)
    %scan3A_119 = arith.constant 0 : i32
    %scan3A_120 = arith.constant 0 : i32
    %scan3A_121 = arith.constant 64 : i32
    %scan3A_122 = arith.addi %scan3A_120, %scan3A_121 : i32
    %scan3A_123 = arith.constant 1 : i32
    scf.for %scan3A_1104 = %scan3A_120 to %scan3A_122 step %scan3A_123  : i32 {
      %mul3A_1105 = arith.constant 2 : i32
      %mul3A_1106 = arith.muli %scan3A_1104, %mul3A_1105 : i32
      %add3A_1107 = arith.constant 0 : i32
      %add3A_1108 = arith.addi %mul3A_1106, %add3A_1107 : i32
      %mul3A_1109 = arith.constant 127 : i32
      %mul3A_1110 = arith.muli %add3A_1108, %mul3A_1109 : i32
      %get3A = arith.index_cast %add3A_1108 : i32 to index
      %get3A_1111 = arith.constant 0 : index
      %get3A_1112 = tpu.vector_load %arg7[%get3A, %get3A_1111] {strides = array<i32>} : memref<128x127xf32, #tpu.memory_space<vmem>>, vector<16xf32>,
      %get3A_1113 = arith.index_cast %add3A_1108 : i32 to index
      %get3A_1114 = arith.constant 16 : index
      %get3A_1115 = tpu.vector_load %arg7[%get3A_1113, %get3A_1114] {strides = array<i32>} : memref<128x127xf32, #tpu.memory_space<vmem>>, vector<16xf32>,
      %get3A_1116 = arith.index_cast %add3A_1108 : i32 to index
      %get3A_1117 = arith.constant 32 : index
      %get3A_1118 = tpu.vector_load %arg7[%get3A_1116, %get3A_1117] {strides = array<i32>} : memref<128x127xf32, #tpu.memory_space<vmem>>, vector<16xf32>,
      %get3A_1119 = arith.index_cast %add3A_1108 : i32 to index
      %get3A_1120 = arith.constant 48 : index
      %get3A_1121 = tpu.vector_load %arg7[%get3A_1119, %get3A_1120] {strides = array<i32>} : memref<128x127xf32, #tpu.memory_space<vmem>>, vector<16xf32>,
      %get3A_1122 = arith.index_cast %add3A_1108 : i32 to index
      %get3A_1123 = arith.constant 64 : index
      %get3A_1124 = tpu.vector_load %arg7[%get3A_1122, %get3A_1123] {strides = array<i32>} : memref<128x127xf32, #tpu.memory_space<vmem>>, vector<16xf32>,
      %get3A_1125 = arith.index_cast %add3A_1108 : i32 to index
      %get3A_1126 = arith.constant 80 : index
      %get3A_1127 = tpu.vector_load %arg7[%get3A_1125, %get3A_1126] {strides = array<i32>} : memref<128x127xf32, #tpu.memory_space<vmem>>, vector<16xf32>,
      %get3A_1128 = arith.index_cast %add3A_1108 : i32 to index
      %get3A_1129 = arith.constant 96 : index
      %get3A_1130 = tpu.vector_load %arg7[%get3A_1128, %get3A_1129] {strides = array<i32>} : memref<128x127xf32, #tpu.memory_space<vmem>>, vector<16xf32>,
      %get3A_1131 = arith.index_cast %add3A_1108 : i32 to index
      %get3A_1132 = arith.constant 111 : index
      %get3A_1133 = tpu.vector_load %arg7[%get3A_1131, %get3A_1132] {strides = array<i32>} : memref<128x127xf32, #tpu.memory_space<vmem>>, vector<16xf32>,
      %add3A_1134 = arith.constant 0 : i32
      %add3A_1135 = arith.addi %mul3A_1110, %add3A_1134 : i32
      %swap3A = arith.index_cast %add3A_1135 : i32 to index
      %swap3A_1136 = tpu.vector_load %arg12[%swap3A] {strides = array<i32>} : memref<16256xf32, #tpu.memory_space<vmem>>, vector<16xf32>,
      tpu.vector_store %arg12[%swap3A], %get3A_1112 {strides = array<i32>} : memref<16256xf32, #tpu.memory_space<vmem>>, vector<16xf32>,
      %add3A_1137 = arith.constant 16 : i32
      %add3A_1138 = arith.addi %mul3A_1110, %add3A_1137 : i32
      %swap3A_1139 = arith.index_cast %add3A_1138 : i32 to index
      %swap3A_1140 = tpu.vector_load %arg12[%swap3A_1139] {strides = array<i32>} : memref<16256xf32, #tpu.memory_space<vmem>>, vector<16xf32>,
      tpu.vector_store %arg12[%swap3A_1139], %get3A_1115 {strides = array<i32>} : memref<16256xf32, #tpu.memory_space<vmem>>, vector<16xf32>,
      %add3A_1141 = arith.constant 32 : i32
      %add3A_1142 = arith.addi %mul3A_1110, %add3A_1141 : i32
      %swap3A_1143 = arith.index_cast %add3A_1142 : i32 to index
      %swap3A_1144 = tpu.vector_load %arg12[%swap3A_1143] {strides = array<i32>} : memref<16256xf32, #tpu.memory_space<vmem>>, vector<16xf32>,
      tpu.vector_store %arg12[%swap3A_1143], %get3A_1118 {strides = array<i32>} : memref<16256xf32, #tpu.memory_space<vmem>>, vector<16xf32>,
      %add3A_1145 = arith.constant 48 : i32
      %add3A_1146 = arith.addi %mul3A_1110, %add3A_1145 : i32
      %swap3A_1147 = arith.index_cast %add3A_1146 : i32 to index
      %swap3A_1148 = tpu.vector_load %arg12[%swap3A_1147] {strides = array<i32>} : memref<16256xf32, #tpu.memory_space<vmem>>, vector<16xf32>,
      tpu.vector_store %arg12[%swap3A_1147], %get3A_1121 {strides = array<i32>} : memref<16256xf32, #tpu.memory_space<vmem>>, vector<16xf32>,
      %add3A_1149 = arith.constant 64 : i32
      %add3A_1150 = arith.addi %mul3A_1110, %add3A_1149 : i32
      %swap3A_1151 = arith.index_cast %add3A_1150 : i32 to index
      %swap3A_1152 = tpu.vector_load %arg12[%swap3A_1151] {strides = array<i32>} : memref<16256xf32, #tpu.memory_space<vmem>>, vector<16xf32>,
      tpu.vector_store %arg12[%swap3A_1151], %get3A_1124 {strides = array<i32>} : memref<16256xf32, #tpu.memory_space<vmem>>, vector<16xf32>,
      %add3A_1153 = arith.constant 80 : i32
      %add3A_1154 = arith.addi %mul3A_1110, %add3A_1153 : i32
      %swap3A_1155 = arith.index_cast %add3A_1154 : i32 to index
      %swap3A_1156 = tpu.vector_load %arg12[%swap3A_1155] {strides = array<i32>} : memref<16256xf32, #tpu.memory_space<vmem>>, vector<16xf32>,
      tpu.vector_store %arg12[%swap3A_1155], %get3A_1127 {strides = array<i32>} : memref<16256xf32, #tpu.memory_space<vmem>>, vector<16xf32>,
      %add3A_1157 = arith.constant 96 : i32
      %add3A_1158 = arith.addi %mul3A_1110, %add3A_1157 : i32
      %swap3A_1159 = arith.index_cast %add3A_1158 : i32 to index
      %swap3A_1160 = tpu.vector_load %arg12[%swap3A_1159] {strides = array<i32>} : memref<16256xf32, #tpu.memory_space<vmem>>, vector<16xf32>,
      tpu.vector_store %arg12[%swap3A_1159], %get3A_1130 {strides = array<i32>} : memref<16256xf32, #tpu.memory_space<vmem>>, vector<16xf32>,
      %add3A_1161 = arith.constant 111 : i32
      %add3A_1162 = arith.addi %mul3A_1110, %add3A_1161 : i32
      %swap3A_1163 = arith.index_cast %add3A_1162 : i32 to index
      %swap3A_1164 = tpu.vector_load %arg12[%swap3A_1163] {strides = array<i32>} : memref<16256xf32, #tpu.memory_space<vmem>>, vector<16xf32>,
      tpu.vector_store %arg12[%swap3A_1163], %get3A_1133 {strides = array<i32>} : memref<16256xf32, #tpu.memory_space<vmem>>, vector<16xf32>,
      %mul3A_1165 = arith.constant 2 : i32
      %mul3A_1166 = arith.muli %scan3A_1104, %mul3A_1165 : i32
      %add3A_1167 = arith.constant 1 : i32
      %add3A_1168 = arith.addi %mul3A_1166, %add3A_1167 : i32
      %mul3A_1169 = arith.constant 127 : i32
      %mul3A_1170 = arith.muli %add3A_1168, %mul3A_1169 : i32
      %get3A_1171 = arith.index_cast %add3A_1168 : i32 to index
      %get3A_1172 = arith.constant 0 : index
      %get3A_1173 = tpu.vector_load %arg7[%get3A_1171, %get3A_1172] {strides = array<i32>} : memref<128x127xf32, #tpu.memory_space<vmem>>, vector<16xf32>,
      %get3A_1174 = arith.index_cast %add3A_1168 : i32 to index
      %get3A_1175 = arith.constant 16 : index
      %get3A_1176 = tpu.vector_load %arg7[%get3A_1174, %get3A_1175] {strides = array<i32>} : memref<128x127xf32, #tpu.memory_space<vmem>>, vector<16xf32>,
      %get3A_1177 = arith.index_cast %add3A_1168 : i32 to index
      %get3A_1178 = arith.constant 32 : index
      %get3A_1179 = tpu.vector_load %arg7[%get3A_1177, %get3A_1178] {strides = array<i32>} : memref<128x127xf32, #tpu.memory_space<vmem>>, vector<16xf32>,
      %get3A_1180 = arith.index_cast %add3A_1168 : i32 to index
      %get3A_1181 = arith.constant 48 : index
      %get3A_1182 = tpu.vector_load %arg7[%get3A_1180, %get3A_1181] {strides = array<i32>} : memref<128x127xf32, #tpu.memory_space<vmem>>, vector<16xf32>,
      %get3A_1183 = arith.index_cast %add3A_1168 : i32 to index
      %get3A_1184 = arith.constant 64 : index
      %get3A_1185 = tpu.vector_load %arg7[%get3A_1183, %get3A_1184] {strides = array<i32>} : memref<128x127xf32, #tpu.memory_space<vmem>>, vector<16xf32>,
      %get3A_1186 = arith.index_cast %add3A_1168 : i32 to index
      %get3A_1187 = arith.constant 80 : index
      %get3A_1188 = tpu.vector_load %arg7[%get3A_1186, %get3A_1187] {strides = array<i32>} : memref<128x127xf32, #tpu.memory_space<vmem>>, vector<16xf32>,
      %get3A_1189 = arith.index_cast %add3A_1168 : i32 to index
      %get3A_1190 = arith.constant 96 : index
      %get3A_1191 = tpu.vector_load %arg7[%get3A_1189, %get3A_1190] {strides = array<i32>} : memref<128x127xf32, #tpu.memory_space<vmem>>, vector<16xf32>,
      %get3A_1192 = arith.index_cast %add3A_1168 : i32 to index
      %get3A_1193 = arith.constant 111 : index
      %get3A_1194 = tpu.vector_load %arg7[%get3A_1192, %get3A_1193] {strides = array<i32>} : memref<128x127xf32, #tpu.memory_space<vmem>>, vector<16xf32>,
      %add3A_1195 = arith.constant 0 : i32
      %add3A_1196 = arith.addi %mul3A_1170, %add3A_1195 : i32
      %swap3A_1197 = arith.index_cast %add3A_1196 : i32 to index
      %swap3A_1198 = tpu.vector_load %arg12[%swap3A_1197] {strides = array<i32>} : memref<16256xf32, #tpu.memory_space<vmem>>, vector<16xf32>,
      tpu.vector_store %arg12[%swap3A_1197], %get3A_1173 {strides = array<i32>} : memref<16256xf32, #tpu.memory_space<vmem>>, vector<16xf32>,
      %add3A_1199 = arith.constant 16 : i32
      %add3A_1200 = arith.addi %mul3A_1170, %add3A_1199 : i32
      %swap3A_1201 = arith.index_cast %add3A_1200 : i32 to index
      %swap3A_1202 = tpu.vector_load %arg12[%swap3A_1201] {strides = array<i32>} : memref<16256xf32, #tpu.memory_space<vmem>>, vector<16xf32>,
      tpu.vector_store %arg12[%swap3A_1201], %get3A_1176 {strides = array<i32>} : memref<16256xf32, #tpu.memory_space<vmem>>, vector<16xf32>,
      %add3A_1203 = arith.constant 32 : i32
      %add3A_1204 = arith.addi %mul3A_1170, %add3A_1203 : i32
      %swap3A_1205 = arith.index_cast %add3A_1204 : i32 to index
      %swap3A_1206 = tpu.vector_load %arg12[%swap3A_1205] {strides = array<i32>} : memref<16256xf32, #tpu.memory_space<vmem>>, vector<16xf32>,
      tpu.vector_store %arg12[%swap3A_1205], %get3A_1179 {strides = array<i32>} : memref<16256xf32, #tpu.memory_space<vmem>>, vector<16xf32>,
      %add3A_1207 = arith.constant 48 : i32
      %add3A_1208 = arith.addi %mul3A_1170, %add3A_1207 : i32
      %swap3A_1209 = arith.index_cast %add3A_1208 : i32 to index
      %swap3A_1210 = tpu.vector_load %arg12[%swap3A_1209] {strides = array<i32>} : memref<16256xf32, #tpu.memory_space<vmem>>, vector<16xf32>,
      tpu.vector_store %arg12[%swap3A_1209], %get3A_1182 {strides = array<i32>} : memref<16256xf32, #tpu.memory_space<vmem>>, vector<16xf32>,
      %add3A_1211 = arith.constant 64 : i32
      %add3A_1212 = arith.addi %mul3A_1170, %add3A_1211 : i32
      %swap3A_1213 = arith.index_cast %add3A_1212 : i32 to index
      %swap3A_1214 = tpu.vector_load %arg12[%swap3A_1213] {strides = array<i32>} : memref<16256xf32, #tpu.memory_space<vmem>>, vector<16xf32>,
      tpu.vector_store %arg12[%swap3A_1213], %get3A_1185 {strides = array<i32>} : memref<16256xf32, #tpu.memory_space<vmem>>, vector<16xf32>,
      %add3A_1215 = arith.constant 80 : i32
      %add3A_1216 = arith.addi %mul3A_1170, %add3A_1215 : i32
      %swap3A_1217 = arith.index_cast %add3A_1216 : i32 to index
      %swap3A_1218 = tpu.vector_load %arg12[%swap3A_1217] {strides = array<i32>} : memref<16256xf32, #tpu.memory_space<vmem>>, vector<16xf32>,
      tpu.vector_store %arg12[%swap3A_1217], %get3A_1188 {strides = array<i32>} : memref<16256xf32, #tpu.memory_space<vmem>>, vector<16xf32>,
      %add3A_1219 = arith.constant 96 : i32
      %add3A_1220 = arith.addi %mul3A_1170, %add3A_1219 : i32
      %swap3A_1221 = arith.index_cast %add3A_1220 : i32 to index
      %swap3A_1222 = tpu.vector_load %arg12[%swap3A_1221] {strides = array<i32>} : memref<16256xf32, #tpu.memory_space<vmem>>, vector<16xf32>,
      tpu.vector_store %arg12[%swap3A_1221], %get3A_1191 {strides = array<i32>} : memref<16256xf32, #tpu.memory_space<vmem>>, vector<16xf32>,
      %add3A_1223 = arith.constant 111 : i32
      %add3A_1224 = arith.addi %mul3A_1170, %add3A_1223 : i32
      %swap3A_1225 = arith.index_cast %add3A_1224 : i32 to index
      %swap3A_1226 = tpu.vector_load %arg12[%swap3A_1225] {strides = array<i32>} : memref<16256xf32, #tpu.memory_space<vmem>>, vector<16xf32>,
      tpu.vector_store %arg12[%swap3A_1225], %get3A_1194 {strides = array<i32>} : memref<16256xf32, #tpu.memory_space<vmem>>, vector<16xf32>,
    }
    %scan3A_124 = arith.constant 64 : i32
    %mul3A_125 = arith.constant 127 : i32
    %mul3A_126 = vector.broadcast %mul3A_125 : i32 to vector<16xi32>
    %mul3A_127 = arith.muli %iota3A, %mul3A_126 : vector<16xi32>
    %add3A_128 = arith.constant 0 : i32
    %add3A_129 = vector.broadcast %add3A_128 : i32 to vector<16xi32>
    %add3A_130 = arith.addi %mul3A_127, %add3A_129 : vector<16xi32>
    %mul3A_131 = arith.constant 127 : i32
    %mul3A_132 = vector.broadcast %mul3A_131 : i32 to vector<16xi32>
    %mul3A_133 = arith.muli %iota3A, %mul3A_132 : vector<16xi32>
    %add3A_134 = arith.constant 2032 : i32
    %add3A_135 = vector.broadcast %add3A_134 : i32 to vector<16xi32>
    %add3A_136 = arith.addi %mul3A_133, %add3A_135 : vector<16xi32>
    %mul3A_137 = arith.constant 127 : i32
    %mul3A_138 = vector.broadcast %mul3A_137 : i32 to vector<16xi32>
    %mul3A_139 = arith.muli %iota3A, %mul3A_138 : vector<16xi32>
    %add3A_140 = arith.constant 4064 : i32
    %add3A_141 = vector.broadcast %add3A_140 : i32 to vector<16xi32>
    %add3A_142 = arith.addi %mul3A_139, %add3A_141 : vector<16xi32>
    %mul3A_143 = arith.constant 127 : i32
    %mul3A_144 = vector.broadcast %mul3A_143 : i32 to vector<16xi32>
    %mul3A_145 = arith.muli %iota3A, %mul3A_144 : vector<16xi32>
    %add3A_146 = arith.constant 6096 : i32
    %add3A_147 = vector.broadcast %add3A_146 : i32 to vector<16xi32>
    %add3A_148 = arith.addi %mul3A_145, %add3A_147 : vector<16xi32>
    %mul3A_149 = arith.constant 127 : i32
    %mul3A_150 = vector.broadcast %mul3A_149 : i32 to vector<16xi32>
    %mul3A_151 = arith.muli %iota3A, %mul3A_150 : vector<16xi32>
    %add3A_152 = arith.constant 8128 : i32
    %add3A_153 = vector.broadcast %add3A_152 : i32 to vector<16xi32>
    %add3A_154 = arith.addi %mul3A_151, %add3A_153 : vector<16xi32>
    %mul3A_155 = arith.constant 127 : i32
    %mul3A_156 = vector.broadcast %mul3A_155 : i32 to vector<16xi32>
    %mul3A_157 = arith.muli %iota3A, %mul3A_156 : vector<16xi32>
    %add3A_158 = arith.constant 10160 : i32
    %add3A_159 = vector.broadcast %add3A_158 : i32 to vector<16xi32>
    %add3A_160 = arith.addi %mul3A_157, %add3A_159 : vector<16xi32>
    %mul3A_161 = arith.constant 127 : i32
    %mul3A_162 = vector.broadcast %mul3A_161 : i32 to vector<16xi32>
    %mul3A_163 = arith.muli %iota3A, %mul3A_162 : vector<16xi32>
    %add3A_164 = arith.constant 12192 : i32
    %add3A_165 = vector.broadcast %add3A_164 : i32 to vector<16xi32>
    %add3A_166 = arith.addi %mul3A_163, %add3A_165 : vector<16xi32>
    %mul3A_167 = arith.constant 127 : i32
    %mul3A_168 = vector.broadcast %mul3A_167 : i32 to vector<16xi32>
    %mul3A_169 = arith.muli %iota3A, %mul3A_168 : vector<16xi32>
    %add3A_170 = arith.constant 14224 : i32
    %add3A_171 = vector.broadcast %add3A_170 : i32 to vector<16xi32>
    %add3A_172 = arith.addi %mul3A_169, %add3A_171 : vector<16xi32>
    %scan3A_173 = arith.constant 0 : i32
    %scan3A_174 = arith.constant 0 : i32
    %scan3A_175 = arith.constant 59 : i32
    %scan3A_176 = arith.addi %scan3A_174, %scan3A_175 : i32
    %scan3A_177 = arith.constant 1 : i32
    scf.for %scan3A_1104 = %scan3A_174 to %scan3A_176 step %scan3A_177  : i32 {
      %mul3A_1105 = arith.constant 2 : i32
      %mul3A_1106 = arith.muli %scan3A_1104, %mul3A_1105 : i32
      %add3A_1107 = arith.constant 0 : i32
      %add3A_1108 = arith.addi %mul3A_1106, %add3A_1107 : i32
      %mul3A_1109 = arith.constant 16 : i32
      %mul3A_1110 = arith.muli %add3A_1108, %mul3A_1109 : i32
      %get3A = arith.index_cast %mul3A_1110 : i32 to index
      %get3A_1111 = tpu.vector_load %arg5[%get3A] {strides = array<i32>} : memref<1888xi32, #tpu.memory_space<vmem>>, vector<16xi32>,
      %add3A_1112 = arith.addi %add3A_130, %get3A_1111 : vector<16xi32>
      %gather3A = tpu.vector_load_idx %arg12[%add3A_1112] : memref<16256xf32, #tpu.memory_space<vmem>>[vector<16xi32>], vector<16xf32>,
      %add3A_1113 = arith.addi %add3A_136, %get3A_1111 : vector<16xi32>
      %gather3A_1114 = tpu.vector_load_idx %arg12[%add3A_1113] : memref<16256xf32, #tpu.memory_space<vmem>>[vector<16xi32>], vector<16xf32>,
      %add3A_1115 = arith.addi %add3A_142, %get3A_1111 : vector<16xi32>
      %gather3A_1116 = tpu.vector_load_idx %arg12[%add3A_1115] : memref<16256xf32, #tpu.memory_space<vmem>>[vector<16xi32>], vector<16xf32>,
      %add3A_1117 = arith.addi %add3A_148, %get3A_1111 : vector<16xi32>
      %gather3A_1118 = tpu.vector_load_idx %arg12[%add3A_1117] : memref<16256xf32, #tpu.memory_space<vmem>>[vector<16xi32>], vector<16xf32>,
      %add3A_1119 = arith.addi %add3A_154, %get3A_1111 : vector<16xi32>
      %gather3A_1120 = tpu.vector_load_idx %arg12[%add3A_1119] : memref<16256xf32, #tpu.memory_space<vmem>>[vector<16xi32>], vector<16xf32>,
      %add3A_1121 = arith.addi %add3A_160, %get3A_1111 : vector<16xi32>
      %gather3A_1122 = tpu.vector_load_idx %arg12[%add3A_1121] : memref<16256xf32, #tpu.memory_space<vmem>>[vector<16xi32>], vector<16xf32>,
      %add3A_1123 = arith.addi %add3A_166, %get3A_1111 : vector<16xi32>
      %gather3A_1124 = tpu.vector_load_idx %arg12[%add3A_1123] : memref<16256xf32, #tpu.memory_space<vmem>>[vector<16xi32>], vector<16xf32>,
      %add3A_1125 = arith.addi %add3A_172, %get3A_1111 : vector<16xi32>
      %gather3A_1126 = tpu.vector_load_idx %arg12[%add3A_1125] : memref<16256xf32, #tpu.memory_space<vmem>>[vector<16xi32>], vector<16xf32>,
      %swap3A = arith.index_cast %add3A_1108 : i32 to index
      %swap3A_1127 = arith.constant 0 : index
      %swap3A_1128 = tpu.vector_load %arg10[%swap3A, %swap3A_1127] {strides = array<i32>} : memref<118x128xf32, #tpu.memory_space<vmem>>, vector<16xf32>,
      tpu.vector_store %arg10[%swap3A, %swap3A_1127], %gather3A {strides = array<i32>} : memref<118x128xf32, #tpu.memory_space<vmem>>, vector<16xf32>,
      %swap3A_1129 = arith.index_cast %add3A_1108 : i32 to index
      %swap3A_1130 = arith.constant 16 : index
      %swap3A_1131 = tpu.vector_load %arg10[%swap3A_1129, %swap3A_1130] {strides = array<i32>} : memref<118x128xf32, #tpu.memory_space<vmem>>, vector<16xf32>,
      tpu.vector_store %arg10[%swap3A_1129, %swap3A_1130], %gather3A_1114 {strides = array<i32>} : memref<118x128xf32, #tpu.memory_space<vmem>>, vector<16xf32>,
      %swap3A_1132 = arith.index_cast %add3A_1108 : i32 to index
      %swap3A_1133 = arith.constant 32 : index
      %swap3A_1134 = tpu.vector_load %arg10[%swap3A_1132, %swap3A_1133] {strides = array<i32>} : memref<118x128xf32, #tpu.memory_space<vmem>>, vector<16xf32>,
      tpu.vector_store %arg10[%swap3A_1132, %swap3A_1133], %gather3A_1116 {strides = array<i32>} : memref<118x128xf32, #tpu.memory_space<vmem>>, vector<16xf32>,
      %swap3A_1135 = arith.index_cast %add3A_1108 : i32 to index
      %swap3A_1136 = arith.constant 48 : index
      %swap3A_1137 = tpu.vector_load %arg10[%swap3A_1135, %swap3A_1136] {strides = array<i32>} : memref<118x128xf32, #tpu.memory_space<vmem>>, vector<16xf32>,
      tpu.vector_store %arg10[%swap3A_1135, %swap3A_1136], %gather3A_1118 {strides = array<i32>} : memref<118x128xf32, #tpu.memory_space<vmem>>, vector<16xf32>,
      %swap3A_1138 = arith.index_cast %add3A_1108 : i32 to index
      %swap3A_1139 = arith.constant 64 : index
      %swap3A_1140 = tpu.vector_load %arg10[%swap3A_1138, %swap3A_1139] {strides = array<i32>} : memref<118x128xf32, #tpu.memory_space<vmem>>, vector<16xf32>,
      tpu.vector_store %arg10[%swap3A_1138, %swap3A_1139], %gather3A_1120 {strides = array<i32>} : memref<118x128xf32, #tpu.memory_space<vmem>>, vector<16xf32>,
      %swap3A_1141 = arith.index_cast %add3A_1108 : i32 to index
      %swap3A_1142 = arith.constant 80 : index
      %swap3A_1143 = tpu.vector_load %arg10[%swap3A_1141, %swap3A_1142] {strides = array<i32>} : memref<118x128xf32, #tpu.memory_space<vmem>>, vector<16xf32>,
      tpu.vector_store %arg10[%swap3A_1141, %swap3A_1142], %gather3A_1122 {strides = array<i32>} : memref<118x128xf32, #tpu.memory_space<vmem>>, vector<16xf32>,
      %swap3A_1144 = arith.index_cast %add3A_1108 : i32 to index
      %swap3A_1145 = arith.constant 96 : index
      %swap3A_1146 = tpu.vector_load %arg10[%swap3A_1144, %swap3A_1145] {strides = array<i32>} : memref<118x128xf32, #tpu.memory_space<vmem>>, vector<16xf32>,
      tpu.vector_store %arg10[%swap3A_1144, %swap3A_1145], %gather3A_1124 {strides = array<i32>} : memref<118x128xf32, #tpu.memory_space<vmem>>, vector<16xf32>,
      %swap3A_1147 = arith.index_cast %add3A_1108 : i32 to index
      %swap3A_1148 = arith.constant 112 : index
      %swap3A_1149 = tpu.vector_load %arg10[%swap3A_1147, %swap3A_1148] {strides = array<i32>} : memref<118x128xf32, #tpu.memory_space<vmem>>, vector<16xf32>,
      tpu.vector_store %arg10[%swap3A_1147, %swap3A_1148], %gather3A_1126 {strides = array<i32>} : memref<118x128xf32, #tpu.memory_space<vmem>>, vector<16xf32>,
      %mul3A_1150 = arith.constant 2 : i32
      %mul3A_1151 = arith.muli %scan3A_1104, %mul3A_1150 : i32
      %add3A_1152 = arith.constant 1 : i32
      %add3A_1153 = arith.addi %mul3A_1151, %add3A_1152 : i32
      %mul3A_1154 = arith.constant 16 : i32
      %mul3A_1155 = arith.muli %add3A_1153, %mul3A_1154 : i32
      %get3A_1156 = arith.index_cast %mul3A_1155 : i32 to index
      %get3A_1157 = tpu.vector_load %arg5[%get3A_1156] {strides = array<i32>} : memref<1888xi32, #tpu.memory_space<vmem>>, vector<16xi32>,
      %add3A_1158 = arith.addi %add3A_130, %get3A_1157 : vector<16xi32>
      %gather3A_1159 = tpu.vector_load_idx %arg12[%add3A_1158] : memref<16256xf32, #tpu.memory_space<vmem>>[vector<16xi32>], vector<16xf32>,
      %add3A_1160 = arith.addi %add3A_136, %get3A_1157 : vector<16xi32>
      %gather3A_1161 = tpu.vector_load_idx %arg12[%add3A_1160] : memref<16256xf32, #tpu.memory_space<vmem>>[vector<16xi32>], vector<16xf32>,
      %add3A_1162 = arith.addi %add3A_142, %get3A_1157 : vector<16xi32>
      %gather3A_1163 = tpu.vector_load_idx %arg12[%add3A_1162] : memref<16256xf32, #tpu.memory_space<vmem>>[vector<16xi32>], vector<16xf32>,
      %add3A_1164 = arith.addi %add3A_148, %get3A_1157 : vector<16xi32>
      %gather3A_1165 = tpu.vector_load_idx %arg12[%add3A_1164] : memref<16256xf32, #tpu.memory_space<vmem>>[vector<16xi32>], vector<16xf32>,
      %add3A_1166 = arith.addi %add3A_154, %get3A_1157 : vector<16xi32>
      %gather3A_1167 = tpu.vector_load_idx %arg12[%add3A_1166] : memref<16256xf32, #tpu.memory_space<vmem>>[vector<16xi32>], vector<16xf32>,
      %add3A_1168 = arith.addi %add3A_160, %get3A_1157 : vector<16xi32>
      %gather3A_1169 = tpu.vector_load_idx %arg12[%add3A_1168] : memref<16256xf32, #tpu.memory_space<vmem>>[vector<16xi32>], vector<16xf32>,
      %add3A_1170 = arith.addi %add3A_166, %get3A_1157 : vector<16xi32>
      %gather3A_1171 = tpu.vector_load_idx %arg12[%add3A_1170] : memref<16256xf32, #tpu.memory_space<vmem>>[vector<16xi32>], vector<16xf32>,
      %add3A_1172 = arith.addi %add3A_172, %get3A_1157 : vector<16xi32>
      %gather3A_1173 = tpu.vector_load_idx %arg12[%add3A_1172] : memref<16256xf32, #tpu.memory_space<vmem>>[vector<16xi32>], vector<16xf32>,
      %swap3A_1174 = arith.index_cast %add3A_1153 : i32 to index
      %swap3A_1175 = arith.constant 0 : index
      %swap3A_1176 = tpu.vector_load %arg10[%swap3A_1174, %swap3A_1175] {strides = array<i32>} : memref<118x128xf32, #tpu.memory_space<vmem>>, vector<16xf32>,
      tpu.vector_store %arg10[%swap3A_1174, %swap3A_1175], %gather3A_1159 {strides = array<i32>} : memref<118x128xf32, #tpu.memory_space<vmem>>, vector<16xf32>,
      %swap3A_1177 = arith.index_cast %add3A_1153 : i32 to index
      %swap3A_1178 = arith.constant 16 : index
      %swap3A_1179 = tpu.vector_load %arg10[%swap3A_1177, %swap3A_1178] {strides = array<i32>} : memref<118x128xf32, #tpu.memory_space<vmem>>, vector<16xf32>,
      tpu.vector_store %arg10[%swap3A_1177, %swap3A_1178], %gather3A_1161 {strides = array<i32>} : memref<118x128xf32, #tpu.memory_space<vmem>>, vector<16xf32>,
      %swap3A_1180 = arith.index_cast %add3A_1153 : i32 to index
      %swap3A_1181 = arith.constant 32 : index
      %swap3A_1182 = tpu.vector_load %arg10[%swap3A_1180, %swap3A_1181] {strides = array<i32>} : memref<118x128xf32, #tpu.memory_space<vmem>>, vector<16xf32>,
      tpu.vector_store %arg10[%swap3A_1180, %swap3A_1181], %gather3A_1163 {strides = array<i32>} : memref<118x128xf32, #tpu.memory_space<vmem>>, vector<16xf32>,
      %swap3A_1183 = arith.index_cast %add3A_1153 : i32 to index
      %swap3A_1184 = arith.constant 48 : index
      %swap3A_1185 = tpu.vector_load %arg10[%swap3A_1183, %swap3A_1184] {strides = array<i32>} : memref<118x128xf32, #tpu.memory_space<vmem>>, vector<16xf32>,
      tpu.vector_store %arg10[%swap3A_1183, %swap3A_1184], %gather3A_1165 {strides = array<i32>} : memref<118x128xf32, #tpu.memory_space<vmem>>, vector<16xf32>,
      %swap3A_1186 = arith.index_cast %add3A_1153 : i32 to index
      %swap3A_1187 = arith.constant 64 : index
      %swap3A_1188 = tpu.vector_load %arg10[%swap3A_1186, %swap3A_1187] {strides = array<i32>} : memref<118x128xf32, #tpu.memory_space<vmem>>, vector<16xf32>,
      tpu.vector_store %arg10[%swap3A_1186, %swap3A_1187], %gather3A_1167 {strides = array<i32>} : memref<118x128xf32, #tpu.memory_space<vmem>>, vector<16xf32>,
      %swap3A_1189 = arith.index_cast %add3A_1153 : i32 to index
      %swap3A_1190 = arith.constant 80 : index
      %swap3A_1191 = tpu.vector_load %arg10[%swap3A_1189, %swap3A_1190] {strides = array<i32>} : memref<118x128xf32, #tpu.memory_space<vmem>>, vector<16xf32>,
      tpu.vector_store %arg10[%swap3A_1189, %swap3A_1190], %gather3A_1169 {strides = array<i32>} : memref<118x128xf32, #tpu.memory_space<vmem>>, vector<16xf32>,
      %swap3A_1192 = arith.index_cast %add3A_1153 : i32 to index
      %swap3A_1193 = arith.constant 96 : index
      %swap3A_1194 = tpu.vector_load %arg10[%swap3A_1192, %swap3A_1193] {strides = array<i32>} : memref<118x128xf32, #tpu.memory_space<vmem>>, vector<16xf32>,
      tpu.vector_store %arg10[%swap3A_1192, %swap3A_1193], %gather3A_1171 {strides = array<i32>} : memref<118x128xf32, #tpu.memory_space<vmem>>, vector<16xf32>,
      %swap3A_1195 = arith.index_cast %add3A_1153 : i32 to index
      %swap3A_1196 = arith.constant 112 : index
      %swap3A_1197 = tpu.vector_load %arg10[%swap3A_1195, %swap3A_1196] {strides = array<i32>} : memref<118x128xf32, #tpu.memory_space<vmem>>, vector<16xf32>,
      tpu.vector_store %arg10[%swap3A_1195, %swap3A_1196], %gather3A_1173 {strides = array<i32>} : memref<118x128xf32, #tpu.memory_space<vmem>>, vector<16xf32>,
    }
    %scan3A_178 = arith.constant 59 : i32
    %add3A_179 = arith.constant 0 : i32
    %add3A_180 = arith.addi %mul3A_2, %add3A_179 : i32
    %dma_start3A_181 = arith.constant 1 : i32
    %dma_start3A_182 = arith.constant 0 : i32
    %dma_start3A_183 = tpu.memref_slice %arg4[%dma_start3A_181, %dma_start3A_182, %add3A_180] : memref<3x118x16384xf32, #tpu.memory_space<hbm>> -> memref<1x118x128xf32, #tpu.memory_space<hbm>>
    %dma_start3A_184 = tpu.memref_squeeze %dma_start3A_183 : memref<1x118x128xf32, #tpu.memory_space<hbm>> -> memref<118x128xf32, #tpu.memory_space<hbm>>
    %dma_start3A_185 = arith.constant 0 : i32
    %dma_start3A_186 = tpu.memref_slice %arg4[%dma_start3A_181, %dma_start3A_185, %add3A_180] : memref<3x118x16384xf32, #tpu.memory_space<hbm>> -> memref<1x118x128xf32, #tpu.memory_space<hbm>>
    %dma_start3A_187 = tpu.memref_squeeze %dma_start3A_186 : memref<1x118x128xf32, #tpu.memory_space<hbm>> -> memref<118x128xf32, #tpu.memory_space<hbm>>
    tpu.enqueue_dma source(%arg10 : memref<118x128xf32, #tpu.memory_space<vmem>>) target(%dma_start3A_187 : memref<118x128xf32, #tpu.memory_space<hbm>>) target_semaphore(%arg18 : memref<!tpu.dma_semaphore, #tpu.memory_space<semaphore_mem>>)
    %add3A_188 = arith.constant 128 : i32
    %add3A_189 = arith.addi %mul3A_2, %add3A_188 : i32
    %dma_start3A_190 = arith.constant 1 : i32
    %dma_start3A_191 = arith.constant 0 : i32
    %dma_start3A_192 = tpu.memref_slice %arg2[%dma_start3A_190, %add3A_189, %dma_start3A_191] : memref<3x16384x127xf32, #tpu.memory_space<hbm>> -> memref<1x128x127xf32, #tpu.memory_space<hbm>>
    %dma_start3A_193 = tpu.memref_squeeze %dma_start3A_192 : memref<1x128x127xf32, #tpu.memory_space<hbm>> -> memref<128x127xf32, #tpu.memory_space<hbm>>
    %dma_start3A_194 = arith.constant 0 : i32
    %dma_start3A_195 = tpu.memref_slice %arg2[%dma_start3A_190, %add3A_189, %dma_start3A_194] : memref<3x16384x127xf32, #tpu.memory_space<hbm>> -> memref<1x128x127xf32, #tpu.memory_space<hbm>>
    %dma_start3A_196 = tpu.memref_squeeze %dma_start3A_195 : memref<1x128x127xf32, #tpu.memory_space<hbm>> -> memref<128x127xf32, #tpu.memory_space<hbm>>
    tpu.enqueue_dma source(%dma_start3A_196 : memref<128x127xf32, #tpu.memory_space<hbm>>) target(%arg7 : memref<128x127xf32, #tpu.memory_space<vmem>>) target_semaphore(%arg15 : memref<!tpu.dma_semaphore, #tpu.memory_space<semaphore_mem>>)
    %dma_wait3A_197 = arith.constant 2 : i32
    %dma_wait3A_198 = arith.constant 0 : i32
    %dma_wait3A_199 = tpu.memref_slice %arg2[%dma_wait3A_197, %add3A_21, %dma_wait3A_198] : memref<3x16384x127xf32, #tpu.memory_space<hbm>> -> memref<1x128x127xf32, #tpu.memory_space<hbm>>
    %dma_wait3A_200 = tpu.memref_squeeze %dma_wait3A_199 : memref<1x128x127xf32, #tpu.memory_space<hbm>> -> memref<128x127xf32, #tpu.memory_space<hbm>>
    %dma_wait3A_201 = arith.constant 0 : i32
    %dma_wait3A_202 = tpu.memref_slice %arg2[%dma_wait3A_197, %add3A_21, %dma_wait3A_201] : memref<3x16384x127xf32, #tpu.memory_space<hbm>> -> memref<1x128x127xf32, #tpu.memory_space<hbm>>
    %dma_wait3A_203 = tpu.memref_squeeze %dma_wait3A_202 : memref<1x128x127xf32, #tpu.memory_space<hbm>> -> memref<128x127xf32, #tpu.memory_space<hbm>>
    tpu.wait_dma2 semaphore(%arg16 : memref<!tpu.dma_semaphore, #tpu.memory_space<semaphore_mem>>) src(%dma_wait3A_203 : memref<128x127xf32, #tpu.memory_space<hbm>>) dst(%arg8 : memref<128x127xf32, #tpu.memory_space<vmem>>)
    %scan3A_204 = arith.constant 0 : i32
    %scan3A_205 = arith.constant 0 : i32
    %scan3A_206 = arith.constant 64 : i32
    %scan3A_207 = arith.addi %scan3A_205, %scan3A_206 : i32
    %scan3A_208 = arith.constant 1 : i32
    scf.for %scan3A_1104 = %scan3A_205 to %scan3A_207 step %scan3A_208  : i32 {
      %mul3A_1105 = arith.constant 2 : i32
      %mul3A_1106 = arith.muli %scan3A_1104, %mul3A_1105 : i32
      %add3A_1107 = arith.constant 0 : i32
      %add3A_1108 = arith.addi %mul3A_1106, %add3A_1107 : i32
      %mul3A_1109 = arith.constant 127 : i32
      %mul3A_1110 = arith.muli %add3A_1108, %mul3A_1109 : i32
      %get3A = arith.index_cast %add3A_1108 : i32 to index
      %get3A_1111 = arith.constant 0 : index
      %get3A_1112 = tpu.vector_load %arg8[%get3A, %get3A_1111] {strides = array<i32>} : memref<128x127xf32, #tpu.memory_space<vmem>>, vector<16xf32>,
      %get3A_1113 = arith.index_cast %add3A_1108 : i32 to index
      %get3A_1114 = arith.constant 16 : index
      %get3A_1115 = tpu.vector_load %arg8[%get3A_1113, %get3A_1114] {strides = array<i32>} : memref<128x127xf32, #tpu.memory_space<vmem>>, vector<16xf32>,
      %get3A_1116 = arith.index_cast %add3A_1108 : i32 to index
      %get3A_1117 = arith.constant 32 : index
      %get3A_1118 = tpu.vector_load %arg8[%get3A_1116, %get3A_1117] {strides = array<i32>} : memref<128x127xf32, #tpu.memory_space<vmem>>, vector<16xf32>,
      %get3A_1119 = arith.index_cast %add3A_1108 : i32 to index
      %get3A_1120 = arith.constant 48 : index
      %get3A_1121 = tpu.vector_load %arg8[%get3A_1119, %get3A_1120] {strides = array<i32>} : memref<128x127xf32, #tpu.memory_space<vmem>>, vector<16xf32>,
      %get3A_1122 = arith.index_cast %add3A_1108 : i32 to index
      %get3A_1123 = arith.constant 64 : index
      %get3A_1124 = tpu.vector_load %arg8[%get3A_1122, %get3A_1123] {strides = array<i32>} : memref<128x127xf32, #tpu.memory_space<vmem>>, vector<16xf32>,
      %get3A_1125 = arith.index_cast %add3A_1108 : i32 to index
      %get3A_1126 = arith.constant 80 : index
      %get3A_1127 = tpu.vector_load %arg8[%get3A_1125, %get3A_1126] {strides = array<i32>} : memref<128x127xf32, #tpu.memory_space<vmem>>, vector<16xf32>,
      %get3A_1128 = arith.index_cast %add3A_1108 : i32 to index
      %get3A_1129 = arith.constant 96 : index
      %get3A_1130 = tpu.vector_load %arg8[%get3A_1128, %get3A_1129] {strides = array<i32>} : memref<128x127xf32, #tpu.memory_space<vmem>>, vector<16xf32>,
      %get3A_1131 = arith.index_cast %add3A_1108 : i32 to index
      %get3A_1132 = arith.constant 111 : index
      %get3A_1133 = tpu.vector_load %arg8[%get3A_1131, %get3A_1132] {strides = array<i32>} : memref<128x127xf32, #tpu.memory_space<vmem>>, vector<16xf32>,
      %add3A_1134 = arith.constant 0 : i32
      %add3A_1135 = arith.addi %mul3A_1110, %add3A_1134 : i32
      %swap3A = arith.index_cast %add3A_1135 : i32 to index
      %swap3A_1136 = tpu.vector_load %arg12[%swap3A] {strides = array<i32>} : memref<16256xf32, #tpu.memory_space<vmem>>, vector<16xf32>,
      tpu.vector_store %arg12[%swap3A], %get3A_1112 {strides = array<i32>} : memref<16256xf32, #tpu.memory_space<vmem>>, vector<16xf32>,
      %add3A_1137 = arith.constant 16 : i32
      %add3A_1138 = arith.addi %mul3A_1110, %add3A_1137 : i32
      %swap3A_1139 = arith.index_cast %add3A_1138 : i32 to index
      %swap3A_1140 = tpu.vector_load %arg12[%swap3A_1139] {strides = array<i32>} : memref<16256xf32, #tpu.memory_space<vmem>>, vector<16xf32>,
      tpu.vector_store %arg12[%swap3A_1139], %get3A_1115 {strides = array<i32>} : memref<16256xf32, #tpu.memory_space<vmem>>, vector<16xf32>,
      %add3A_1141 = arith.constant 32 : i32
      %add3A_1142 = arith.addi %mul3A_1110, %add3A_1141 : i32
      %swap3A_1143 = arith.index_cast %add3A_1142 : i32 to index
      %swap3A_1144 = tpu.vector_load %arg12[%swap3A_1143] {strides = array<i32>} : memref<16256xf32, #tpu.memory_space<vmem>>, vector<16xf32>,
      tpu.vector_store %arg12[%swap3A_1143], %get3A_1118 {strides = array<i32>} : memref<16256xf32, #tpu.memory_space<vmem>>, vector<16xf32>,
      %add3A_1145 = arith.constant 48 : i32
      %add3A_1146 = arith.addi %mul3A_1110, %add3A_1145 : i32
      %swap3A_1147 = arith.index_cast %add3A_1146 : i32 to index
      %swap3A_1148 = tpu.vector_load %arg12[%swap3A_1147] {strides = array<i32>} : memref<16256xf32, #tpu.memory_space<vmem>>, vector<16xf32>,
      tpu.vector_store %arg12[%swap3A_1147], %get3A_1121 {strides = array<i32>} : memref<16256xf32, #tpu.memory_space<vmem>>, vector<16xf32>,
      %add3A_1149 = arith.constant 64 : i32
      %add3A_1150 = arith.addi %mul3A_1110, %add3A_1149 : i32
      %swap3A_1151 = arith.index_cast %add3A_1150 : i32 to index
      %swap3A_1152 = tpu.vector_load %arg12[%swap3A_1151] {strides = array<i32>} : memref<16256xf32, #tpu.memory_space<vmem>>, vector<16xf32>,
      tpu.vector_store %arg12[%swap3A_1151], %get3A_1124 {strides = array<i32>} : memref<16256xf32, #tpu.memory_space<vmem>>, vector<16xf32>,
      %add3A_1153 = arith.constant 80 : i32
      %add3A_1154 = arith.addi %mul3A_1110, %add3A_1153 : i32
      %swap3A_1155 = arith.index_cast %add3A_1154 : i32 to index
      %swap3A_1156 = tpu.vector_load %arg12[%swap3A_1155] {strides = array<i32>} : memref<16256xf32, #tpu.memory_space<vmem>>, vector<16xf32>,
      tpu.vector_store %arg12[%swap3A_1155], %get3A_1127 {strides = array<i32>} : memref<16256xf32, #tpu.memory_space<vmem>>, vector<16xf32>,
      %add3A_1157 = arith.constant 96 : i32
      %add3A_1158 = arith.addi %mul3A_1110, %add3A_1157 : i32
      %swap3A_1159 = arith.index_cast %add3A_1158 : i32 to index
      %swap3A_1160 = tpu.vector_load %arg12[%swap3A_1159] {strides = array<i32>} : memref<16256xf32, #tpu.memory_space<vmem>>, vector<16xf32>,
      tpu.vector_store %arg12[%swap3A_1159], %get3A_1130 {strides = array<i32>} : memref<16256xf32, #tpu.memory_space<vmem>>, vector<16xf32>,
      %add3A_1161 = arith.constant 111 : i32
      %add3A_1162 = arith.addi %mul3A_1110, %add3A_1161 : i32
      %swap3A_1163 = arith.index_cast %add3A_1162 : i32 to index
      %swap3A_1164 = tpu.vector_load %arg12[%swap3A_1163] {strides = array<i32>} : memref<16256xf32, #tpu.memory_space<vmem>>, vector<16xf32>,
      tpu.vector_store %arg12[%swap3A_1163], %get3A_1133 {strides = array<i32>} : memref<16256xf32, #tpu.memory_space<vmem>>, vector<16xf32>,
      %mul3A_1165 = arith.constant 2 : i32
      %mul3A_1166 = arith.muli %scan3A_1104, %mul3A_1165 : i32
      %add3A_1167 = arith.constant 1 : i32
      %add3A_1168 = arith.addi %mul3A_1166, %add3A_1167 : i32
      %mul3A_1169 = arith.constant 127 : i32
      %mul3A_1170 = arith.muli %add3A_1168, %mul3A_1169 : i32
      %get3A_1171 = arith.index_cast %add3A_1168 : i32 to index
      %get3A_1172 = arith.constant 0 : index
      %get3A_1173 = tpu.vector_load %arg8[%get3A_1171, %get3A_1172] {strides = array<i32>} : memref<128x127xf32, #tpu.memory_space<vmem>>, vector<16xf32>,
      %get3A_1174 = arith.index_cast %add3A_1168 : i32 to index
      %get3A_1175 = arith.constant 16 : index
      %get3A_1176 = tpu.vector_load %arg8[%get3A_1174, %get3A_1175] {strides = array<i32>} : memref<128x127xf32, #tpu.memory_space<vmem>>, vector<16xf32>,
      %get3A_1177 = arith.index_cast %add3A_1168 : i32 to index
      %get3A_1178 = arith.constant 32 : index
      %get3A_1179 = tpu.vector_load %arg8[%get3A_1177, %get3A_1178] {strides = array<i32>} : memref<128x127xf32, #tpu.memory_space<vmem>>, vector<16xf32>,
      %get3A_1180 = arith.index_cast %add3A_1168 : i32 to index
      %get3A_1181 = arith.constant 48 : index
      %get3A_1182 = tpu.vector_load %arg8[%get3A_1180, %get3A_1181] {strides = array<i32>} : memref<128x127xf32, #tpu.memory_space<vmem>>, vector<16xf32>,
      %get3A_1183 = arith.index_cast %add3A_1168 : i32 to index
      %get3A_1184 = arith.constant 64 : index
      %get3A_1185 = tpu.vector_load %arg8[%get3A_1183, %get3A_1184] {strides = array<i32>} : memref<128x127xf32, #tpu.memory_space<vmem>>, vector<16xf32>,
      %get3A_1186 = arith.index_cast %add3A_1168 : i32 to index
      %get3A_1187 = arith.constant 80 : index
      %get3A_1188 = tpu.vector_load %arg8[%get3A_1186, %get3A_1187] {strides = array<i32>} : memref<128x127xf32, #tpu.memory_space<vmem>>, vector<16xf32>,
      %get3A_1189 = arith.index_cast %add3A_1168 : i32 to index
      %get3A_1190 = arith.constant 96 : index
      %get3A_1191 = tpu.vector_load %arg8[%get3A_1189, %get3A_1190] {strides = array<i32>} : memref<128x127xf32, #tpu.memory_space<vmem>>, vector<16xf32>,
      %get3A_1192 = arith.index_cast %add3A_1168 : i32 to index
      %get3A_1193 = arith.constant 111 : index
      %get3A_1194 = tpu.vector_load %arg8[%get3A_1192, %get3A_1193] {strides = array<i32>} : memref<128x127xf32, #tpu.memory_space<vmem>>, vector<16xf32>,
      %add3A_1195 = arith.constant 0 : i32
      %add3A_1196 = arith.addi %mul3A_1170, %add3A_1195 : i32
      %swap3A_1197 = arith.index_cast %add3A_1196 : i32 to index
      %swap3A_1198 = tpu.vector_load %arg12[%swap3A_1197] {strides = array<i32>} : memref<16256xf32, #tpu.memory_space<vmem>>, vector<16xf32>,
      tpu.vector_store %arg12[%swap3A_1197], %get3A_1173 {strides = array<i32>} : memref<16256xf32, #tpu.memory_space<vmem>>, vector<16xf32>,
      %add3A_1199 = arith.constant 16 : i32
      %add3A_1200 = arith.addi %mul3A_1170, %add3A_1199 : i32
      %swap3A_1201 = arith.index_cast %add3A_1200 : i32 to index
      %swap3A_1202 = tpu.vector_load %arg12[%swap3A_1201] {strides = array<i32>} : memref<16256xf32, #tpu.memory_space<vmem>>, vector<16xf32>,
      tpu.vector_store %arg12[%swap3A_1201], %get3A_1176 {strides = array<i32>} : memref<16256xf32, #tpu.memory_space<vmem>>, vector<16xf32>,
      %add3A_1203 = arith.constant 32 : i32
      %add3A_1204 = arith.addi %mul3A_1170, %add3A_1203 : i32
      %swap3A_1205 = arith.index_cast %add3A_1204 : i32 to index
      %swap3A_1206 = tpu.vector_load %arg12[%swap3A_1205] {strides = array<i32>} : memref<16256xf32, #tpu.memory_space<vmem>>, vector<16xf32>,
      tpu.vector_store %arg12[%swap3A_1205], %get3A_1179 {strides = array<i32>} : memref<16256xf32, #tpu.memory_space<vmem>>, vector<16xf32>,
      %add3A_1207 = arith.constant 48 : i32
      %add3A_1208 = arith.addi %mul3A_1170, %add3A_1207 : i32
      %swap3A_1209 = arith.index_cast %add3A_1208 : i32 to index
      %swap3A_1210 = tpu.vector_load %arg12[%swap3A_1209] {strides = array<i32>} : memref<16256xf32, #tpu.memory_space<vmem>>, vector<16xf32>,
      tpu.vector_store %arg12[%swap3A_1209], %get3A_1182 {strides = array<i32>} : memref<16256xf32, #tpu.memory_space<vmem>>, vector<16xf32>,
      %add3A_1211 = arith.constant 64 : i32
      %add3A_1212 = arith.addi %mul3A_1170, %add3A_1211 : i32
      %swap3A_1213 = arith.index_cast %add3A_1212 : i32 to index
      %swap3A_1214 = tpu.vector_load %arg12[%swap3A_1213] {strides = array<i32>} : memref<16256xf32, #tpu.memory_space<vmem>>, vector<16xf32>,
      tpu.vector_store %arg12[%swap3A_1213], %get3A_1185 {strides = array<i32>} : memref<16256xf32, #tpu.memory_space<vmem>>, vector<16xf32>,
      %add3A_1215 = arith.constant 80 : i32
      %add3A_1216 = arith.addi %mul3A_1170, %add3A_1215 : i32
      %swap3A_1217 = arith.index_cast %add3A_1216 : i32 to index
      %swap3A_1218 = tpu.vector_load %arg12[%swap3A_1217] {strides = array<i32>} : memref<16256xf32, #tpu.memory_space<vmem>>, vector<16xf32>,
      tpu.vector_store %arg12[%swap3A_1217], %get3A_1188 {strides = array<i32>} : memref<16256xf32, #tpu.memory_space<vmem>>, vector<16xf32>,
      %add3A_1219 = arith.constant 96 : i32
      %add3A_1220 = arith.addi %mul3A_1170, %add3A_1219 : i32
      %swap3A_1221 = arith.index_cast %add3A_1220 : i32 to index
      %swap3A_1222 = tpu.vector_load %arg12[%swap3A_1221] {strides = array<i32>} : memref<16256xf32, #tpu.memory_space<vmem>>, vector<16xf32>,
      tpu.vector_store %arg12[%swap3A_1221], %get3A_1191 {strides = array<i32>} : memref<16256xf32, #tpu.memory_space<vmem>>, vector<16xf32>,
      %add3A_1223 = arith.constant 111 : i32
      %add3A_1224 = arith.addi %mul3A_1170, %add3A_1223 : i32
      %swap3A_1225 = arith.index_cast %add3A_1224 : i32 to index
      %swap3A_1226 = tpu.vector_load %arg12[%swap3A_1225] {strides = array<i32>} : memref<16256xf32, #tpu.memory_space<vmem>>, vector<16xf32>,
      tpu.vector_store %arg12[%swap3A_1225], %get3A_1194 {strides = array<i32>} : memref<16256xf32, #tpu.memory_space<vmem>>, vector<16xf32>,
    }
    %scan3A_209 = arith.constant 64 : i32
    %mul3A_210 = arith.constant 127 : i32
    %mul3A_211 = vector.broadcast %mul3A_210 : i32 to vector<16xi32>
    %mul3A_212 = arith.muli %iota3A, %mul3A_211 : vector<16xi32>
    %add3A_213 = arith.constant 0 : i32
    %add3A_214 = vector.broadcast %add3A_213 : i32 to vector<16xi32>
    %add3A_215 = arith.addi %mul3A_212, %add3A_214 : vector<16xi32>
    %mul3A_216 = arith.constant 127 : i32
    %mul3A_217 = vector.broadcast %mul3A_216 : i32 to vector<16xi32>
    %mul3A_218 = arith.muli %iota3A, %mul3A_217 : vector<16xi32>
    %add3A_219 = arith.constant 2032 : i32
    %add3A_220 = vector.broadcast %add3A_219 : i32 to vector<16xi32>
    %add3A_221 = arith.addi %mul3A_218, %add3A_220 : vector<16xi32>
    %mul3A_222 = arith.constant 127 : i32
    %mul3A_223 = vector.broadcast %mul3A_222 : i32 to vector<16xi32>
    %mul3A_224 = arith.muli %iota3A, %mul3A_223 : vector<16xi32>
    %add3A_225 = arith.constant 4064 : i32
    %add3A_226 = vector.broadcast %add3A_225 : i32 to vector<16xi32>
    %add3A_227 = arith.addi %mul3A_224, %add3A_226 : vector<16xi32>
    %mul3A_228 = arith.constant 127 : i32
    %mul3A_229 = vector.broadcast %mul3A_228 : i32 to vector<16xi32>
    %mul3A_230 = arith.muli %iota3A, %mul3A_229 : vector<16xi32>
    %add3A_231 = arith.constant 6096 : i32
    %add3A_232 = vector.broadcast %add3A_231 : i32 to vector<16xi32>
    %add3A_233 = arith.addi %mul3A_230, %add3A_232 : vector<16xi32>
    %mul3A_234 = arith.constant 127 : i32
    %mul3A_235 = vector.broadcast %mul3A_234 : i32 to vector<16xi32>
    %mul3A_236 = arith.muli %iota3A, %mul3A_235 : vector<16xi32>
    %add3A_237 = arith.constant 8128 : i32
    %add3A_238 = vector.broadcast %add3A_237 : i32 to vector<16xi32>
    %add3A_239 = arith.addi %mul3A_236, %add3A_238 : vector<16xi32>
    %mul3A_240 = arith.constant 127 : i32
    %mul3A_241 = vector.broadcast %mul3A_240 : i32 to vector<16xi32>
    %mul3A_242 = arith.muli %iota3A, %mul3A_241 : vector<16xi32>
    %add3A_243 = arith.constant 10160 : i32
    %add3A_244 = vector.broadcast %add3A_243 : i32 to vector<16xi32>
    %add3A_245 = arith.addi %mul3A_242, %add3A_244 : vector<16xi32>
    %mul3A_246 = arith.constant 127 : i32
    %mul3A_247 = vector.broadcast %mul3A_246 : i32 to vector<16xi32>
    %mul3A_248 = arith.muli %iota3A, %mul3A_247 : vector<16xi32>
    %add3A_249 = arith.constant 12192 : i32
    %add3A_250 = vector.broadcast %add3A_249 : i32 to vector<16xi32>
    %add3A_251 = arith.addi %mul3A_248, %add3A_250 : vector<16xi32>
    %mul3A_252 = arith.constant 127 : i32
    %mul3A_253 = vector.broadcast %mul3A_252 : i32 to vector<16xi32>
    %mul3A_254 = arith.muli %iota3A, %mul3A_253 : vector<16xi32>
    %add3A_255 = arith.constant 14224 : i32
    %add3A_256 = vector.broadcast %add3A_255 : i32 to vector<16xi32>
    %add3A_257 = arith.addi %mul3A_254, %add3A_256 : vector<16xi32>
    %scan3A_258 = arith.constant 0 : i32
    %scan3A_259 = arith.constant 0 : i32
    %scan3A_260 = arith.constant 59 : i32
    %scan3A_261 = arith.addi %scan3A_259, %scan3A_260 : i32
    %scan3A_262 = arith.constant 1 : i32
    scf.for %scan3A_1104 = %scan3A_259 to %scan3A_261 step %scan3A_262  : i32 {
      %mul3A_1105 = arith.constant 2 : i32
      %mul3A_1106 = arith.muli %scan3A_1104, %mul3A_1105 : i32
      %add3A_1107 = arith.constant 0 : i32
      %add3A_1108 = arith.addi %mul3A_1106, %add3A_1107 : i32
      %mul3A_1109 = arith.constant 16 : i32
      %mul3A_1110 = arith.muli %add3A_1108, %mul3A_1109 : i32
      %get3A = arith.index_cast %mul3A_1110 : i32 to index
      %get3A_1111 = tpu.vector_load %arg5[%get3A] {strides = array<i32>} : memref<1888xi32, #tpu.memory_space<vmem>>, vector<16xi32>,
      %add3A_1112 = arith.addi %add3A_215, %get3A_1111 : vector<16xi32>
      %gather3A = tpu.vector_load_idx %arg12[%add3A_1112] : memref<16256xf32, #tpu.memory_space<vmem>>[vector<16xi32>], vector<16xf32>,
      %add3A_1113 = arith.addi %add3A_221, %get3A_1111 : vector<16xi32>
      %gather3A_1114 = tpu.vector_load_idx %arg12[%add3A_1113] : memref<16256xf32, #tpu.memory_space<vmem>>[vector<16xi32>], vector<16xf32>,
      %add3A_1115 = arith.addi %add3A_227, %get3A_1111 : vector<16xi32>
      %gather3A_1116 = tpu.vector_load_idx %arg12[%add3A_1115] : memref<16256xf32, #tpu.memory_space<vmem>>[vector<16xi32>], vector<16xf32>,
      %add3A_1117 = arith.addi %add3A_233, %get3A_1111 : vector<16xi32>
      %gather3A_1118 = tpu.vector_load_idx %arg12[%add3A_1117] : memref<16256xf32, #tpu.memory_space<vmem>>[vector<16xi32>], vector<16xf32>,
      %add3A_1119 = arith.addi %add3A_239, %get3A_1111 : vector<16xi32>
      %gather3A_1120 = tpu.vector_load_idx %arg12[%add3A_1119] : memref<16256xf32, #tpu.memory_space<vmem>>[vector<16xi32>], vector<16xf32>,
      %add3A_1121 = arith.addi %add3A_245, %get3A_1111 : vector<16xi32>
      %gather3A_1122 = tpu.vector_load_idx %arg12[%add3A_1121] : memref<16256xf32, #tpu.memory_space<vmem>>[vector<16xi32>], vector<16xf32>,
      %add3A_1123 = arith.addi %add3A_251, %get3A_1111 : vector<16xi32>
      %gather3A_1124 = tpu.vector_load_idx %arg12[%add3A_1123] : memref<16256xf32, #tpu.memory_space<vmem>>[vector<16xi32>], vector<16xf32>,
      %add3A_1125 = arith.addi %add3A_257, %get3A_1111 : vector<16xi32>
      %gather3A_1126 = tpu.vector_load_idx %arg12[%add3A_1125] : memref<16256xf32, #tpu.memory_space<vmem>>[vector<16xi32>], vector<16xf32>,
      %swap3A = arith.index_cast %add3A_1108 : i32 to index
      %swap3A_1127 = arith.constant 0 : index
      %swap3A_1128 = tpu.vector_load %arg11[%swap3A, %swap3A_1127] {strides = array<i32>} : memref<118x128xf32, #tpu.memory_space<vmem>>, vector<16xf32>,
      tpu.vector_store %arg11[%swap3A, %swap3A_1127], %gather3A {strides = array<i32>} : memref<118x128xf32, #tpu.memory_space<vmem>>, vector<16xf32>,
      %swap3A_1129 = arith.index_cast %add3A_1108 : i32 to index
      %swap3A_1130 = arith.constant 16 : index
      %swap3A_1131 = tpu.vector_load %arg11[%swap3A_1129, %swap3A_1130] {strides = array<i32>} : memref<118x128xf32, #tpu.memory_space<vmem>>, vector<16xf32>,
      tpu.vector_store %arg11[%swap3A_1129, %swap3A_1130], %gather3A_1114 {strides = array<i32>} : memref<118x128xf32, #tpu.memory_space<vmem>>, vector<16xf32>,
      %swap3A_1132 = arith.index_cast %add3A_1108 : i32 to index
      %swap3A_1133 = arith.constant 32 : index
      %swap3A_1134 = tpu.vector_load %arg11[%swap3A_1132, %swap3A_1133] {strides = array<i32>} : memref<118x128xf32, #tpu.memory_space<vmem>>, vector<16xf32>,
      tpu.vector_store %arg11[%swap3A_1132, %swap3A_1133], %gather3A_1116 {strides = array<i32>} : memref<118x128xf32, #tpu.memory_space<vmem>>, vector<16xf32>,
      %swap3A_1135 = arith.index_cast %add3A_1108 : i32 to index
      %swap3A_1136 = arith.constant 48 : index
      %swap3A_1137 = tpu.vector_load %arg11[%swap3A_1135, %swap3A_1136] {strides = array<i32>} : memref<118x128xf32, #tpu.memory_space<vmem>>, vector<16xf32>,
      tpu.vector_store %arg11[%swap3A_1135, %swap3A_1136], %gather3A_1118 {strides = array<i32>} : memref<118x128xf32, #tpu.memory_space<vmem>>, vector<16xf32>,
      %swap3A_1138 = arith.index_cast %add3A_1108 : i32 to index
      %swap3A_1139 = arith.constant 64 : index
      %swap3A_1140 = tpu.vector_load %arg11[%swap3A_1138, %swap3A_1139] {strides = array<i32>} : memref<118x128xf32, #tpu.memory_space<vmem>>, vector<16xf32>,
      tpu.vector_store %arg11[%swap3A_1138, %swap3A_1139], %gather3A_1120 {strides = array<i32>} : memref<118x128xf32, #tpu.memory_space<vmem>>, vector<16xf32>,
      %swap3A_1141 = arith.index_cast %add3A_1108 : i32 to index
      %swap3A_1142 = arith.constant 80 : index
      %swap3A_1143 = tpu.vector_load %arg11[%swap3A_1141, %swap3A_1142] {strides = array<i32>} : memref<118x128xf32, #tpu.memory_space<vmem>>, vector<16xf32>,
      tpu.vector_store %arg11[%swap3A_1141, %swap3A_1142], %gather3A_1122 {strides = array<i32>} : memref<118x128xf32, #tpu.memory_space<vmem>>, vector<16xf32>,
      %swap3A_1144 = arith.index_cast %add3A_1108 : i32 to index
      %swap3A_1145 = arith.constant 96 : index
      %swap3A_1146 = tpu.vector_load %arg11[%swap3A_1144, %swap3A_1145] {strides = array<i32>} : memref<118x128xf32, #tpu.memory_space<vmem>>, vector<16xf32>,
      tpu.vector_store %arg11[%swap3A_1144, %swap3A_1145], %gather3A_1124 {strides = array<i32>} : memref<118x128xf32, #tpu.memory_space<vmem>>, vector<16xf32>,
      %swap3A_1147 = arith.index_cast %add3A_1108 : i32 to index
      %swap3A_1148 = arith.constant 112 : index
      %swap3A_1149 = tpu.vector_load %arg11[%swap3A_1147, %swap3A_1148] {strides = array<i32>} : memref<118x128xf32, #tpu.memory_space<vmem>>, vector<16xf32>,
      tpu.vector_store %arg11[%swap3A_1147, %swap3A_1148], %gather3A_1126 {strides = array<i32>} : memref<118x128xf32, #tpu.memory_space<vmem>>, vector<16xf32>,
      %mul3A_1150 = arith.constant 2 : i32
      %mul3A_1151 = arith.muli %scan3A_1104, %mul3A_1150 : i32
      %add3A_1152 = arith.constant 1 : i32
      %add3A_1153 = arith.addi %mul3A_1151, %add3A_1152 : i32
      %mul3A_1154 = arith.constant 16 : i32
      %mul3A_1155 = arith.muli %add3A_1153, %mul3A_1154 : i32
      %get3A_1156 = arith.index_cast %mul3A_1155 : i32 to index
      %get3A_1157 = tpu.vector_load %arg5[%get3A_1156] {strides = array<i32>} : memref<1888xi32, #tpu.memory_space<vmem>>, vector<16xi32>,
      %add3A_1158 = arith.addi %add3A_215, %get3A_1157 : vector<16xi32>
      %gather3A_1159 = tpu.vector_load_idx %arg12[%add3A_1158] : memref<16256xf32, #tpu.memory_space<vmem>>[vector<16xi32>], vector<16xf32>,
      %add3A_1160 = arith.addi %add3A_221, %get3A_1157 : vector<16xi32>
      %gather3A_1161 = tpu.vector_load_idx %arg12[%add3A_1160] : memref<16256xf32, #tpu.memory_space<vmem>>[vector<16xi32>], vector<16xf32>,
      %add3A_1162 = arith.addi %add3A_227, %get3A_1157 : vector<16xi32>
      %gather3A_1163 = tpu.vector_load_idx %arg12[%add3A_1162] : memref<16256xf32, #tpu.memory_space<vmem>>[vector<16xi32>], vector<16xf32>,
      %add3A_1164 = arith.addi %add3A_233, %get3A_1157 : vector<16xi32>
      %gather3A_1165 = tpu.vector_load_idx %arg12[%add3A_1164] : memref<16256xf32, #tpu.memory_space<vmem>>[vector<16xi32>], vector<16xf32>,
      %add3A_1166 = arith.addi %add3A_239, %get3A_1157 : vector<16xi32>
      %gather3A_1167 = tpu.vector_load_idx %arg12[%add3A_1166] : memref<16256xf32, #tpu.memory_space<vmem>>[vector<16xi32>], vector<16xf32>,
      %add3A_1168 = arith.addi %add3A_245, %get3A_1157 : vector<16xi32>
      %gather3A_1169 = tpu.vector_load_idx %arg12[%add3A_1168] : memref<16256xf32, #tpu.memory_space<vmem>>[vector<16xi32>], vector<16xf32>,
      %add3A_1170 = arith.addi %add3A_251, %get3A_1157 : vector<16xi32>
      %gather3A_1171 = tpu.vector_load_idx %arg12[%add3A_1170] : memref<16256xf32, #tpu.memory_space<vmem>>[vector<16xi32>], vector<16xf32>,
      %add3A_1172 = arith.addi %add3A_257, %get3A_1157 : vector<16xi32>
      %gather3A_1173 = tpu.vector_load_idx %arg12[%add3A_1172] : memref<16256xf32, #tpu.memory_space<vmem>>[vector<16xi32>], vector<16xf32>,
      %swap3A_1174 = arith.index_cast %add3A_1153 : i32 to index
      %swap3A_1175 = arith.constant 0 : index
      %swap3A_1176 = tpu.vector_load %arg11[%swap3A_1174, %swap3A_1175] {strides = array<i32>} : memref<118x128xf32, #tpu.memory_space<vmem>>, vector<16xf32>,
      tpu.vector_store %arg11[%swap3A_1174, %swap3A_1175], %gather3A_1159 {strides = array<i32>} : memref<118x128xf32, #tpu.memory_space<vmem>>, vector<16xf32>,
      %swap3A_1177 = arith.index_cast %add3A_1153 : i32 to index
      %swap3A_1178 = arith.constant 16 : index
      %swap3A_1179 = tpu.vector_load %arg11[%swap3A_1177, %swap3A_1178] {strides = array<i32>} : memref<118x128xf32, #tpu.memory_space<vmem>>, vector<16xf32>,
      tpu.vector_store %arg11[%swap3A_1177, %swap3A_1178], %gather3A_1161 {strides = array<i32>} : memref<118x128xf32, #tpu.memory_space<vmem>>, vector<16xf32>,
      %swap3A_1180 = arith.index_cast %add3A_1153 : i32 to index
      %swap3A_1181 = arith.constant 32 : index
      %swap3A_1182 = tpu.vector_load %arg11[%swap3A_1180, %swap3A_1181] {strides = array<i32>} : memref<118x128xf32, #tpu.memory_space<vmem>>, vector<16xf32>,
      tpu.vector_store %arg11[%swap3A_1180, %swap3A_1181], %gather3A_1163 {strides = array<i32>} : memref<118x128xf32, #tpu.memory_space<vmem>>, vector<16xf32>,
      %swap3A_1183 = arith.index_cast %add3A_1153 : i32 to index
      %swap3A_1184 = arith.constant 48 : index
      %swap3A_1185 = tpu.vector_load %arg11[%swap3A_1183, %swap3A_1184] {strides = array<i32>} : memref<118x128xf32, #tpu.memory_space<vmem>>, vector<16xf32>,
      tpu.vector_store %arg11[%swap3A_1183, %swap3A_1184], %gather3A_1165 {strides = array<i32>} : memref<118x128xf32, #tpu.memory_space<vmem>>, vector<16xf32>,
      %swap3A_1186 = arith.index_cast %add3A_1153 : i32 to index
      %swap3A_1187 = arith.constant 64 : index
      %swap3A_1188 = tpu.vector_load %arg11[%swap3A_1186, %swap3A_1187] {strides = array<i32>} : memref<118x128xf32, #tpu.memory_space<vmem>>, vector<16xf32>,
      tpu.vector_store %arg11[%swap3A_1186, %swap3A_1187], %gather3A_1167 {strides = array<i32>} : memref<118x128xf32, #tpu.memory_space<vmem>>, vector<16xf32>,
      %swap3A_1189 = arith.index_cast %add3A_1153 : i32 to index
      %swap3A_1190 = arith.constant 80 : index
      %swap3A_1191 = tpu.vector_load %arg11[%swap3A_1189, %swap3A_1190] {strides = array<i32>} : memref<118x128xf32, #tpu.memory_space<vmem>>, vector<16xf32>,
      tpu.vector_store %arg11[%swap3A_1189, %swap3A_1190], %gather3A_1169 {strides = array<i32>} : memref<118x128xf32, #tpu.memory_space<vmem>>, vector<16xf32>,
      %swap3A_1192 = arith.index_cast %add3A_1153 : i32 to index
      %swap3A_1193 = arith.constant 96 : index
      %swap3A_1194 = tpu.vector_load %arg11[%swap3A_1192, %swap3A_1193] {strides = array<i32>} : memref<118x128xf32, #tpu.memory_space<vmem>>, vector<16xf32>,
      tpu.vector_store %arg11[%swap3A_1192, %swap3A_1193], %gather3A_1171 {strides = array<i32>} : memref<118x128xf32, #tpu.memory_space<vmem>>, vector<16xf32>,
      %swap3A_1195 = arith.index_cast %add3A_1153 : i32 to index
      %swap3A_1196 = arith.constant 112 : index
      %swap3A_1197 = tpu.vector_load %arg11[%swap3A_1195, %swap3A_1196] {strides = array<i32>} : memref<118x128xf32, #tpu.memory_space<vmem>>, vector<16xf32>,
      tpu.vector_store %arg11[%swap3A_1195, %swap3A_1196], %gather3A_1173 {strides = array<i32>} : memref<118x128xf32, #tpu.memory_space<vmem>>, vector<16xf32>,
    }
    %scan3A_263 = arith.constant 59 : i32
    %add3A_264 = arith.constant 0 : i32
    %add3A_265 = arith.addi %mul3A_2, %add3A_264 : i32
    %dma_start3A_266 = arith.constant 2 : i32
    %dma_start3A_267 = arith.constant 0 : i32
    %dma_start3A_268 = tpu.memref_slice %arg4[%dma_start3A_266, %dma_start3A_267, %add3A_265] : memref<3x118x16384xf32, #tpu.memory_space<hbm>> -> memref<1x118x128xf32, #tpu.memory_space<hbm>>
    %dma_start3A_269 = tpu.memref_squeeze %dma_start3A_268 : memref<1x118x128xf32, #tpu.memory_space<hbm>> -> memref<118x128xf32, #tpu.memory_space<hbm>>
    %dma_start3A_270 = arith.constant 0 : i32
    %dma_start3A_271 = tpu.memref_slice %arg4[%dma_start3A_266, %dma_start3A_270, %add3A_265] : memref<3x118x16384xf32, #tpu.memory_space<hbm>> -> memref<1x118x128xf32, #tpu.memory_space<hbm>>
    %dma_start3A_272 = tpu.memref_squeeze %dma_start3A_271 : memref<1x118x128xf32, #tpu.memory_space<hbm>> -> memref<118x128xf32, #tpu.memory_space<hbm>>
    tpu.enqueue_dma source(%arg11 : memref<118x128xf32, #tpu.memory_space<vmem>>) target(%dma_start3A_272 : memref<118x128xf32, #tpu.memory_space<hbm>>) target_semaphore(%arg19 : memref<!tpu.dma_semaphore, #tpu.memory_space<semaphore_mem>>)
    %add3A_273 = arith.constant 128 : i32
    %add3A_274 = arith.addi %mul3A_2, %add3A_273 : i32
    %dma_start3A_275 = arith.constant 2 : i32
    %dma_start3A_276 = arith.constant 0 : i32
    %dma_start3A_277 = tpu.memref_slice %arg2[%dma_start3A_275, %add3A_274, %dma_start3A_276] : memref<3x16384x127xf32, #tpu.memory_space<hbm>> -> memref<1x128x127xf32, #tpu.memory_space<hbm>>
    %dma_start3A_278 = tpu.memref_squeeze %dma_start3A_277 : memref<1x128x127xf32, #tpu.memory_space<hbm>> -> memref<128x127xf32, #tpu.memory_space<hbm>>
    %dma_start3A_279 = arith.constant 0 : i32
    %dma_start3A_280 = tpu.memref_slice %arg2[%dma_start3A_275, %add3A_274, %dma_start3A_279] : memref<3x16384x127xf32, #tpu.memory_space<hbm>> -> memref<1x128x127xf32, #tpu.memory_space<hbm>>
    %dma_start3A_281 = tpu.memref_squeeze %dma_start3A_280 : memref<1x128x127xf32, #tpu.memory_space<hbm>> -> memref<128x127xf32, #tpu.memory_space<hbm>>
    tpu.enqueue_dma source(%dma_start3A_281 : memref<128x127xf32, #tpu.memory_space<hbm>>) target(%arg8 : memref<128x127xf32, #tpu.memory_space<vmem>>) target_semaphore(%arg16 : memref<!tpu.dma_semaphore, #tpu.memory_space<semaphore_mem>>)
    %dma_wait3A_282 = arith.constant 0 : i32
    %dma_wait3A_283 = arith.constant 0 : i32
    %dma_wait3A_284 = tpu.memref_slice %arg2[%dma_wait3A_282, %add3A_104, %dma_wait3A_283] : memref<3x16384x127xf32, #tpu.memory_space<hbm>> -> memref<1x128x127xf32, #tpu.memory_space<hbm>>
    %dma_wait3A_285 = tpu.memref_squeeze %dma_wait3A_284 : memref<1x128x127xf32, #tpu.memory_space<hbm>> -> memref<128x127xf32, #tpu.memory_space<hbm>>
    %dma_wait3A_286 = arith.constant 0 : i32
    %dma_wait3A_287 = tpu.memref_slice %arg2[%dma_wait3A_282, %add3A_104, %dma_wait3A_286] : memref<3x16384x127xf32, #tpu.memory_space<hbm>> -> memref<1x128x127xf32, #tpu.memory_space<hbm>>
    %dma_wait3A_288 = tpu.memref_squeeze %dma_wait3A_287 : memref<1x128x127xf32, #tpu.memory_space<hbm>> -> memref<128x127xf32, #tpu.memory_space<hbm>>
    tpu.wait_dma2 semaphore(%arg14 : memref<!tpu.dma_semaphore, #tpu.memory_space<semaphore_mem>>) src(%dma_wait3A_288 : memref<128x127xf32, #tpu.memory_space<hbm>>) dst(%arg6 : memref<128x127xf32, #tpu.memory_space<vmem>>)
    %dma_wait3A_289 = arith.constant 0 : i32
    %dma_wait3A_290 = arith.constant 0 : i32
    %dma_wait3A_291 = tpu.memref_slice %arg4[%dma_wait3A_289, %dma_wait3A_290, %add3A_95] : memref<3x118x16384xf32, #tpu.memory_space<hbm>> -> memref<1x118x128xf32, #tpu.memory_space<hbm>>
    %dma_wait3A_292 = tpu.memref_squeeze %dma_wait3A_291 : memref<1x118x128xf32, #tpu.memory_space<hbm>> -> memref<118x128xf32, #tpu.memory_space<hbm>>
    %dma_wait3A_293 = arith.constant 0 : i32
    %dma_wait3A_294 = tpu.memref_slice %arg4[%dma_wait3A_289, %dma_wait3A_293, %add3A_95] : memref<3x118x16384xf32, #tpu.memory_space<hbm>> -> memref<1x118x128xf32, #tpu.memory_space<hbm>>
    %dma_wait3A_295 = tpu.memref_squeeze %dma_wait3A_294 : memref<1x118x128xf32, #tpu.memory_space<hbm>> -> memref<118x128xf32, #tpu.memory_space<hbm>>
    tpu.wait_dma2 semaphore(%arg17 : memref<!tpu.dma_semaphore, #tpu.memory_space<semaphore_mem>>) src(%arg9 : memref<118x128xf32, #tpu.memory_space<vmem>>) dst(%dma_wait3A_295 : memref<118x128xf32, #tpu.memory_space<hbm>>)
    %scan3A_296 = arith.constant 0 : i32
    %scan3A_297 = arith.constant 0 : i32
    %scan3A_298 = arith.constant 64 : i32
    %scan3A_299 = arith.addi %scan3A_297, %scan3A_298 : i32
    %scan3A_300 = arith.constant 1 : i32
    scf.for %scan3A_1104 = %scan3A_297 to %scan3A_299 step %scan3A_300  : i32 {
      %mul3A_1105 = arith.constant 2 : i32
      %mul3A_1106 = arith.muli %scan3A_1104, %mul3A_1105 : i32
      %add3A_1107 = arith.constant 0 : i32
      %add3A_1108 = arith.addi %mul3A_1106, %add3A_1107 : i32
      %mul3A_1109 = arith.constant 127 : i32
      %mul3A_1110 = arith.muli %add3A_1108, %mul3A_1109 : i32
      %get3A = arith.index_cast %add3A_1108 : i32 to index
      %get3A_1111 = arith.constant 0 : index
      %get3A_1112 = tpu.vector_load %arg6[%get3A, %get3A_1111] {strides = array<i32>} : memref<128x127xf32, #tpu.memory_space<vmem>>, vector<16xf32>,
      %get3A_1113 = arith.index_cast %add3A_1108 : i32 to index
      %get3A_1114 = arith.constant 16 : index
      %get3A_1115 = tpu.vector_load %arg6[%get3A_1113, %get3A_1114] {strides = array<i32>} : memref<128x127xf32, #tpu.memory_space<vmem>>, vector<16xf32>,
      %get3A_1116 = arith.index_cast %add3A_1108 : i32 to index
      %get3A_1117 = arith.constant 32 : index
      %get3A_1118 = tpu.vector_load %arg6[%get3A_1116, %get3A_1117] {strides = array<i32>} : memref<128x127xf32, #tpu.memory_space<vmem>>, vector<16xf32>,
      %get3A_1119 = arith.index_cast %add3A_1108 : i32 to index
      %get3A_1120 = arith.constant 48 : index
      %get3A_1121 = tpu.vector_load %arg6[%get3A_1119, %get3A_1120] {strides = array<i32>} : memref<128x127xf32, #tpu.memory_space<vmem>>, vector<16xf32>,
      %get3A_1122 = arith.index_cast %add3A_1108 : i32 to index
      %get3A_1123 = arith.constant 64 : index
      %get3A_1124 = tpu.vector_load %arg6[%get3A_1122, %get3A_1123] {strides = array<i32>} : memref<128x127xf32, #tpu.memory_space<vmem>>, vector<16xf32>,
      %get3A_1125 = arith.index_cast %add3A_1108 : i32 to index
      %get3A_1126 = arith.constant 80 : index
      %get3A_1127 = tpu.vector_load %arg6[%get3A_1125, %get3A_1126] {strides = array<i32>} : memref<128x127xf32, #tpu.memory_space<vmem>>, vector<16xf32>,
      %get3A_1128 = arith.index_cast %add3A_1108 : i32 to index
      %get3A_1129 = arith.constant 96 : index
      %get3A_1130 = tpu.vector_load %arg6[%get3A_1128, %get3A_1129] {strides = array<i32>} : memref<128x127xf32, #tpu.memory_space<vmem>>, vector<16xf32>,
      %get3A_1131 = arith.index_cast %add3A_1108 : i32 to index
      %get3A_1132 = arith.constant 111 : index
      %get3A_1133 = tpu.vector_load %arg6[%get3A_1131, %get3A_1132] {strides = array<i32>} : memref<128x127xf32, #tpu.memory_space<vmem>>, vector<16xf32>,
      %add3A_1134 = arith.constant 0 : i32
      %add3A_1135 = arith.addi %mul3A_1110, %add3A_1134 : i32
      %swap3A = arith.index_cast %add3A_1135 : i32 to index
      %swap3A_1136 = tpu.vector_load %arg12[%swap3A] {strides = array<i32>} : memref<16256xf32, #tpu.memory_space<vmem>>, vector<16xf32>,
      tpu.vector_store %arg12[%swap3A], %get3A_1112 {strides = array<i32>} : memref<16256xf32, #tpu.memory_space<vmem>>, vector<16xf32>,
      %add3A_1137 = arith.constant 16 : i32
      %add3A_1138 = arith.addi %mul3A_1110, %add3A_1137 : i32
      %swap3A_1139 = arith.index_cast %add3A_1138 : i32 to index
      %swap3A_1140 = tpu.vector_load %arg12[%swap3A_1139] {strides = array<i32>} : memref<16256xf32, #tpu.memory_space<vmem>>, vector<16xf32>,
      tpu.vector_store %arg12[%swap3A_1139], %get3A_1115 {strides = array<i32>} : memref<16256xf32, #tpu.memory_space<vmem>>, vector<16xf32>,
      %add3A_1141 = arith.constant 32 : i32
      %add3A_1142 = arith.addi %mul3A_1110, %add3A_1141 : i32
      %swap3A_1143 = arith.index_cast %add3A_1142 : i32 to index
      %swap3A_1144 = tpu.vector_load %arg12[%swap3A_1143] {strides = array<i32>} : memref<16256xf32, #tpu.memory_space<vmem>>, vector<16xf32>,
      tpu.vector_store %arg12[%swap3A_1143], %get3A_1118 {strides = array<i32>} : memref<16256xf32, #tpu.memory_space<vmem>>, vector<16xf32>,
      %add3A_1145 = arith.constant 48 : i32
      %add3A_1146 = arith.addi %mul3A_1110, %add3A_1145 : i32
      %swap3A_1147 = arith.index_cast %add3A_1146 : i32 to index
      %swap3A_1148 = tpu.vector_load %arg12[%swap3A_1147] {strides = array<i32>} : memref<16256xf32, #tpu.memory_space<vmem>>, vector<16xf32>,
      tpu.vector_store %arg12[%swap3A_1147], %get3A_1121 {strides = array<i32>} : memref<16256xf32, #tpu.memory_space<vmem>>, vector<16xf32>,
      %add3A_1149 = arith.constant 64 : i32
      %add3A_1150 = arith.addi %mul3A_1110, %add3A_1149 : i32
      %swap3A_1151 = arith.index_cast %add3A_1150 : i32 to index
      %swap3A_1152 = tpu.vector_load %arg12[%swap3A_1151] {strides = array<i32>} : memref<16256xf32, #tpu.memory_space<vmem>>, vector<16xf32>,
      tpu.vector_store %arg12[%swap3A_1151], %get3A_1124 {strides = array<i32>} : memref<16256xf32, #tpu.memory_space<vmem>>, vector<16xf32>,
      %add3A_1153 = arith.constant 80 : i32
      %add3A_1154 = arith.addi %mul3A_1110, %add3A_1153 : i32
      %swap3A_1155 = arith.index_cast %add3A_1154 : i32 to index
      %swap3A_1156 = tpu.vector_load %arg12[%swap3A_1155] {strides = array<i32>} : memref<16256xf32, #tpu.memory_space<vmem>>, vector<16xf32>,
      tpu.vector_store %arg12[%swap3A_1155], %get3A_1127 {strides = array<i32>} : memref<16256xf32, #tpu.memory_space<vmem>>, vector<16xf32>,
      %add3A_1157 = arith.constant 96 : i32
      %add3A_1158 = arith.addi %mul3A_1110, %add3A_1157 : i32
      %swap3A_1159 = arith.index_cast %add3A_1158 : i32 to index
      %swap3A_1160 = tpu.vector_load %arg12[%swap3A_1159] {strides = array<i32>} : memref<16256xf32, #tpu.memory_space<vmem>>, vector<16xf32>,
      tpu.vector_store %arg12[%swap3A_1159], %get3A_1130 {strides = array<i32>} : memref<16256xf32, #tpu.memory_space<vmem>>, vector<16xf32>,
      %add3A_1161 = arith.constant 111 : i32
      %add3A_1162 = arith.addi %mul3A_1110, %add3A_1161 : i32
      %swap3A_1163 = arith.index_cast %add3A_1162 : i32 to index
      %swap3A_1164 = tpu.vector_load %arg12[%swap3A_1163] {strides = array<i32>} : memref<16256xf32, #tpu.memory_space<vmem>>, vector<16xf32>,
      tpu.vector_store %arg12[%swap3A_1163], %get3A_1133 {strides = array<i32>} : memref<16256xf32, #tpu.memory_space<vmem>>, vector<16xf32>,
      %mul3A_1165 = arith.constant 2 : i32
      %mul3A_1166 = arith.muli %scan3A_1104, %mul3A_1165 : i32
      %add3A_1167 = arith.constant 1 : i32
      %add3A_1168 = arith.addi %mul3A_1166, %add3A_1167 : i32
      %mul3A_1169 = arith.constant 127 : i32
      %mul3A_1170 = arith.muli %add3A_1168, %mul3A_1169 : i32
      %get3A_1171 = arith.index_cast %add3A_1168 : i32 to index
      %get3A_1172 = arith.constant 0 : index
      %get3A_1173 = tpu.vector_load %arg6[%get3A_1171, %get3A_1172] {strides = array<i32>} : memref<128x127xf32, #tpu.memory_space<vmem>>, vector<16xf32>,
      %get3A_1174 = arith.index_cast %add3A_1168 : i32 to index
      %get3A_1175 = arith.constant 16 : index
      %get3A_1176 = tpu.vector_load %arg6[%get3A_1174, %get3A_1175] {strides = array<i32>} : memref<128x127xf32, #tpu.memory_space<vmem>>, vector<16xf32>,
      %get3A_1177 = arith.index_cast %add3A_1168 : i32 to index
      %get3A_1178 = arith.constant 32 : index
      %get3A_1179 = tpu.vector_load %arg6[%get3A_1177, %get3A_1178] {strides = array<i32>} : memref<128x127xf32, #tpu.memory_space<vmem>>, vector<16xf32>,
      %get3A_1180 = arith.index_cast %add3A_1168 : i32 to index
      %get3A_1181 = arith.constant 48 : index
      %get3A_1182 = tpu.vector_load %arg6[%get3A_1180, %get3A_1181] {strides = array<i32>} : memref<128x127xf32, #tpu.memory_space<vmem>>, vector<16xf32>,
      %get3A_1183 = arith.index_cast %add3A_1168 : i32 to index
      %get3A_1184 = arith.constant 64 : index
      %get3A_1185 = tpu.vector_load %arg6[%get3A_1183, %get3A_1184] {strides = array<i32>} : memref<128x127xf32, #tpu.memory_space<vmem>>, vector<16xf32>,
      %get3A_1186 = arith.index_cast %add3A_1168 : i32 to index
      %get3A_1187 = arith.constant 80 : index
      %get3A_1188 = tpu.vector_load %arg6[%get3A_1186, %get3A_1187] {strides = array<i32>} : memref<128x127xf32, #tpu.memory_space<vmem>>, vector<16xf32>,
      %get3A_1189 = arith.index_cast %add3A_1168 : i32 to index
      %get3A_1190 = arith.constant 96 : index
      %get3A_1191 = tpu.vector_load %arg6[%get3A_1189, %get3A_1190] {strides = array<i32>} : memref<128x127xf32, #tpu.memory_space<vmem>>, vector<16xf32>,
      %get3A_1192 = arith.index_cast %add3A_1168 : i32 to index
      %get3A_1193 = arith.constant 111 : index
      %get3A_1194 = tpu.vector_load %arg6[%get3A_1192, %get3A_1193] {strides = array<i32>} : memref<128x127xf32, #tpu.memory_space<vmem>>, vector<16xf32>,
      %add3A_1195 = arith.constant 0 : i32
      %add3A_1196 = arith.addi %mul3A_1170, %add3A_1195 : i32
      %swap3A_1197 = arith.index_cast %add3A_1196 : i32 to index
      %swap3A_1198 = tpu.vector_load %arg12[%swap3A_1197] {strides = array<i32>} : memref<16256xf32, #tpu.memory_space<vmem>>, vector<16xf32>,
      tpu.vector_store %arg12[%swap3A_1197], %get3A_1173 {strides = array<i32>} : memref<16256xf32, #tpu.memory_space<vmem>>, vector<16xf32>,
      %add3A_1199 = arith.constant 16 : i32
      %add3A_1200 = arith.addi %mul3A_1170, %add3A_1199 : i32
      %swap3A_1201 = arith.index_cast %add3A_1200 : i32 to index
      %swap3A_1202 = tpu.vector_load %arg12[%swap3A_1201] {strides = array<i32>} : memref<16256xf32, #tpu.memory_space<vmem>>, vector<16xf32>,
      tpu.vector_store %arg12[%swap3A_1201], %get3A_1176 {strides = array<i32>} : memref<16256xf32, #tpu.memory_space<vmem>>, vector<16xf32>,
      %add3A_1203 = arith.constant 32 : i32
      %add3A_1204 = arith.addi %mul3A_1170, %add3A_1203 : i32
      %swap3A_1205 = arith.index_cast %add3A_1204 : i32 to index
      %swap3A_1206 = tpu.vector_load %arg12[%swap3A_1205] {strides = array<i32>} : memref<16256xf32, #tpu.memory_space<vmem>>, vector<16xf32>,
      tpu.vector_store %arg12[%swap3A_1205], %get3A_1179 {strides = array<i32>} : memref<16256xf32, #tpu.memory_space<vmem>>, vector<16xf32>,
      %add3A_1207 = arith.constant 48 : i32
      %add3A_1208 = arith.addi %mul3A_1170, %add3A_1207 : i32
      %swap3A_1209 = arith.index_cast %add3A_1208 : i32 to index
      %swap3A_1210 = tpu.vector_load %arg12[%swap3A_1209] {strides = array<i32>} : memref<16256xf32, #tpu.memory_space<vmem>>, vector<16xf32>,
      tpu.vector_store %arg12[%swap3A_1209], %get3A_1182 {strides = array<i32>} : memref<16256xf32, #tpu.memory_space<vmem>>, vector<16xf32>,
      %add3A_1211 = arith.constant 64 : i32
      %add3A_1212 = arith.addi %mul3A_1170, %add3A_1211 : i32
      %swap3A_1213 = arith.index_cast %add3A_1212 : i32 to index
      %swap3A_1214 = tpu.vector_load %arg12[%swap3A_1213] {strides = array<i32>} : memref<16256xf32, #tpu.memory_space<vmem>>, vector<16xf32>,
      tpu.vector_store %arg12[%swap3A_1213], %get3A_1185 {strides = array<i32>} : memref<16256xf32, #tpu.memory_space<vmem>>, vector<16xf32>,
      %add3A_1215 = arith.constant 80 : i32
      %add3A_1216 = arith.addi %mul3A_1170, %add3A_1215 : i32
      %swap3A_1217 = arith.index_cast %add3A_1216 : i32 to index
      %swap3A_1218 = tpu.vector_load %arg12[%swap3A_1217] {strides = array<i32>} : memref<16256xf32, #tpu.memory_space<vmem>>, vector<16xf32>,
      tpu.vector_store %arg12[%swap3A_1217], %get3A_1188 {strides = array<i32>} : memref<16256xf32, #tpu.memory_space<vmem>>, vector<16xf32>,
      %add3A_1219 = arith.constant 96 : i32
      %add3A_1220 = arith.addi %mul3A_1170, %add3A_1219 : i32
      %swap3A_1221 = arith.index_cast %add3A_1220 : i32 to index
      %swap3A_1222 = tpu.vector_load %arg12[%swap3A_1221] {strides = array<i32>} : memref<16256xf32, #tpu.memory_space<vmem>>, vector<16xf32>,
      tpu.vector_store %arg12[%swap3A_1221], %get3A_1191 {strides = array<i32>} : memref<16256xf32, #tpu.memory_space<vmem>>, vector<16xf32>,
      %add3A_1223 = arith.constant 111 : i32
      %add3A_1224 = arith.addi %mul3A_1170, %add3A_1223 : i32
      %swap3A_1225 = arith.index_cast %add3A_1224 : i32 to index
      %swap3A_1226 = tpu.vector_load %arg12[%swap3A_1225] {strides = array<i32>} : memref<16256xf32, #tpu.memory_space<vmem>>, vector<16xf32>,
      tpu.vector_store %arg12[%swap3A_1225], %get3A_1194 {strides = array<i32>} : memref<16256xf32, #tpu.memory_space<vmem>>, vector<16xf32>,
    }
    %scan3A_301 = arith.constant 64 : i32
    %mul3A_302 = arith.constant 127 : i32
    %mul3A_303 = vector.broadcast %mul3A_302 : i32 to vector<16xi32>
    %mul3A_304 = arith.muli %iota3A, %mul3A_303 : vector<16xi32>
    %add3A_305 = arith.constant 0 : i32
    %add3A_306 = vector.broadcast %add3A_305 : i32 to vector<16xi32>
    %add3A_307 = arith.addi %mul3A_304, %add3A_306 : vector<16xi32>
    %mul3A_308 = arith.constant 127 : i32
    %mul3A_309 = vector.broadcast %mul3A_308 : i32 to vector<16xi32>
    %mul3A_310 = arith.muli %iota3A, %mul3A_309 : vector<16xi32>
    %add3A_311 = arith.constant 2032 : i32
    %add3A_312 = vector.broadcast %add3A_311 : i32 to vector<16xi32>
    %add3A_313 = arith.addi %mul3A_310, %add3A_312 : vector<16xi32>
    %mul3A_314 = arith.constant 127 : i32
    %mul3A_315 = vector.broadcast %mul3A_314 : i32 to vector<16xi32>
    %mul3A_316 = arith.muli %iota3A, %mul3A_315 : vector<16xi32>
    %add3A_317 = arith.constant 4064 : i32
    %add3A_318 = vector.broadcast %add3A_317 : i32 to vector<16xi32>
    %add3A_319 = arith.addi %mul3A_316, %add3A_318 : vector<16xi32>
    %mul3A_320 = arith.constant 127 : i32
    %mul3A_321 = vector.broadcast %mul3A_320 : i32 to vector<16xi32>
    %mul3A_322 = arith.muli %iota3A, %mul3A_321 : vector<16xi32>
    %add3A_323 = arith.constant 6096 : i32
    %add3A_324 = vector.broadcast %add3A_323 : i32 to vector<16xi32>
    %add3A_325 = arith.addi %mul3A_322, %add3A_324 : vector<16xi32>
    %mul3A_326 = arith.constant 127 : i32
    %mul3A_327 = vector.broadcast %mul3A_326 : i32 to vector<16xi32>
    %mul3A_328 = arith.muli %iota3A, %mul3A_327 : vector<16xi32>
    %add3A_329 = arith.constant 8128 : i32
    %add3A_330 = vector.broadcast %add3A_329 : i32 to vector<16xi32>
    %add3A_331 = arith.addi %mul3A_328, %add3A_330 : vector<16xi32>
    %mul3A_332 = arith.constant 127 : i32
    %mul3A_333 = vector.broadcast %mul3A_332 : i32 to vector<16xi32>
    %mul3A_334 = arith.muli %iota3A, %mul3A_333 : vector<16xi32>
    %add3A_335 = arith.constant 10160 : i32
    %add3A_336 = vector.broadcast %add3A_335 : i32 to vector<16xi32>
    %add3A_337 = arith.addi %mul3A_334, %add3A_336 : vector<16xi32>
    %mul3A_338 = arith.constant 127 : i32
    %mul3A_339 = vector.broadcast %mul3A_338 : i32 to vector<16xi32>
    %mul3A_340 = arith.muli %iota3A, %mul3A_339 : vector<16xi32>
    %add3A_341 = arith.constant 12192 : i32
    %add3A_342 = vector.broadcast %add3A_341 : i32 to vector<16xi32>
    %add3A_343 = arith.addi %mul3A_340, %add3A_342 : vector<16xi32>
    %mul3A_344 = arith.constant 127 : i32
    %mul3A_345 = vector.broadcast %mul3A_344 : i32 to vector<16xi32>
    %mul3A_346 = arith.muli %iota3A, %mul3A_345 : vector<16xi32>
    %add3A_347 = arith.constant 14224 : i32
    %add3A_348 = vector.broadcast %add3A_347 : i32 to vector<16xi32>
    %add3A_349 = arith.addi %mul3A_346, %add3A_348 : vector<16xi32>
    %scan3A_350 = arith.constant 0 : i32
    %scan3A_351 = arith.constant 0 : i32
    %scan3A_352 = arith.constant 59 : i32
    %scan3A_353 = arith.addi %scan3A_351, %scan3A_352 : i32
    %scan3A_354 = arith.constant 1 : i32
    scf.for %scan3A_1104 = %scan3A_351 to %scan3A_353 step %scan3A_354  : i32 {
      %mul3A_1105 = arith.constant 2 : i32
      %mul3A_1106 = arith.muli %scan3A_1104, %mul3A_1105 : i32
      %add3A_1107 = arith.constant 0 : i32
      %add3A_1108 = arith.addi %mul3A_1106, %add3A_1107 : i32
      %mul3A_1109 = arith.constant 16 : i32
      %mul3A_1110 = arith.muli %add3A_1108, %mul3A_1109 : i32
      %get3A = arith.index_cast %mul3A_1110 : i32 to index
      %get3A_1111 = tpu.vector_load %arg5[%get3A] {strides = array<i32>} : memref<1888xi32, #tpu.memory_space<vmem>>, vector<16xi32>,
      %add3A_1112 = arith.addi %add3A_307, %get3A_1111 : vector<16xi32>
      %gather3A = tpu.vector_load_idx %arg12[%add3A_1112] : memref<16256xf32, #tpu.memory_space<vmem>>[vector<16xi32>], vector<16xf32>,
      %add3A_1113 = arith.addi %add3A_313, %get3A_1111 : vector<16xi32>
      %gather3A_1114 = tpu.vector_load_idx %arg12[%add3A_1113] : memref<16256xf32, #tpu.memory_space<vmem>>[vector<16xi32>], vector<16xf32>,
      %add3A_1115 = arith.addi %add3A_319, %get3A_1111 : vector<16xi32>
      %gather3A_1116 = tpu.vector_load_idx %arg12[%add3A_1115] : memref<16256xf32, #tpu.memory_space<vmem>>[vector<16xi32>], vector<16xf32>,
      %add3A_1117 = arith.addi %add3A_325, %get3A_1111 : vector<16xi32>
      %gather3A_1118 = tpu.vector_load_idx %arg12[%add3A_1117] : memref<16256xf32, #tpu.memory_space<vmem>>[vector<16xi32>], vector<16xf32>,
      %add3A_1119 = arith.addi %add3A_331, %get3A_1111 : vector<16xi32>
      %gather3A_1120 = tpu.vector_load_idx %arg12[%add3A_1119] : memref<16256xf32, #tpu.memory_space<vmem>>[vector<16xi32>], vector<16xf32>,
      %add3A_1121 = arith.addi %add3A_337, %get3A_1111 : vector<16xi32>
      %gather3A_1122 = tpu.vector_load_idx %arg12[%add3A_1121] : memref<16256xf32, #tpu.memory_space<vmem>>[vector<16xi32>], vector<16xf32>,
      %add3A_1123 = arith.addi %add3A_343, %get3A_1111 : vector<16xi32>
      %gather3A_1124 = tpu.vector_load_idx %arg12[%add3A_1123] : memref<16256xf32, #tpu.memory_space<vmem>>[vector<16xi32>], vector<16xf32>,
      %add3A_1125 = arith.addi %add3A_349, %get3A_1111 : vector<16xi32>
      %gather3A_1126 = tpu.vector_load_idx %arg12[%add3A_1125] : memref<16256xf32, #tpu.memory_space<vmem>>[vector<16xi32>], vector<16xf32>,
      %swap3A = arith.index_cast %add3A_1108 : i32 to index
      %swap3A_1127 = arith.constant 0 : index
      %swap3A_1128 = tpu.vector_load %arg9[%swap3A, %swap3A_1127] {strides = array<i32>} : memref<118x128xf32, #tpu.memory_space<vmem>>, vector<16xf32>,
      tpu.vector_store %arg9[%swap3A, %swap3A_1127], %gather3A {strides = array<i32>} : memref<118x128xf32, #tpu.memory_space<vmem>>, vector<16xf32>,
      %swap3A_1129 = arith.index_cast %add3A_1108 : i32 to index
      %swap3A_1130 = arith.constant 16 : index
      %swap3A_1131 = tpu.vector_load %arg9[%swap3A_1129, %swap3A_1130] {strides = array<i32>} : memref<118x128xf32, #tpu.memory_space<vmem>>, vector<16xf32>,
      tpu.vector_store %arg9[%swap3A_1129, %swap3A_1130], %gather3A_1114 {strides = array<i32>} : memref<118x128xf32, #tpu.memory_space<vmem>>, vector<16xf32>,
      %swap3A_1132 = arith.index_cast %add3A_1108 : i32 to index
      %swap3A_1133 = arith.constant 32 : index
      %swap3A_1134 = tpu.vector_load %arg9[%swap3A_1132, %swap3A_1133] {strides = array<i32>} : memref<118x128xf32, #tpu.memory_space<vmem>>, vector<16xf32>,
      tpu.vector_store %arg9[%swap3A_1132, %swap3A_1133], %gather3A_1116 {strides = array<i32>} : memref<118x128xf32, #tpu.memory_space<vmem>>, vector<16xf32>,
      %swap3A_1135 = arith.index_cast %add3A_1108 : i32 to index
      %swap3A_1136 = arith.constant 48 : index
      %swap3A_1137 = tpu.vector_load %arg9[%swap3A_1135, %swap3A_1136] {strides = array<i32>} : memref<118x128xf32, #tpu.memory_space<vmem>>, vector<16xf32>,
      tpu.vector_store %arg9[%swap3A_1135, %swap3A_1136], %gather3A_1118 {strides = array<i32>} : memref<118x128xf32, #tpu.memory_space<vmem>>, vector<16xf32>,
      %swap3A_1138 = arith.index_cast %add3A_1108 : i32 to index
      %swap3A_1139 = arith.constant 64 : index
      %swap3A_1140 = tpu.vector_load %arg9[%swap3A_1138, %swap3A_1139] {strides = array<i32>} : memref<118x128xf32, #tpu.memory_space<vmem>>, vector<16xf32>,
      tpu.vector_store %arg9[%swap3A_1138, %swap3A_1139], %gather3A_1120 {strides = array<i32>} : memref<118x128xf32, #tpu.memory_space<vmem>>, vector<16xf32>,
      %swap3A_1141 = arith.index_cast %add3A_1108 : i32 to index
      %swap3A_1142 = arith.constant 80 : index
      %swap3A_1143 = tpu.vector_load %arg9[%swap3A_1141, %swap3A_1142] {strides = array<i32>} : memref<118x128xf32, #tpu.memory_space<vmem>>, vector<16xf32>,
      tpu.vector_store %arg9[%swap3A_1141, %swap3A_1142], %gather3A_1122 {strides = array<i32>} : memref<118x128xf32, #tpu.memory_space<vmem>>, vector<16xf32>,
      %swap3A_1144 = arith.index_cast %add3A_1108 : i32 to index
      %swap3A_1145 = arith.constant 96 : index
      %swap3A_1146 = tpu.vector_load %arg9[%swap3A_1144, %swap3A_1145] {strides = array<i32>} : memref<118x128xf32, #tpu.memory_space<vmem>>, vector<16xf32>,
      tpu.vector_store %arg9[%swap3A_1144, %swap3A_1145], %gather3A_1124 {strides = array<i32>} : memref<118x128xf32, #tpu.memory_space<vmem>>, vector<16xf32>,
      %swap3A_1147 = arith.index_cast %add3A_1108 : i32 to index
      %swap3A_1148 = arith.constant 112 : index
      %swap3A_1149 = tpu.vector_load %arg9[%swap3A_1147, %swap3A_1148] {strides = array<i32>} : memref<118x128xf32, #tpu.memory_space<vmem>>, vector<16xf32>,
      tpu.vector_store %arg9[%swap3A_1147, %swap3A_1148], %gather3A_1126 {strides = array<i32>} : memref<118x128xf32, #tpu.memory_space<vmem>>, vector<16xf32>,
      %mul3A_1150 = arith.constant 2 : i32
      %mul3A_1151 = arith.muli %scan3A_1104, %mul3A_1150 : i32
      %add3A_1152 = arith.constant 1 : i32
      %add3A_1153 = arith.addi %mul3A_1151, %add3A_1152 : i32
      %mul3A_1154 = arith.constant 16 : i32
      %mul3A_1155 = arith.muli %add3A_1153, %mul3A_1154 : i32
      %get3A_1156 = arith.index_cast %mul3A_1155 : i32 to index
      %get3A_1157 = tpu.vector_load %arg5[%get3A_1156] {strides = array<i32>} : memref<1888xi32, #tpu.memory_space<vmem>>, vector<16xi32>,
      %add3A_1158 = arith.addi %add3A_307, %get3A_1157 : vector<16xi32>
      %gather3A_1159 = tpu.vector_load_idx %arg12[%add3A_1158] : memref<16256xf32, #tpu.memory_space<vmem>>[vector<16xi32>], vector<16xf32>,
      %add3A_1160 = arith.addi %add3A_313, %get3A_1157 : vector<16xi32>
      %gather3A_1161 = tpu.vector_load_idx %arg12[%add3A_1160] : memref<16256xf32, #tpu.memory_space<vmem>>[vector<16xi32>], vector<16xf32>,
      %add3A_1162 = arith.addi %add3A_319, %get3A_1157 : vector<16xi32>
      %gather3A_1163 = tpu.vector_load_idx %arg12[%add3A_1162] : memref<16256xf32, #tpu.memory_space<vmem>>[vector<16xi32>], vector<16xf32>,
      %add3A_1164 = arith.addi %add3A_325, %get3A_1157 : vector<16xi32>
      %gather3A_1165 = tpu.vector_load_idx %arg12[%add3A_1164] : memref<16256xf32, #tpu.memory_space<vmem>>[vector<16xi32>], vector<16xf32>,
      %add3A_1166 = arith.addi %add3A_331, %get3A_1157 : vector<16xi32>
      %gather3A_1167 = tpu.vector_load_idx %arg12[%add3A_1166] : memref<16256xf32, #tpu.memory_space<vmem>>[vector<16xi32>], vector<16xf32>,
      %add3A_1168 = arith.addi %add3A_337, %get3A_1157 : vector<16xi32>
      %gather3A_1169 = tpu.vector_load_idx %arg12[%add3A_1168] : memref<16256xf32, #tpu.memory_space<vmem>>[vector<16xi32>], vector<16xf32>,
      %add3A_1170 = arith.addi %add3A_343, %get3A_1157 : vector<16xi32>
      %gather3A_1171 = tpu.vector_load_idx %arg12[%add3A_1170] : memref<16256xf32, #tpu.memory_space<vmem>>[vector<16xi32>], vector<16xf32>,
      %add3A_1172 = arith.addi %add3A_349, %get3A_1157 : vector<16xi32>
      %gather3A_1173 = tpu.vector_load_idx %arg12[%add3A_1172] : memref<16256xf32, #tpu.memory_space<vmem>>[vector<16xi32>], vector<16xf32>,
      %swap3A_1174 = arith.index_cast %add3A_1153 : i32 to index
      %swap3A_1175 = arith.constant 0 : index
      %swap3A_1176 = tpu.vector_load %arg9[%swap3A_1174, %swap3A_1175] {strides = array<i32>} : memref<118x128xf32, #tpu.memory_space<vmem>>, vector<16xf32>,
      tpu.vector_store %arg9[%swap3A_1174, %swap3A_1175], %gather3A_1159 {strides = array<i32>} : memref<118x128xf32, #tpu.memory_space<vmem>>, vector<16xf32>,
      %swap3A_1177 = arith.index_cast %add3A_1153 : i32 to index
      %swap3A_1178 = arith.constant 16 : index
      %swap3A_1179 = tpu.vector_load %arg9[%swap3A_1177, %swap3A_1178] {strides = array<i32>} : memref<118x128xf32, #tpu.memory_space<vmem>>, vector<16xf32>,
      tpu.vector_store %arg9[%swap3A_1177, %swap3A_1178], %gather3A_1161 {strides = array<i32>} : memref<118x128xf32, #tpu.memory_space<vmem>>, vector<16xf32>,
      %swap3A_1180 = arith.index_cast %add3A_1153 : i32 to index
      %swap3A_1181 = arith.constant 32 : index
      %swap3A_1182 = tpu.vector_load %arg9[%swap3A_1180, %swap3A_1181] {strides = array<i32>} : memref<118x128xf32, #tpu.memory_space<vmem>>, vector<16xf32>,
      tpu.vector_store %arg9[%swap3A_1180, %swap3A_1181], %gather3A_1163 {strides = array<i32>} : memref<118x128xf32, #tpu.memory_space<vmem>>, vector<16xf32>,
      %swap3A_1183 = arith.index_cast %add3A_1153 : i32 to index
      %swap3A_1184 = arith.constant 48 : index
      %swap3A_1185 = tpu.vector_load %arg9[%swap3A_1183, %swap3A_1184] {strides = array<i32>} : memref<118x128xf32, #tpu.memory_space<vmem>>, vector<16xf32>,
      tpu.vector_store %arg9[%swap3A_1183, %swap3A_1184], %gather3A_1165 {strides = array<i32>} : memref<118x128xf32, #tpu.memory_space<vmem>>, vector<16xf32>,
      %swap3A_1186 = arith.index_cast %add3A_1153 : i32 to index
      %swap3A_1187 = arith.constant 64 : index
      %swap3A_1188 = tpu.vector_load %arg9[%swap3A_1186, %swap3A_1187] {strides = array<i32>} : memref<118x128xf32, #tpu.memory_space<vmem>>, vector<16xf32>,
      tpu.vector_store %arg9[%swap3A_1186, %swap3A_1187], %gather3A_1167 {strides = array<i32>} : memref<118x128xf32, #tpu.memory_space<vmem>>, vector<16xf32>,
      %swap3A_1189 = arith.index_cast %add3A_1153 : i32 to index
      %swap3A_1190 = arith.constant 80 : index
      %swap3A_1191 = tpu.vector_load %arg9[%swap3A_1189, %swap3A_1190] {strides = array<i32>} : memref<118x128xf32, #tpu.memory_space<vmem>>, vector<16xf32>,
      tpu.vector_store %arg9[%swap3A_1189, %swap3A_1190], %gather3A_1169 {strides = array<i32>} : memref<118x128xf32, #tpu.memory_space<vmem>>, vector<16xf32>,
      %swap3A_1192 = arith.index_cast %add3A_1153 : i32 to index
      %swap3A_1193 = arith.constant 96 : index
      %swap3A_1194 = tpu.vector_load %arg9[%swap3A_1192, %swap3A_1193] {strides = array<i32>} : memref<118x128xf32, #tpu.memory_space<vmem>>, vector<16xf32>,
      tpu.vector_store %arg9[%swap3A_1192, %swap3A_1193], %gather3A_1171 {strides = array<i32>} : memref<118x128xf32, #tpu.memory_space<vmem>>, vector<16xf32>,
      %swap3A_1195 = arith.index_cast %add3A_1153 : i32 to index
      %swap3A_1196 = arith.constant 112 : index
      %swap3A_1197 = tpu.vector_load %arg9[%swap3A_1195, %swap3A_1196] {strides = array<i32>} : memref<118x128xf32, #tpu.memory_space<vmem>>, vector<16xf32>,
      tpu.vector_store %arg9[%swap3A_1195, %swap3A_1196], %gather3A_1173 {strides = array<i32>} : memref<118x128xf32, #tpu.memory_space<vmem>>, vector<16xf32>,
    }
    %scan3A_355 = arith.constant 59 : i32
    %add3A_356 = arith.constant 128 : i32
    %add3A_357 = arith.addi %mul3A_2, %add3A_356 : i32
    %dma_start3A_358 = arith.constant 0 : i32
    %dma_start3A_359 = arith.constant 0 : i32
    %dma_start3A_360 = tpu.memref_slice %arg4[%dma_start3A_358, %dma_start3A_359, %add3A_357] : memref<3x118x16384xf32, #tpu.memory_space<hbm>> -> memref<1x118x128xf32, #tpu.memory_space<hbm>>
    %dma_start3A_361 = tpu.memref_squeeze %dma_start3A_360 : memref<1x118x128xf32, #tpu.memory_space<hbm>> -> memref<118x128xf32, #tpu.memory_space<hbm>>
    %dma_start3A_362 = arith.constant 0 : i32
    %dma_start3A_363 = tpu.memref_slice %arg4[%dma_start3A_358, %dma_start3A_362, %add3A_357] : memref<3x118x16384xf32, #tpu.memory_space<hbm>> -> memref<1x118x128xf32, #tpu.memory_space<hbm>>
    %dma_start3A_364 = tpu.memref_squeeze %dma_start3A_363 : memref<1x118x128xf32, #tpu.memory_space<hbm>> -> memref<118x128xf32, #tpu.memory_space<hbm>>
    tpu.enqueue_dma source(%arg9 : memref<118x128xf32, #tpu.memory_space<vmem>>) target(%dma_start3A_364 : memref<118x128xf32, #tpu.memory_space<hbm>>) target_semaphore(%arg17 : memref<!tpu.dma_semaphore, #tpu.memory_space<semaphore_mem>>)
    %add3A_365 = arith.constant 256 : i32
    %add3A_366 = arith.addi %mul3A_2, %add3A_365 : i32
    %dma_start3A_367 = arith.constant 0 : i32
    %dma_start3A_368 = arith.constant 0 : i32
    %dma_start3A_369 = tpu.memref_slice %arg2[%dma_start3A_367, %add3A_366, %dma_start3A_368] : memref<3x16384x127xf32, #tpu.memory_space<hbm>> -> memref<1x128x127xf32, #tpu.memory_space<hbm>>
    %dma_start3A_370 = tpu.memref_squeeze %dma_start3A_369 : memref<1x128x127xf32, #tpu.memory_space<hbm>> -> memref<128x127xf32, #tpu.memory_space<hbm>>
    %dma_start3A_371 = arith.constant 0 : i32
    %dma_start3A_372 = tpu.memref_slice %arg2[%dma_start3A_367, %add3A_366, %dma_start3A_371] : memref<3x16384x127xf32, #tpu.memory_space<hbm>> -> memref<1x128x127xf32, #tpu.memory_space<hbm>>
    %dma_start3A_373 = tpu.memref_squeeze %dma_start3A_372 : memref<1x128x127xf32, #tpu.memory_space<hbm>> -> memref<128x127xf32, #tpu.memory_space<hbm>>
    tpu.enqueue_dma source(%dma_start3A_373 : memref<128x127xf32, #tpu.memory_space<hbm>>) target(%arg6 : memref<128x127xf32, #tpu.memory_space<vmem>>) target_semaphore(%arg14 : memref<!tpu.dma_semaphore, #tpu.memory_space<semaphore_mem>>)
    %dma_wait3A_374 = arith.constant 1 : i32
    %dma_wait3A_375 = arith.constant 0 : i32
    %dma_wait3A_376 = tpu.memref_slice %arg2[%dma_wait3A_374, %add3A_189, %dma_wait3A_375] : memref<3x16384x127xf32, #tpu.memory_space<hbm>> -> memref<1x128x127xf32, #tpu.memory_space<hbm>>
    %dma_wait3A_377 = tpu.memref_squeeze %dma_wait3A_376 : memref<1x128x127xf32, #tpu.memory_space<hbm>> -> memref<128x127xf32, #tpu.memory_space<hbm>>
    %dma_wait3A_378 = arith.constant 0 : i32
    %dma_wait3A_379 = tpu.memref_slice %arg2[%dma_wait3A_374, %add3A_189, %dma_wait3A_378] : memref<3x16384x127xf32, #tpu.memory_space<hbm>> -> memref<1x128x127xf32, #tpu.memory_space<hbm>>
    %dma_wait3A_380 = tpu.memref_squeeze %dma_wait3A_379 : memref<1x128x127xf32, #tpu.memory_space<hbm>> -> memref<128x127xf32, #tpu.memory_space<hbm>>
    tpu.wait_dma2 semaphore(%arg15 : memref<!tpu.dma_semaphore, #tpu.memory_space<semaphore_mem>>) src(%dma_wait3A_380 : memref<128x127xf32, #tpu.memory_space<hbm>>) dst(%arg7 : memref<128x127xf32, #tpu.memory_space<vmem>>)
    %dma_wait3A_381 = arith.constant 1 : i32
    %dma_wait3A_382 = arith.constant 0 : i32
    %dma_wait3A_383 = tpu.memref_slice %arg4[%dma_wait3A_381, %dma_wait3A_382, %add3A_180] : memref<3x118x16384xf32, #tpu.memory_space<hbm>> -> memref<1x118x128xf32, #tpu.memory_space<hbm>>
    %dma_wait3A_384 = tpu.memref_squeeze %dma_wait3A_383 : memref<1x118x128xf32, #tpu.memory_space<hbm>> -> memref<118x128xf32, #tpu.memory_space<hbm>>
    %dma_wait3A_385 = arith.constant 0 : i32
    %dma_wait3A_386 = tpu.memref_slice %arg4[%dma_wait3A_381, %dma_wait3A_385, %add3A_180] : memref<3x118x16384xf32, #tpu.memory_space<hbm>> -> memref<1x118x128xf32, #tpu.memory_space<hbm>>
    %dma_wait3A_387 = tpu.memref_squeeze %dma_wait3A_386 : memref<1x118x128xf32, #tpu.memory_space<hbm>> -> memref<118x128xf32, #tpu.memory_space<hbm>>
    tpu.wait_dma2 semaphore(%arg18 : memref<!tpu.dma_semaphore, #tpu.memory_space<semaphore_mem>>) src(%arg10 : memref<118x128xf32, #tpu.memory_space<vmem>>) dst(%dma_wait3A_387 : memref<118x128xf32, #tpu.memory_space<hbm>>)
    %scan3A_388 = arith.constant 0 : i32
    %scan3A_389 = arith.constant 0 : i32
    %scan3A_390 = arith.constant 64 : i32
    %scan3A_391 = arith.addi %scan3A_389, %scan3A_390 : i32
    %scan3A_392 = arith.constant 1 : i32
    scf.for %scan3A_1104 = %scan3A_389 to %scan3A_391 step %scan3A_392  : i32 {
      %mul3A_1105 = arith.constant 2 : i32
      %mul3A_1106 = arith.muli %scan3A_1104, %mul3A_1105 : i32
      %add3A_1107 = arith.constant 0 : i32
      %add3A_1108 = arith.addi %mul3A_1106, %add3A_1107 : i32
      %mul3A_1109 = arith.constant 127 : i32
      %mul3A_1110 = arith.muli %add3A_1108, %mul3A_1109 : i32
      %get3A = arith.index_cast %add3A_1108 : i32 to index
      %get3A_1111 = arith.constant 0 : index
      %get3A_1112 = tpu.vector_load %arg7[%get3A, %get3A_1111] {strides = array<i32>} : memref<128x127xf32, #tpu.memory_space<vmem>>, vector<16xf32>,
      %get3A_1113 = arith.index_cast %add3A_1108 : i32 to index
      %get3A_1114 = arith.constant 16 : index
      %get3A_1115 = tpu.vector_load %arg7[%get3A_1113, %get3A_1114] {strides = array<i32>} : memref<128x127xf32, #tpu.memory_space<vmem>>, vector<16xf32>,
      %get3A_1116 = arith.index_cast %add3A_1108 : i32 to index
      %get3A_1117 = arith.constant 32 : index
      %get3A_1118 = tpu.vector_load %arg7[%get3A_1116, %get3A_1117] {strides = array<i32>} : memref<128x127xf32, #tpu.memory_space<vmem>>, vector<16xf32>,
      %get3A_1119 = arith.index_cast %add3A_1108 : i32 to index
      %get3A_1120 = arith.constant 48 : index
      %get3A_1121 = tpu.vector_load %arg7[%get3A_1119, %get3A_1120] {strides = array<i32>} : memref<128x127xf32, #tpu.memory_space<vmem>>, vector<16xf32>,
      %get3A_1122 = arith.index_cast %add3A_1108 : i32 to index
      %get3A_1123 = arith.constant 64 : index
      %get3A_1124 = tpu.vector_load %arg7[%get3A_1122, %get3A_1123] {strides = array<i32>} : memref<128x127xf32, #tpu.memory_space<vmem>>, vector<16xf32>,
      %get3A_1125 = arith.index_cast %add3A_1108 : i32 to index
      %get3A_1126 = arith.constant 80 : index
      %get3A_1127 = tpu.vector_load %arg7[%get3A_1125, %get3A_1126] {strides = array<i32>} : memref<128x127xf32, #tpu.memory_space<vmem>>, vector<16xf32>,
      %get3A_1128 = arith.index_cast %add3A_1108 : i32 to index
      %get3A_1129 = arith.constant 96 : index
      %get3A_1130 = tpu.vector_load %arg7[%get3A_1128, %get3A_1129] {strides = array<i32>} : memref<128x127xf32, #tpu.memory_space<vmem>>, vector<16xf32>,
      %get3A_1131 = arith.index_cast %add3A_1108 : i32 to index
      %get3A_1132 = arith.constant 111 : index
      %get3A_1133 = tpu.vector_load %arg7[%get3A_1131, %get3A_1132] {strides = array<i32>} : memref<128x127xf32, #tpu.memory_space<vmem>>, vector<16xf32>,
      %add3A_1134 = arith.constant 0 : i32
      %add3A_1135 = arith.addi %mul3A_1110, %add3A_1134 : i32
      %swap3A = arith.index_cast %add3A_1135 : i32 to index
      %swap3A_1136 = tpu.vector_load %arg12[%swap3A] {strides = array<i32>} : memref<16256xf32, #tpu.memory_space<vmem>>, vector<16xf32>,
      tpu.vector_store %arg12[%swap3A], %get3A_1112 {strides = array<i32>} : memref<16256xf32, #tpu.memory_space<vmem>>, vector<16xf32>,
      %add3A_1137 = arith.constant 16 : i32
      %add3A_1138 = arith.addi %mul3A_1110, %add3A_1137 : i32
      %swap3A_1139 = arith.index_cast %add3A_1138 : i32 to index
      %swap3A_1140 = tpu.vector_load %arg12[%swap3A_1139] {strides = array<i32>} : memref<16256xf32, #tpu.memory_space<vmem>>, vector<16xf32>,
      tpu.vector_store %arg12[%swap3A_1139], %get3A_1115 {strides = array<i32>} : memref<16256xf32, #tpu.memory_space<vmem>>, vector<16xf32>,
      %add3A_1141 = arith.constant 32 : i32
      %add3A_1142 = arith.addi %mul3A_1110, %add3A_1141 : i32
      %swap3A_1143 = arith.index_cast %add3A_1142 : i32 to index
      %swap3A_1144 = tpu.vector_load %arg12[%swap3A_1143] {strides = array<i32>} : memref<16256xf32, #tpu.memory_space<vmem>>, vector<16xf32>,
      tpu.vector_store %arg12[%swap3A_1143], %get3A_1118 {strides = array<i32>} : memref<16256xf32, #tpu.memory_space<vmem>>, vector<16xf32>,
      %add3A_1145 = arith.constant 48 : i32
      %add3A_1146 = arith.addi %mul3A_1110, %add3A_1145 : i32
      %swap3A_1147 = arith.index_cast %add3A_1146 : i32 to index
      %swap3A_1148 = tpu.vector_load %arg12[%swap3A_1147] {strides = array<i32>} : memref<16256xf32, #tpu.memory_space<vmem>>, vector<16xf32>,
      tpu.vector_store %arg12[%swap3A_1147], %get3A_1121 {strides = array<i32>} : memref<16256xf32, #tpu.memory_space<vmem>>, vector<16xf32>,
      %add3A_1149 = arith.constant 64 : i32
      %add3A_1150 = arith.addi %mul3A_1110, %add3A_1149 : i32
      %swap3A_1151 = arith.index_cast %add3A_1150 : i32 to index
      %swap3A_1152 = tpu.vector_load %arg12[%swap3A_1151] {strides = array<i32>} : memref<16256xf32, #tpu.memory_space<vmem>>, vector<16xf32>,
      tpu.vector_store %arg12[%swap3A_1151], %get3A_1124 {strides = array<i32>} : memref<16256xf32, #tpu.memory_space<vmem>>, vector<16xf32>,
      %add3A_1153 = arith.constant 80 : i32
      %add3A_1154 = arith.addi %mul3A_1110, %add3A_1153 : i32
      %swap3A_1155 = arith.index_cast %add3A_1154 : i32 to index
      %swap3A_1156 = tpu.vector_load %arg12[%swap3A_1155] {strides = array<i32>} : memref<16256xf32, #tpu.memory_space<vmem>>, vector<16xf32>,
      tpu.vector_store %arg12[%swap3A_1155], %get3A_1127 {strides = array<i32>} : memref<16256xf32, #tpu.memory_space<vmem>>, vector<16xf32>,
      %add3A_1157 = arith.constant 96 : i32
      %add3A_1158 = arith.addi %mul3A_1110, %add3A_1157 : i32
      %swap3A_1159 = arith.index_cast %add3A_1158 : i32 to index
      %swap3A_1160 = tpu.vector_load %arg12[%swap3A_1159] {strides = array<i32>} : memref<16256xf32, #tpu.memory_space<vmem>>, vector<16xf32>,
      tpu.vector_store %arg12[%swap3A_1159], %get3A_1130 {strides = array<i32>} : memref<16256xf32, #tpu.memory_space<vmem>>, vector<16xf32>,
      %add3A_1161 = arith.constant 111 : i32
      %add3A_1162 = arith.addi %mul3A_1110, %add3A_1161 : i32
      %swap3A_1163 = arith.index_cast %add3A_1162 : i32 to index
      %swap3A_1164 = tpu.vector_load %arg12[%swap3A_1163] {strides = array<i32>} : memref<16256xf32, #tpu.memory_space<vmem>>, vector<16xf32>,
      tpu.vector_store %arg12[%swap3A_1163], %get3A_1133 {strides = array<i32>} : memref<16256xf32, #tpu.memory_space<vmem>>, vector<16xf32>,
      %mul3A_1165 = arith.constant 2 : i32
      %mul3A_1166 = arith.muli %scan3A_1104, %mul3A_1165 : i32
      %add3A_1167 = arith.constant 1 : i32
      %add3A_1168 = arith.addi %mul3A_1166, %add3A_1167 : i32
      %mul3A_1169 = arith.constant 127 : i32
      %mul3A_1170 = arith.muli %add3A_1168, %mul3A_1169 : i32
      %get3A_1171 = arith.index_cast %add3A_1168 : i32 to index
      %get3A_1172 = arith.constant 0 : index
      %get3A_1173 = tpu.vector_load %arg7[%get3A_1171, %get3A_1172] {strides = array<i32>} : memref<128x127xf32, #tpu.memory_space<vmem>>, vector<16xf32>,
      %get3A_1174 = arith.index_cast %add3A_1168 : i32 to index
      %get3A_1175 = arith.constant 16 : index
      %get3A_1176 = tpu.vector_load %arg7[%get3A_1174, %get3A_1175] {strides = array<i32>} : memref<128x127xf32, #tpu.memory_space<vmem>>, vector<16xf32>,
      %get3A_1177 = arith.index_cast %add3A_1168 : i32 to index
      %get3A_1178 = arith.constant 32 : index
      %get3A_1179 = tpu.vector_load %arg7[%get3A_1177, %get3A_1178] {strides = array<i32>} : memref<128x127xf32, #tpu.memory_space<vmem>>, vector<16xf32>,
      %get3A_1180 = arith.index_cast %add3A_1168 : i32 to index
      %get3A_1181 = arith.constant 48 : index
      %get3A_1182 = tpu.vector_load %arg7[%get3A_1180, %get3A_1181] {strides = array<i32>} : memref<128x127xf32, #tpu.memory_space<vmem>>, vector<16xf32>,
      %get3A_1183 = arith.index_cast %add3A_1168 : i32 to index
      %get3A_1184 = arith.constant 64 : index
      %get3A_1185 = tpu.vector_load %arg7[%get3A_1183, %get3A_1184] {strides = array<i32>} : memref<128x127xf32, #tpu.memory_space<vmem>>, vector<16xf32>,
      %get3A_1186 = arith.index_cast %add3A_1168 : i32 to index
      %get3A_1187 = arith.constant 80 : index
      %get3A_1188 = tpu.vector_load %arg7[%get3A_1186, %get3A_1187] {strides = array<i32>} : memref<128x127xf32, #tpu.memory_space<vmem>>, vector<16xf32>,
      %get3A_1189 = arith.index_cast %add3A_1168 : i32 to index
      %get3A_1190 = arith.constant 96 : index
      %get3A_1191 = tpu.vector_load %arg7[%get3A_1189, %get3A_1190] {strides = array<i32>} : memref<128x127xf32, #tpu.memory_space<vmem>>, vector<16xf32>,
      %get3A_1192 = arith.index_cast %add3A_1168 : i32 to index
      %get3A_1193 = arith.constant 111 : index
      %get3A_1194 = tpu.vector_load %arg7[%get3A_1192, %get3A_1193] {strides = array<i32>} : memref<128x127xf32, #tpu.memory_space<vmem>>, vector<16xf32>,
      %add3A_1195 = arith.constant 0 : i32
      %add3A_1196 = arith.addi %mul3A_1170, %add3A_1195 : i32
      %swap3A_1197 = arith.index_cast %add3A_1196 : i32 to index
      %swap3A_1198 = tpu.vector_load %arg12[%swap3A_1197] {strides = array<i32>} : memref<16256xf32, #tpu.memory_space<vmem>>, vector<16xf32>,
      tpu.vector_store %arg12[%swap3A_1197], %get3A_1173 {strides = array<i32>} : memref<16256xf32, #tpu.memory_space<vmem>>, vector<16xf32>,
      %add3A_1199 = arith.constant 16 : i32
      %add3A_1200 = arith.addi %mul3A_1170, %add3A_1199 : i32
      %swap3A_1201 = arith.index_cast %add3A_1200 : i32 to index
      %swap3A_1202 = tpu.vector_load %arg12[%swap3A_1201] {strides = array<i32>} : memref<16256xf32, #tpu.memory_space<vmem>>, vector<16xf32>,
      tpu.vector_store %arg12[%swap3A_1201], %get3A_1176 {strides = array<i32>} : memref<16256xf32, #tpu.memory_space<vmem>>, vector<16xf32>,
      %add3A_1203 = arith.constant 32 : i32
      %add3A_1204 = arith.addi %mul3A_1170, %add3A_1203 : i32
      %swap3A_1205 = arith.index_cast %add3A_1204 : i32 to index
      %swap3A_1206 = tpu.vector_load %arg12[%swap3A_1205] {strides = array<i32>} : memref<16256xf32, #tpu.memory_space<vmem>>, vector<16xf32>,
      tpu.vector_store %arg12[%swap3A_1205], %get3A_1179 {strides = array<i32>} : memref<16256xf32, #tpu.memory_space<vmem>>, vector<16xf32>,
      %add3A_1207 = arith.constant 48 : i32
      %add3A_1208 = arith.addi %mul3A_1170, %add3A_1207 : i32
      %swap3A_1209 = arith.index_cast %add3A_1208 : i32 to index
      %swap3A_1210 = tpu.vector_load %arg12[%swap3A_1209] {strides = array<i32>} : memref<16256xf32, #tpu.memory_space<vmem>>, vector<16xf32>,
      tpu.vector_store %arg12[%swap3A_1209], %get3A_1182 {strides = array<i32>} : memref<16256xf32, #tpu.memory_space<vmem>>, vector<16xf32>,
      %add3A_1211 = arith.constant 64 : i32
      %add3A_1212 = arith.addi %mul3A_1170, %add3A_1211 : i32
      %swap3A_1213 = arith.index_cast %add3A_1212 : i32 to index
      %swap3A_1214 = tpu.vector_load %arg12[%swap3A_1213] {strides = array<i32>} : memref<16256xf32, #tpu.memory_space<vmem>>, vector<16xf32>,
      tpu.vector_store %arg12[%swap3A_1213], %get3A_1185 {strides = array<i32>} : memref<16256xf32, #tpu.memory_space<vmem>>, vector<16xf32>,
      %add3A_1215 = arith.constant 80 : i32
      %add3A_1216 = arith.addi %mul3A_1170, %add3A_1215 : i32
      %swap3A_1217 = arith.index_cast %add3A_1216 : i32 to index
      %swap3A_1218 = tpu.vector_load %arg12[%swap3A_1217] {strides = array<i32>} : memref<16256xf32, #tpu.memory_space<vmem>>, vector<16xf32>,
      tpu.vector_store %arg12[%swap3A_1217], %get3A_1188 {strides = array<i32>} : memref<16256xf32, #tpu.memory_space<vmem>>, vector<16xf32>,
      %add3A_1219 = arith.constant 96 : i32
      %add3A_1220 = arith.addi %mul3A_1170, %add3A_1219 : i32
      %swap3A_1221 = arith.index_cast %add3A_1220 : i32 to index
      %swap3A_1222 = tpu.vector_load %arg12[%swap3A_1221] {strides = array<i32>} : memref<16256xf32, #tpu.memory_space<vmem>>, vector<16xf32>,
      tpu.vector_store %arg12[%swap3A_1221], %get3A_1191 {strides = array<i32>} : memref<16256xf32, #tpu.memory_space<vmem>>, vector<16xf32>,
      %add3A_1223 = arith.constant 111 : i32
      %add3A_1224 = arith.addi %mul3A_1170, %add3A_1223 : i32
      %swap3A_1225 = arith.index_cast %add3A_1224 : i32 to index
      %swap3A_1226 = tpu.vector_load %arg12[%swap3A_1225] {strides = array<i32>} : memref<16256xf32, #tpu.memory_space<vmem>>, vector<16xf32>,
      tpu.vector_store %arg12[%swap3A_1225], %get3A_1194 {strides = array<i32>} : memref<16256xf32, #tpu.memory_space<vmem>>, vector<16xf32>,
    }
    %scan3A_393 = arith.constant 64 : i32
    %mul3A_394 = arith.constant 127 : i32
    %mul3A_395 = vector.broadcast %mul3A_394 : i32 to vector<16xi32>
    %mul3A_396 = arith.muli %iota3A, %mul3A_395 : vector<16xi32>
    %add3A_397 = arith.constant 0 : i32
    %add3A_398 = vector.broadcast %add3A_397 : i32 to vector<16xi32>
    %add3A_399 = arith.addi %mul3A_396, %add3A_398 : vector<16xi32>
    %mul3A_400 = arith.constant 127 : i32
    %mul3A_401 = vector.broadcast %mul3A_400 : i32 to vector<16xi32>
    %mul3A_402 = arith.muli %iota3A, %mul3A_401 : vector<16xi32>
    %add3A_403 = arith.constant 2032 : i32
    %add3A_404 = vector.broadcast %add3A_403 : i32 to vector<16xi32>
    %add3A_405 = arith.addi %mul3A_402, %add3A_404 : vector<16xi32>
    %mul3A_406 = arith.constant 127 : i32
    %mul3A_407 = vector.broadcast %mul3A_406 : i32 to vector<16xi32>
    %mul3A_408 = arith.muli %iota3A, %mul3A_407 : vector<16xi32>
    %add3A_409 = arith.constant 4064 : i32
    %add3A_410 = vector.broadcast %add3A_409 : i32 to vector<16xi32>
    %add3A_411 = arith.addi %mul3A_408, %add3A_410 : vector<16xi32>
    %mul3A_412 = arith.constant 127 : i32
    %mul3A_413 = vector.broadcast %mul3A_412 : i32 to vector<16xi32>
    %mul3A_414 = arith.muli %iota3A, %mul3A_413 : vector<16xi32>
    %add3A_415 = arith.constant 6096 : i32
    %add3A_416 = vector.broadcast %add3A_415 : i32 to vector<16xi32>
    %add3A_417 = arith.addi %mul3A_414, %add3A_416 : vector<16xi32>
    %mul3A_418 = arith.constant 127 : i32
    %mul3A_419 = vector.broadcast %mul3A_418 : i32 to vector<16xi32>
    %mul3A_420 = arith.muli %iota3A, %mul3A_419 : vector<16xi32>
    %add3A_421 = arith.constant 8128 : i32
    %add3A_422 = vector.broadcast %add3A_421 : i32 to vector<16xi32>
    %add3A_423 = arith.addi %mul3A_420, %add3A_422 : vector<16xi32>
    %mul3A_424 = arith.constant 127 : i32
    %mul3A_425 = vector.broadcast %mul3A_424 : i32 to vector<16xi32>
    %mul3A_426 = arith.muli %iota3A, %mul3A_425 : vector<16xi32>
    %add3A_427 = arith.constant 10160 : i32
    %add3A_428 = vector.broadcast %add3A_427 : i32 to vector<16xi32>
    %add3A_429 = arith.addi %mul3A_426, %add3A_428 : vector<16xi32>
    %mul3A_430 = arith.constant 127 : i32
    %mul3A_431 = vector.broadcast %mul3A_430 : i32 to vector<16xi32>
    %mul3A_432 = arith.muli %iota3A, %mul3A_431 : vector<16xi32>
    %add3A_433 = arith.constant 12192 : i32
    %add3A_434 = vector.broadcast %add3A_433 : i32 to vector<16xi32>
    %add3A_435 = arith.addi %mul3A_432, %add3A_434 : vector<16xi32>
    %mul3A_436 = arith.constant 127 : i32
    %mul3A_437 = vector.broadcast %mul3A_436 : i32 to vector<16xi32>
    %mul3A_438 = arith.muli %iota3A, %mul3A_437 : vector<16xi32>
    %add3A_439 = arith.constant 14224 : i32
    %add3A_440 = vector.broadcast %add3A_439 : i32 to vector<16xi32>
    %add3A_441 = arith.addi %mul3A_438, %add3A_440 : vector<16xi32>
    %scan3A_442 = arith.constant 0 : i32
    %scan3A_443 = arith.constant 0 : i32
    %scan3A_444 = arith.constant 59 : i32
    %scan3A_445 = arith.addi %scan3A_443, %scan3A_444 : i32
    %scan3A_446 = arith.constant 1 : i32
    scf.for %scan3A_1104 = %scan3A_443 to %scan3A_445 step %scan3A_446  : i32 {
      %mul3A_1105 = arith.constant 2 : i32
      %mul3A_1106 = arith.muli %scan3A_1104, %mul3A_1105 : i32
      %add3A_1107 = arith.constant 0 : i32
      %add3A_1108 = arith.addi %mul3A_1106, %add3A_1107 : i32
      %mul3A_1109 = arith.constant 16 : i32
      %mul3A_1110 = arith.muli %add3A_1108, %mul3A_1109 : i32
      %get3A = arith.index_cast %mul3A_1110 : i32 to index
      %get3A_1111 = tpu.vector_load %arg5[%get3A] {strides = array<i32>} : memref<1888xi32, #tpu.memory_space<vmem>>, vector<16xi32>,
      %add3A_1112 = arith.addi %add3A_399, %get3A_1111 : vector<16xi32>
      %gather3A = tpu.vector_load_idx %arg12[%add3A_1112] : memref<16256xf32, #tpu.memory_space<vmem>>[vector<16xi32>], vector<16xf32>,
      %add3A_1113 = arith.addi %add3A_405, %get3A_1111 : vector<16xi32>
      %gather3A_1114 = tpu.vector_load_idx %arg12[%add3A_1113] : memref<16256xf32, #tpu.memory_space<vmem>>[vector<16xi32>], vector<16xf32>,
      %add3A_1115 = arith.addi %add3A_411, %get3A_1111 : vector<16xi32>
      %gather3A_1116 = tpu.vector_load_idx %arg12[%add3A_1115] : memref<16256xf32, #tpu.memory_space<vmem>>[vector<16xi32>], vector<16xf32>,
      %add3A_1117 = arith.addi %add3A_417, %get3A_1111 : vector<16xi32>
      %gather3A_1118 = tpu.vector_load_idx %arg12[%add3A_1117] : memref<16256xf32, #tpu.memory_space<vmem>>[vector<16xi32>], vector<16xf32>,
      %add3A_1119 = arith.addi %add3A_423, %get3A_1111 : vector<16xi32>
      %gather3A_1120 = tpu.vector_load_idx %arg12[%add3A_1119] : memref<16256xf32, #tpu.memory_space<vmem>>[vector<16xi32>], vector<16xf32>,
      %add3A_1121 = arith.addi %add3A_429, %get3A_1111 : vector<16xi32>
      %gather3A_1122 = tpu.vector_load_idx %arg12[%add3A_1121] : memref<16256xf32, #tpu.memory_space<vmem>>[vector<16xi32>], vector<16xf32>,
      %add3A_1123 = arith.addi %add3A_435, %get3A_1111 : vector<16xi32>
      %gather3A_1124 = tpu.vector_load_idx %arg12[%add3A_1123] : memref<16256xf32, #tpu.memory_space<vmem>>[vector<16xi32>], vector<16xf32>,
      %add3A_1125 = arith.addi %add3A_441, %get3A_1111 : vector<16xi32>
      %gather3A_1126 = tpu.vector_load_idx %arg12[%add3A_1125] : memref<16256xf32, #tpu.memory_space<vmem>>[vector<16xi32>], vector<16xf32>,
      %swap3A = arith.index_cast %add3A_1108 : i32 to index
      %swap3A_1127 = arith.constant 0 : index
      %swap3A_1128 = tpu.vector_load %arg10[%swap3A, %swap3A_1127] {strides = array<i32>} : memref<118x128xf32, #tpu.memory_space<vmem>>, vector<16xf32>,
      tpu.vector_store %arg10[%swap3A, %swap3A_1127], %gather3A {strides = array<i32>} : memref<118x128xf32, #tpu.memory_space<vmem>>, vector<16xf32>,
      %swap3A_1129 = arith.index_cast %add3A_1108 : i32 to index
      %swap3A_1130 = arith.constant 16 : index
      %swap3A_1131 = tpu.vector_load %arg10[%swap3A_1129, %swap3A_1130] {strides = array<i32>} : memref<118x128xf32, #tpu.memory_space<vmem>>, vector<16xf32>,
      tpu.vector_store %arg10[%swap3A_1129, %swap3A_1130], %gather3A_1114 {strides = array<i32>} : memref<118x128xf32, #tpu.memory_space<vmem>>, vector<16xf32>,
      %swap3A_1132 = arith.index_cast %add3A_1108 : i32 to index
      %swap3A_1133 = arith.constant 32 : index
      %swap3A_1134 = tpu.vector_load %arg10[%swap3A_1132, %swap3A_1133] {strides = array<i32>} : memref<118x128xf32, #tpu.memory_space<vmem>>, vector<16xf32>,
      tpu.vector_store %arg10[%swap3A_1132, %swap3A_1133], %gather3A_1116 {strides = array<i32>} : memref<118x128xf32, #tpu.memory_space<vmem>>, vector<16xf32>,
      %swap3A_1135 = arith.index_cast %add3A_1108 : i32 to index
      %swap3A_1136 = arith.constant 48 : index
      %swap3A_1137 = tpu.vector_load %arg10[%swap3A_1135, %swap3A_1136] {strides = array<i32>} : memref<118x128xf32, #tpu.memory_space<vmem>>, vector<16xf32>,
      tpu.vector_store %arg10[%swap3A_1135, %swap3A_1136], %gather3A_1118 {strides = array<i32>} : memref<118x128xf32, #tpu.memory_space<vmem>>, vector<16xf32>,
      %swap3A_1138 = arith.index_cast %add3A_1108 : i32 to index
      %swap3A_1139 = arith.constant 64 : index
      %swap3A_1140 = tpu.vector_load %arg10[%swap3A_1138, %swap3A_1139] {strides = array<i32>} : memref<118x128xf32, #tpu.memory_space<vmem>>, vector<16xf32>,
      tpu.vector_store %arg10[%swap3A_1138, %swap3A_1139], %gather3A_1120 {strides = array<i32>} : memref<118x128xf32, #tpu.memory_space<vmem>>, vector<16xf32>,
      %swap3A_1141 = arith.index_cast %add3A_1108 : i32 to index
      %swap3A_1142 = arith.constant 80 : index
      %swap3A_1143 = tpu.vector_load %arg10[%swap3A_1141, %swap3A_1142] {strides = array<i32>} : memref<118x128xf32, #tpu.memory_space<vmem>>, vector<16xf32>,
      tpu.vector_store %arg10[%swap3A_1141, %swap3A_1142], %gather3A_1122 {strides = array<i32>} : memref<118x128xf32, #tpu.memory_space<vmem>>, vector<16xf32>,
      %swap3A_1144 = arith.index_cast %add3A_1108 : i32 to index
      %swap3A_1145 = arith.constant 96 : index
      %swap3A_1146 = tpu.vector_load %arg10[%swap3A_1144, %swap3A_1145] {strides = array<i32>} : memref<118x128xf32, #tpu.memory_space<vmem>>, vector<16xf32>,
      tpu.vector_store %arg10[%swap3A_1144, %swap3A_1145], %gather3A_1124 {strides = array<i32>} : memref<118x128xf32, #tpu.memory_space<vmem>>, vector<16xf32>,
      %swap3A_1147 = arith.index_cast %add3A_1108 : i32 to index
      %swap3A_1148 = arith.constant 112 : index
      %swap3A_1149 = tpu.vector_load %arg10[%swap3A_1147, %swap3A_1148] {strides = array<i32>} : memref<118x128xf32, #tpu.memory_space<vmem>>, vector<16xf32>,
      tpu.vector_store %arg10[%swap3A_1147, %swap3A_1148], %gather3A_1126 {strides = array<i32>} : memref<118x128xf32, #tpu.memory_space<vmem>>, vector<16xf32>,
      %mul3A_1150 = arith.constant 2 : i32
      %mul3A_1151 = arith.muli %scan3A_1104, %mul3A_1150 : i32
      %add3A_1152 = arith.constant 1 : i32
      %add3A_1153 = arith.addi %mul3A_1151, %add3A_1152 : i32
      %mul3A_1154 = arith.constant 16 : i32
      %mul3A_1155 = arith.muli %add3A_1153, %mul3A_1154 : i32
      %get3A_1156 = arith.index_cast %mul3A_1155 : i32 to index
      %get3A_1157 = tpu.vector_load %arg5[%get3A_1156] {strides = array<i32>} : memref<1888xi32, #tpu.memory_space<vmem>>, vector<16xi32>,
      %add3A_1158 = arith.addi %add3A_399, %get3A_1157 : vector<16xi32>
      %gather3A_1159 = tpu.vector_load_idx %arg12[%add3A_1158] : memref<16256xf32, #tpu.memory_space<vmem>>[vector<16xi32>], vector<16xf32>,
      %add3A_1160 = arith.addi %add3A_405, %get3A_1157 : vector<16xi32>
      %gather3A_1161 = tpu.vector_load_idx %arg12[%add3A_1160] : memref<16256xf32, #tpu.memory_space<vmem>>[vector<16xi32>], vector<16xf32>,
      %add3A_1162 = arith.addi %add3A_411, %get3A_1157 : vector<16xi32>
      %gather3A_1163 = tpu.vector_load_idx %arg12[%add3A_1162] : memref<16256xf32, #tpu.memory_space<vmem>>[vector<16xi32>], vector<16xf32>,
      %add3A_1164 = arith.addi %add3A_417, %get3A_1157 : vector<16xi32>
      %gather3A_1165 = tpu.vector_load_idx %arg12[%add3A_1164] : memref<16256xf32, #tpu.memory_space<vmem>>[vector<16xi32>], vector<16xf32>,
      %add3A_1166 = arith.addi %add3A_423, %get3A_1157 : vector<16xi32>
      %gather3A_1167 = tpu.vector_load_idx %arg12[%add3A_1166] : memref<16256xf32, #tpu.memory_space<vmem>>[vector<16xi32>], vector<16xf32>,
      %add3A_1168 = arith.addi %add3A_429, %get3A_1157 : vector<16xi32>
      %gather3A_1169 = tpu.vector_load_idx %arg12[%add3A_1168] : memref<16256xf32, #tpu.memory_space<vmem>>[vector<16xi32>], vector<16xf32>,
      %add3A_1170 = arith.addi %add3A_435, %get3A_1157 : vector<16xi32>
      %gather3A_1171 = tpu.vector_load_idx %arg12[%add3A_1170] : memref<16256xf32, #tpu.memory_space<vmem>>[vector<16xi32>], vector<16xf32>,
      %add3A_1172 = arith.addi %add3A_441, %get3A_1157 : vector<16xi32>
      %gather3A_1173 = tpu.vector_load_idx %arg12[%add3A_1172] : memref<16256xf32, #tpu.memory_space<vmem>>[vector<16xi32>], vector<16xf32>,
      %swap3A_1174 = arith.index_cast %add3A_1153 : i32 to index
      %swap3A_1175 = arith.constant 0 : index
      %swap3A_1176 = tpu.vector_load %arg10[%swap3A_1174, %swap3A_1175] {strides = array<i32>} : memref<118x128xf32, #tpu.memory_space<vmem>>, vector<16xf32>,
      tpu.vector_store %arg10[%swap3A_1174, %swap3A_1175], %gather3A_1159 {strides = array<i32>} : memref<118x128xf32, #tpu.memory_space<vmem>>, vector<16xf32>,
      %swap3A_1177 = arith.index_cast %add3A_1153 : i32 to index
      %swap3A_1178 = arith.constant 16 : index
      %swap3A_1179 = tpu.vector_load %arg10[%swap3A_1177, %swap3A_1178] {strides = array<i32>} : memref<118x128xf32, #tpu.memory_space<vmem>>, vector<16xf32>,
      tpu.vector_store %arg10[%swap3A_1177, %swap3A_1178], %gather3A_1161 {strides = array<i32>} : memref<118x128xf32, #tpu.memory_space<vmem>>, vector<16xf32>,
      %swap3A_1180 = arith.index_cast %add3A_1153 : i32 to index
      %swap3A_1181 = arith.constant 32 : index
      %swap3A_1182 = tpu.vector_load %arg10[%swap3A_1180, %swap3A_1181] {strides = array<i32>} : memref<118x128xf32, #tpu.memory_space<vmem>>, vector<16xf32>,
      tpu.vector_store %arg10[%swap3A_1180, %swap3A_1181], %gather3A_1163 {strides = array<i32>} : memref<118x128xf32, #tpu.memory_space<vmem>>, vector<16xf32>,
      %swap3A_1183 = arith.index_cast %add3A_1153 : i32 to index
      %swap3A_1184 = arith.constant 48 : index
      %swap3A_1185 = tpu.vector_load %arg10[%swap3A_1183, %swap3A_1184] {strides = array<i32>} : memref<118x128xf32, #tpu.memory_space<vmem>>, vector<16xf32>,
      tpu.vector_store %arg10[%swap3A_1183, %swap3A_1184], %gather3A_1165 {strides = array<i32>} : memref<118x128xf32, #tpu.memory_space<vmem>>, vector<16xf32>,
      %swap3A_1186 = arith.index_cast %add3A_1153 : i32 to index
      %swap3A_1187 = arith.constant 64 : index
      %swap3A_1188 = tpu.vector_load %arg10[%swap3A_1186, %swap3A_1187] {strides = array<i32>} : memref<118x128xf32, #tpu.memory_space<vmem>>, vector<16xf32>,
      tpu.vector_store %arg10[%swap3A_1186, %swap3A_1187], %gather3A_1167 {strides = array<i32>} : memref<118x128xf32, #tpu.memory_space<vmem>>, vector<16xf32>,
      %swap3A_1189 = arith.index_cast %add3A_1153 : i32 to index
      %swap3A_1190 = arith.constant 80 : index
      %swap3A_1191 = tpu.vector_load %arg10[%swap3A_1189, %swap3A_1190] {strides = array<i32>} : memref<118x128xf32, #tpu.memory_space<vmem>>, vector<16xf32>,
      tpu.vector_store %arg10[%swap3A_1189, %swap3A_1190], %gather3A_1169 {strides = array<i32>} : memref<118x128xf32, #tpu.memory_space<vmem>>, vector<16xf32>,
      %swap3A_1192 = arith.index_cast %add3A_1153 : i32 to index
      %swap3A_1193 = arith.constant 96 : index
      %swap3A_1194 = tpu.vector_load %arg10[%swap3A_1192, %swap3A_1193] {strides = array<i32>} : memref<118x128xf32, #tpu.memory_space<vmem>>, vector<16xf32>,
      tpu.vector_store %arg10[%swap3A_1192, %swap3A_1193], %gather3A_1171 {strides = array<i32>} : memref<118x128xf32, #tpu.memory_space<vmem>>, vector<16xf32>,
      %swap3A_1195 = arith.index_cast %add3A_1153 : i32 to index
      %swap3A_1196 = arith.constant 112 : index
      %swap3A_1197 = tpu.vector_load %arg10[%swap3A_1195, %swap3A_1196] {strides = array<i32>} : memref<118x128xf32, #tpu.memory_space<vmem>>, vector<16xf32>,
      tpu.vector_store %arg10[%swap3A_1195, %swap3A_1196], %gather3A_1173 {strides = array<i32>} : memref<118x128xf32, #tpu.memory_space<vmem>>, vector<16xf32>,
    }
    %scan3A_447 = arith.constant 59 : i32
    %add3A_448 = arith.constant 128 : i32
    %add3A_449 = arith.addi %mul3A_2, %add3A_448 : i32
    %dma_start3A_450 = arith.constant 1 : i32
    %dma_start3A_451 = arith.constant 0 : i32
    %dma_start3A_452 = tpu.memref_slice %arg4[%dma_start3A_450, %dma_start3A_451, %add3A_449] : memref<3x118x16384xf32, #tpu.memory_space<hbm>> -> memref<1x118x128xf32, #tpu.memory_space<hbm>>
    %dma_start3A_453 = tpu.memref_squeeze %dma_start3A_452 : memref<1x118x128xf32, #tpu.memory_space<hbm>> -> memref<118x128xf32, #tpu.memory_space<hbm>>
    %dma_start3A_454 = arith.constant 0 : i32
    %dma_start3A_455 = tpu.memref_slice %arg4[%dma_start3A_450, %dma_start3A_454, %add3A_449] : memref<3x118x16384xf32, #tpu.memory_space<hbm>> -> memref<1x118x128xf32, #tpu.memory_space<hbm>>
    %dma_start3A_456 = tpu.memref_squeeze %dma_start3A_455 : memref<1x118x128xf32, #tpu.memory_space<hbm>> -> memref<118x128xf32, #tpu.memory_space<hbm>>
    tpu.enqueue_dma source(%arg10 : memref<118x128xf32, #tpu.memory_space<vmem>>) target(%dma_start3A_456 : memref<118x128xf32, #tpu.memory_space<hbm>>) target_semaphore(%arg18 : memref<!tpu.dma_semaphore, #tpu.memory_space<semaphore_mem>>)
    %add3A_457 = arith.constant 256 : i32
    %add3A_458 = arith.addi %mul3A_2, %add3A_457 : i32
    %dma_start3A_459 = arith.constant 1 : i32
    %dma_start3A_460 = arith.constant 0 : i32
    %dma_start3A_461 = tpu.memref_slice %arg2[%dma_start3A_459, %add3A_458, %dma_start3A_460] : memref<3x16384x127xf32, #tpu.memory_space<hbm>> -> memref<1x128x127xf32, #tpu.memory_space<hbm>>
    %dma_start3A_462 = tpu.memref_squeeze %dma_start3A_461 : memref<1x128x127xf32, #tpu.memory_space<hbm>> -> memref<128x127xf32, #tpu.memory_space<hbm>>
    %dma_start3A_463 = arith.constant 0 : i32
    %dma_start3A_464 = tpu.memref_slice %arg2[%dma_start3A_459, %add3A_458, %dma_start3A_463] : memref<3x16384x127xf32, #tpu.memory_space<hbm>> -> memref<1x128x127xf32, #tpu.memory_space<hbm>>
    %dma_start3A_465 = tpu.memref_squeeze %dma_start3A_464 : memref<1x128x127xf32, #tpu.memory_space<hbm>> -> memref<128x127xf32, #tpu.memory_space<hbm>>
    tpu.enqueue_dma source(%dma_start3A_465 : memref<128x127xf32, #tpu.memory_space<hbm>>) target(%arg7 : memref<128x127xf32, #tpu.memory_space<vmem>>) target_semaphore(%arg15 : memref<!tpu.dma_semaphore, #tpu.memory_space<semaphore_mem>>)
    %dma_wait3A_466 = arith.constant 2 : i32
    %dma_wait3A_467 = arith.constant 0 : i32
    %dma_wait3A_468 = tpu.memref_slice %arg2[%dma_wait3A_466, %add3A_274, %dma_wait3A_467] : memref<3x16384x127xf32, #tpu.memory_space<hbm>> -> memref<1x128x127xf32, #tpu.memory_space<hbm>>
    %dma_wait3A_469 = tpu.memref_squeeze %dma_wait3A_468 : memref<1x128x127xf32, #tpu.memory_space<hbm>> -> memref<128x127xf32, #tpu.memory_space<hbm>>
    %dma_wait3A_470 = arith.constant 0 : i32
    %dma_wait3A_471 = tpu.memref_slice %arg2[%dma_wait3A_466, %add3A_274, %dma_wait3A_470] : memref<3x16384x127xf32, #tpu.memory_space<hbm>> -> memref<1x128x127xf32, #tpu.memory_space<hbm>>
    %dma_wait3A_472 = tpu.memref_squeeze %dma_wait3A_471 : memref<1x128x127xf32, #tpu.memory_space<hbm>> -> memref<128x127xf32, #tpu.memory_space<hbm>>
    tpu.wait_dma2 semaphore(%arg16 : memref<!tpu.dma_semaphore, #tpu.memory_space<semaphore_mem>>) src(%dma_wait3A_472 : memref<128x127xf32, #tpu.memory_space<hbm>>) dst(%arg8 : memref<128x127xf32, #tpu.memory_space<vmem>>)
    %dma_wait3A_473 = arith.constant 2 : i32
    %dma_wait3A_474 = arith.constant 0 : i32
    %dma_wait3A_475 = tpu.memref_slice %arg4[%dma_wait3A_473, %dma_wait3A_474, %add3A_265] : memref<3x118x16384xf32, #tpu.memory_space<hbm>> -> memref<1x118x128xf32, #tpu.memory_space<hbm>>
    %dma_wait3A_476 = tpu.memref_squeeze %dma_wait3A_475 : memref<1x118x128xf32, #tpu.memory_space<hbm>> -> memref<118x128xf32, #tpu.memory_space<hbm>>
    %dma_wait3A_477 = arith.constant 0 : i32
    %dma_wait3A_478 = tpu.memref_slice %arg4[%dma_wait3A_473, %dma_wait3A_477, %add3A_265] : memref<3x118x16384xf32, #tpu.memory_space<hbm>> -> memref<1x118x128xf32, #tpu.memory_space<hbm>>
    %dma_wait3A_479 = tpu.memref_squeeze %dma_wait3A_478 : memref<1x118x128xf32, #tpu.memory_space<hbm>> -> memref<118x128xf32, #tpu.memory_space<hbm>>
    tpu.wait_dma2 semaphore(%arg19 : memref<!tpu.dma_semaphore, #tpu.memory_space<semaphore_mem>>) src(%arg11 : memref<118x128xf32, #tpu.memory_space<vmem>>) dst(%dma_wait3A_479 : memref<118x128xf32, #tpu.memory_space<hbm>>)
    %scan3A_480 = arith.constant 0 : i32
    %scan3A_481 = arith.constant 0 : i32
    %scan3A_482 = arith.constant 64 : i32
    %scan3A_483 = arith.addi %scan3A_481, %scan3A_482 : i32
    %scan3A_484 = arith.constant 1 : i32
    scf.for %scan3A_1104 = %scan3A_481 to %scan3A_483 step %scan3A_484  : i32 {
      %mul3A_1105 = arith.constant 2 : i32
      %mul3A_1106 = arith.muli %scan3A_1104, %mul3A_1105 : i32
      %add3A_1107 = arith.constant 0 : i32
      %add3A_1108 = arith.addi %mul3A_1106, %add3A_1107 : i32
      %mul3A_1109 = arith.constant 127 : i32
      %mul3A_1110 = arith.muli %add3A_1108, %mul3A_1109 : i32
      %get3A = arith.index_cast %add3A_1108 : i32 to index
      %get3A_1111 = arith.constant 0 : index
      %get3A_1112 = tpu.vector_load %arg8[%get3A, %get3A_1111] {strides = array<i32>} : memref<128x127xf32, #tpu.memory_space<vmem>>, vector<16xf32>,
      %get3A_1113 = arith.index_cast %add3A_1108 : i32 to index
      %get3A_1114 = arith.constant 16 : index
      %get3A_1115 = tpu.vector_load %arg8[%get3A_1113, %get3A_1114] {strides = array<i32>} : memref<128x127xf32, #tpu.memory_space<vmem>>, vector<16xf32>,
      %get3A_1116 = arith.index_cast %add3A_1108 : i32 to index
      %get3A_1117 = arith.constant 32 : index
      %get3A_1118 = tpu.vector_load %arg8[%get3A_1116, %get3A_1117] {strides = array<i32>} : memref<128x127xf32, #tpu.memory_space<vmem>>, vector<16xf32>,
      %get3A_1119 = arith.index_cast %add3A_1108 : i32 to index
      %get3A_1120 = arith.constant 48 : index
      %get3A_1121 = tpu.vector_load %arg8[%get3A_1119, %get3A_1120] {strides = array<i32>} : memref<128x127xf32, #tpu.memory_space<vmem>>, vector<16xf32>,
      %get3A_1122 = arith.index_cast %add3A_1108 : i32 to index
      %get3A_1123 = arith.constant 64 : index
      %get3A_1124 = tpu.vector_load %arg8[%get3A_1122, %get3A_1123] {strides = array<i32>} : memref<128x127xf32, #tpu.memory_space<vmem>>, vector<16xf32>,
      %get3A_1125 = arith.index_cast %add3A_1108 : i32 to index
      %get3A_1126 = arith.constant 80 : index
      %get3A_1127 = tpu.vector_load %arg8[%get3A_1125, %get3A_1126] {strides = array<i32>} : memref<128x127xf32, #tpu.memory_space<vmem>>, vector<16xf32>,
      %get3A_1128 = arith.index_cast %add3A_1108 : i32 to index
      %get3A_1129 = arith.constant 96 : index
      %get3A_1130 = tpu.vector_load %arg8[%get3A_1128, %get3A_1129] {strides = array<i32>} : memref<128x127xf32, #tpu.memory_space<vmem>>, vector<16xf32>,
      %get3A_1131 = arith.index_cast %add3A_1108 : i32 to index
      %get3A_1132 = arith.constant 111 : index
      %get3A_1133 = tpu.vector_load %arg8[%get3A_1131, %get3A_1132] {strides = array<i32>} : memref<128x127xf32, #tpu.memory_space<vmem>>, vector<16xf32>,
      %add3A_1134 = arith.constant 0 : i32
      %add3A_1135 = arith.addi %mul3A_1110, %add3A_1134 : i32
      %swap3A = arith.index_cast %add3A_1135 : i32 to index
      %swap3A_1136 = tpu.vector_load %arg12[%swap3A] {strides = array<i32>} : memref<16256xf32, #tpu.memory_space<vmem>>, vector<16xf32>,
      tpu.vector_store %arg12[%swap3A], %get3A_1112 {strides = array<i32>} : memref<16256xf32, #tpu.memory_space<vmem>>, vector<16xf32>,
      %add3A_1137 = arith.constant 16 : i32
      %add3A_1138 = arith.addi %mul3A_1110, %add3A_1137 : i32
      %swap3A_1139 = arith.index_cast %add3A_1138 : i32 to index
      %swap3A_1140 = tpu.vector_load %arg12[%swap3A_1139] {strides = array<i32>} : memref<16256xf32, #tpu.memory_space<vmem>>, vector<16xf32>,
      tpu.vector_store %arg12[%swap3A_1139], %get3A_1115 {strides = array<i32>} : memref<16256xf32, #tpu.memory_space<vmem>>, vector<16xf32>,
      %add3A_1141 = arith.constant 32 : i32
      %add3A_1142 = arith.addi %mul3A_1110, %add3A_1141 : i32
      %swap3A_1143 = arith.index_cast %add3A_1142 : i32 to index
      %swap3A_1144 = tpu.vector_load %arg12[%swap3A_1143] {strides = array<i32>} : memref<16256xf32, #tpu.memory_space<vmem>>, vector<16xf32>,
      tpu.vector_store %arg12[%swap3A_1143], %get3A_1118 {strides = array<i32>} : memref<16256xf32, #tpu.memory_space<vmem>>, vector<16xf32>,
      %add3A_1145 = arith.constant 48 : i32
      %add3A_1146 = arith.addi %mul3A_1110, %add3A_1145 : i32
      %swap3A_1147 = arith.index_cast %add3A_1146 : i32 to index
      %swap3A_1148 = tpu.vector_load %arg12[%swap3A_1147] {strides = array<i32>} : memref<16256xf32, #tpu.memory_space<vmem>>, vector<16xf32>,
      tpu.vector_store %arg12[%swap3A_1147], %get3A_1121 {strides = array<i32>} : memref<16256xf32, #tpu.memory_space<vmem>>, vector<16xf32>,
      %add3A_1149 = arith.constant 64 : i32
      %add3A_1150 = arith.addi %mul3A_1110, %add3A_1149 : i32
      %swap3A_1151 = arith.index_cast %add3A_1150 : i32 to index
      %swap3A_1152 = tpu.vector_load %arg12[%swap3A_1151] {strides = array<i32>} : memref<16256xf32, #tpu.memory_space<vmem>>, vector<16xf32>,
      tpu.vector_store %arg12[%swap3A_1151], %get3A_1124 {strides = array<i32>} : memref<16256xf32, #tpu.memory_space<vmem>>, vector<16xf32>,
      %add3A_1153 = arith.constant 80 : i32
      %add3A_1154 = arith.addi %mul3A_1110, %add3A_1153 : i32
      %swap3A_1155 = arith.index_cast %add3A_1154 : i32 to index
      %swap3A_1156 = tpu.vector_load %arg12[%swap3A_1155] {strides = array<i32>} : memref<16256xf32, #tpu.memory_space<vmem>>, vector<16xf32>,
      tpu.vector_store %arg12[%swap3A_1155], %get3A_1127 {strides = array<i32>} : memref<16256xf32, #tpu.memory_space<vmem>>, vector<16xf32>,
      %add3A_1157 = arith.constant 96 : i32
      %add3A_1158 = arith.addi %mul3A_1110, %add3A_1157 : i32
      %swap3A_1159 = arith.index_cast %add3A_1158 : i32 to index
      %swap3A_1160 = tpu.vector_load %arg12[%swap3A_1159] {strides = array<i32>} : memref<16256xf32, #tpu.memory_space<vmem>>, vector<16xf32>,
      tpu.vector_store %arg12[%swap3A_1159], %get3A_1130 {strides = array<i32>} : memref<16256xf32, #tpu.memory_space<vmem>>, vector<16xf32>,
      %add3A_1161 = arith.constant 111 : i32
      %add3A_1162 = arith.addi %mul3A_1110, %add3A_1161 : i32
      %swap3A_1163 = arith.index_cast %add3A_1162 : i32 to index
      %swap3A_1164 = tpu.vector_load %arg12[%swap3A_1163] {strides = array<i32>} : memref<16256xf32, #tpu.memory_space<vmem>>, vector<16xf32>,
      tpu.vector_store %arg12[%swap3A_1163], %get3A_1133 {strides = array<i32>} : memref<16256xf32, #tpu.memory_space<vmem>>, vector<16xf32>,
      %mul3A_1165 = arith.constant 2 : i32
      %mul3A_1166 = arith.muli %scan3A_1104, %mul3A_1165 : i32
      %add3A_1167 = arith.constant 1 : i32
      %add3A_1168 = arith.addi %mul3A_1166, %add3A_1167 : i32
      %mul3A_1169 = arith.constant 127 : i32
      %mul3A_1170 = arith.muli %add3A_1168, %mul3A_1169 : i32
      %get3A_1171 = arith.index_cast %add3A_1168 : i32 to index
      %get3A_1172 = arith.constant 0 : index
      %get3A_1173 = tpu.vector_load %arg8[%get3A_1171, %get3A_1172] {strides = array<i32>} : memref<128x127xf32, #tpu.memory_space<vmem>>, vector<16xf32>,
      %get3A_1174 = arith.index_cast %add3A_1168 : i32 to index
      %get3A_1175 = arith.constant 16 : index
      %get3A_1176 = tpu.vector_load %arg8[%get3A_1174, %get3A_1175] {strides = array<i32>} : memref<128x127xf32, #tpu.memory_space<vmem>>, vector<16xf32>,
      %get3A_1177 = arith.index_cast %add3A_1168 : i32 to index
      %get3A_1178 = arith.constant 32 : index
      %get3A_1179 = tpu.vector_load %arg8[%get3A_1177, %get3A_1178] {strides = array<i32>} : memref<128x127xf32, #tpu.memory_space<vmem>>, vector<16xf32>,
      %get3A_1180 = arith.index_cast %add3A_1168 : i32 to index
      %get3A_1181 = arith.constant 48 : index
      %get3A_1182 = tpu.vector_load %arg8[%get3A_1180, %get3A_1181] {strides = array<i32>} : memref<128x127xf32, #tpu.memory_space<vmem>>, vector<16xf32>,
      %get3A_1183 = arith.index_cast %add3A_1168 : i32 to index
      %get3A_1184 = arith.constant 64 : index
      %get3A_1185 = tpu.vector_load %arg8[%get3A_1183, %get3A_1184] {strides = array<i32>} : memref<128x127xf32, #tpu.memory_space<vmem>>, vector<16xf32>,
      %get3A_1186 = arith.index_cast %add3A_1168 : i32 to index
      %get3A_1187 = arith.constant 80 : index
      %get3A_1188 = tpu.vector_load %arg8[%get3A_1186, %get3A_1187] {strides = array<i32>} : memref<128x127xf32, #tpu.memory_space<vmem>>, vector<16xf32>,
      %get3A_1189 = arith.index_cast %add3A_1168 : i32 to index
      %get3A_1190 = arith.constant 96 : index
      %get3A_1191 = tpu.vector_load %arg8[%get3A_1189, %get3A_1190] {strides = array<i32>} : memref<128x127xf32, #tpu.memory_space<vmem>>, vector<16xf32>,
      %get3A_1192 = arith.index_cast %add3A_1168 : i32 to index
      %get3A_1193 = arith.constant 111 : index
      %get3A_1194 = tpu.vector_load %arg8[%get3A_1192, %get3A_1193] {strides = array<i32>} : memref<128x127xf32, #tpu.memory_space<vmem>>, vector<16xf32>,
      %add3A_1195 = arith.constant 0 : i32
      %add3A_1196 = arith.addi %mul3A_1170, %add3A_1195 : i32
      %swap3A_1197 = arith.index_cast %add3A_1196 : i32 to index
      %swap3A_1198 = tpu.vector_load %arg12[%swap3A_1197] {strides = array<i32>} : memref<16256xf32, #tpu.memory_space<vmem>>, vector<16xf32>,
      tpu.vector_store %arg12[%swap3A_1197], %get3A_1173 {strides = array<i32>} : memref<16256xf32, #tpu.memory_space<vmem>>, vector<16xf32>,
      %add3A_1199 = arith.constant 16 : i32
      %add3A_1200 = arith.addi %mul3A_1170, %add3A_1199 : i32
      %swap3A_1201 = arith.index_cast %add3A_1200 : i32 to index
      %swap3A_1202 = tpu.vector_load %arg12[%swap3A_1201] {strides = array<i32>} : memref<16256xf32, #tpu.memory_space<vmem>>, vector<16xf32>,
      tpu.vector_store %arg12[%swap3A_1201], %get3A_1176 {strides = array<i32>} : memref<16256xf32, #tpu.memory_space<vmem>>, vector<16xf32>,
      %add3A_1203 = arith.constant 32 : i32
      %add3A_1204 = arith.addi %mul3A_1170, %add3A_1203 : i32
      %swap3A_1205 = arith.index_cast %add3A_1204 : i32 to index
      %swap3A_1206 = tpu.vector_load %arg12[%swap3A_1205] {strides = array<i32>} : memref<16256xf32, #tpu.memory_space<vmem>>, vector<16xf32>,
      tpu.vector_store %arg12[%swap3A_1205], %get3A_1179 {strides = array<i32>} : memref<16256xf32, #tpu.memory_space<vmem>>, vector<16xf32>,
      %add3A_1207 = arith.constant 48 : i32
      %add3A_1208 = arith.addi %mul3A_1170, %add3A_1207 : i32
      %swap3A_1209 = arith.index_cast %add3A_1208 : i32 to index
      %swap3A_1210 = tpu.vector_load %arg12[%swap3A_1209] {strides = array<i32>} : memref<16256xf32, #tpu.memory_space<vmem>>, vector<16xf32>,
      tpu.vector_store %arg12[%swap3A_1209], %get3A_1182 {strides = array<i32>} : memref<16256xf32, #tpu.memory_space<vmem>>, vector<16xf32>,
      %add3A_1211 = arith.constant 64 : i32
      %add3A_1212 = arith.addi %mul3A_1170, %add3A_1211 : i32
      %swap3A_1213 = arith.index_cast %add3A_1212 : i32 to index
      %swap3A_1214 = tpu.vector_load %arg12[%swap3A_1213] {strides = array<i32>} : memref<16256xf32, #tpu.memory_space<vmem>>, vector<16xf32>,
      tpu.vector_store %arg12[%swap3A_1213], %get3A_1185 {strides = array<i32>} : memref<16256xf32, #tpu.memory_space<vmem>>, vector<16xf32>,
      %add3A_1215 = arith.constant 80 : i32
      %add3A_1216 = arith.addi %mul3A_1170, %add3A_1215 : i32
      %swap3A_1217 = arith.index_cast %add3A_1216 : i32 to index
      %swap3A_1218 = tpu.vector_load %arg12[%swap3A_1217] {strides = array<i32>} : memref<16256xf32, #tpu.memory_space<vmem>>, vector<16xf32>,
      tpu.vector_store %arg12[%swap3A_1217], %get3A_1188 {strides = array<i32>} : memref<16256xf32, #tpu.memory_space<vmem>>, vector<16xf32>,
      %add3A_1219 = arith.constant 96 : i32
      %add3A_1220 = arith.addi %mul3A_1170, %add3A_1219 : i32
      %swap3A_1221 = arith.index_cast %add3A_1220 : i32 to index
      %swap3A_1222 = tpu.vector_load %arg12[%swap3A_1221] {strides = array<i32>} : memref<16256xf32, #tpu.memory_space<vmem>>, vector<16xf32>,
      tpu.vector_store %arg12[%swap3A_1221], %get3A_1191 {strides = array<i32>} : memref<16256xf32, #tpu.memory_space<vmem>>, vector<16xf32>,
      %add3A_1223 = arith.constant 111 : i32
      %add3A_1224 = arith.addi %mul3A_1170, %add3A_1223 : i32
      %swap3A_1225 = arith.index_cast %add3A_1224 : i32 to index
      %swap3A_1226 = tpu.vector_load %arg12[%swap3A_1225] {strides = array<i32>} : memref<16256xf32, #tpu.memory_space<vmem>>, vector<16xf32>,
      tpu.vector_store %arg12[%swap3A_1225], %get3A_1194 {strides = array<i32>} : memref<16256xf32, #tpu.memory_space<vmem>>, vector<16xf32>,
    }
    %scan3A_485 = arith.constant 64 : i32
    %mul3A_486 = arith.constant 127 : i32
    %mul3A_487 = vector.broadcast %mul3A_486 : i32 to vector<16xi32>
    %mul3A_488 = arith.muli %iota3A, %mul3A_487 : vector<16xi32>
    %add3A_489 = arith.constant 0 : i32
    %add3A_490 = vector.broadcast %add3A_489 : i32 to vector<16xi32>
    %add3A_491 = arith.addi %mul3A_488, %add3A_490 : vector<16xi32>
    %mul3A_492 = arith.constant 127 : i32
    %mul3A_493 = vector.broadcast %mul3A_492 : i32 to vector<16xi32>
    %mul3A_494 = arith.muli %iota3A, %mul3A_493 : vector<16xi32>
    %add3A_495 = arith.constant 2032 : i32
    %add3A_496 = vector.broadcast %add3A_495 : i32 to vector<16xi32>
    %add3A_497 = arith.addi %mul3A_494, %add3A_496 : vector<16xi32>
    %mul3A_498 = arith.constant 127 : i32
    %mul3A_499 = vector.broadcast %mul3A_498 : i32 to vector<16xi32>
    %mul3A_500 = arith.muli %iota3A, %mul3A_499 : vector<16xi32>
    %add3A_501 = arith.constant 4064 : i32
    %add3A_502 = vector.broadcast %add3A_501 : i32 to vector<16xi32>
    %add3A_503 = arith.addi %mul3A_500, %add3A_502 : vector<16xi32>
    %mul3A_504 = arith.constant 127 : i32
    %mul3A_505 = vector.broadcast %mul3A_504 : i32 to vector<16xi32>
    %mul3A_506 = arith.muli %iota3A, %mul3A_505 : vector<16xi32>
    %add3A_507 = arith.constant 6096 : i32
    %add3A_508 = vector.broadcast %add3A_507 : i32 to vector<16xi32>
    %add3A_509 = arith.addi %mul3A_506, %add3A_508 : vector<16xi32>
    %mul3A_510 = arith.constant 127 : i32
    %mul3A_511 = vector.broadcast %mul3A_510 : i32 to vector<16xi32>
    %mul3A_512 = arith.muli %iota3A, %mul3A_511 : vector<16xi32>
    %add3A_513 = arith.constant 8128 : i32
    %add3A_514 = vector.broadcast %add3A_513 : i32 to vector<16xi32>
    %add3A_515 = arith.addi %mul3A_512, %add3A_514 : vector<16xi32>
    %mul3A_516 = arith.constant 127 : i32
    %mul3A_517 = vector.broadcast %mul3A_516 : i32 to vector<16xi32>
    %mul3A_518 = arith.muli %iota3A, %mul3A_517 : vector<16xi32>
    %add3A_519 = arith.constant 10160 : i32
    %add3A_520 = vector.broadcast %add3A_519 : i32 to vector<16xi32>
    %add3A_521 = arith.addi %mul3A_518, %add3A_520 : vector<16xi32>
    %mul3A_522 = arith.constant 127 : i32
    %mul3A_523 = vector.broadcast %mul3A_522 : i32 to vector<16xi32>
    %mul3A_524 = arith.muli %iota3A, %mul3A_523 : vector<16xi32>
    %add3A_525 = arith.constant 12192 : i32
    %add3A_526 = vector.broadcast %add3A_525 : i32 to vector<16xi32>
    %add3A_527 = arith.addi %mul3A_524, %add3A_526 : vector<16xi32>
    %mul3A_528 = arith.constant 127 : i32
    %mul3A_529 = vector.broadcast %mul3A_528 : i32 to vector<16xi32>
    %mul3A_530 = arith.muli %iota3A, %mul3A_529 : vector<16xi32>
    %add3A_531 = arith.constant 14224 : i32
    %add3A_532 = vector.broadcast %add3A_531 : i32 to vector<16xi32>
    %add3A_533 = arith.addi %mul3A_530, %add3A_532 : vector<16xi32>
    %scan3A_534 = arith.constant 0 : i32
    %scan3A_535 = arith.constant 0 : i32
    %scan3A_536 = arith.constant 59 : i32
    %scan3A_537 = arith.addi %scan3A_535, %scan3A_536 : i32
    %scan3A_538 = arith.constant 1 : i32
    scf.for %scan3A_1104 = %scan3A_535 to %scan3A_537 step %scan3A_538  : i32 {
      %mul3A_1105 = arith.constant 2 : i32
      %mul3A_1106 = arith.muli %scan3A_1104, %mul3A_1105 : i32
      %add3A_1107 = arith.constant 0 : i32
      %add3A_1108 = arith.addi %mul3A_1106, %add3A_1107 : i32
      %mul3A_1109 = arith.constant 16 : i32
      %mul3A_1110 = arith.muli %add3A_1108, %mul3A_1109 : i32
      %get3A = arith.index_cast %mul3A_1110 : i32 to index
      %get3A_1111 = tpu.vector_load %arg5[%get3A] {strides = array<i32>} : memref<1888xi32, #tpu.memory_space<vmem>>, vector<16xi32>,
      %add3A_1112 = arith.addi %add3A_491, %get3A_1111 : vector<16xi32>
      %gather3A = tpu.vector_load_idx %arg12[%add3A_1112] : memref<16256xf32, #tpu.memory_space<vmem>>[vector<16xi32>], vector<16xf32>,
      %add3A_1113 = arith.addi %add3A_497, %get3A_1111 : vector<16xi32>
      %gather3A_1114 = tpu.vector_load_idx %arg12[%add3A_1113] : memref<16256xf32, #tpu.memory_space<vmem>>[vector<16xi32>], vector<16xf32>,
      %add3A_1115 = arith.addi %add3A_503, %get3A_1111 : vector<16xi32>
      %gather3A_1116 = tpu.vector_load_idx %arg12[%add3A_1115] : memref<16256xf32, #tpu.memory_space<vmem>>[vector<16xi32>], vector<16xf32>,
      %add3A_1117 = arith.addi %add3A_509, %get3A_1111 : vector<16xi32>
      %gather3A_1118 = tpu.vector_load_idx %arg12[%add3A_1117] : memref<16256xf32, #tpu.memory_space<vmem>>[vector<16xi32>], vector<16xf32>,
      %add3A_1119 = arith.addi %add3A_515, %get3A_1111 : vector<16xi32>
      %gather3A_1120 = tpu.vector_load_idx %arg12[%add3A_1119] : memref<16256xf32, #tpu.memory_space<vmem>>[vector<16xi32>], vector<16xf32>,
      %add3A_1121 = arith.addi %add3A_521, %get3A_1111 : vector<16xi32>
      %gather3A_1122 = tpu.vector_load_idx %arg12[%add3A_1121] : memref<16256xf32, #tpu.memory_space<vmem>>[vector<16xi32>], vector<16xf32>,
      %add3A_1123 = arith.addi %add3A_527, %get3A_1111 : vector<16xi32>
      %gather3A_1124 = tpu.vector_load_idx %arg12[%add3A_1123] : memref<16256xf32, #tpu.memory_space<vmem>>[vector<16xi32>], vector<16xf32>,
      %add3A_1125 = arith.addi %add3A_533, %get3A_1111 : vector<16xi32>
      %gather3A_1126 = tpu.vector_load_idx %arg12[%add3A_1125] : memref<16256xf32, #tpu.memory_space<vmem>>[vector<16xi32>], vector<16xf32>,
      %swap3A = arith.index_cast %add3A_1108 : i32 to index
      %swap3A_1127 = arith.constant 0 : index
      %swap3A_1128 = tpu.vector_load %arg11[%swap3A, %swap3A_1127] {strides = array<i32>} : memref<118x128xf32, #tpu.memory_space<vmem>>, vector<16xf32>,
      tpu.vector_store %arg11[%swap3A, %swap3A_1127], %gather3A {strides = array<i32>} : memref<118x128xf32, #tpu.memory_space<vmem>>, vector<16xf32>,
      %swap3A_1129 = arith.index_cast %add3A_1108 : i32 to index
      %swap3A_1130 = arith.constant 16 : index
      %swap3A_1131 = tpu.vector_load %arg11[%swap3A_1129, %swap3A_1130] {strides = array<i32>} : memref<118x128xf32, #tpu.memory_space<vmem>>, vector<16xf32>,
      tpu.vector_store %arg11[%swap3A_1129, %swap3A_1130], %gather3A_1114 {strides = array<i32>} : memref<118x128xf32, #tpu.memory_space<vmem>>, vector<16xf32>,
      %swap3A_1132 = arith.index_cast %add3A_1108 : i32 to index
      %swap3A_1133 = arith.constant 32 : index
      %swap3A_1134 = tpu.vector_load %arg11[%swap3A_1132, %swap3A_1133] {strides = array<i32>} : memref<118x128xf32, #tpu.memory_space<vmem>>, vector<16xf32>,
      tpu.vector_store %arg11[%swap3A_1132, %swap3A_1133], %gather3A_1116 {strides = array<i32>} : memref<118x128xf32, #tpu.memory_space<vmem>>, vector<16xf32>,
      %swap3A_1135 = arith.index_cast %add3A_1108 : i32 to index
      %swap3A_1136 = arith.constant 48 : index
      %swap3A_1137 = tpu.vector_load %arg11[%swap3A_1135, %swap3A_1136] {strides = array<i32>} : memref<118x128xf32, #tpu.memory_space<vmem>>, vector<16xf32>,
      tpu.vector_store %arg11[%swap3A_1135, %swap3A_1136], %gather3A_1118 {strides = array<i32>} : memref<118x128xf32, #tpu.memory_space<vmem>>, vector<16xf32>,
      %swap3A_1138 = arith.index_cast %add3A_1108 : i32 to index
      %swap3A_1139 = arith.constant 64 : index
      %swap3A_1140 = tpu.vector_load %arg11[%swap3A_1138, %swap3A_1139] {strides = array<i32>} : memref<118x128xf32, #tpu.memory_space<vmem>>, vector<16xf32>,
      tpu.vector_store %arg11[%swap3A_1138, %swap3A_1139], %gather3A_1120 {strides = array<i32>} : memref<118x128xf32, #tpu.memory_space<vmem>>, vector<16xf32>,
      %swap3A_1141 = arith.index_cast %add3A_1108 : i32 to index
      %swap3A_1142 = arith.constant 80 : index
      %swap3A_1143 = tpu.vector_load %arg11[%swap3A_1141, %swap3A_1142] {strides = array<i32>} : memref<118x128xf32, #tpu.memory_space<vmem>>, vector<16xf32>,
      tpu.vector_store %arg11[%swap3A_1141, %swap3A_1142], %gather3A_1122 {strides = array<i32>} : memref<118x128xf32, #tpu.memory_space<vmem>>, vector<16xf32>,
      %swap3A_1144 = arith.index_cast %add3A_1108 : i32 to index
      %swap3A_1145 = arith.constant 96 : index
      %swap3A_1146 = tpu.vector_load %arg11[%swap3A_1144, %swap3A_1145] {strides = array<i32>} : memref<118x128xf32, #tpu.memory_space<vmem>>, vector<16xf32>,
      tpu.vector_store %arg11[%swap3A_1144, %swap3A_1145], %gather3A_1124 {strides = array<i32>} : memref<118x128xf32, #tpu.memory_space<vmem>>, vector<16xf32>,
      %swap3A_1147 = arith.index_cast %add3A_1108 : i32 to index
      %swap3A_1148 = arith.constant 112 : index
      %swap3A_1149 = tpu.vector_load %arg11[%swap3A_1147, %swap3A_1148] {strides = array<i32>} : memref<118x128xf32, #tpu.memory_space<vmem>>, vector<16xf32>,
      tpu.vector_store %arg11[%swap3A_1147, %swap3A_1148], %gather3A_1126 {strides = array<i32>} : memref<118x128xf32, #tpu.memory_space<vmem>>, vector<16xf32>,
      %mul3A_1150 = arith.constant 2 : i32
      %mul3A_1151 = arith.muli %scan3A_1104, %mul3A_1150 : i32
      %add3A_1152 = arith.constant 1 : i32
      %add3A_1153 = arith.addi %mul3A_1151, %add3A_1152 : i32
      %mul3A_1154 = arith.constant 16 : i32
      %mul3A_1155 = arith.muli %add3A_1153, %mul3A_1154 : i32
      %get3A_1156 = arith.index_cast %mul3A_1155 : i32 to index
      %get3A_1157 = tpu.vector_load %arg5[%get3A_1156] {strides = array<i32>} : memref<1888xi32, #tpu.memory_space<vmem>>, vector<16xi32>,
      %add3A_1158 = arith.addi %add3A_491, %get3A_1157 : vector<16xi32>
      %gather3A_1159 = tpu.vector_load_idx %arg12[%add3A_1158] : memref<16256xf32, #tpu.memory_space<vmem>>[vector<16xi32>], vector<16xf32>,
      %add3A_1160 = arith.addi %add3A_497, %get3A_1157 : vector<16xi32>
      %gather3A_1161 = tpu.vector_load_idx %arg12[%add3A_1160] : memref<16256xf32, #tpu.memory_space<vmem>>[vector<16xi32>], vector<16xf32>,
      %add3A_1162 = arith.addi %add3A_503, %get3A_1157 : vector<16xi32>
      %gather3A_1163 = tpu.vector_load_idx %arg12[%add3A_1162] : memref<16256xf32, #tpu.memory_space<vmem>>[vector<16xi32>], vector<16xf32>,
      %add3A_1164 = arith.addi %add3A_509, %get3A_1157 : vector<16xi32>
      %gather3A_1165 = tpu.vector_load_idx %arg12[%add3A_1164] : memref<16256xf32, #tpu.memory_space<vmem>>[vector<16xi32>], vector<16xf32>,
      %add3A_1166 = arith.addi %add3A_515, %get3A_1157 : vector<16xi32>
      %gather3A_1167 = tpu.vector_load_idx %arg12[%add3A_1166] : memref<16256xf32, #tpu.memory_space<vmem>>[vector<16xi32>], vector<16xf32>,
      %add3A_1168 = arith.addi %add3A_521, %get3A_1157 : vector<16xi32>
      %gather3A_1169 = tpu.vector_load_idx %arg12[%add3A_1168] : memref<16256xf32, #tpu.memory_space<vmem>>[vector<16xi32>], vector<16xf32>,
      %add3A_1170 = arith.addi %add3A_527, %get3A_1157 : vector<16xi32>
      %gather3A_1171 = tpu.vector_load_idx %arg12[%add3A_1170] : memref<16256xf32, #tpu.memory_space<vmem>>[vector<16xi32>], vector<16xf32>,
      %add3A_1172 = arith.addi %add3A_533, %get3A_1157 : vector<16xi32>
      %gather3A_1173 = tpu.vector_load_idx %arg12[%add3A_1172] : memref<16256xf32, #tpu.memory_space<vmem>>[vector<16xi32>], vector<16xf32>,
      %swap3A_1174 = arith.index_cast %add3A_1153 : i32 to index
      %swap3A_1175 = arith.constant 0 : index
      %swap3A_1176 = tpu.vector_load %arg11[%swap3A_1174, %swap3A_1175] {strides = array<i32>} : memref<118x128xf32, #tpu.memory_space<vmem>>, vector<16xf32>,
      tpu.vector_store %arg11[%swap3A_1174, %swap3A_1175], %gather3A_1159 {strides = array<i32>} : memref<118x128xf32, #tpu.memory_space<vmem>>, vector<16xf32>,
      %swap3A_1177 = arith.index_cast %add3A_1153 : i32 to index
      %swap3A_1178 = arith.constant 16 : index
      %swap3A_1179 = tpu.vector_load %arg11[%swap3A_1177, %swap3A_1178] {strides = array<i32>} : memref<118x128xf32, #tpu.memory_space<vmem>>, vector<16xf32>,
      tpu.vector_store %arg11[%swap3A_1177, %swap3A_1178], %gather3A_1161 {strides = array<i32>} : memref<118x128xf32, #tpu.memory_space<vmem>>, vector<16xf32>,
      %swap3A_1180 = arith.index_cast %add3A_1153 : i32 to index
      %swap3A_1181 = arith.constant 32 : index
      %swap3A_1182 = tpu.vector_load %arg11[%swap3A_1180, %swap3A_1181] {strides = array<i32>} : memref<118x128xf32, #tpu.memory_space<vmem>>, vector<16xf32>,
      tpu.vector_store %arg11[%swap3A_1180, %swap3A_1181], %gather3A_1163 {strides = array<i32>} : memref<118x128xf32, #tpu.memory_space<vmem>>, vector<16xf32>,
      %swap3A_1183 = arith.index_cast %add3A_1153 : i32 to index
      %swap3A_1184 = arith.constant 48 : index
      %swap3A_1185 = tpu.vector_load %arg11[%swap3A_1183, %swap3A_1184] {strides = array<i32>} : memref<118x128xf32, #tpu.memory_space<vmem>>, vector<16xf32>,
      tpu.vector_store %arg11[%swap3A_1183, %swap3A_1184], %gather3A_1165 {strides = array<i32>} : memref<118x128xf32, #tpu.memory_space<vmem>>, vector<16xf32>,
      %swap3A_1186 = arith.index_cast %add3A_1153 : i32 to index
      %swap3A_1187 = arith.constant 64 : index
      %swap3A_1188 = tpu.vector_load %arg11[%swap3A_1186, %swap3A_1187] {strides = array<i32>} : memref<118x128xf32, #tpu.memory_space<vmem>>, vector<16xf32>,
      tpu.vector_store %arg11[%swap3A_1186, %swap3A_1187], %gather3A_1167 {strides = array<i32>} : memref<118x128xf32, #tpu.memory_space<vmem>>, vector<16xf32>,
      %swap3A_1189 = arith.index_cast %add3A_1153 : i32 to index
      %swap3A_1190 = arith.constant 80 : index
      %swap3A_1191 = tpu.vector_load %arg11[%swap3A_1189, %swap3A_1190] {strides = array<i32>} : memref<118x128xf32, #tpu.memory_space<vmem>>, vector<16xf32>,
      tpu.vector_store %arg11[%swap3A_1189, %swap3A_1190], %gather3A_1169 {strides = array<i32>} : memref<118x128xf32, #tpu.memory_space<vmem>>, vector<16xf32>,
      %swap3A_1192 = arith.index_cast %add3A_1153 : i32 to index
      %swap3A_1193 = arith.constant 96 : index
      %swap3A_1194 = tpu.vector_load %arg11[%swap3A_1192, %swap3A_1193] {strides = array<i32>} : memref<118x128xf32, #tpu.memory_space<vmem>>, vector<16xf32>,
      tpu.vector_store %arg11[%swap3A_1192, %swap3A_1193], %gather3A_1171 {strides = array<i32>} : memref<118x128xf32, #tpu.memory_space<vmem>>, vector<16xf32>,
      %swap3A_1195 = arith.index_cast %add3A_1153 : i32 to index
      %swap3A_1196 = arith.constant 112 : index
      %swap3A_1197 = tpu.vector_load %arg11[%swap3A_1195, %swap3A_1196] {strides = array<i32>} : memref<118x128xf32, #tpu.memory_space<vmem>>, vector<16xf32>,
      tpu.vector_store %arg11[%swap3A_1195, %swap3A_1196], %gather3A_1173 {strides = array<i32>} : memref<118x128xf32, #tpu.memory_space<vmem>>, vector<16xf32>,
    }
    %scan3A_539 = arith.constant 59 : i32
    %add3A_540 = arith.constant 128 : i32
    %add3A_541 = arith.addi %mul3A_2, %add3A_540 : i32
    %dma_start3A_542 = arith.constant 2 : i32
    %dma_start3A_543 = arith.constant 0 : i32
    %dma_start3A_544 = tpu.memref_slice %arg4[%dma_start3A_542, %dma_start3A_543, %add3A_541] : memref<3x118x16384xf32, #tpu.memory_space<hbm>> -> memref<1x118x128xf32, #tpu.memory_space<hbm>>
    %dma_start3A_545 = tpu.memref_squeeze %dma_start3A_544 : memref<1x118x128xf32, #tpu.memory_space<hbm>> -> memref<118x128xf32, #tpu.memory_space<hbm>>
    %dma_start3A_546 = arith.constant 0 : i32
    %dma_start3A_547 = tpu.memref_slice %arg4[%dma_start3A_542, %dma_start3A_546, %add3A_541] : memref<3x118x16384xf32, #tpu.memory_space<hbm>> -> memref<1x118x128xf32, #tpu.memory_space<hbm>>
    %dma_start3A_548 = tpu.memref_squeeze %dma_start3A_547 : memref<1x118x128xf32, #tpu.memory_space<hbm>> -> memref<118x128xf32, #tpu.memory_space<hbm>>
    tpu.enqueue_dma source(%arg11 : memref<118x128xf32, #tpu.memory_space<vmem>>) target(%dma_start3A_548 : memref<118x128xf32, #tpu.memory_space<hbm>>) target_semaphore(%arg19 : memref<!tpu.dma_semaphore, #tpu.memory_space<semaphore_mem>>)
    %add3A_549 = arith.constant 256 : i32
    %add3A_550 = arith.addi %mul3A_2, %add3A_549 : i32
    %dma_start3A_551 = arith.constant 2 : i32
    %dma_start3A_552 = arith.constant 0 : i32
    %dma_start3A_553 = tpu.memref_slice %arg2[%dma_start3A_551, %add3A_550, %dma_start3A_552] : memref<3x16384x127xf32, #tpu.memory_space<hbm>> -> memref<1x128x127xf32, #tpu.memory_space<hbm>>
    %dma_start3A_554 = tpu.memref_squeeze %dma_start3A_553 : memref<1x128x127xf32, #tpu.memory_space<hbm>> -> memref<128x127xf32, #tpu.memory_space<hbm>>
    %dma_start3A_555 = arith.constant 0 : i32
    %dma_start3A_556 = tpu.memref_slice %arg2[%dma_start3A_551, %add3A_550, %dma_start3A_555] : memref<3x16384x127xf32, #tpu.memory_space<hbm>> -> memref<1x128x127xf32, #tpu.memory_space<hbm>>
    %dma_start3A_557 = tpu.memref_squeeze %dma_start3A_556 : memref<1x128x127xf32, #tpu.memory_space<hbm>> -> memref<128x127xf32, #tpu.memory_space<hbm>>
    tpu.enqueue_dma source(%dma_start3A_557 : memref<128x127xf32, #tpu.memory_space<hbm>>) target(%arg8 : memref<128x127xf32, #tpu.memory_space<vmem>>) target_semaphore(%arg16 : memref<!tpu.dma_semaphore, #tpu.memory_space<semaphore_mem>>)
    %dma_wait3A_558 = arith.constant 0 : i32
    %dma_wait3A_559 = arith.constant 0 : i32
    %dma_wait3A_560 = tpu.memref_slice %arg2[%dma_wait3A_558, %add3A_366, %dma_wait3A_559] : memref<3x16384x127xf32, #tpu.memory_space<hbm>> -> memref<1x128x127xf32, #tpu.memory_space<hbm>>
    %dma_wait3A_561 = tpu.memref_squeeze %dma_wait3A_560 : memref<1x128x127xf32, #tpu.memory_space<hbm>> -> memref<128x127xf32, #tpu.memory_space<hbm>>
    %dma_wait3A_562 = arith.constant 0 : i32
    %dma_wait3A_563 = tpu.memref_slice %arg2[%dma_wait3A_558, %add3A_366, %dma_wait3A_562] : memref<3x16384x127xf32, #tpu.memory_space<hbm>> -> memref<1x128x127xf32, #tpu.memory_space<hbm>>
    %dma_wait3A_564 = tpu.memref_squeeze %dma_wait3A_563 : memref<1x128x127xf32, #tpu.memory_space<hbm>> -> memref<128x127xf32, #tpu.memory_space<hbm>>
    tpu.wait_dma2 semaphore(%arg14 : memref<!tpu.dma_semaphore, #tpu.memory_space<semaphore_mem>>) src(%dma_wait3A_564 : memref<128x127xf32, #tpu.memory_space<hbm>>) dst(%arg6 : memref<128x127xf32, #tpu.memory_space<vmem>>)
    %dma_wait3A_565 = arith.constant 0 : i32
    %dma_wait3A_566 = arith.constant 0 : i32
    %dma_wait3A_567 = tpu.memref_slice %arg4[%dma_wait3A_565, %dma_wait3A_566, %add3A_357] : memref<3x118x16384xf32, #tpu.memory_space<hbm>> -> memref<1x118x128xf32, #tpu.memory_space<hbm>>
    %dma_wait3A_568 = tpu.memref_squeeze %dma_wait3A_567 : memref<1x118x128xf32, #tpu.memory_space<hbm>> -> memref<118x128xf32, #tpu.memory_space<hbm>>
    %dma_wait3A_569 = arith.constant 0 : i32
    %dma_wait3A_570 = tpu.memref_slice %arg4[%dma_wait3A_565, %dma_wait3A_569, %add3A_357] : memref<3x118x16384xf32, #tpu.memory_space<hbm>> -> memref<1x118x128xf32, #tpu.memory_space<hbm>>
    %dma_wait3A_571 = tpu.memref_squeeze %dma_wait3A_570 : memref<1x118x128xf32, #tpu.memory_space<hbm>> -> memref<118x128xf32, #tpu.memory_space<hbm>>
    tpu.wait_dma2 semaphore(%arg17 : memref<!tpu.dma_semaphore, #tpu.memory_space<semaphore_mem>>) src(%arg9 : memref<118x128xf32, #tpu.memory_space<vmem>>) dst(%dma_wait3A_571 : memref<118x128xf32, #tpu.memory_space<hbm>>)
    %scan3A_572 = arith.constant 0 : i32
    %scan3A_573 = arith.constant 0 : i32
    %scan3A_574 = arith.constant 64 : i32
    %scan3A_575 = arith.addi %scan3A_573, %scan3A_574 : i32
    %scan3A_576 = arith.constant 1 : i32
    scf.for %scan3A_1104 = %scan3A_573 to %scan3A_575 step %scan3A_576  : i32 {
      %mul3A_1105 = arith.constant 2 : i32
      %mul3A_1106 = arith.muli %scan3A_1104, %mul3A_1105 : i32
      %add3A_1107 = arith.constant 0 : i32
      %add3A_1108 = arith.addi %mul3A_1106, %add3A_1107 : i32
      %mul3A_1109 = arith.constant 127 : i32
      %mul3A_1110 = arith.muli %add3A_1108, %mul3A_1109 : i32
      %get3A = arith.index_cast %add3A_1108 : i32 to index
      %get3A_1111 = arith.constant 0 : index
      %get3A_1112 = tpu.vector_load %arg6[%get3A, %get3A_1111] {strides = array<i32>} : memref<128x127xf32, #tpu.memory_space<vmem>>, vector<16xf32>,
      %get3A_1113 = arith.index_cast %add3A_1108 : i32 to index
      %get3A_1114 = arith.constant 16 : index
      %get3A_1115 = tpu.vector_load %arg6[%get3A_1113, %get3A_1114] {strides = array<i32>} : memref<128x127xf32, #tpu.memory_space<vmem>>, vector<16xf32>,
      %get3A_1116 = arith.index_cast %add3A_1108 : i32 to index
      %get3A_1117 = arith.constant 32 : index
      %get3A_1118 = tpu.vector_load %arg6[%get3A_1116, %get3A_1117] {strides = array<i32>} : memref<128x127xf32, #tpu.memory_space<vmem>>, vector<16xf32>,
      %get3A_1119 = arith.index_cast %add3A_1108 : i32 to index
      %get3A_1120 = arith.constant 48 : index
      %get3A_1121 = tpu.vector_load %arg6[%get3A_1119, %get3A_1120] {strides = array<i32>} : memref<128x127xf32, #tpu.memory_space<vmem>>, vector<16xf32>,
      %get3A_1122 = arith.index_cast %add3A_1108 : i32 to index
      %get3A_1123 = arith.constant 64 : index
      %get3A_1124 = tpu.vector_load %arg6[%get3A_1122, %get3A_1123] {strides = array<i32>} : memref<128x127xf32, #tpu.memory_space<vmem>>, vector<16xf32>,
      %get3A_1125 = arith.index_cast %add3A_1108 : i32 to index
      %get3A_1126 = arith.constant 80 : index
      %get3A_1127 = tpu.vector_load %arg6[%get3A_1125, %get3A_1126] {strides = array<i32>} : memref<128x127xf32, #tpu.memory_space<vmem>>, vector<16xf32>,
      %get3A_1128 = arith.index_cast %add3A_1108 : i32 to index
      %get3A_1129 = arith.constant 96 : index
      %get3A_1130 = tpu.vector_load %arg6[%get3A_1128, %get3A_1129] {strides = array<i32>} : memref<128x127xf32, #tpu.memory_space<vmem>>, vector<16xf32>,
      %get3A_1131 = arith.index_cast %add3A_1108 : i32 to index
      %get3A_1132 = arith.constant 111 : index
      %get3A_1133 = tpu.vector_load %arg6[%get3A_1131, %get3A_1132] {strides = array<i32>} : memref<128x127xf32, #tpu.memory_space<vmem>>, vector<16xf32>,
      %add3A_1134 = arith.constant 0 : i32
      %add3A_1135 = arith.addi %mul3A_1110, %add3A_1134 : i32
      %swap3A = arith.index_cast %add3A_1135 : i32 to index
      %swap3A_1136 = tpu.vector_load %arg12[%swap3A] {strides = array<i32>} : memref<16256xf32, #tpu.memory_space<vmem>>, vector<16xf32>,
      tpu.vector_store %arg12[%swap3A], %get3A_1112 {strides = array<i32>} : memref<16256xf32, #tpu.memory_space<vmem>>, vector<16xf32>,
      %add3A_1137 = arith.constant 16 : i32
      %add3A_1138 = arith.addi %mul3A_1110, %add3A_1137 : i32
      %swap3A_1139 = arith.index_cast %add3A_1138 : i32 to index
      %swap3A_1140 = tpu.vector_load %arg12[%swap3A_1139] {strides = array<i32>} : memref<16256xf32, #tpu.memory_space<vmem>>, vector<16xf32>,
      tpu.vector_store %arg12[%swap3A_1139], %get3A_1115 {strides = array<i32>} : memref<16256xf32, #tpu.memory_space<vmem>>, vector<16xf32>,
      %add3A_1141 = arith.constant 32 : i32
      %add3A_1142 = arith.addi %mul3A_1110, %add3A_1141 : i32
      %swap3A_1143 = arith.index_cast %add3A_1142 : i32 to index
      %swap3A_1144 = tpu.vector_load %arg12[%swap3A_1143] {strides = array<i32>} : memref<16256xf32, #tpu.memory_space<vmem>>, vector<16xf32>,
      tpu.vector_store %arg12[%swap3A_1143], %get3A_1118 {strides = array<i32>} : memref<16256xf32, #tpu.memory_space<vmem>>, vector<16xf32>,
      %add3A_1145 = arith.constant 48 : i32
      %add3A_1146 = arith.addi %mul3A_1110, %add3A_1145 : i32
      %swap3A_1147 = arith.index_cast %add3A_1146 : i32 to index
      %swap3A_1148 = tpu.vector_load %arg12[%swap3A_1147] {strides = array<i32>} : memref<16256xf32, #tpu.memory_space<vmem>>, vector<16xf32>,
      tpu.vector_store %arg12[%swap3A_1147], %get3A_1121 {strides = array<i32>} : memref<16256xf32, #tpu.memory_space<vmem>>, vector<16xf32>,
      %add3A_1149 = arith.constant 64 : i32
      %add3A_1150 = arith.addi %mul3A_1110, %add3A_1149 : i32
      %swap3A_1151 = arith.index_cast %add3A_1150 : i32 to index
      %swap3A_1152 = tpu.vector_load %arg12[%swap3A_1151] {strides = array<i32>} : memref<16256xf32, #tpu.memory_space<vmem>>, vector<16xf32>,
      tpu.vector_store %arg12[%swap3A_1151], %get3A_1124 {strides = array<i32>} : memref<16256xf32, #tpu.memory_space<vmem>>, vector<16xf32>,
      %add3A_1153 = arith.constant 80 : i32
      %add3A_1154 = arith.addi %mul3A_1110, %add3A_1153 : i32
      %swap3A_1155 = arith.index_cast %add3A_1154 : i32 to index
      %swap3A_1156 = tpu.vector_load %arg12[%swap3A_1155] {strides = array<i32>} : memref<16256xf32, #tpu.memory_space<vmem>>, vector<16xf32>,
      tpu.vector_store %arg12[%swap3A_1155], %get3A_1127 {strides = array<i32>} : memref<16256xf32, #tpu.memory_space<vmem>>, vector<16xf32>,
      %add3A_1157 = arith.constant 96 : i32
      %add3A_1158 = arith.addi %mul3A_1110, %add3A_1157 : i32
      %swap3A_1159 = arith.index_cast %add3A_1158 : i32 to index
      %swap3A_1160 = tpu.vector_load %arg12[%swap3A_1159] {strides = array<i32>} : memref<16256xf32, #tpu.memory_space<vmem>>, vector<16xf32>,
      tpu.vector_store %arg12[%swap3A_1159], %get3A_1130 {strides = array<i32>} : memref<16256xf32, #tpu.memory_space<vmem>>, vector<16xf32>,
      %add3A_1161 = arith.constant 111 : i32
      %add3A_1162 = arith.addi %mul3A_1110, %add3A_1161 : i32
      %swap3A_1163 = arith.index_cast %add3A_1162 : i32 to index
      %swap3A_1164 = tpu.vector_load %arg12[%swap3A_1163] {strides = array<i32>} : memref<16256xf32, #tpu.memory_space<vmem>>, vector<16xf32>,
      tpu.vector_store %arg12[%swap3A_1163], %get3A_1133 {strides = array<i32>} : memref<16256xf32, #tpu.memory_space<vmem>>, vector<16xf32>,
      %mul3A_1165 = arith.constant 2 : i32
      %mul3A_1166 = arith.muli %scan3A_1104, %mul3A_1165 : i32
      %add3A_1167 = arith.constant 1 : i32
      %add3A_1168 = arith.addi %mul3A_1166, %add3A_1167 : i32
      %mul3A_1169 = arith.constant 127 : i32
      %mul3A_1170 = arith.muli %add3A_1168, %mul3A_1169 : i32
      %get3A_1171 = arith.index_cast %add3A_1168 : i32 to index
      %get3A_1172 = arith.constant 0 : index
      %get3A_1173 = tpu.vector_load %arg6[%get3A_1171, %get3A_1172] {strides = array<i32>} : memref<128x127xf32, #tpu.memory_space<vmem>>, vector<16xf32>,
      %get3A_1174 = arith.index_cast %add3A_1168 : i32 to index
      %get3A_1175 = arith.constant 16 : index
      %get3A_1176 = tpu.vector_load %arg6[%get3A_1174, %get3A_1175] {strides = array<i32>} : memref<128x127xf32, #tpu.memory_space<vmem>>, vector<16xf32>,
      %get3A_1177 = arith.index_cast %add3A_1168 : i32 to index
      %get3A_1178 = arith.constant 32 : index
      %get3A_1179 = tpu.vector_load %arg6[%get3A_1177, %get3A_1178] {strides = array<i32>} : memref<128x127xf32, #tpu.memory_space<vmem>>, vector<16xf32>,
      %get3A_1180 = arith.index_cast %add3A_1168 : i32 to index
      %get3A_1181 = arith.constant 48 : index
      %get3A_1182 = tpu.vector_load %arg6[%get3A_1180, %get3A_1181] {strides = array<i32>} : memref<128x127xf32, #tpu.memory_space<vmem>>, vector<16xf32>,
      %get3A_1183 = arith.index_cast %add3A_1168 : i32 to index
      %get3A_1184 = arith.constant 64 : index
      %get3A_1185 = tpu.vector_load %arg6[%get3A_1183, %get3A_1184] {strides = array<i32>} : memref<128x127xf32, #tpu.memory_space<vmem>>, vector<16xf32>,
      %get3A_1186 = arith.index_cast %add3A_1168 : i32 to index
      %get3A_1187 = arith.constant 80 : index
      %get3A_1188 = tpu.vector_load %arg6[%get3A_1186, %get3A_1187] {strides = array<i32>} : memref<128x127xf32, #tpu.memory_space<vmem>>, vector<16xf32>,
      %get3A_1189 = arith.index_cast %add3A_1168 : i32 to index
      %get3A_1190 = arith.constant 96 : index
      %get3A_1191 = tpu.vector_load %arg6[%get3A_1189, %get3A_1190] {strides = array<i32>} : memref<128x127xf32, #tpu.memory_space<vmem>>, vector<16xf32>,
      %get3A_1192 = arith.index_cast %add3A_1168 : i32 to index
      %get3A_1193 = arith.constant 111 : index
      %get3A_1194 = tpu.vector_load %arg6[%get3A_1192, %get3A_1193] {strides = array<i32>} : memref<128x127xf32, #tpu.memory_space<vmem>>, vector<16xf32>,
      %add3A_1195 = arith.constant 0 : i32
      %add3A_1196 = arith.addi %mul3A_1170, %add3A_1195 : i32
      %swap3A_1197 = arith.index_cast %add3A_1196 : i32 to index
      %swap3A_1198 = tpu.vector_load %arg12[%swap3A_1197] {strides = array<i32>} : memref<16256xf32, #tpu.memory_space<vmem>>, vector<16xf32>,
      tpu.vector_store %arg12[%swap3A_1197], %get3A_1173 {strides = array<i32>} : memref<16256xf32, #tpu.memory_space<vmem>>, vector<16xf32>,
      %add3A_1199 = arith.constant 16 : i32
      %add3A_1200 = arith.addi %mul3A_1170, %add3A_1199 : i32
      %swap3A_1201 = arith.index_cast %add3A_1200 : i32 to index
      %swap3A_1202 = tpu.vector_load %arg12[%swap3A_1201] {strides = array<i32>} : memref<16256xf32, #tpu.memory_space<vmem>>, vector<16xf32>,
      tpu.vector_store %arg12[%swap3A_1201], %get3A_1176 {strides = array<i32>} : memref<16256xf32, #tpu.memory_space<vmem>>, vector<16xf32>,
      %add3A_1203 = arith.constant 32 : i32
      %add3A_1204 = arith.addi %mul3A_1170, %add3A_1203 : i32
      %swap3A_1205 = arith.index_cast %add3A_1204 : i32 to index
      %swap3A_1206 = tpu.vector_load %arg12[%swap3A_1205] {strides = array<i32>} : memref<16256xf32, #tpu.memory_space<vmem>>, vector<16xf32>,
      tpu.vector_store %arg12[%swap3A_1205], %get3A_1179 {strides = array<i32>} : memref<16256xf32, #tpu.memory_space<vmem>>, vector<16xf32>,
      %add3A_1207 = arith.constant 48 : i32
      %add3A_1208 = arith.addi %mul3A_1170, %add3A_1207 : i32
      %swap3A_1209 = arith.index_cast %add3A_1208 : i32 to index
      %swap3A_1210 = tpu.vector_load %arg12[%swap3A_1209] {strides = array<i32>} : memref<16256xf32, #tpu.memory_space<vmem>>, vector<16xf32>,
      tpu.vector_store %arg12[%swap3A_1209], %get3A_1182 {strides = array<i32>} : memref<16256xf32, #tpu.memory_space<vmem>>, vector<16xf32>,
      %add3A_1211 = arith.constant 64 : i32
      %add3A_1212 = arith.addi %mul3A_1170, %add3A_1211 : i32
      %swap3A_1213 = arith.index_cast %add3A_1212 : i32 to index
      %swap3A_1214 = tpu.vector_load %arg12[%swap3A_1213] {strides = array<i32>} : memref<16256xf32, #tpu.memory_space<vmem>>, vector<16xf32>,
      tpu.vector_store %arg12[%swap3A_1213], %get3A_1185 {strides = array<i32>} : memref<16256xf32, #tpu.memory_space<vmem>>, vector<16xf32>,
      %add3A_1215 = arith.constant 80 : i32
      %add3A_1216 = arith.addi %mul3A_1170, %add3A_1215 : i32
      %swap3A_1217 = arith.index_cast %add3A_1216 : i32 to index
      %swap3A_1218 = tpu.vector_load %arg12[%swap3A_1217] {strides = array<i32>} : memref<16256xf32, #tpu.memory_space<vmem>>, vector<16xf32>,
      tpu.vector_store %arg12[%swap3A_1217], %get3A_1188 {strides = array<i32>} : memref<16256xf32, #tpu.memory_space<vmem>>, vector<16xf32>,
      %add3A_1219 = arith.constant 96 : i32
      %add3A_1220 = arith.addi %mul3A_1170, %add3A_1219 : i32
      %swap3A_1221 = arith.index_cast %add3A_1220 : i32 to index
      %swap3A_1222 = tpu.vector_load %arg12[%swap3A_1221] {strides = array<i32>} : memref<16256xf32, #tpu.memory_space<vmem>>, vector<16xf32>,
      tpu.vector_store %arg12[%swap3A_1221], %get3A_1191 {strides = array<i32>} : memref<16256xf32, #tpu.memory_space<vmem>>, vector<16xf32>,
      %add3A_1223 = arith.constant 111 : i32
      %add3A_1224 = arith.addi %mul3A_1170, %add3A_1223 : i32
      %swap3A_1225 = arith.index_cast %add3A_1224 : i32 to index
      %swap3A_1226 = tpu.vector_load %arg12[%swap3A_1225] {strides = array<i32>} : memref<16256xf32, #tpu.memory_space<vmem>>, vector<16xf32>,
      tpu.vector_store %arg12[%swap3A_1225], %get3A_1194 {strides = array<i32>} : memref<16256xf32, #tpu.memory_space<vmem>>, vector<16xf32>,
    }
    %scan3A_577 = arith.constant 64 : i32
    %mul3A_578 = arith.constant 127 : i32
    %mul3A_579 = vector.broadcast %mul3A_578 : i32 to vector<16xi32>
    %mul3A_580 = arith.muli %iota3A, %mul3A_579 : vector<16xi32>
    %add3A_581 = arith.constant 0 : i32
    %add3A_582 = vector.broadcast %add3A_581 : i32 to vector<16xi32>
    %add3A_583 = arith.addi %mul3A_580, %add3A_582 : vector<16xi32>
    %mul3A_584 = arith.constant 127 : i32
    %mul3A_585 = vector.broadcast %mul3A_584 : i32 to vector<16xi32>
    %mul3A_586 = arith.muli %iota3A, %mul3A_585 : vector<16xi32>
    %add3A_587 = arith.constant 2032 : i32
    %add3A_588 = vector.broadcast %add3A_587 : i32 to vector<16xi32>
    %add3A_589 = arith.addi %mul3A_586, %add3A_588 : vector<16xi32>
    %mul3A_590 = arith.constant 127 : i32
    %mul3A_591 = vector.broadcast %mul3A_590 : i32 to vector<16xi32>
    %mul3A_592 = arith.muli %iota3A, %mul3A_591 : vector<16xi32>
    %add3A_593 = arith.constant 4064 : i32
    %add3A_594 = vector.broadcast %add3A_593 : i32 to vector<16xi32>
    %add3A_595 = arith.addi %mul3A_592, %add3A_594 : vector<16xi32>
    %mul3A_596 = arith.constant 127 : i32
    %mul3A_597 = vector.broadcast %mul3A_596 : i32 to vector<16xi32>
    %mul3A_598 = arith.muli %iota3A, %mul3A_597 : vector<16xi32>
    %add3A_599 = arith.constant 6096 : i32
    %add3A_600 = vector.broadcast %add3A_599 : i32 to vector<16xi32>
    %add3A_601 = arith.addi %mul3A_598, %add3A_600 : vector<16xi32>
    %mul3A_602 = arith.constant 127 : i32
    %mul3A_603 = vector.broadcast %mul3A_602 : i32 to vector<16xi32>
    %mul3A_604 = arith.muli %iota3A, %mul3A_603 : vector<16xi32>
    %add3A_605 = arith.constant 8128 : i32
    %add3A_606 = vector.broadcast %add3A_605 : i32 to vector<16xi32>
    %add3A_607 = arith.addi %mul3A_604, %add3A_606 : vector<16xi32>
    %mul3A_608 = arith.constant 127 : i32
    %mul3A_609 = vector.broadcast %mul3A_608 : i32 to vector<16xi32>
    %mul3A_610 = arith.muli %iota3A, %mul3A_609 : vector<16xi32>
    %add3A_611 = arith.constant 10160 : i32
    %add3A_612 = vector.broadcast %add3A_611 : i32 to vector<16xi32>
    %add3A_613 = arith.addi %mul3A_610, %add3A_612 : vector<16xi32>
    %mul3A_614 = arith.constant 127 : i32
    %mul3A_615 = vector.broadcast %mul3A_614 : i32 to vector<16xi32>
    %mul3A_616 = arith.muli %iota3A, %mul3A_615 : vector<16xi32>
    %add3A_617 = arith.constant 12192 : i32
    %add3A_618 = vector.broadcast %add3A_617 : i32 to vector<16xi32>
    %add3A_619 = arith.addi %mul3A_616, %add3A_618 : vector<16xi32>
    %mul3A_620 = arith.constant 127 : i32
    %mul3A_621 = vector.broadcast %mul3A_620 : i32 to vector<16xi32>
    %mul3A_622 = arith.muli %iota3A, %mul3A_621 : vector<16xi32>
    %add3A_623 = arith.constant 14224 : i32
    %add3A_624 = vector.broadcast %add3A_623 : i32 to vector<16xi32>
    %add3A_625 = arith.addi %mul3A_622, %add3A_624 : vector<16xi32>
    %scan3A_626 = arith.constant 0 : i32
    %scan3A_627 = arith.constant 0 : i32
    %scan3A_628 = arith.constant 59 : i32
    %scan3A_629 = arith.addi %scan3A_627, %scan3A_628 : i32
    %scan3A_630 = arith.constant 1 : i32
    scf.for %scan3A_1104 = %scan3A_627 to %scan3A_629 step %scan3A_630  : i32 {
      %mul3A_1105 = arith.constant 2 : i32
      %mul3A_1106 = arith.muli %scan3A_1104, %mul3A_1105 : i32
      %add3A_1107 = arith.constant 0 : i32
      %add3A_1108 = arith.addi %mul3A_1106, %add3A_1107 : i32
      %mul3A_1109 = arith.constant 16 : i32
      %mul3A_1110 = arith.muli %add3A_1108, %mul3A_1109 : i32
      %get3A = arith.index_cast %mul3A_1110 : i32 to index
      %get3A_1111 = tpu.vector_load %arg5[%get3A] {strides = array<i32>} : memref<1888xi32, #tpu.memory_space<vmem>>, vector<16xi32>,
      %add3A_1112 = arith.addi %add3A_583, %get3A_1111 : vector<16xi32>
      %gather3A = tpu.vector_load_idx %arg12[%add3A_1112] : memref<16256xf32, #tpu.memory_space<vmem>>[vector<16xi32>], vector<16xf32>,
      %add3A_1113 = arith.addi %add3A_589, %get3A_1111 : vector<16xi32>
      %gather3A_1114 = tpu.vector_load_idx %arg12[%add3A_1113] : memref<16256xf32, #tpu.memory_space<vmem>>[vector<16xi32>], vector<16xf32>,
      %add3A_1115 = arith.addi %add3A_595, %get3A_1111 : vector<16xi32>
      %gather3A_1116 = tpu.vector_load_idx %arg12[%add3A_1115] : memref<16256xf32, #tpu.memory_space<vmem>>[vector<16xi32>], vector<16xf32>,
      %add3A_1117 = arith.addi %add3A_601, %get3A_1111 : vector<16xi32>
      %gather3A_1118 = tpu.vector_load_idx %arg12[%add3A_1117] : memref<16256xf32, #tpu.memory_space<vmem>>[vector<16xi32>], vector<16xf32>,
      %add3A_1119 = arith.addi %add3A_607, %get3A_1111 : vector<16xi32>
      %gather3A_1120 = tpu.vector_load_idx %arg12[%add3A_1119] : memref<16256xf32, #tpu.memory_space<vmem>>[vector<16xi32>], vector<16xf32>,
      %add3A_1121 = arith.addi %add3A_613, %get3A_1111 : vector<16xi32>
      %gather3A_1122 = tpu.vector_load_idx %arg12[%add3A_1121] : memref<16256xf32, #tpu.memory_space<vmem>>[vector<16xi32>], vector<16xf32>,
      %add3A_1123 = arith.addi %add3A_619, %get3A_1111 : vector<16xi32>
      %gather3A_1124 = tpu.vector_load_idx %arg12[%add3A_1123] : memref<16256xf32, #tpu.memory_space<vmem>>[vector<16xi32>], vector<16xf32>,
      %add3A_1125 = arith.addi %add3A_625, %get3A_1111 : vector<16xi32>
      %gather3A_1126 = tpu.vector_load_idx %arg12[%add3A_1125] : memref<16256xf32, #tpu.memory_space<vmem>>[vector<16xi32>], vector<16xf32>,
      %swap3A = arith.index_cast %add3A_1108 : i32 to index
      %swap3A_1127 = arith.constant 0 : index
      %swap3A_1128 = tpu.vector_load %arg9[%swap3A, %swap3A_1127] {strides = array<i32>} : memref<118x128xf32, #tpu.memory_space<vmem>>, vector<16xf32>,
      tpu.vector_store %arg9[%swap3A, %swap3A_1127], %gather3A {strides = array<i32>} : memref<118x128xf32, #tpu.memory_space<vmem>>, vector<16xf32>,
      %swap3A_1129 = arith.index_cast %add3A_1108 : i32 to index
      %swap3A_1130 = arith.constant 16 : index
      %swap3A_1131 = tpu.vector_load %arg9[%swap3A_1129, %swap3A_1130] {strides = array<i32>} : memref<118x128xf32, #tpu.memory_space<vmem>>, vector<16xf32>,
      tpu.vector_store %arg9[%swap3A_1129, %swap3A_1130], %gather3A_1114 {strides = array<i32>} : memref<118x128xf32, #tpu.memory_space<vmem>>, vector<16xf32>,
      %swap3A_1132 = arith.index_cast %add3A_1108 : i32 to index
      %swap3A_1133 = arith.constant 32 : index
      %swap3A_1134 = tpu.vector_load %arg9[%swap3A_1132, %swap3A_1133] {strides = array<i32>} : memref<118x128xf32, #tpu.memory_space<vmem>>, vector<16xf32>,
      tpu.vector_store %arg9[%swap3A_1132, %swap3A_1133], %gather3A_1116 {strides = array<i32>} : memref<118x128xf32, #tpu.memory_space<vmem>>, vector<16xf32>,
      %swap3A_1135 = arith.index_cast %add3A_1108 : i32 to index
      %swap3A_1136 = arith.constant 48 : index
      %swap3A_1137 = tpu.vector_load %arg9[%swap3A_1135, %swap3A_1136] {strides = array<i32>} : memref<118x128xf32, #tpu.memory_space<vmem>>, vector<16xf32>,
      tpu.vector_store %arg9[%swap3A_1135, %swap3A_1136], %gather3A_1118 {strides = array<i32>} : memref<118x128xf32, #tpu.memory_space<vmem>>, vector<16xf32>,
      %swap3A_1138 = arith.index_cast %add3A_1108 : i32 to index
      %swap3A_1139 = arith.constant 64 : index
      %swap3A_1140 = tpu.vector_load %arg9[%swap3A_1138, %swap3A_1139] {strides = array<i32>} : memref<118x128xf32, #tpu.memory_space<vmem>>, vector<16xf32>,
      tpu.vector_store %arg9[%swap3A_1138, %swap3A_1139], %gather3A_1120 {strides = array<i32>} : memref<118x128xf32, #tpu.memory_space<vmem>>, vector<16xf32>,
      %swap3A_1141 = arith.index_cast %add3A_1108 : i32 to index
      %swap3A_1142 = arith.constant 80 : index
      %swap3A_1143 = tpu.vector_load %arg9[%swap3A_1141, %swap3A_1142] {strides = array<i32>} : memref<118x128xf32, #tpu.memory_space<vmem>>, vector<16xf32>,
      tpu.vector_store %arg9[%swap3A_1141, %swap3A_1142], %gather3A_1122 {strides = array<i32>} : memref<118x128xf32, #tpu.memory_space<vmem>>, vector<16xf32>,
      %swap3A_1144 = arith.index_cast %add3A_1108 : i32 to index
      %swap3A_1145 = arith.constant 96 : index
      %swap3A_1146 = tpu.vector_load %arg9[%swap3A_1144, %swap3A_1145] {strides = array<i32>} : memref<118x128xf32, #tpu.memory_space<vmem>>, vector<16xf32>,
      tpu.vector_store %arg9[%swap3A_1144, %swap3A_1145], %gather3A_1124 {strides = array<i32>} : memref<118x128xf32, #tpu.memory_space<vmem>>, vector<16xf32>,
      %swap3A_1147 = arith.index_cast %add3A_1108 : i32 to index
      %swap3A_1148 = arith.constant 112 : index
      %swap3A_1149 = tpu.vector_load %arg9[%swap3A_1147, %swap3A_1148] {strides = array<i32>} : memref<118x128xf32, #tpu.memory_space<vmem>>, vector<16xf32>,
      tpu.vector_store %arg9[%swap3A_1147, %swap3A_1148], %gather3A_1126 {strides = array<i32>} : memref<118x128xf32, #tpu.memory_space<vmem>>, vector<16xf32>,
      %mul3A_1150 = arith.constant 2 : i32
      %mul3A_1151 = arith.muli %scan3A_1104, %mul3A_1150 : i32
      %add3A_1152 = arith.constant 1 : i32
      %add3A_1153 = arith.addi %mul3A_1151, %add3A_1152 : i32
      %mul3A_1154 = arith.constant 16 : i32
      %mul3A_1155 = arith.muli %add3A_1153, %mul3A_1154 : i32
      %get3A_1156 = arith.index_cast %mul3A_1155 : i32 to index
      %get3A_1157 = tpu.vector_load %arg5[%get3A_1156] {strides = array<i32>} : memref<1888xi32, #tpu.memory_space<vmem>>, vector<16xi32>,
      %add3A_1158 = arith.addi %add3A_583, %get3A_1157 : vector<16xi32>
      %gather3A_1159 = tpu.vector_load_idx %arg12[%add3A_1158] : memref<16256xf32, #tpu.memory_space<vmem>>[vector<16xi32>], vector<16xf32>,
      %add3A_1160 = arith.addi %add3A_589, %get3A_1157 : vector<16xi32>
      %gather3A_1161 = tpu.vector_load_idx %arg12[%add3A_1160] : memref<16256xf32, #tpu.memory_space<vmem>>[vector<16xi32>], vector<16xf32>,
      %add3A_1162 = arith.addi %add3A_595, %get3A_1157 : vector<16xi32>
      %gather3A_1163 = tpu.vector_load_idx %arg12[%add3A_1162] : memref<16256xf32, #tpu.memory_space<vmem>>[vector<16xi32>], vector<16xf32>,
      %add3A_1164 = arith.addi %add3A_601, %get3A_1157 : vector<16xi32>
      %gather3A_1165 = tpu.vector_load_idx %arg12[%add3A_1164] : memref<16256xf32, #tpu.memory_space<vmem>>[vector<16xi32>], vector<16xf32>,
      %add3A_1166 = arith.addi %add3A_607, %get3A_1157 : vector<16xi32>
      %gather3A_1167 = tpu.vector_load_idx %arg12[%add3A_1166] : memref<16256xf32, #tpu.memory_space<vmem>>[vector<16xi32>], vector<16xf32>,
      %add3A_1168 = arith.addi %add3A_613, %get3A_1157 : vector<16xi32>
      %gather3A_1169 = tpu.vector_load_idx %arg12[%add3A_1168] : memref<16256xf32, #tpu.memory_space<vmem>>[vector<16xi32>], vector<16xf32>,
      %add3A_1170 = arith.addi %add3A_619, %get3A_1157 : vector<16xi32>
      %gather3A_1171 = tpu.vector_load_idx %arg12[%add3A_1170] : memref<16256xf32, #tpu.memory_space<vmem>>[vector<16xi32>], vector<16xf32>,
      %add3A_1172 = arith.addi %add3A_625, %get3A_1157 : vector<16xi32>
      %gather3A_1173 = tpu.vector_load_idx %arg12[%add3A_1172] : memref<16256xf32, #tpu.memory_space<vmem>>[vector<16xi32>], vector<16xf32>,
      %swap3A_1174 = arith.index_cast %add3A_1153 : i32 to index
      %swap3A_1175 = arith.constant 0 : index
      %swap3A_1176 = tpu.vector_load %arg9[%swap3A_1174, %swap3A_1175] {strides = array<i32>} : memref<118x128xf32, #tpu.memory_space<vmem>>, vector<16xf32>,
      tpu.vector_store %arg9[%swap3A_1174, %swap3A_1175], %gather3A_1159 {strides = array<i32>} : memref<118x128xf32, #tpu.memory_space<vmem>>, vector<16xf32>,
      %swap3A_1177 = arith.index_cast %add3A_1153 : i32 to index
      %swap3A_1178 = arith.constant 16 : index
      %swap3A_1179 = tpu.vector_load %arg9[%swap3A_1177, %swap3A_1178] {strides = array<i32>} : memref<118x128xf32, #tpu.memory_space<vmem>>, vector<16xf32>,
      tpu.vector_store %arg9[%swap3A_1177, %swap3A_1178], %gather3A_1161 {strides = array<i32>} : memref<118x128xf32, #tpu.memory_space<vmem>>, vector<16xf32>,
      %swap3A_1180 = arith.index_cast %add3A_1153 : i32 to index
      %swap3A_1181 = arith.constant 32 : index
      %swap3A_1182 = tpu.vector_load %arg9[%swap3A_1180, %swap3A_1181] {strides = array<i32>} : memref<118x128xf32, #tpu.memory_space<vmem>>, vector<16xf32>,
      tpu.vector_store %arg9[%swap3A_1180, %swap3A_1181], %gather3A_1163 {strides = array<i32>} : memref<118x128xf32, #tpu.memory_space<vmem>>, vector<16xf32>,
      %swap3A_1183 = arith.index_cast %add3A_1153 : i32 to index
      %swap3A_1184 = arith.constant 48 : index
      %swap3A_1185 = tpu.vector_load %arg9[%swap3A_1183, %swap3A_1184] {strides = array<i32>} : memref<118x128xf32, #tpu.memory_space<vmem>>, vector<16xf32>,
      tpu.vector_store %arg9[%swap3A_1183, %swap3A_1184], %gather3A_1165 {strides = array<i32>} : memref<118x128xf32, #tpu.memory_space<vmem>>, vector<16xf32>,
      %swap3A_1186 = arith.index_cast %add3A_1153 : i32 to index
      %swap3A_1187 = arith.constant 64 : index
      %swap3A_1188 = tpu.vector_load %arg9[%swap3A_1186, %swap3A_1187] {strides = array<i32>} : memref<118x128xf32, #tpu.memory_space<vmem>>, vector<16xf32>,
      tpu.vector_store %arg9[%swap3A_1186, %swap3A_1187], %gather3A_1167 {strides = array<i32>} : memref<118x128xf32, #tpu.memory_space<vmem>>, vector<16xf32>,
      %swap3A_1189 = arith.index_cast %add3A_1153 : i32 to index
      %swap3A_1190 = arith.constant 80 : index
      %swap3A_1191 = tpu.vector_load %arg9[%swap3A_1189, %swap3A_1190] {strides = array<i32>} : memref<118x128xf32, #tpu.memory_space<vmem>>, vector<16xf32>,
      tpu.vector_store %arg9[%swap3A_1189, %swap3A_1190], %gather3A_1169 {strides = array<i32>} : memref<118x128xf32, #tpu.memory_space<vmem>>, vector<16xf32>,
      %swap3A_1192 = arith.index_cast %add3A_1153 : i32 to index
      %swap3A_1193 = arith.constant 96 : index
      %swap3A_1194 = tpu.vector_load %arg9[%swap3A_1192, %swap3A_1193] {strides = array<i32>} : memref<118x128xf32, #tpu.memory_space<vmem>>, vector<16xf32>,
      tpu.vector_store %arg9[%swap3A_1192, %swap3A_1193], %gather3A_1171 {strides = array<i32>} : memref<118x128xf32, #tpu.memory_space<vmem>>, vector<16xf32>,
      %swap3A_1195 = arith.index_cast %add3A_1153 : i32 to index
      %swap3A_1196 = arith.constant 112 : index
      %swap3A_1197 = tpu.vector_load %arg9[%swap3A_1195, %swap3A_1196] {strides = array<i32>} : memref<118x128xf32, #tpu.memory_space<vmem>>, vector<16xf32>,
      tpu.vector_store %arg9[%swap3A_1195, %swap3A_1196], %gather3A_1173 {strides = array<i32>} : memref<118x128xf32, #tpu.memory_space<vmem>>, vector<16xf32>,
    }
    %scan3A_631 = arith.constant 59 : i32
    %add3A_632 = arith.constant 256 : i32
    %add3A_633 = arith.addi %mul3A_2, %add3A_632 : i32
    %dma_start3A_634 = arith.constant 0 : i32
    %dma_start3A_635 = arith.constant 0 : i32
    %dma_start3A_636 = tpu.memref_slice %arg4[%dma_start3A_634, %dma_start3A_635, %add3A_633] : memref<3x118x16384xf32, #tpu.memory_space<hbm>> -> memref<1x118x128xf32, #tpu.memory_space<hbm>>
    %dma_start3A_637 = tpu.memref_squeeze %dma_start3A_636 : memref<1x118x128xf32, #tpu.memory_space<hbm>> -> memref<118x128xf32, #tpu.memory_space<hbm>>
    %dma_start3A_638 = arith.constant 0 : i32
    %dma_start3A_639 = tpu.memref_slice %arg4[%dma_start3A_634, %dma_start3A_638, %add3A_633] : memref<3x118x16384xf32, #tpu.memory_space<hbm>> -> memref<1x118x128xf32, #tpu.memory_space<hbm>>
    %dma_start3A_640 = tpu.memref_squeeze %dma_start3A_639 : memref<1x118x128xf32, #tpu.memory_space<hbm>> -> memref<118x128xf32, #tpu.memory_space<hbm>>
    tpu.enqueue_dma source(%arg9 : memref<118x128xf32, #tpu.memory_space<vmem>>) target(%dma_start3A_640 : memref<118x128xf32, #tpu.memory_space<hbm>>) target_semaphore(%arg17 : memref<!tpu.dma_semaphore, #tpu.memory_space<semaphore_mem>>)
    %add3A_641 = arith.constant 384 : i32
    %add3A_642 = arith.addi %mul3A_2, %add3A_641 : i32
    %dma_start3A_643 = arith.constant 0 : i32
    %dma_start3A_644 = arith.constant 0 : i32
    %dma_start3A_645 = tpu.memref_slice %arg2[%dma_start3A_643, %add3A_642, %dma_start3A_644] : memref<3x16384x127xf32, #tpu.memory_space<hbm>> -> memref<1x128x127xf32, #tpu.memory_space<hbm>>
    %dma_start3A_646 = tpu.memref_squeeze %dma_start3A_645 : memref<1x128x127xf32, #tpu.memory_space<hbm>> -> memref<128x127xf32, #tpu.memory_space<hbm>>
    %dma_start3A_647 = arith.constant 0 : i32
    %dma_start3A_648 = tpu.memref_slice %arg2[%dma_start3A_643, %add3A_642, %dma_start3A_647] : memref<3x16384x127xf32, #tpu.memory_space<hbm>> -> memref<1x128x127xf32, #tpu.memory_space<hbm>>
    %dma_start3A_649 = tpu.memref_squeeze %dma_start3A_648 : memref<1x128x127xf32, #tpu.memory_space<hbm>> -> memref<128x127xf32, #tpu.memory_space<hbm>>
    tpu.enqueue_dma source(%dma_start3A_649 : memref<128x127xf32, #tpu.memory_space<hbm>>) target(%arg6 : memref<128x127xf32, #tpu.memory_space<vmem>>) target_semaphore(%arg14 : memref<!tpu.dma_semaphore, #tpu.memory_space<semaphore_mem>>)
    %dma_wait3A_650 = arith.constant 1 : i32
    %dma_wait3A_651 = arith.constant 0 : i32
    %dma_wait3A_652 = tpu.memref_slice %arg2[%dma_wait3A_650, %add3A_458, %dma_wait3A_651] : memref<3x16384x127xf32, #tpu.memory_space<hbm>> -> memref<1x128x127xf32, #tpu.memory_space<hbm>>
    %dma_wait3A_653 = tpu.memref_squeeze %dma_wait3A_652 : memref<1x128x127xf32, #tpu.memory_space<hbm>> -> memref<128x127xf32, #tpu.memory_space<hbm>>
    %dma_wait3A_654 = arith.constant 0 : i32
    %dma_wait3A_655 = tpu.memref_slice %arg2[%dma_wait3A_650, %add3A_458, %dma_wait3A_654] : memref<3x16384x127xf32, #tpu.memory_space<hbm>> -> memref<1x128x127xf32, #tpu.memory_space<hbm>>
    %dma_wait3A_656 = tpu.memref_squeeze %dma_wait3A_655 : memref<1x128x127xf32, #tpu.memory_space<hbm>> -> memref<128x127xf32, #tpu.memory_space<hbm>>
    tpu.wait_dma2 semaphore(%arg15 : memref<!tpu.dma_semaphore, #tpu.memory_space<semaphore_mem>>) src(%dma_wait3A_656 : memref<128x127xf32, #tpu.memory_space<hbm>>) dst(%arg7 : memref<128x127xf32, #tpu.memory_space<vmem>>)
    %dma_wait3A_657 = arith.constant 1 : i32
    %dma_wait3A_658 = arith.constant 0 : i32
    %dma_wait3A_659 = tpu.memref_slice %arg4[%dma_wait3A_657, %dma_wait3A_658, %add3A_449] : memref<3x118x16384xf32, #tpu.memory_space<hbm>> -> memref<1x118x128xf32, #tpu.memory_space<hbm>>
    %dma_wait3A_660 = tpu.memref_squeeze %dma_wait3A_659 : memref<1x118x128xf32, #tpu.memory_space<hbm>> -> memref<118x128xf32, #tpu.memory_space<hbm>>
    %dma_wait3A_661 = arith.constant 0 : i32
    %dma_wait3A_662 = tpu.memref_slice %arg4[%dma_wait3A_657, %dma_wait3A_661, %add3A_449] : memref<3x118x16384xf32, #tpu.memory_space<hbm>> -> memref<1x118x128xf32, #tpu.memory_space<hbm>>
    %dma_wait3A_663 = tpu.memref_squeeze %dma_wait3A_662 : memref<1x118x128xf32, #tpu.memory_space<hbm>> -> memref<118x128xf32, #tpu.memory_space<hbm>>
    tpu.wait_dma2 semaphore(%arg18 : memref<!tpu.dma_semaphore, #tpu.memory_space<semaphore_mem>>) src(%arg10 : memref<118x128xf32, #tpu.memory_space<vmem>>) dst(%dma_wait3A_663 : memref<118x128xf32, #tpu.memory_space<hbm>>)
    %scan3A_664 = arith.constant 0 : i32
    %scan3A_665 = arith.constant 0 : i32
    %scan3A_666 = arith.constant 64 : i32
    %scan3A_667 = arith.addi %scan3A_665, %scan3A_666 : i32
    %scan3A_668 = arith.constant 1 : i32
    scf.for %scan3A_1104 = %scan3A_665 to %scan3A_667 step %scan3A_668  : i32 {
      %mul3A_1105 = arith.constant 2 : i32
      %mul3A_1106 = arith.muli %scan3A_1104, %mul3A_1105 : i32
      %add3A_1107 = arith.constant 0 : i32
      %add3A_1108 = arith.addi %mul3A_1106, %add3A_1107 : i32
      %mul3A_1109 = arith.constant 127 : i32
      %mul3A_1110 = arith.muli %add3A_1108, %mul3A_1109 : i32
      %get3A = arith.index_cast %add3A_1108 : i32 to index
      %get3A_1111 = arith.constant 0 : index
      %get3A_1112 = tpu.vector_load %arg7[%get3A, %get3A_1111] {strides = array<i32>} : memref<128x127xf32, #tpu.memory_space<vmem>>, vector<16xf32>,
      %get3A_1113 = arith.index_cast %add3A_1108 : i32 to index
      %get3A_1114 = arith.constant 16 : index
      %get3A_1115 = tpu.vector_load %arg7[%get3A_1113, %get3A_1114] {strides = array<i32>} : memref<128x127xf32, #tpu.memory_space<vmem>>, vector<16xf32>,
      %get3A_1116 = arith.index_cast %add3A_1108 : i32 to index
      %get3A_1117 = arith.constant 32 : index
      %get3A_1118 = tpu.vector_load %arg7[%get3A_1116, %get3A_1117] {strides = array<i32>} : memref<128x127xf32, #tpu.memory_space<vmem>>, vector<16xf32>,
      %get3A_1119 = arith.index_cast %add3A_1108 : i32 to index
      %get3A_1120 = arith.constant 48 : index
      %get3A_1121 = tpu.vector_load %arg7[%get3A_1119, %get3A_1120] {strides = array<i32>} : memref<128x127xf32, #tpu.memory_space<vmem>>, vector<16xf32>,
      %get3A_1122 = arith.index_cast %add3A_1108 : i32 to index
      %get3A_1123 = arith.constant 64 : index
      %get3A_1124 = tpu.vector_load %arg7[%get3A_1122, %get3A_1123] {strides = array<i32>} : memref<128x127xf32, #tpu.memory_space<vmem>>, vector<16xf32>,
      %get3A_1125 = arith.index_cast %add3A_1108 : i32 to index
      %get3A_1126 = arith.constant 80 : index
      %get3A_1127 = tpu.vector_load %arg7[%get3A_1125, %get3A_1126] {strides = array<i32>} : memref<128x127xf32, #tpu.memory_space<vmem>>, vector<16xf32>,
      %get3A_1128 = arith.index_cast %add3A_1108 : i32 to index
      %get3A_1129 = arith.constant 96 : index
      %get3A_1130 = tpu.vector_load %arg7[%get3A_1128, %get3A_1129] {strides = array<i32>} : memref<128x127xf32, #tpu.memory_space<vmem>>, vector<16xf32>,
      %get3A_1131 = arith.index_cast %add3A_1108 : i32 to index
      %get3A_1132 = arith.constant 111 : index
      %get3A_1133 = tpu.vector_load %arg7[%get3A_1131, %get3A_1132] {strides = array<i32>} : memref<128x127xf32, #tpu.memory_space<vmem>>, vector<16xf32>,
      %add3A_1134 = arith.constant 0 : i32
      %add3A_1135 = arith.addi %mul3A_1110, %add3A_1134 : i32
      %swap3A = arith.index_cast %add3A_1135 : i32 to index
      %swap3A_1136 = tpu.vector_load %arg12[%swap3A] {strides = array<i32>} : memref<16256xf32, #tpu.memory_space<vmem>>, vector<16xf32>,
      tpu.vector_store %arg12[%swap3A], %get3A_1112 {strides = array<i32>} : memref<16256xf32, #tpu.memory_space<vmem>>, vector<16xf32>,
      %add3A_1137 = arith.constant 16 : i32
      %add3A_1138 = arith.addi %mul3A_1110, %add3A_1137 : i32
      %swap3A_1139 = arith.index_cast %add3A_1138 : i32 to index
      %swap3A_1140 = tpu.vector_load %arg12[%swap3A_1139] {strides = array<i32>} : memref<16256xf32, #tpu.memory_space<vmem>>, vector<16xf32>,
      tpu.vector_store %arg12[%swap3A_1139], %get3A_1115 {strides = array<i32>} : memref<16256xf32, #tpu.memory_space<vmem>>, vector<16xf32>,
      %add3A_1141 = arith.constant 32 : i32
      %add3A_1142 = arith.addi %mul3A_1110, %add3A_1141 : i32
      %swap3A_1143 = arith.index_cast %add3A_1142 : i32 to index
      %swap3A_1144 = tpu.vector_load %arg12[%swap3A_1143] {strides = array<i32>} : memref<16256xf32, #tpu.memory_space<vmem>>, vector<16xf32>,
      tpu.vector_store %arg12[%swap3A_1143], %get3A_1118 {strides = array<i32>} : memref<16256xf32, #tpu.memory_space<vmem>>, vector<16xf32>,
      %add3A_1145 = arith.constant 48 : i32
      %add3A_1146 = arith.addi %mul3A_1110, %add3A_1145 : i32
      %swap3A_1147 = arith.index_cast %add3A_1146 : i32 to index
      %swap3A_1148 = tpu.vector_load %arg12[%swap3A_1147] {strides = array<i32>} : memref<16256xf32, #tpu.memory_space<vmem>>, vector<16xf32>,
      tpu.vector_store %arg12[%swap3A_1147], %get3A_1121 {strides = array<i32>} : memref<16256xf32, #tpu.memory_space<vmem>>, vector<16xf32>,
      %add3A_1149 = arith.constant 64 : i32
      %add3A_1150 = arith.addi %mul3A_1110, %add3A_1149 : i32
      %swap3A_1151 = arith.index_cast %add3A_1150 : i32 to index
      %swap3A_1152 = tpu.vector_load %arg12[%swap3A_1151] {strides = array<i32>} : memref<16256xf32, #tpu.memory_space<vmem>>, vector<16xf32>,
      tpu.vector_store %arg12[%swap3A_1151], %get3A_1124 {strides = array<i32>} : memref<16256xf32, #tpu.memory_space<vmem>>, vector<16xf32>,
      %add3A_1153 = arith.constant 80 : i32
      %add3A_1154 = arith.addi %mul3A_1110, %add3A_1153 : i32
      %swap3A_1155 = arith.index_cast %add3A_1154 : i32 to index
      %swap3A_1156 = tpu.vector_load %arg12[%swap3A_1155] {strides = array<i32>} : memref<16256xf32, #tpu.memory_space<vmem>>, vector<16xf32>,
      tpu.vector_store %arg12[%swap3A_1155], %get3A_1127 {strides = array<i32>} : memref<16256xf32, #tpu.memory_space<vmem>>, vector<16xf32>,
      %add3A_1157 = arith.constant 96 : i32
      %add3A_1158 = arith.addi %mul3A_1110, %add3A_1157 : i32
      %swap3A_1159 = arith.index_cast %add3A_1158 : i32 to index
      %swap3A_1160 = tpu.vector_load %arg12[%swap3A_1159] {strides = array<i32>} : memref<16256xf32, #tpu.memory_space<vmem>>, vector<16xf32>,
      tpu.vector_store %arg12[%swap3A_1159], %get3A_1130 {strides = array<i32>} : memref<16256xf32, #tpu.memory_space<vmem>>, vector<16xf32>,
      %add3A_1161 = arith.constant 111 : i32
      %add3A_1162 = arith.addi %mul3A_1110, %add3A_1161 : i32
      %swap3A_1163 = arith.index_cast %add3A_1162 : i32 to index
      %swap3A_1164 = tpu.vector_load %arg12[%swap3A_1163] {strides = array<i32>} : memref<16256xf32, #tpu.memory_space<vmem>>, vector<16xf32>,
      tpu.vector_store %arg12[%swap3A_1163], %get3A_1133 {strides = array<i32>} : memref<16256xf32, #tpu.memory_space<vmem>>, vector<16xf32>,
      %mul3A_1165 = arith.constant 2 : i32
      %mul3A_1166 = arith.muli %scan3A_1104, %mul3A_1165 : i32
      %add3A_1167 = arith.constant 1 : i32
      %add3A_1168 = arith.addi %mul3A_1166, %add3A_1167 : i32
      %mul3A_1169 = arith.constant 127 : i32
      %mul3A_1170 = arith.muli %add3A_1168, %mul3A_1169 : i32
      %get3A_1171 = arith.index_cast %add3A_1168 : i32 to index
      %get3A_1172 = arith.constant 0 : index
      %get3A_1173 = tpu.vector_load %arg7[%get3A_1171, %get3A_1172] {strides = array<i32>} : memref<128x127xf32, #tpu.memory_space<vmem>>, vector<16xf32>,
      %get3A_1174 = arith.index_cast %add3A_1168 : i32 to index
      %get3A_1175 = arith.constant 16 : index
      %get3A_1176 = tpu.vector_load %arg7[%get3A_1174, %get3A_1175] {strides = array<i32>} : memref<128x127xf32, #tpu.memory_space<vmem>>, vector<16xf32>,
      %get3A_1177 = arith.index_cast %add3A_1168 : i32 to index
      %get3A_1178 = arith.constant 32 : index
      %get3A_1179 = tpu.vector_load %arg7[%get3A_1177, %get3A_1178] {strides = array<i32>} : memref<128x127xf32, #tpu.memory_space<vmem>>, vector<16xf32>,
      %get3A_1180 = arith.index_cast %add3A_1168 : i32 to index
      %get3A_1181 = arith.constant 48 : index
      %get3A_1182 = tpu.vector_load %arg7[%get3A_1180, %get3A_1181] {strides = array<i32>} : memref<128x127xf32, #tpu.memory_space<vmem>>, vector<16xf32>,
      %get3A_1183 = arith.index_cast %add3A_1168 : i32 to index
      %get3A_1184 = arith.constant 64 : index
      %get3A_1185 = tpu.vector_load %arg7[%get3A_1183, %get3A_1184] {strides = array<i32>} : memref<128x127xf32, #tpu.memory_space<vmem>>, vector<16xf32>,
      %get3A_1186 = arith.index_cast %add3A_1168 : i32 to index
      %get3A_1187 = arith.constant 80 : index
      %get3A_1188 = tpu.vector_load %arg7[%get3A_1186, %get3A_1187] {strides = array<i32>} : memref<128x127xf32, #tpu.memory_space<vmem>>, vector<16xf32>,
      %get3A_1189 = arith.index_cast %add3A_1168 : i32 to index
      %get3A_1190 = arith.constant 96 : index
      %get3A_1191 = tpu.vector_load %arg7[%get3A_1189, %get3A_1190] {strides = array<i32>} : memref<128x127xf32, #tpu.memory_space<vmem>>, vector<16xf32>,
      %get3A_1192 = arith.index_cast %add3A_1168 : i32 to index
      %get3A_1193 = arith.constant 111 : index
      %get3A_1194 = tpu.vector_load %arg7[%get3A_1192, %get3A_1193] {strides = array<i32>} : memref<128x127xf32, #tpu.memory_space<vmem>>, vector<16xf32>,
      %add3A_1195 = arith.constant 0 : i32
      %add3A_1196 = arith.addi %mul3A_1170, %add3A_1195 : i32
      %swap3A_1197 = arith.index_cast %add3A_1196 : i32 to index
      %swap3A_1198 = tpu.vector_load %arg12[%swap3A_1197] {strides = array<i32>} : memref<16256xf32, #tpu.memory_space<vmem>>, vector<16xf32>,
      tpu.vector_store %arg12[%swap3A_1197], %get3A_1173 {strides = array<i32>} : memref<16256xf32, #tpu.memory_space<vmem>>, vector<16xf32>,
      %add3A_1199 = arith.constant 16 : i32
      %add3A_1200 = arith.addi %mul3A_1170, %add3A_1199 : i32
      %swap3A_1201 = arith.index_cast %add3A_1200 : i32 to index
      %swap3A_1202 = tpu.vector_load %arg12[%swap3A_1201] {strides = array<i32>} : memref<16256xf32, #tpu.memory_space<vmem>>, vector<16xf32>,
      tpu.vector_store %arg12[%swap3A_1201], %get3A_1176 {strides = array<i32>} : memref<16256xf32, #tpu.memory_space<vmem>>, vector<16xf32>,
      %add3A_1203 = arith.constant 32 : i32
      %add3A_1204 = arith.addi %mul3A_1170, %add3A_1203 : i32
      %swap3A_1205 = arith.index_cast %add3A_1204 : i32 to index
      %swap3A_1206 = tpu.vector_load %arg12[%swap3A_1205] {strides = array<i32>} : memref<16256xf32, #tpu.memory_space<vmem>>, vector<16xf32>,
      tpu.vector_store %arg12[%swap3A_1205], %get3A_1179 {strides = array<i32>} : memref<16256xf32, #tpu.memory_space<vmem>>, vector<16xf32>,
      %add3A_1207 = arith.constant 48 : i32
      %add3A_1208 = arith.addi %mul3A_1170, %add3A_1207 : i32
      %swap3A_1209 = arith.index_cast %add3A_1208 : i32 to index
      %swap3A_1210 = tpu.vector_load %arg12[%swap3A_1209] {strides = array<i32>} : memref<16256xf32, #tpu.memory_space<vmem>>, vector<16xf32>,
      tpu.vector_store %arg12[%swap3A_1209], %get3A_1182 {strides = array<i32>} : memref<16256xf32, #tpu.memory_space<vmem>>, vector<16xf32>,
      %add3A_1211 = arith.constant 64 : i32
      %add3A_1212 = arith.addi %mul3A_1170, %add3A_1211 : i32
      %swap3A_1213 = arith.index_cast %add3A_1212 : i32 to index
      %swap3A_1214 = tpu.vector_load %arg12[%swap3A_1213] {strides = array<i32>} : memref<16256xf32, #tpu.memory_space<vmem>>, vector<16xf32>,
      tpu.vector_store %arg12[%swap3A_1213], %get3A_1185 {strides = array<i32>} : memref<16256xf32, #tpu.memory_space<vmem>>, vector<16xf32>,
      %add3A_1215 = arith.constant 80 : i32
      %add3A_1216 = arith.addi %mul3A_1170, %add3A_1215 : i32
      %swap3A_1217 = arith.index_cast %add3A_1216 : i32 to index
      %swap3A_1218 = tpu.vector_load %arg12[%swap3A_1217] {strides = array<i32>} : memref<16256xf32, #tpu.memory_space<vmem>>, vector<16xf32>,
      tpu.vector_store %arg12[%swap3A_1217], %get3A_1188 {strides = array<i32>} : memref<16256xf32, #tpu.memory_space<vmem>>, vector<16xf32>,
      %add3A_1219 = arith.constant 96 : i32
      %add3A_1220 = arith.addi %mul3A_1170, %add3A_1219 : i32
      %swap3A_1221 = arith.index_cast %add3A_1220 : i32 to index
      %swap3A_1222 = tpu.vector_load %arg12[%swap3A_1221] {strides = array<i32>} : memref<16256xf32, #tpu.memory_space<vmem>>, vector<16xf32>,
      tpu.vector_store %arg12[%swap3A_1221], %get3A_1191 {strides = array<i32>} : memref<16256xf32, #tpu.memory_space<vmem>>, vector<16xf32>,
      %add3A_1223 = arith.constant 111 : i32
      %add3A_1224 = arith.addi %mul3A_1170, %add3A_1223 : i32
      %swap3A_1225 = arith.index_cast %add3A_1224 : i32 to index
      %swap3A_1226 = tpu.vector_load %arg12[%swap3A_1225] {strides = array<i32>} : memref<16256xf32, #tpu.memory_space<vmem>>, vector<16xf32>,
      tpu.vector_store %arg12[%swap3A_1225], %get3A_1194 {strides = array<i32>} : memref<16256xf32, #tpu.memory_space<vmem>>, vector<16xf32>,
    }
    %scan3A_669 = arith.constant 64 : i32
    %mul3A_670 = arith.constant 127 : i32
    %mul3A_671 = vector.broadcast %mul3A_670 : i32 to vector<16xi32>
    %mul3A_672 = arith.muli %iota3A, %mul3A_671 : vector<16xi32>
    %add3A_673 = arith.constant 0 : i32
    %add3A_674 = vector.broadcast %add3A_673 : i32 to vector<16xi32>
    %add3A_675 = arith.addi %mul3A_672, %add3A_674 : vector<16xi32>
    %mul3A_676 = arith.constant 127 : i32
    %mul3A_677 = vector.broadcast %mul3A_676 : i32 to vector<16xi32>
    %mul3A_678 = arith.muli %iota3A, %mul3A_677 : vector<16xi32>
    %add3A_679 = arith.constant 2032 : i32
    %add3A_680 = vector.broadcast %add3A_679 : i32 to vector<16xi32>
    %add3A_681 = arith.addi %mul3A_678, %add3A_680 : vector<16xi32>
    %mul3A_682 = arith.constant 127 : i32
    %mul3A_683 = vector.broadcast %mul3A_682 : i32 to vector<16xi32>
    %mul3A_684 = arith.muli %iota3A, %mul3A_683 : vector<16xi32>
    %add3A_685 = arith.constant 4064 : i32
    %add3A_686 = vector.broadcast %add3A_685 : i32 to vector<16xi32>
    %add3A_687 = arith.addi %mul3A_684, %add3A_686 : vector<16xi32>
    %mul3A_688 = arith.constant 127 : i32
    %mul3A_689 = vector.broadcast %mul3A_688 : i32 to vector<16xi32>
    %mul3A_690 = arith.muli %iota3A, %mul3A_689 : vector<16xi32>
    %add3A_691 = arith.constant 6096 : i32
    %add3A_692 = vector.broadcast %add3A_691 : i32 to vector<16xi32>
    %add3A_693 = arith.addi %mul3A_690, %add3A_692 : vector<16xi32>
    %mul3A_694 = arith.constant 127 : i32
    %mul3A_695 = vector.broadcast %mul3A_694 : i32 to vector<16xi32>
    %mul3A_696 = arith.muli %iota3A, %mul3A_695 : vector<16xi32>
    %add3A_697 = arith.constant 8128 : i32
    %add3A_698 = vector.broadcast %add3A_697 : i32 to vector<16xi32>
    %add3A_699 = arith.addi %mul3A_696, %add3A_698 : vector<16xi32>
    %mul3A_700 = arith.constant 127 : i32
    %mul3A_701 = vector.broadcast %mul3A_700 : i32 to vector<16xi32>
    %mul3A_702 = arith.muli %iota3A, %mul3A_701 : vector<16xi32>
    %add3A_703 = arith.constant 10160 : i32
    %add3A_704 = vector.broadcast %add3A_703 : i32 to vector<16xi32>
    %add3A_705 = arith.addi %mul3A_702, %add3A_704 : vector<16xi32>
    %mul3A_706 = arith.constant 127 : i32
    %mul3A_707 = vector.broadcast %mul3A_706 : i32 to vector<16xi32>
    %mul3A_708 = arith.muli %iota3A, %mul3A_707 : vector<16xi32>
    %add3A_709 = arith.constant 12192 : i32
    %add3A_710 = vector.broadcast %add3A_709 : i32 to vector<16xi32>
    %add3A_711 = arith.addi %mul3A_708, %add3A_710 : vector<16xi32>
    %mul3A_712 = arith.constant 127 : i32
    %mul3A_713 = vector.broadcast %mul3A_712 : i32 to vector<16xi32>
    %mul3A_714 = arith.muli %iota3A, %mul3A_713 : vector<16xi32>
    %add3A_715 = arith.constant 14224 : i32
    %add3A_716 = vector.broadcast %add3A_715 : i32 to vector<16xi32>
    %add3A_717 = arith.addi %mul3A_714, %add3A_716 : vector<16xi32>
    %scan3A_718 = arith.constant 0 : i32
    %scan3A_719 = arith.constant 0 : i32
    %scan3A_720 = arith.constant 59 : i32
    %scan3A_721 = arith.addi %scan3A_719, %scan3A_720 : i32
    %scan3A_722 = arith.constant 1 : i32
    scf.for %scan3A_1104 = %scan3A_719 to %scan3A_721 step %scan3A_722  : i32 {
      %mul3A_1105 = arith.constant 2 : i32
      %mul3A_1106 = arith.muli %scan3A_1104, %mul3A_1105 : i32
      %add3A_1107 = arith.constant 0 : i32
      %add3A_1108 = arith.addi %mul3A_1106, %add3A_1107 : i32
      %mul3A_1109 = arith.constant 16 : i32
      %mul3A_1110 = arith.muli %add3A_1108, %mul3A_1109 : i32
      %get3A = arith.index_cast %mul3A_1110 : i32 to index
      %get3A_1111 = tpu.vector_load %arg5[%get3A] {strides = array<i32>} : memref<1888xi32, #tpu.memory_space<vmem>>, vector<16xi32>,
      %add3A_1112 = arith.addi %add3A_675, %get3A_1111 : vector<16xi32>
      %gather3A = tpu.vector_load_idx %arg12[%add3A_1112] : memref<16256xf32, #tpu.memory_space<vmem>>[vector<16xi32>], vector<16xf32>,
      %add3A_1113 = arith.addi %add3A_681, %get3A_1111 : vector<16xi32>
      %gather3A_1114 = tpu.vector_load_idx %arg12[%add3A_1113] : memref<16256xf32, #tpu.memory_space<vmem>>[vector<16xi32>], vector<16xf32>,
      %add3A_1115 = arith.addi %add3A_687, %get3A_1111 : vector<16xi32>
      %gather3A_1116 = tpu.vector_load_idx %arg12[%add3A_1115] : memref<16256xf32, #tpu.memory_space<vmem>>[vector<16xi32>], vector<16xf32>,
      %add3A_1117 = arith.addi %add3A_693, %get3A_1111 : vector<16xi32>
      %gather3A_1118 = tpu.vector_load_idx %arg12[%add3A_1117] : memref<16256xf32, #tpu.memory_space<vmem>>[vector<16xi32>], vector<16xf32>,
      %add3A_1119 = arith.addi %add3A_699, %get3A_1111 : vector<16xi32>
      %gather3A_1120 = tpu.vector_load_idx %arg12[%add3A_1119] : memref<16256xf32, #tpu.memory_space<vmem>>[vector<16xi32>], vector<16xf32>,
      %add3A_1121 = arith.addi %add3A_705, %get3A_1111 : vector<16xi32>
      %gather3A_1122 = tpu.vector_load_idx %arg12[%add3A_1121] : memref<16256xf32, #tpu.memory_space<vmem>>[vector<16xi32>], vector<16xf32>,
      %add3A_1123 = arith.addi %add3A_711, %get3A_1111 : vector<16xi32>
      %gather3A_1124 = tpu.vector_load_idx %arg12[%add3A_1123] : memref<16256xf32, #tpu.memory_space<vmem>>[vector<16xi32>], vector<16xf32>,
      %add3A_1125 = arith.addi %add3A_717, %get3A_1111 : vector<16xi32>
      %gather3A_1126 = tpu.vector_load_idx %arg12[%add3A_1125] : memref<16256xf32, #tpu.memory_space<vmem>>[vector<16xi32>], vector<16xf32>,
      %swap3A = arith.index_cast %add3A_1108 : i32 to index
      %swap3A_1127 = arith.constant 0 : index
      %swap3A_1128 = tpu.vector_load %arg10[%swap3A, %swap3A_1127] {strides = array<i32>} : memref<118x128xf32, #tpu.memory_space<vmem>>, vector<16xf32>,
      tpu.vector_store %arg10[%swap3A, %swap3A_1127], %gather3A {strides = array<i32>} : memref<118x128xf32, #tpu.memory_space<vmem>>, vector<16xf32>,
      %swap3A_1129 = arith.index_cast %add3A_1108 : i32 to index
      %swap3A_1130 = arith.constant 16 : index
      %swap3A_1131 = tpu.vector_load %arg10[%swap3A_1129, %swap3A_1130] {strides = array<i32>} : memref<118x128xf32, #tpu.memory_space<vmem>>, vector<16xf32>,
      tpu.vector_store %arg10[%swap3A_1129, %swap3A_1130], %gather3A_1114 {strides = array<i32>} : memref<118x128xf32, #tpu.memory_space<vmem>>, vector<16xf32>,
      %swap3A_1132 = arith.index_cast %add3A_1108 : i32 to index
      %swap3A_1133 = arith.constant 32 : index
      %swap3A_1134 = tpu.vector_load %arg10[%swap3A_1132, %swap3A_1133] {strides = array<i32>} : memref<118x128xf32, #tpu.memory_space<vmem>>, vector<16xf32>,
      tpu.vector_store %arg10[%swap3A_1132, %swap3A_1133], %gather3A_1116 {strides = array<i32>} : memref<118x128xf32, #tpu.memory_space<vmem>>, vector<16xf32>,
      %swap3A_1135 = arith.index_cast %add3A_1108 : i32 to index
      %swap3A_1136 = arith.constant 48 : index
      %swap3A_1137 = tpu.vector_load %arg10[%swap3A_1135, %swap3A_1136] {strides = array<i32>} : memref<118x128xf32, #tpu.memory_space<vmem>>, vector<16xf32>,
      tpu.vector_store %arg10[%swap3A_1135, %swap3A_1136], %gather3A_1118 {strides = array<i32>} : memref<118x128xf32, #tpu.memory_space<vmem>>, vector<16xf32>,
      %swap3A_1138 = arith.index_cast %add3A_1108 : i32 to index
      %swap3A_1139 = arith.constant 64 : index
      %swap3A_1140 = tpu.vector_load %arg10[%swap3A_1138, %swap3A_1139] {strides = array<i32>} : memref<118x128xf32, #tpu.memory_space<vmem>>, vector<16xf32>,
      tpu.vector_store %arg10[%swap3A_1138, %swap3A_1139], %gather3A_1120 {strides = array<i32>} : memref<118x128xf32, #tpu.memory_space<vmem>>, vector<16xf32>,
      %swap3A_1141 = arith.index_cast %add3A_1108 : i32 to index
      %swap3A_1142 = arith.constant 80 : index
      %swap3A_1143 = tpu.vector_load %arg10[%swap3A_1141, %swap3A_1142] {strides = array<i32>} : memref<118x128xf32, #tpu.memory_space<vmem>>, vector<16xf32>,
      tpu.vector_store %arg10[%swap3A_1141, %swap3A_1142], %gather3A_1122 {strides = array<i32>} : memref<118x128xf32, #tpu.memory_space<vmem>>, vector<16xf32>,
      %swap3A_1144 = arith.index_cast %add3A_1108 : i32 to index
      %swap3A_1145 = arith.constant 96 : index
      %swap3A_1146 = tpu.vector_load %arg10[%swap3A_1144, %swap3A_1145] {strides = array<i32>} : memref<118x128xf32, #tpu.memory_space<vmem>>, vector<16xf32>,
      tpu.vector_store %arg10[%swap3A_1144, %swap3A_1145], %gather3A_1124 {strides = array<i32>} : memref<118x128xf32, #tpu.memory_space<vmem>>, vector<16xf32>,
      %swap3A_1147 = arith.index_cast %add3A_1108 : i32 to index
      %swap3A_1148 = arith.constant 112 : index
      %swap3A_1149 = tpu.vector_load %arg10[%swap3A_1147, %swap3A_1148] {strides = array<i32>} : memref<118x128xf32, #tpu.memory_space<vmem>>, vector<16xf32>,
      tpu.vector_store %arg10[%swap3A_1147, %swap3A_1148], %gather3A_1126 {strides = array<i32>} : memref<118x128xf32, #tpu.memory_space<vmem>>, vector<16xf32>,
      %mul3A_1150 = arith.constant 2 : i32
      %mul3A_1151 = arith.muli %scan3A_1104, %mul3A_1150 : i32
      %add3A_1152 = arith.constant 1 : i32
      %add3A_1153 = arith.addi %mul3A_1151, %add3A_1152 : i32
      %mul3A_1154 = arith.constant 16 : i32
      %mul3A_1155 = arith.muli %add3A_1153, %mul3A_1154 : i32
      %get3A_1156 = arith.index_cast %mul3A_1155 : i32 to index
      %get3A_1157 = tpu.vector_load %arg5[%get3A_1156] {strides = array<i32>} : memref<1888xi32, #tpu.memory_space<vmem>>, vector<16xi32>,
      %add3A_1158 = arith.addi %add3A_675, %get3A_1157 : vector<16xi32>
      %gather3A_1159 = tpu.vector_load_idx %arg12[%add3A_1158] : memref<16256xf32, #tpu.memory_space<vmem>>[vector<16xi32>], vector<16xf32>,
      %add3A_1160 = arith.addi %add3A_681, %get3A_1157 : vector<16xi32>
      %gather3A_1161 = tpu.vector_load_idx %arg12[%add3A_1160] : memref<16256xf32, #tpu.memory_space<vmem>>[vector<16xi32>], vector<16xf32>,
      %add3A_1162 = arith.addi %add3A_687, %get3A_1157 : vector<16xi32>
      %gather3A_1163 = tpu.vector_load_idx %arg12[%add3A_1162] : memref<16256xf32, #tpu.memory_space<vmem>>[vector<16xi32>], vector<16xf32>,
      %add3A_1164 = arith.addi %add3A_693, %get3A_1157 : vector<16xi32>
      %gather3A_1165 = tpu.vector_load_idx %arg12[%add3A_1164] : memref<16256xf32, #tpu.memory_space<vmem>>[vector<16xi32>], vector<16xf32>,
      %add3A_1166 = arith.addi %add3A_699, %get3A_1157 : vector<16xi32>
      %gather3A_1167 = tpu.vector_load_idx %arg12[%add3A_1166] : memref<16256xf32, #tpu.memory_space<vmem>>[vector<16xi32>], vector<16xf32>,
      %add3A_1168 = arith.addi %add3A_705, %get3A_1157 : vector<16xi32>
      %gather3A_1169 = tpu.vector_load_idx %arg12[%add3A_1168] : memref<16256xf32, #tpu.memory_space<vmem>>[vector<16xi32>], vector<16xf32>,
      %add3A_1170 = arith.addi %add3A_711, %get3A_1157 : vector<16xi32>
      %gather3A_1171 = tpu.vector_load_idx %arg12[%add3A_1170] : memref<16256xf32, #tpu.memory_space<vmem>>[vector<16xi32>], vector<16xf32>,
      %add3A_1172 = arith.addi %add3A_717, %get3A_1157 : vector<16xi32>
      %gather3A_1173 = tpu.vector_load_idx %arg12[%add3A_1172] : memref<16256xf32, #tpu.memory_space<vmem>>[vector<16xi32>], vector<16xf32>,
      %swap3A_1174 = arith.index_cast %add3A_1153 : i32 to index
      %swap3A_1175 = arith.constant 0 : index
      %swap3A_1176 = tpu.vector_load %arg10[%swap3A_1174, %swap3A_1175] {strides = array<i32>} : memref<118x128xf32, #tpu.memory_space<vmem>>, vector<16xf32>,
      tpu.vector_store %arg10[%swap3A_1174, %swap3A_1175], %gather3A_1159 {strides = array<i32>} : memref<118x128xf32, #tpu.memory_space<vmem>>, vector<16xf32>,
      %swap3A_1177 = arith.index_cast %add3A_1153 : i32 to index
      %swap3A_1178 = arith.constant 16 : index
      %swap3A_1179 = tpu.vector_load %arg10[%swap3A_1177, %swap3A_1178] {strides = array<i32>} : memref<118x128xf32, #tpu.memory_space<vmem>>, vector<16xf32>,
      tpu.vector_store %arg10[%swap3A_1177, %swap3A_1178], %gather3A_1161 {strides = array<i32>} : memref<118x128xf32, #tpu.memory_space<vmem>>, vector<16xf32>,
      %swap3A_1180 = arith.index_cast %add3A_1153 : i32 to index
      %swap3A_1181 = arith.constant 32 : index
      %swap3A_1182 = tpu.vector_load %arg10[%swap3A_1180, %swap3A_1181] {strides = array<i32>} : memref<118x128xf32, #tpu.memory_space<vmem>>, vector<16xf32>,
      tpu.vector_store %arg10[%swap3A_1180, %swap3A_1181], %gather3A_1163 {strides = array<i32>} : memref<118x128xf32, #tpu.memory_space<vmem>>, vector<16xf32>,
      %swap3A_1183 = arith.index_cast %add3A_1153 : i32 to index
      %swap3A_1184 = arith.constant 48 : index
      %swap3A_1185 = tpu.vector_load %arg10[%swap3A_1183, %swap3A_1184] {strides = array<i32>} : memref<118x128xf32, #tpu.memory_space<vmem>>, vector<16xf32>,
      tpu.vector_store %arg10[%swap3A_1183, %swap3A_1184], %gather3A_1165 {strides = array<i32>} : memref<118x128xf32, #tpu.memory_space<vmem>>, vector<16xf32>,
      %swap3A_1186 = arith.index_cast %add3A_1153 : i32 to index
      %swap3A_1187 = arith.constant 64 : index
      %swap3A_1188 = tpu.vector_load %arg10[%swap3A_1186, %swap3A_1187] {strides = array<i32>} : memref<118x128xf32, #tpu.memory_space<vmem>>, vector<16xf32>,
      tpu.vector_store %arg10[%swap3A_1186, %swap3A_1187], %gather3A_1167 {strides = array<i32>} : memref<118x128xf32, #tpu.memory_space<vmem>>, vector<16xf32>,
      %swap3A_1189 = arith.index_cast %add3A_1153 : i32 to index
      %swap3A_1190 = arith.constant 80 : index
      %swap3A_1191 = tpu.vector_load %arg10[%swap3A_1189, %swap3A_1190] {strides = array<i32>} : memref<118x128xf32, #tpu.memory_space<vmem>>, vector<16xf32>,
      tpu.vector_store %arg10[%swap3A_1189, %swap3A_1190], %gather3A_1169 {strides = array<i32>} : memref<118x128xf32, #tpu.memory_space<vmem>>, vector<16xf32>,
      %swap3A_1192 = arith.index_cast %add3A_1153 : i32 to index
      %swap3A_1193 = arith.constant 96 : index
      %swap3A_1194 = tpu.vector_load %arg10[%swap3A_1192, %swap3A_1193] {strides = array<i32>} : memref<118x128xf32, #tpu.memory_space<vmem>>, vector<16xf32>,
      tpu.vector_store %arg10[%swap3A_1192, %swap3A_1193], %gather3A_1171 {strides = array<i32>} : memref<118x128xf32, #tpu.memory_space<vmem>>, vector<16xf32>,
      %swap3A_1195 = arith.index_cast %add3A_1153 : i32 to index
      %swap3A_1196 = arith.constant 112 : index
      %swap3A_1197 = tpu.vector_load %arg10[%swap3A_1195, %swap3A_1196] {strides = array<i32>} : memref<118x128xf32, #tpu.memory_space<vmem>>, vector<16xf32>,
      tpu.vector_store %arg10[%swap3A_1195, %swap3A_1196], %gather3A_1173 {strides = array<i32>} : memref<118x128xf32, #tpu.memory_space<vmem>>, vector<16xf32>,
    }
    %scan3A_723 = arith.constant 59 : i32
    %add3A_724 = arith.constant 256 : i32
    %add3A_725 = arith.addi %mul3A_2, %add3A_724 : i32
    %dma_start3A_726 = arith.constant 1 : i32
    %dma_start3A_727 = arith.constant 0 : i32
    %dma_start3A_728 = tpu.memref_slice %arg4[%dma_start3A_726, %dma_start3A_727, %add3A_725] : memref<3x118x16384xf32, #tpu.memory_space<hbm>> -> memref<1x118x128xf32, #tpu.memory_space<hbm>>
    %dma_start3A_729 = tpu.memref_squeeze %dma_start3A_728 : memref<1x118x128xf32, #tpu.memory_space<hbm>> -> memref<118x128xf32, #tpu.memory_space<hbm>>
    %dma_start3A_730 = arith.constant 0 : i32
    %dma_start3A_731 = tpu.memref_slice %arg4[%dma_start3A_726, %dma_start3A_730, %add3A_725] : memref<3x118x16384xf32, #tpu.memory_space<hbm>> -> memref<1x118x128xf32, #tpu.memory_space<hbm>>
    %dma_start3A_732 = tpu.memref_squeeze %dma_start3A_731 : memref<1x118x128xf32, #tpu.memory_space<hbm>> -> memref<118x128xf32, #tpu.memory_space<hbm>>
    tpu.enqueue_dma source(%arg10 : memref<118x128xf32, #tpu.memory_space<vmem>>) target(%dma_start3A_732 : memref<118x128xf32, #tpu.memory_space<hbm>>) target_semaphore(%arg18 : memref<!tpu.dma_semaphore, #tpu.memory_space<semaphore_mem>>)
    %add3A_733 = arith.constant 384 : i32
    %add3A_734 = arith.addi %mul3A_2, %add3A_733 : i32
    %dma_start3A_735 = arith.constant 1 : i32
    %dma_start3A_736 = arith.constant 0 : i32
    %dma_start3A_737 = tpu.memref_slice %arg2[%dma_start3A_735, %add3A_734, %dma_start3A_736] : memref<3x16384x127xf32, #tpu.memory_space<hbm>> -> memref<1x128x127xf32, #tpu.memory_space<hbm>>
    %dma_start3A_738 = tpu.memref_squeeze %dma_start3A_737 : memref<1x128x127xf32, #tpu.memory_space<hbm>> -> memref<128x127xf32, #tpu.memory_space<hbm>>
    %dma_start3A_739 = arith.constant 0 : i32
    %dma_start3A_740 = tpu.memref_slice %arg2[%dma_start3A_735, %add3A_734, %dma_start3A_739] : memref<3x16384x127xf32, #tpu.memory_space<hbm>> -> memref<1x128x127xf32, #tpu.memory_space<hbm>>
    %dma_start3A_741 = tpu.memref_squeeze %dma_start3A_740 : memref<1x128x127xf32, #tpu.memory_space<hbm>> -> memref<128x127xf32, #tpu.memory_space<hbm>>
    tpu.enqueue_dma source(%dma_start3A_741 : memref<128x127xf32, #tpu.memory_space<hbm>>) target(%arg7 : memref<128x127xf32, #tpu.memory_space<vmem>>) target_semaphore(%arg15 : memref<!tpu.dma_semaphore, #tpu.memory_space<semaphore_mem>>)
    %dma_wait3A_742 = arith.constant 2 : i32
    %dma_wait3A_743 = arith.constant 0 : i32
    %dma_wait3A_744 = tpu.memref_slice %arg2[%dma_wait3A_742, %add3A_550, %dma_wait3A_743] : memref<3x16384x127xf32, #tpu.memory_space<hbm>> -> memref<1x128x127xf32, #tpu.memory_space<hbm>>
    %dma_wait3A_745 = tpu.memref_squeeze %dma_wait3A_744 : memref<1x128x127xf32, #tpu.memory_space<hbm>> -> memref<128x127xf32, #tpu.memory_space<hbm>>
    %dma_wait3A_746 = arith.constant 0 : i32
    %dma_wait3A_747 = tpu.memref_slice %arg2[%dma_wait3A_742, %add3A_550, %dma_wait3A_746] : memref<3x16384x127xf32, #tpu.memory_space<hbm>> -> memref<1x128x127xf32, #tpu.memory_space<hbm>>
    %dma_wait3A_748 = tpu.memref_squeeze %dma_wait3A_747 : memref<1x128x127xf32, #tpu.memory_space<hbm>> -> memref<128x127xf32, #tpu.memory_space<hbm>>
    tpu.wait_dma2 semaphore(%arg16 : memref<!tpu.dma_semaphore, #tpu.memory_space<semaphore_mem>>) src(%dma_wait3A_748 : memref<128x127xf32, #tpu.memory_space<hbm>>) dst(%arg8 : memref<128x127xf32, #tpu.memory_space<vmem>>)
    %dma_wait3A_749 = arith.constant 2 : i32
    %dma_wait3A_750 = arith.constant 0 : i32
    %dma_wait3A_751 = tpu.memref_slice %arg4[%dma_wait3A_749, %dma_wait3A_750, %add3A_541] : memref<3x118x16384xf32, #tpu.memory_space<hbm>> -> memref<1x118x128xf32, #tpu.memory_space<hbm>>
    %dma_wait3A_752 = tpu.memref_squeeze %dma_wait3A_751 : memref<1x118x128xf32, #tpu.memory_space<hbm>> -> memref<118x128xf32, #tpu.memory_space<hbm>>
    %dma_wait3A_753 = arith.constant 0 : i32
    %dma_wait3A_754 = tpu.memref_slice %arg4[%dma_wait3A_749, %dma_wait3A_753, %add3A_541] : memref<3x118x16384xf32, #tpu.memory_space<hbm>> -> memref<1x118x128xf32, #tpu.memory_space<hbm>>
    %dma_wait3A_755 = tpu.memref_squeeze %dma_wait3A_754 : memref<1x118x128xf32, #tpu.memory_space<hbm>> -> memref<118x128xf32, #tpu.memory_space<hbm>>
    tpu.wait_dma2 semaphore(%arg19 : memref<!tpu.dma_semaphore, #tpu.memory_space<semaphore_mem>>) src(%arg11 : memref<118x128xf32, #tpu.memory_space<vmem>>) dst(%dma_wait3A_755 : memref<118x128xf32, #tpu.memory_space<hbm>>)
    %scan3A_756 = arith.constant 0 : i32
    %scan3A_757 = arith.constant 0 : i32
    %scan3A_758 = arith.constant 64 : i32
    %scan3A_759 = arith.addi %scan3A_757, %scan3A_758 : i32
    %scan3A_760 = arith.constant 1 : i32
    scf.for %scan3A_1104 = %scan3A_757 to %scan3A_759 step %scan3A_760  : i32 {
      %mul3A_1105 = arith.constant 2 : i32
      %mul3A_1106 = arith.muli %scan3A_1104, %mul3A_1105 : i32
      %add3A_1107 = arith.constant 0 : i32
      %add3A_1108 = arith.addi %mul3A_1106, %add3A_1107 : i32
      %mul3A_1109 = arith.constant 127 : i32
      %mul3A_1110 = arith.muli %add3A_1108, %mul3A_1109 : i32
      %get3A = arith.index_cast %add3A_1108 : i32 to index
      %get3A_1111 = arith.constant 0 : index
      %get3A_1112 = tpu.vector_load %arg8[%get3A, %get3A_1111] {strides = array<i32>} : memref<128x127xf32, #tpu.memory_space<vmem>>, vector<16xf32>,
      %get3A_1113 = arith.index_cast %add3A_1108 : i32 to index
      %get3A_1114 = arith.constant 16 : index
      %get3A_1115 = tpu.vector_load %arg8[%get3A_1113, %get3A_1114] {strides = array<i32>} : memref<128x127xf32, #tpu.memory_space<vmem>>, vector<16xf32>,
      %get3A_1116 = arith.index_cast %add3A_1108 : i32 to index
      %get3A_1117 = arith.constant 32 : index
      %get3A_1118 = tpu.vector_load %arg8[%get3A_1116, %get3A_1117] {strides = array<i32>} : memref<128x127xf32, #tpu.memory_space<vmem>>, vector<16xf32>,
      %get3A_1119 = arith.index_cast %add3A_1108 : i32 to index
      %get3A_1120 = arith.constant 48 : index
      %get3A_1121 = tpu.vector_load %arg8[%get3A_1119, %get3A_1120] {strides = array<i32>} : memref<128x127xf32, #tpu.memory_space<vmem>>, vector<16xf32>,
      %get3A_1122 = arith.index_cast %add3A_1108 : i32 to index
      %get3A_1123 = arith.constant 64 : index
      %get3A_1124 = tpu.vector_load %arg8[%get3A_1122, %get3A_1123] {strides = array<i32>} : memref<128x127xf32, #tpu.memory_space<vmem>>, vector<16xf32>,
      %get3A_1125 = arith.index_cast %add3A_1108 : i32 to index
      %get3A_1126 = arith.constant 80 : index
      %get3A_1127 = tpu.vector_load %arg8[%get3A_1125, %get3A_1126] {strides = array<i32>} : memref<128x127xf32, #tpu.memory_space<vmem>>, vector<16xf32>,
      %get3A_1128 = arith.index_cast %add3A_1108 : i32 to index
      %get3A_1129 = arith.constant 96 : index
      %get3A_1130 = tpu.vector_load %arg8[%get3A_1128, %get3A_1129] {strides = array<i32>} : memref<128x127xf32, #tpu.memory_space<vmem>>, vector<16xf32>,
      %get3A_1131 = arith.index_cast %add3A_1108 : i32 to index
      %get3A_1132 = arith.constant 111 : index
      %get3A_1133 = tpu.vector_load %arg8[%get3A_1131, %get3A_1132] {strides = array<i32>} : memref<128x127xf32, #tpu.memory_space<vmem>>, vector<16xf32>,
      %add3A_1134 = arith.constant 0 : i32
      %add3A_1135 = arith.addi %mul3A_1110, %add3A_1134 : i32
      %swap3A = arith.index_cast %add3A_1135 : i32 to index
      %swap3A_1136 = tpu.vector_load %arg12[%swap3A] {strides = array<i32>} : memref<16256xf32, #tpu.memory_space<vmem>>, vector<16xf32>,
      tpu.vector_store %arg12[%swap3A], %get3A_1112 {strides = array<i32>} : memref<16256xf32, #tpu.memory_space<vmem>>, vector<16xf32>,
      %add3A_1137 = arith.constant 16 : i32
      %add3A_1138 = arith.addi %mul3A_1110, %add3A_1137 : i32
      %swap3A_1139 = arith.index_cast %add3A_1138 : i32 to index
      %swap3A_1140 = tpu.vector_load %arg12[%swap3A_1139] {strides = array<i32>} : memref<16256xf32, #tpu.memory_space<vmem>>, vector<16xf32>,
      tpu.vector_store %arg12[%swap3A_1139], %get3A_1115 {strides = array<i32>} : memref<16256xf32, #tpu.memory_space<vmem>>, vector<16xf32>,
      %add3A_1141 = arith.constant 32 : i32
      %add3A_1142 = arith.addi %mul3A_1110, %add3A_1141 : i32
      %swap3A_1143 = arith.index_cast %add3A_1142 : i32 to index
      %swap3A_1144 = tpu.vector_load %arg12[%swap3A_1143] {strides = array<i32>} : memref<16256xf32, #tpu.memory_space<vmem>>, vector<16xf32>,
      tpu.vector_store %arg12[%swap3A_1143], %get3A_1118 {strides = array<i32>} : memref<16256xf32, #tpu.memory_space<vmem>>, vector<16xf32>,
      %add3A_1145 = arith.constant 48 : i32
      %add3A_1146 = arith.addi %mul3A_1110, %add3A_1145 : i32
      %swap3A_1147 = arith.index_cast %add3A_1146 : i32 to index
      %swap3A_1148 = tpu.vector_load %arg12[%swap3A_1147] {strides = array<i32>} : memref<16256xf32, #tpu.memory_space<vmem>>, vector<16xf32>,
      tpu.vector_store %arg12[%swap3A_1147], %get3A_1121 {strides = array<i32>} : memref<16256xf32, #tpu.memory_space<vmem>>, vector<16xf32>,
      %add3A_1149 = arith.constant 64 : i32
      %add3A_1150 = arith.addi %mul3A_1110, %add3A_1149 : i32
      %swap3A_1151 = arith.index_cast %add3A_1150 : i32 to index
      %swap3A_1152 = tpu.vector_load %arg12[%swap3A_1151] {strides = array<i32>} : memref<16256xf32, #tpu.memory_space<vmem>>, vector<16xf32>,
      tpu.vector_store %arg12[%swap3A_1151], %get3A_1124 {strides = array<i32>} : memref<16256xf32, #tpu.memory_space<vmem>>, vector<16xf32>,
      %add3A_1153 = arith.constant 80 : i32
      %add3A_1154 = arith.addi %mul3A_1110, %add3A_1153 : i32
      %swap3A_1155 = arith.index_cast %add3A_1154 : i32 to index
      %swap3A_1156 = tpu.vector_load %arg12[%swap3A_1155] {strides = array<i32>} : memref<16256xf32, #tpu.memory_space<vmem>>, vector<16xf32>,
      tpu.vector_store %arg12[%swap3A_1155], %get3A_1127 {strides = array<i32>} : memref<16256xf32, #tpu.memory_space<vmem>>, vector<16xf32>,
      %add3A_1157 = arith.constant 96 : i32
      %add3A_1158 = arith.addi %mul3A_1110, %add3A_1157 : i32
      %swap3A_1159 = arith.index_cast %add3A_1158 : i32 to index
      %swap3A_1160 = tpu.vector_load %arg12[%swap3A_1159] {strides = array<i32>} : memref<16256xf32, #tpu.memory_space<vmem>>, vector<16xf32>,
      tpu.vector_store %arg12[%swap3A_1159], %get3A_1130 {strides = array<i32>} : memref<16256xf32, #tpu.memory_space<vmem>>, vector<16xf32>,
      %add3A_1161 = arith.constant 111 : i32
      %add3A_1162 = arith.addi %mul3A_1110, %add3A_1161 : i32
      %swap3A_1163 = arith.index_cast %add3A_1162 : i32 to index
      %swap3A_1164 = tpu.vector_load %arg12[%swap3A_1163] {strides = array<i32>} : memref<16256xf32, #tpu.memory_space<vmem>>, vector<16xf32>,
      tpu.vector_store %arg12[%swap3A_1163], %get3A_1133 {strides = array<i32>} : memref<16256xf32, #tpu.memory_space<vmem>>, vector<16xf32>,
      %mul3A_1165 = arith.constant 2 : i32
      %mul3A_1166 = arith.muli %scan3A_1104, %mul3A_1165 : i32
      %add3A_1167 = arith.constant 1 : i32
      %add3A_1168 = arith.addi %mul3A_1166, %add3A_1167 : i32
      %mul3A_1169 = arith.constant 127 : i32
      %mul3A_1170 = arith.muli %add3A_1168, %mul3A_1169 : i32
      %get3A_1171 = arith.index_cast %add3A_1168 : i32 to index
      %get3A_1172 = arith.constant 0 : index
      %get3A_1173 = tpu.vector_load %arg8[%get3A_1171, %get3A_1172] {strides = array<i32>} : memref<128x127xf32, #tpu.memory_space<vmem>>, vector<16xf32>,
      %get3A_1174 = arith.index_cast %add3A_1168 : i32 to index
      %get3A_1175 = arith.constant 16 : index
      %get3A_1176 = tpu.vector_load %arg8[%get3A_1174, %get3A_1175] {strides = array<i32>} : memref<128x127xf32, #tpu.memory_space<vmem>>, vector<16xf32>,
      %get3A_1177 = arith.index_cast %add3A_1168 : i32 to index
      %get3A_1178 = arith.constant 32 : index
      %get3A_1179 = tpu.vector_load %arg8[%get3A_1177, %get3A_1178] {strides = array<i32>} : memref<128x127xf32, #tpu.memory_space<vmem>>, vector<16xf32>,
      %get3A_1180 = arith.index_cast %add3A_1168 : i32 to index
      %get3A_1181 = arith.constant 48 : index
      %get3A_1182 = tpu.vector_load %arg8[%get3A_1180, %get3A_1181] {strides = array<i32>} : memref<128x127xf32, #tpu.memory_space<vmem>>, vector<16xf32>,
      %get3A_1183 = arith.index_cast %add3A_1168 : i32 to index
      %get3A_1184 = arith.constant 64 : index
      %get3A_1185 = tpu.vector_load %arg8[%get3A_1183, %get3A_1184] {strides = array<i32>} : memref<128x127xf32, #tpu.memory_space<vmem>>, vector<16xf32>,
      %get3A_1186 = arith.index_cast %add3A_1168 : i32 to index
      %get3A_1187 = arith.constant 80 : index
      %get3A_1188 = tpu.vector_load %arg8[%get3A_1186, %get3A_1187] {strides = array<i32>} : memref<128x127xf32, #tpu.memory_space<vmem>>, vector<16xf32>,
      %get3A_1189 = arith.index_cast %add3A_1168 : i32 to index
      %get3A_1190 = arith.constant 96 : index
      %get3A_1191 = tpu.vector_load %arg8[%get3A_1189, %get3A_1190] {strides = array<i32>} : memref<128x127xf32, #tpu.memory_space<vmem>>, vector<16xf32>,
      %get3A_1192 = arith.index_cast %add3A_1168 : i32 to index
      %get3A_1193 = arith.constant 111 : index
      %get3A_1194 = tpu.vector_load %arg8[%get3A_1192, %get3A_1193] {strides = array<i32>} : memref<128x127xf32, #tpu.memory_space<vmem>>, vector<16xf32>,
      %add3A_1195 = arith.constant 0 : i32
      %add3A_1196 = arith.addi %mul3A_1170, %add3A_1195 : i32
      %swap3A_1197 = arith.index_cast %add3A_1196 : i32 to index
      %swap3A_1198 = tpu.vector_load %arg12[%swap3A_1197] {strides = array<i32>} : memref<16256xf32, #tpu.memory_space<vmem>>, vector<16xf32>,
      tpu.vector_store %arg12[%swap3A_1197], %get3A_1173 {strides = array<i32>} : memref<16256xf32, #tpu.memory_space<vmem>>, vector<16xf32>,
      %add3A_1199 = arith.constant 16 : i32
      %add3A_1200 = arith.addi %mul3A_1170, %add3A_1199 : i32
      %swap3A_1201 = arith.index_cast %add3A_1200 : i32 to index
      %swap3A_1202 = tpu.vector_load %arg12[%swap3A_1201] {strides = array<i32>} : memref<16256xf32, #tpu.memory_space<vmem>>, vector<16xf32>,
      tpu.vector_store %arg12[%swap3A_1201], %get3A_1176 {strides = array<i32>} : memref<16256xf32, #tpu.memory_space<vmem>>, vector<16xf32>,
      %add3A_1203 = arith.constant 32 : i32
      %add3A_1204 = arith.addi %mul3A_1170, %add3A_1203 : i32
      %swap3A_1205 = arith.index_cast %add3A_1204 : i32 to index
      %swap3A_1206 = tpu.vector_load %arg12[%swap3A_1205] {strides = array<i32>} : memref<16256xf32, #tpu.memory_space<vmem>>, vector<16xf32>,
      tpu.vector_store %arg12[%swap3A_1205], %get3A_1179 {strides = array<i32>} : memref<16256xf32, #tpu.memory_space<vmem>>, vector<16xf32>,
      %add3A_1207 = arith.constant 48 : i32
      %add3A_1208 = arith.addi %mul3A_1170, %add3A_1207 : i32
      %swap3A_1209 = arith.index_cast %add3A_1208 : i32 to index
      %swap3A_1210 = tpu.vector_load %arg12[%swap3A_1209] {strides = array<i32>} : memref<16256xf32, #tpu.memory_space<vmem>>, vector<16xf32>,
      tpu.vector_store %arg12[%swap3A_1209], %get3A_1182 {strides = array<i32>} : memref<16256xf32, #tpu.memory_space<vmem>>, vector<16xf32>,
      %add3A_1211 = arith.constant 64 : i32
      %add3A_1212 = arith.addi %mul3A_1170, %add3A_1211 : i32
      %swap3A_1213 = arith.index_cast %add3A_1212 : i32 to index
      %swap3A_1214 = tpu.vector_load %arg12[%swap3A_1213] {strides = array<i32>} : memref<16256xf32, #tpu.memory_space<vmem>>, vector<16xf32>,
      tpu.vector_store %arg12[%swap3A_1213], %get3A_1185 {strides = array<i32>} : memref<16256xf32, #tpu.memory_space<vmem>>, vector<16xf32>,
      %add3A_1215 = arith.constant 80 : i32
      %add3A_1216 = arith.addi %mul3A_1170, %add3A_1215 : i32
      %swap3A_1217 = arith.index_cast %add3A_1216 : i32 to index
      %swap3A_1218 = tpu.vector_load %arg12[%swap3A_1217] {strides = array<i32>} : memref<16256xf32, #tpu.memory_space<vmem>>, vector<16xf32>,
      tpu.vector_store %arg12[%swap3A_1217], %get3A_1188 {strides = array<i32>} : memref<16256xf32, #tpu.memory_space<vmem>>, vector<16xf32>,
      %add3A_1219 = arith.constant 96 : i32
      %add3A_1220 = arith.addi %mul3A_1170, %add3A_1219 : i32
      %swap3A_1221 = arith.index_cast %add3A_1220 : i32 to index
      %swap3A_1222 = tpu.vector_load %arg12[%swap3A_1221] {strides = array<i32>} : memref<16256xf32, #tpu.memory_space<vmem>>, vector<16xf32>,
      tpu.vector_store %arg12[%swap3A_1221], %get3A_1191 {strides = array<i32>} : memref<16256xf32, #tpu.memory_space<vmem>>, vector<16xf32>,
      %add3A_1223 = arith.constant 111 : i32
      %add3A_1224 = arith.addi %mul3A_1170, %add3A_1223 : i32
      %swap3A_1225 = arith.index_cast %add3A_1224 : i32 to index
      %swap3A_1226 = tpu.vector_load %arg12[%swap3A_1225] {strides = array<i32>} : memref<16256xf32, #tpu.memory_space<vmem>>, vector<16xf32>,
      tpu.vector_store %arg12[%swap3A_1225], %get3A_1194 {strides = array<i32>} : memref<16256xf32, #tpu.memory_space<vmem>>, vector<16xf32>,
    }
    %scan3A_761 = arith.constant 64 : i32
    %mul3A_762 = arith.constant 127 : i32
    %mul3A_763 = vector.broadcast %mul3A_762 : i32 to vector<16xi32>
    %mul3A_764 = arith.muli %iota3A, %mul3A_763 : vector<16xi32>
    %add3A_765 = arith.constant 0 : i32
    %add3A_766 = vector.broadcast %add3A_765 : i32 to vector<16xi32>
    %add3A_767 = arith.addi %mul3A_764, %add3A_766 : vector<16xi32>
    %mul3A_768 = arith.constant 127 : i32
    %mul3A_769 = vector.broadcast %mul3A_768 : i32 to vector<16xi32>
    %mul3A_770 = arith.muli %iota3A, %mul3A_769 : vector<16xi32>
    %add3A_771 = arith.constant 2032 : i32
    %add3A_772 = vector.broadcast %add3A_771 : i32 to vector<16xi32>
    %add3A_773 = arith.addi %mul3A_770, %add3A_772 : vector<16xi32>
    %mul3A_774 = arith.constant 127 : i32
    %mul3A_775 = vector.broadcast %mul3A_774 : i32 to vector<16xi32>
    %mul3A_776 = arith.muli %iota3A, %mul3A_775 : vector<16xi32>
    %add3A_777 = arith.constant 4064 : i32
    %add3A_778 = vector.broadcast %add3A_777 : i32 to vector<16xi32>
    %add3A_779 = arith.addi %mul3A_776, %add3A_778 : vector<16xi32>
    %mul3A_780 = arith.constant 127 : i32
    %mul3A_781 = vector.broadcast %mul3A_780 : i32 to vector<16xi32>
    %mul3A_782 = arith.muli %iota3A, %mul3A_781 : vector<16xi32>
    %add3A_783 = arith.constant 6096 : i32
    %add3A_784 = vector.broadcast %add3A_783 : i32 to vector<16xi32>
    %add3A_785 = arith.addi %mul3A_782, %add3A_784 : vector<16xi32>
    %mul3A_786 = arith.constant 127 : i32
    %mul3A_787 = vector.broadcast %mul3A_786 : i32 to vector<16xi32>
    %mul3A_788 = arith.muli %iota3A, %mul3A_787 : vector<16xi32>
    %add3A_789 = arith.constant 8128 : i32
    %add3A_790 = vector.broadcast %add3A_789 : i32 to vector<16xi32>
    %add3A_791 = arith.addi %mul3A_788, %add3A_790 : vector<16xi32>
    %mul3A_792 = arith.constant 127 : i32
    %mul3A_793 = vector.broadcast %mul3A_792 : i32 to vector<16xi32>
    %mul3A_794 = arith.muli %iota3A, %mul3A_793 : vector<16xi32>
    %add3A_795 = arith.constant 10160 : i32
    %add3A_796 = vector.broadcast %add3A_795 : i32 to vector<16xi32>
    %add3A_797 = arith.addi %mul3A_794, %add3A_796 : vector<16xi32>
    %mul3A_798 = arith.constant 127 : i32
    %mul3A_799 = vector.broadcast %mul3A_798 : i32 to vector<16xi32>
    %mul3A_800 = arith.muli %iota3A, %mul3A_799 : vector<16xi32>
    %add3A_801 = arith.constant 12192 : i32
    %add3A_802 = vector.broadcast %add3A_801 : i32 to vector<16xi32>
    %add3A_803 = arith.addi %mul3A_800, %add3A_802 : vector<16xi32>
    %mul3A_804 = arith.constant 127 : i32
    %mul3A_805 = vector.broadcast %mul3A_804 : i32 to vector<16xi32>
    %mul3A_806 = arith.muli %iota3A, %mul3A_805 : vector<16xi32>
    %add3A_807 = arith.constant 14224 : i32
    %add3A_808 = vector.broadcast %add3A_807 : i32 to vector<16xi32>
    %add3A_809 = arith.addi %mul3A_806, %add3A_808 : vector<16xi32>
    %scan3A_810 = arith.constant 0 : i32
    %scan3A_811 = arith.constant 0 : i32
    %scan3A_812 = arith.constant 59 : i32
    %scan3A_813 = arith.addi %scan3A_811, %scan3A_812 : i32
    %scan3A_814 = arith.constant 1 : i32
    scf.for %scan3A_1104 = %scan3A_811 to %scan3A_813 step %scan3A_814  : i32 {
      %mul3A_1105 = arith.constant 2 : i32
      %mul3A_1106 = arith.muli %scan3A_1104, %mul3A_1105 : i32
      %add3A_1107 = arith.constant 0 : i32
      %add3A_1108 = arith.addi %mul3A_1106, %add3A_1107 : i32
      %mul3A_1109 = arith.constant 16 : i32
      %mul3A_1110 = arith.muli %add3A_1108, %mul3A_1109 : i32
      %get3A = arith.index_cast %mul3A_1110 : i32 to index
      %get3A_1111 = tpu.vector_load %arg5[%get3A] {strides = array<i32>} : memref<1888xi32, #tpu.memory_space<vmem>>, vector<16xi32>,
      %add3A_1112 = arith.addi %add3A_767, %get3A_1111 : vector<16xi32>
      %gather3A = tpu.vector_load_idx %arg12[%add3A_1112] : memref<16256xf32, #tpu.memory_space<vmem>>[vector<16xi32>], vector<16xf32>,
      %add3A_1113 = arith.addi %add3A_773, %get3A_1111 : vector<16xi32>
      %gather3A_1114 = tpu.vector_load_idx %arg12[%add3A_1113] : memref<16256xf32, #tpu.memory_space<vmem>>[vector<16xi32>], vector<16xf32>,
      %add3A_1115 = arith.addi %add3A_779, %get3A_1111 : vector<16xi32>
      %gather3A_1116 = tpu.vector_load_idx %arg12[%add3A_1115] : memref<16256xf32, #tpu.memory_space<vmem>>[vector<16xi32>], vector<16xf32>,
      %add3A_1117 = arith.addi %add3A_785, %get3A_1111 : vector<16xi32>
      %gather3A_1118 = tpu.vector_load_idx %arg12[%add3A_1117] : memref<16256xf32, #tpu.memory_space<vmem>>[vector<16xi32>], vector<16xf32>,
      %add3A_1119 = arith.addi %add3A_791, %get3A_1111 : vector<16xi32>
      %gather3A_1120 = tpu.vector_load_idx %arg12[%add3A_1119] : memref<16256xf32, #tpu.memory_space<vmem>>[vector<16xi32>], vector<16xf32>,
      %add3A_1121 = arith.addi %add3A_797, %get3A_1111 : vector<16xi32>
      %gather3A_1122 = tpu.vector_load_idx %arg12[%add3A_1121] : memref<16256xf32, #tpu.memory_space<vmem>>[vector<16xi32>], vector<16xf32>,
      %add3A_1123 = arith.addi %add3A_803, %get3A_1111 : vector<16xi32>
      %gather3A_1124 = tpu.vector_load_idx %arg12[%add3A_1123] : memref<16256xf32, #tpu.memory_space<vmem>>[vector<16xi32>], vector<16xf32>,
      %add3A_1125 = arith.addi %add3A_809, %get3A_1111 : vector<16xi32>
      %gather3A_1126 = tpu.vector_load_idx %arg12[%add3A_1125] : memref<16256xf32, #tpu.memory_space<vmem>>[vector<16xi32>], vector<16xf32>,
      %swap3A = arith.index_cast %add3A_1108 : i32 to index
      %swap3A_1127 = arith.constant 0 : index
      %swap3A_1128 = tpu.vector_load %arg11[%swap3A, %swap3A_1127] {strides = array<i32>} : memref<118x128xf32, #tpu.memory_space<vmem>>, vector<16xf32>,
      tpu.vector_store %arg11[%swap3A, %swap3A_1127], %gather3A {strides = array<i32>} : memref<118x128xf32, #tpu.memory_space<vmem>>, vector<16xf32>,
      %swap3A_1129 = arith.index_cast %add3A_1108 : i32 to index
      %swap3A_1130 = arith.constant 16 : index
      %swap3A_1131 = tpu.vector_load %arg11[%swap3A_1129, %swap3A_1130] {strides = array<i32>} : memref<118x128xf32, #tpu.memory_space<vmem>>, vector<16xf32>,
      tpu.vector_store %arg11[%swap3A_1129, %swap3A_1130], %gather3A_1114 {strides = array<i32>} : memref<118x128xf32, #tpu.memory_space<vmem>>, vector<16xf32>,
      %swap3A_1132 = arith.index_cast %add3A_1108 : i32 to index
      %swap3A_1133 = arith.constant 32 : index
      %swap3A_1134 = tpu.vector_load %arg11[%swap3A_1132, %swap3A_1133] {strides = array<i32>} : memref<118x128xf32, #tpu.memory_space<vmem>>, vector<16xf32>,
      tpu.vector_store %arg11[%swap3A_1132, %swap3A_1133], %gather3A_1116 {strides = array<i32>} : memref<118x128xf32, #tpu.memory_space<vmem>>, vector<16xf32>,
      %swap3A_1135 = arith.index_cast %add3A_1108 : i32 to index
      %swap3A_1136 = arith.constant 48 : index
      %swap3A_1137 = tpu.vector_load %arg11[%swap3A_1135, %swap3A_1136] {strides = array<i32>} : memref<118x128xf32, #tpu.memory_space<vmem>>, vector<16xf32>,
      tpu.vector_store %arg11[%swap3A_1135, %swap3A_1136], %gather3A_1118 {strides = array<i32>} : memref<118x128xf32, #tpu.memory_space<vmem>>, vector<16xf32>,
      %swap3A_1138 = arith.index_cast %add3A_1108 : i32 to index
      %swap3A_1139 = arith.constant 64 : index
      %swap3A_1140 = tpu.vector_load %arg11[%swap3A_1138, %swap3A_1139] {strides = array<i32>} : memref<118x128xf32, #tpu.memory_space<vmem>>, vector<16xf32>,
      tpu.vector_store %arg11[%swap3A_1138, %swap3A_1139], %gather3A_1120 {strides = array<i32>} : memref<118x128xf32, #tpu.memory_space<vmem>>, vector<16xf32>,
      %swap3A_1141 = arith.index_cast %add3A_1108 : i32 to index
      %swap3A_1142 = arith.constant 80 : index
      %swap3A_1143 = tpu.vector_load %arg11[%swap3A_1141, %swap3A_1142] {strides = array<i32>} : memref<118x128xf32, #tpu.memory_space<vmem>>, vector<16xf32>,
      tpu.vector_store %arg11[%swap3A_1141, %swap3A_1142], %gather3A_1122 {strides = array<i32>} : memref<118x128xf32, #tpu.memory_space<vmem>>, vector<16xf32>,
      %swap3A_1144 = arith.index_cast %add3A_1108 : i32 to index
      %swap3A_1145 = arith.constant 96 : index
      %swap3A_1146 = tpu.vector_load %arg11[%swap3A_1144, %swap3A_1145] {strides = array<i32>} : memref<118x128xf32, #tpu.memory_space<vmem>>, vector<16xf32>,
      tpu.vector_store %arg11[%swap3A_1144, %swap3A_1145], %gather3A_1124 {strides = array<i32>} : memref<118x128xf32, #tpu.memory_space<vmem>>, vector<16xf32>,
      %swap3A_1147 = arith.index_cast %add3A_1108 : i32 to index
      %swap3A_1148 = arith.constant 112 : index
      %swap3A_1149 = tpu.vector_load %arg11[%swap3A_1147, %swap3A_1148] {strides = array<i32>} : memref<118x128xf32, #tpu.memory_space<vmem>>, vector<16xf32>,
      tpu.vector_store %arg11[%swap3A_1147, %swap3A_1148], %gather3A_1126 {strides = array<i32>} : memref<118x128xf32, #tpu.memory_space<vmem>>, vector<16xf32>,
      %mul3A_1150 = arith.constant 2 : i32
      %mul3A_1151 = arith.muli %scan3A_1104, %mul3A_1150 : i32
      %add3A_1152 = arith.constant 1 : i32
      %add3A_1153 = arith.addi %mul3A_1151, %add3A_1152 : i32
      %mul3A_1154 = arith.constant 16 : i32
      %mul3A_1155 = arith.muli %add3A_1153, %mul3A_1154 : i32
      %get3A_1156 = arith.index_cast %mul3A_1155 : i32 to index
      %get3A_1157 = tpu.vector_load %arg5[%get3A_1156] {strides = array<i32>} : memref<1888xi32, #tpu.memory_space<vmem>>, vector<16xi32>,
      %add3A_1158 = arith.addi %add3A_767, %get3A_1157 : vector<16xi32>
      %gather3A_1159 = tpu.vector_load_idx %arg12[%add3A_1158] : memref<16256xf32, #tpu.memory_space<vmem>>[vector<16xi32>], vector<16xf32>,
      %add3A_1160 = arith.addi %add3A_773, %get3A_1157 : vector<16xi32>
      %gather3A_1161 = tpu.vector_load_idx %arg12[%add3A_1160] : memref<16256xf32, #tpu.memory_space<vmem>>[vector<16xi32>], vector<16xf32>,
      %add3A_1162 = arith.addi %add3A_779, %get3A_1157 : vector<16xi32>
      %gather3A_1163 = tpu.vector_load_idx %arg12[%add3A_1162] : memref<16256xf32, #tpu.memory_space<vmem>>[vector<16xi32>], vector<16xf32>,
      %add3A_1164 = arith.addi %add3A_785, %get3A_1157 : vector<16xi32>
      %gather3A_1165 = tpu.vector_load_idx %arg12[%add3A_1164] : memref<16256xf32, #tpu.memory_space<vmem>>[vector<16xi32>], vector<16xf32>,
      %add3A_1166 = arith.addi %add3A_791, %get3A_1157 : vector<16xi32>
      %gather3A_1167 = tpu.vector_load_idx %arg12[%add3A_1166] : memref<16256xf32, #tpu.memory_space<vmem>>[vector<16xi32>], vector<16xf32>,
      %add3A_1168 = arith.addi %add3A_797, %get3A_1157 : vector<16xi32>
      %gather3A_1169 = tpu.vector_load_idx %arg12[%add3A_1168] : memref<16256xf32, #tpu.memory_space<vmem>>[vector<16xi32>], vector<16xf32>,
      %add3A_1170 = arith.addi %add3A_803, %get3A_1157 : vector<16xi32>
      %gather3A_1171 = tpu.vector_load_idx %arg12[%add3A_1170] : memref<16256xf32, #tpu.memory_space<vmem>>[vector<16xi32>], vector<16xf32>,
      %add3A_1172 = arith.addi %add3A_809, %get3A_1157 : vector<16xi32>
      %gather3A_1173 = tpu.vector_load_idx %arg12[%add3A_1172] : memref<16256xf32, #tpu.memory_space<vmem>>[vector<16xi32>], vector<16xf32>,
      %swap3A_1174 = arith.index_cast %add3A_1153 : i32 to index
      %swap3A_1175 = arith.constant 0 : index
      %swap3A_1176 = tpu.vector_load %arg11[%swap3A_1174, %swap3A_1175] {strides = array<i32>} : memref<118x128xf32, #tpu.memory_space<vmem>>, vector<16xf32>,
      tpu.vector_store %arg11[%swap3A_1174, %swap3A_1175], %gather3A_1159 {strides = array<i32>} : memref<118x128xf32, #tpu.memory_space<vmem>>, vector<16xf32>,
      %swap3A_1177 = arith.index_cast %add3A_1153 : i32 to index
      %swap3A_1178 = arith.constant 16 : index
      %swap3A_1179 = tpu.vector_load %arg11[%swap3A_1177, %swap3A_1178] {strides = array<i32>} : memref<118x128xf32, #tpu.memory_space<vmem>>, vector<16xf32>,
      tpu.vector_store %arg11[%swap3A_1177, %swap3A_1178], %gather3A_1161 {strides = array<i32>} : memref<118x128xf32, #tpu.memory_space<vmem>>, vector<16xf32>,
      %swap3A_1180 = arith.index_cast %add3A_1153 : i32 to index
      %swap3A_1181 = arith.constant 32 : index
      %swap3A_1182 = tpu.vector_load %arg11[%swap3A_1180, %swap3A_1181] {strides = array<i32>} : memref<118x128xf32, #tpu.memory_space<vmem>>, vector<16xf32>,
      tpu.vector_store %arg11[%swap3A_1180, %swap3A_1181], %gather3A_1163 {strides = array<i32>} : memref<118x128xf32, #tpu.memory_space<vmem>>, vector<16xf32>,
      %swap3A_1183 = arith.index_cast %add3A_1153 : i32 to index
      %swap3A_1184 = arith.constant 48 : index
      %swap3A_1185 = tpu.vector_load %arg11[%swap3A_1183, %swap3A_1184] {strides = array<i32>} : memref<118x128xf32, #tpu.memory_space<vmem>>, vector<16xf32>,
      tpu.vector_store %arg11[%swap3A_1183, %swap3A_1184], %gather3A_1165 {strides = array<i32>} : memref<118x128xf32, #tpu.memory_space<vmem>>, vector<16xf32>,
      %swap3A_1186 = arith.index_cast %add3A_1153 : i32 to index
      %swap3A_1187 = arith.constant 64 : index
      %swap3A_1188 = tpu.vector_load %arg11[%swap3A_1186, %swap3A_1187] {strides = array<i32>} : memref<118x128xf32, #tpu.memory_space<vmem>>, vector<16xf32>,
      tpu.vector_store %arg11[%swap3A_1186, %swap3A_1187], %gather3A_1167 {strides = array<i32>} : memref<118x128xf32, #tpu.memory_space<vmem>>, vector<16xf32>,
      %swap3A_1189 = arith.index_cast %add3A_1153 : i32 to index
      %swap3A_1190 = arith.constant 80 : index
      %swap3A_1191 = tpu.vector_load %arg11[%swap3A_1189, %swap3A_1190] {strides = array<i32>} : memref<118x128xf32, #tpu.memory_space<vmem>>, vector<16xf32>,
      tpu.vector_store %arg11[%swap3A_1189, %swap3A_1190], %gather3A_1169 {strides = array<i32>} : memref<118x128xf32, #tpu.memory_space<vmem>>, vector<16xf32>,
      %swap3A_1192 = arith.index_cast %add3A_1153 : i32 to index
      %swap3A_1193 = arith.constant 96 : index
      %swap3A_1194 = tpu.vector_load %arg11[%swap3A_1192, %swap3A_1193] {strides = array<i32>} : memref<118x128xf32, #tpu.memory_space<vmem>>, vector<16xf32>,
      tpu.vector_store %arg11[%swap3A_1192, %swap3A_1193], %gather3A_1171 {strides = array<i32>} : memref<118x128xf32, #tpu.memory_space<vmem>>, vector<16xf32>,
      %swap3A_1195 = arith.index_cast %add3A_1153 : i32 to index
      %swap3A_1196 = arith.constant 112 : index
      %swap3A_1197 = tpu.vector_load %arg11[%swap3A_1195, %swap3A_1196] {strides = array<i32>} : memref<118x128xf32, #tpu.memory_space<vmem>>, vector<16xf32>,
      tpu.vector_store %arg11[%swap3A_1195, %swap3A_1196], %gather3A_1173 {strides = array<i32>} : memref<118x128xf32, #tpu.memory_space<vmem>>, vector<16xf32>,
    }
    %scan3A_815 = arith.constant 59 : i32
    %add3A_816 = arith.constant 256 : i32
    %add3A_817 = arith.addi %mul3A_2, %add3A_816 : i32
    %dma_start3A_818 = arith.constant 2 : i32
    %dma_start3A_819 = arith.constant 0 : i32
    %dma_start3A_820 = tpu.memref_slice %arg4[%dma_start3A_818, %dma_start3A_819, %add3A_817] : memref<3x118x16384xf32, #tpu.memory_space<hbm>> -> memref<1x118x128xf32, #tpu.memory_space<hbm>>
    %dma_start3A_821 = tpu.memref_squeeze %dma_start3A_820 : memref<1x118x128xf32, #tpu.memory_space<hbm>> -> memref<118x128xf32, #tpu.memory_space<hbm>>
    %dma_start3A_822 = arith.constant 0 : i32
    %dma_start3A_823 = tpu.memref_slice %arg4[%dma_start3A_818, %dma_start3A_822, %add3A_817] : memref<3x118x16384xf32, #tpu.memory_space<hbm>> -> memref<1x118x128xf32, #tpu.memory_space<hbm>>
    %dma_start3A_824 = tpu.memref_squeeze %dma_start3A_823 : memref<1x118x128xf32, #tpu.memory_space<hbm>> -> memref<118x128xf32, #tpu.memory_space<hbm>>
    tpu.enqueue_dma source(%arg11 : memref<118x128xf32, #tpu.memory_space<vmem>>) target(%dma_start3A_824 : memref<118x128xf32, #tpu.memory_space<hbm>>) target_semaphore(%arg19 : memref<!tpu.dma_semaphore, #tpu.memory_space<semaphore_mem>>)
    %add3A_825 = arith.constant 384 : i32
    %add3A_826 = arith.addi %mul3A_2, %add3A_825 : i32
    %dma_start3A_827 = arith.constant 2 : i32
    %dma_start3A_828 = arith.constant 0 : i32
    %dma_start3A_829 = tpu.memref_slice %arg2[%dma_start3A_827, %add3A_826, %dma_start3A_828] : memref<3x16384x127xf32, #tpu.memory_space<hbm>> -> memref<1x128x127xf32, #tpu.memory_space<hbm>>
    %dma_start3A_830 = tpu.memref_squeeze %dma_start3A_829 : memref<1x128x127xf32, #tpu.memory_space<hbm>> -> memref<128x127xf32, #tpu.memory_space<hbm>>
    %dma_start3A_831 = arith.constant 0 : i32
    %dma_start3A_832 = tpu.memref_slice %arg2[%dma_start3A_827, %add3A_826, %dma_start3A_831] : memref<3x16384x127xf32, #tpu.memory_space<hbm>> -> memref<1x128x127xf32, #tpu.memory_space<hbm>>
    %dma_start3A_833 = tpu.memref_squeeze %dma_start3A_832 : memref<1x128x127xf32, #tpu.memory_space<hbm>> -> memref<128x127xf32, #tpu.memory_space<hbm>>
    tpu.enqueue_dma source(%dma_start3A_833 : memref<128x127xf32, #tpu.memory_space<hbm>>) target(%arg8 : memref<128x127xf32, #tpu.memory_space<vmem>>) target_semaphore(%arg16 : memref<!tpu.dma_semaphore, #tpu.memory_space<semaphore_mem>>)
    %dma_wait3A_834 = arith.constant 0 : i32
    %dma_wait3A_835 = arith.constant 0 : i32
    %dma_wait3A_836 = tpu.memref_slice %arg2[%dma_wait3A_834, %add3A_642, %dma_wait3A_835] : memref<3x16384x127xf32, #tpu.memory_space<hbm>> -> memref<1x128x127xf32, #tpu.memory_space<hbm>>
    %dma_wait3A_837 = tpu.memref_squeeze %dma_wait3A_836 : memref<1x128x127xf32, #tpu.memory_space<hbm>> -> memref<128x127xf32, #tpu.memory_space<hbm>>
    %dma_wait3A_838 = arith.constant 0 : i32
    %dma_wait3A_839 = tpu.memref_slice %arg2[%dma_wait3A_834, %add3A_642, %dma_wait3A_838] : memref<3x16384x127xf32, #tpu.memory_space<hbm>> -> memref<1x128x127xf32, #tpu.memory_space<hbm>>
    %dma_wait3A_840 = tpu.memref_squeeze %dma_wait3A_839 : memref<1x128x127xf32, #tpu.memory_space<hbm>> -> memref<128x127xf32, #tpu.memory_space<hbm>>
    tpu.wait_dma2 semaphore(%arg14 : memref<!tpu.dma_semaphore, #tpu.memory_space<semaphore_mem>>) src(%dma_wait3A_840 : memref<128x127xf32, #tpu.memory_space<hbm>>) dst(%arg6 : memref<128x127xf32, #tpu.memory_space<vmem>>)
    %dma_wait3A_841 = arith.constant 0 : i32
    %dma_wait3A_842 = arith.constant 0 : i32
    %dma_wait3A_843 = tpu.memref_slice %arg4[%dma_wait3A_841, %dma_wait3A_842, %add3A_633] : memref<3x118x16384xf32, #tpu.memory_space<hbm>> -> memref<1x118x128xf32, #tpu.memory_space<hbm>>
    %dma_wait3A_844 = tpu.memref_squeeze %dma_wait3A_843 : memref<1x118x128xf32, #tpu.memory_space<hbm>> -> memref<118x128xf32, #tpu.memory_space<hbm>>
    %dma_wait3A_845 = arith.constant 0 : i32
    %dma_wait3A_846 = tpu.memref_slice %arg4[%dma_wait3A_841, %dma_wait3A_845, %add3A_633] : memref<3x118x16384xf32, #tpu.memory_space<hbm>> -> memref<1x118x128xf32, #tpu.memory_space<hbm>>
    %dma_wait3A_847 = tpu.memref_squeeze %dma_wait3A_846 : memref<1x118x128xf32, #tpu.memory_space<hbm>> -> memref<118x128xf32, #tpu.memory_space<hbm>>
    tpu.wait_dma2 semaphore(%arg17 : memref<!tpu.dma_semaphore, #tpu.memory_space<semaphore_mem>>) src(%arg9 : memref<118x128xf32, #tpu.memory_space<vmem>>) dst(%dma_wait3A_847 : memref<118x128xf32, #tpu.memory_space<hbm>>)
    %scan3A_848 = arith.constant 0 : i32
    %scan3A_849 = arith.constant 0 : i32
    %scan3A_850 = arith.constant 64 : i32
    %scan3A_851 = arith.addi %scan3A_849, %scan3A_850 : i32
    %scan3A_852 = arith.constant 1 : i32
    scf.for %scan3A_1104 = %scan3A_849 to %scan3A_851 step %scan3A_852  : i32 {
      %mul3A_1105 = arith.constant 2 : i32
      %mul3A_1106 = arith.muli %scan3A_1104, %mul3A_1105 : i32
      %add3A_1107 = arith.constant 0 : i32
      %add3A_1108 = arith.addi %mul3A_1106, %add3A_1107 : i32
      %mul3A_1109 = arith.constant 127 : i32
      %mul3A_1110 = arith.muli %add3A_1108, %mul3A_1109 : i32
      %get3A = arith.index_cast %add3A_1108 : i32 to index
      %get3A_1111 = arith.constant 0 : index
      %get3A_1112 = tpu.vector_load %arg6[%get3A, %get3A_1111] {strides = array<i32>} : memref<128x127xf32, #tpu.memory_space<vmem>>, vector<16xf32>,
      %get3A_1113 = arith.index_cast %add3A_1108 : i32 to index
      %get3A_1114 = arith.constant 16 : index
      %get3A_1115 = tpu.vector_load %arg6[%get3A_1113, %get3A_1114] {strides = array<i32>} : memref<128x127xf32, #tpu.memory_space<vmem>>, vector<16xf32>,
      %get3A_1116 = arith.index_cast %add3A_1108 : i32 to index
      %get3A_1117 = arith.constant 32 : index
      %get3A_1118 = tpu.vector_load %arg6[%get3A_1116, %get3A_1117] {strides = array<i32>} : memref<128x127xf32, #tpu.memory_space<vmem>>, vector<16xf32>,
      %get3A_1119 = arith.index_cast %add3A_1108 : i32 to index
      %get3A_1120 = arith.constant 48 : index
      %get3A_1121 = tpu.vector_load %arg6[%get3A_1119, %get3A_1120] {strides = array<i32>} : memref<128x127xf32, #tpu.memory_space<vmem>>, vector<16xf32>,
      %get3A_1122 = arith.index_cast %add3A_1108 : i32 to index
      %get3A_1123 = arith.constant 64 : index
      %get3A_1124 = tpu.vector_load %arg6[%get3A_1122, %get3A_1123] {strides = array<i32>} : memref<128x127xf32, #tpu.memory_space<vmem>>, vector<16xf32>,
      %get3A_1125 = arith.index_cast %add3A_1108 : i32 to index
      %get3A_1126 = arith.constant 80 : index
      %get3A_1127 = tpu.vector_load %arg6[%get3A_1125, %get3A_1126] {strides = array<i32>} : memref<128x127xf32, #tpu.memory_space<vmem>>, vector<16xf32>,
      %get3A_1128 = arith.index_cast %add3A_1108 : i32 to index
      %get3A_1129 = arith.constant 96 : index
      %get3A_1130 = tpu.vector_load %arg6[%get3A_1128, %get3A_1129] {strides = array<i32>} : memref<128x127xf32, #tpu.memory_space<vmem>>, vector<16xf32>,
      %get3A_1131 = arith.index_cast %add3A_1108 : i32 to index
      %get3A_1132 = arith.constant 111 : index
      %get3A_1133 = tpu.vector_load %arg6[%get3A_1131, %get3A_1132] {strides = array<i32>} : memref<128x127xf32, #tpu.memory_space<vmem>>, vector<16xf32>,
      %add3A_1134 = arith.constant 0 : i32
      %add3A_1135 = arith.addi %mul3A_1110, %add3A_1134 : i32
      %swap3A = arith.index_cast %add3A_1135 : i32 to index
      %swap3A_1136 = tpu.vector_load %arg12[%swap3A] {strides = array<i32>} : memref<16256xf32, #tpu.memory_space<vmem>>, vector<16xf32>,
      tpu.vector_store %arg12[%swap3A], %get3A_1112 {strides = array<i32>} : memref<16256xf32, #tpu.memory_space<vmem>>, vector<16xf32>,
      %add3A_1137 = arith.constant 16 : i32
      %add3A_1138 = arith.addi %mul3A_1110, %add3A_1137 : i32
      %swap3A_1139 = arith.index_cast %add3A_1138 : i32 to index
      %swap3A_1140 = tpu.vector_load %arg12[%swap3A_1139] {strides = array<i32>} : memref<16256xf32, #tpu.memory_space<vmem>>, vector<16xf32>,
      tpu.vector_store %arg12[%swap3A_1139], %get3A_1115 {strides = array<i32>} : memref<16256xf32, #tpu.memory_space<vmem>>, vector<16xf32>,
      %add3A_1141 = arith.constant 32 : i32
      %add3A_1142 = arith.addi %mul3A_1110, %add3A_1141 : i32
      %swap3A_1143 = arith.index_cast %add3A_1142 : i32 to index
      %swap3A_1144 = tpu.vector_load %arg12[%swap3A_1143] {strides = array<i32>} : memref<16256xf32, #tpu.memory_space<vmem>>, vector<16xf32>,
      tpu.vector_store %arg12[%swap3A_1143], %get3A_1118 {strides = array<i32>} : memref<16256xf32, #tpu.memory_space<vmem>>, vector<16xf32>,
      %add3A_1145 = arith.constant 48 : i32
      %add3A_1146 = arith.addi %mul3A_1110, %add3A_1145 : i32
      %swap3A_1147 = arith.index_cast %add3A_1146 : i32 to index
      %swap3A_1148 = tpu.vector_load %arg12[%swap3A_1147] {strides = array<i32>} : memref<16256xf32, #tpu.memory_space<vmem>>, vector<16xf32>,
      tpu.vector_store %arg12[%swap3A_1147], %get3A_1121 {strides = array<i32>} : memref<16256xf32, #tpu.memory_space<vmem>>, vector<16xf32>,
      %add3A_1149 = arith.constant 64 : i32
      %add3A_1150 = arith.addi %mul3A_1110, %add3A_1149 : i32
      %swap3A_1151 = arith.index_cast %add3A_1150 : i32 to index
      %swap3A_1152 = tpu.vector_load %arg12[%swap3A_1151] {strides = array<i32>} : memref<16256xf32, #tpu.memory_space<vmem>>, vector<16xf32>,
      tpu.vector_store %arg12[%swap3A_1151], %get3A_1124 {strides = array<i32>} : memref<16256xf32, #tpu.memory_space<vmem>>, vector<16xf32>,
      %add3A_1153 = arith.constant 80 : i32
      %add3A_1154 = arith.addi %mul3A_1110, %add3A_1153 : i32
      %swap3A_1155 = arith.index_cast %add3A_1154 : i32 to index
      %swap3A_1156 = tpu.vector_load %arg12[%swap3A_1155] {strides = array<i32>} : memref<16256xf32, #tpu.memory_space<vmem>>, vector<16xf32>,
      tpu.vector_store %arg12[%swap3A_1155], %get3A_1127 {strides = array<i32>} : memref<16256xf32, #tpu.memory_space<vmem>>, vector<16xf32>,
      %add3A_1157 = arith.constant 96 : i32
      %add3A_1158 = arith.addi %mul3A_1110, %add3A_1157 : i32
      %swap3A_1159 = arith.index_cast %add3A_1158 : i32 to index
      %swap3A_1160 = tpu.vector_load %arg12[%swap3A_1159] {strides = array<i32>} : memref<16256xf32, #tpu.memory_space<vmem>>, vector<16xf32>,
      tpu.vector_store %arg12[%swap3A_1159], %get3A_1130 {strides = array<i32>} : memref<16256xf32, #tpu.memory_space<vmem>>, vector<16xf32>,
      %add3A_1161 = arith.constant 111 : i32
      %add3A_1162 = arith.addi %mul3A_1110, %add3A_1161 : i32
      %swap3A_1163 = arith.index_cast %add3A_1162 : i32 to index
      %swap3A_1164 = tpu.vector_load %arg12[%swap3A_1163] {strides = array<i32>} : memref<16256xf32, #tpu.memory_space<vmem>>, vector<16xf32>,
      tpu.vector_store %arg12[%swap3A_1163], %get3A_1133 {strides = array<i32>} : memref<16256xf32, #tpu.memory_space<vmem>>, vector<16xf32>,
      %mul3A_1165 = arith.constant 2 : i32
      %mul3A_1166 = arith.muli %scan3A_1104, %mul3A_1165 : i32
      %add3A_1167 = arith.constant 1 : i32
      %add3A_1168 = arith.addi %mul3A_1166, %add3A_1167 : i32
      %mul3A_1169 = arith.constant 127 : i32
      %mul3A_1170 = arith.muli %add3A_1168, %mul3A_1169 : i32
      %get3A_1171 = arith.index_cast %add3A_1168 : i32 to index
      %get3A_1172 = arith.constant 0 : index
      %get3A_1173 = tpu.vector_load %arg6[%get3A_1171, %get3A_1172] {strides = array<i32>} : memref<128x127xf32, #tpu.memory_space<vmem>>, vector<16xf32>,
      %get3A_1174 = arith.index_cast %add3A_1168 : i32 to index
      %get3A_1175 = arith.constant 16 : index
      %get3A_1176 = tpu.vector_load %arg6[%get3A_1174, %get3A_1175] {strides = array<i32>} : memref<128x127xf32, #tpu.memory_space<vmem>>, vector<16xf32>,
      %get3A_1177 = arith.index_cast %add3A_1168 : i32 to index
      %get3A_1178 = arith.constant 32 : index
      %get3A_1179 = tpu.vector_load %arg6[%get3A_1177, %get3A_1178] {strides = array<i32>} : memref<128x127xf32, #tpu.memory_space<vmem>>, vector<16xf32>,
      %get3A_1180 = arith.index_cast %add3A_1168 : i32 to index
      %get3A_1181 = arith.constant 48 : index
      %get3A_1182 = tpu.vector_load %arg6[%get3A_1180, %get3A_1181] {strides = array<i32>} : memref<128x127xf32, #tpu.memory_space<vmem>>, vector<16xf32>,
      %get3A_1183 = arith.index_cast %add3A_1168 : i32 to index
      %get3A_1184 = arith.constant 64 : index
      %get3A_1185 = tpu.vector_load %arg6[%get3A_1183, %get3A_1184] {strides = array<i32>} : memref<128x127xf32, #tpu.memory_space<vmem>>, vector<16xf32>,
      %get3A_1186 = arith.index_cast %add3A_1168 : i32 to index
      %get3A_1187 = arith.constant 80 : index
      %get3A_1188 = tpu.vector_load %arg6[%get3A_1186, %get3A_1187] {strides = array<i32>} : memref<128x127xf32, #tpu.memory_space<vmem>>, vector<16xf32>,
      %get3A_1189 = arith.index_cast %add3A_1168 : i32 to index
      %get3A_1190 = arith.constant 96 : index
      %get3A_1191 = tpu.vector_load %arg6[%get3A_1189, %get3A_1190] {strides = array<i32>} : memref<128x127xf32, #tpu.memory_space<vmem>>, vector<16xf32>,
      %get3A_1192 = arith.index_cast %add3A_1168 : i32 to index
      %get3A_1193 = arith.constant 111 : index
      %get3A_1194 = tpu.vector_load %arg6[%get3A_1192, %get3A_1193] {strides = array<i32>} : memref<128x127xf32, #tpu.memory_space<vmem>>, vector<16xf32>,
      %add3A_1195 = arith.constant 0 : i32
      %add3A_1196 = arith.addi %mul3A_1170, %add3A_1195 : i32
      %swap3A_1197 = arith.index_cast %add3A_1196 : i32 to index
      %swap3A_1198 = tpu.vector_load %arg12[%swap3A_1197] {strides = array<i32>} : memref<16256xf32, #tpu.memory_space<vmem>>, vector<16xf32>,
      tpu.vector_store %arg12[%swap3A_1197], %get3A_1173 {strides = array<i32>} : memref<16256xf32, #tpu.memory_space<vmem>>, vector<16xf32>,
      %add3A_1199 = arith.constant 16 : i32
      %add3A_1200 = arith.addi %mul3A_1170, %add3A_1199 : i32
      %swap3A_1201 = arith.index_cast %add3A_1200 : i32 to index
      %swap3A_1202 = tpu.vector_load %arg12[%swap3A_1201] {strides = array<i32>} : memref<16256xf32, #tpu.memory_space<vmem>>, vector<16xf32>,
      tpu.vector_store %arg12[%swap3A_1201], %get3A_1176 {strides = array<i32>} : memref<16256xf32, #tpu.memory_space<vmem>>, vector<16xf32>,
      %add3A_1203 = arith.constant 32 : i32
      %add3A_1204 = arith.addi %mul3A_1170, %add3A_1203 : i32
      %swap3A_1205 = arith.index_cast %add3A_1204 : i32 to index
      %swap3A_1206 = tpu.vector_load %arg12[%swap3A_1205] {strides = array<i32>} : memref<16256xf32, #tpu.memory_space<vmem>>, vector<16xf32>,
      tpu.vector_store %arg12[%swap3A_1205], %get3A_1179 {strides = array<i32>} : memref<16256xf32, #tpu.memory_space<vmem>>, vector<16xf32>,
      %add3A_1207 = arith.constant 48 : i32
      %add3A_1208 = arith.addi %mul3A_1170, %add3A_1207 : i32
      %swap3A_1209 = arith.index_cast %add3A_1208 : i32 to index
      %swap3A_1210 = tpu.vector_load %arg12[%swap3A_1209] {strides = array<i32>} : memref<16256xf32, #tpu.memory_space<vmem>>, vector<16xf32>,
      tpu.vector_store %arg12[%swap3A_1209], %get3A_1182 {strides = array<i32>} : memref<16256xf32, #tpu.memory_space<vmem>>, vector<16xf32>,
      %add3A_1211 = arith.constant 64 : i32
      %add3A_1212 = arith.addi %mul3A_1170, %add3A_1211 : i32
      %swap3A_1213 = arith.index_cast %add3A_1212 : i32 to index
      %swap3A_1214 = tpu.vector_load %arg12[%swap3A_1213] {strides = array<i32>} : memref<16256xf32, #tpu.memory_space<vmem>>, vector<16xf32>,
      tpu.vector_store %arg12[%swap3A_1213], %get3A_1185 {strides = array<i32>} : memref<16256xf32, #tpu.memory_space<vmem>>, vector<16xf32>,
      %add3A_1215 = arith.constant 80 : i32
      %add3A_1216 = arith.addi %mul3A_1170, %add3A_1215 : i32
      %swap3A_1217 = arith.index_cast %add3A_1216 : i32 to index
      %swap3A_1218 = tpu.vector_load %arg12[%swap3A_1217] {strides = array<i32>} : memref<16256xf32, #tpu.memory_space<vmem>>, vector<16xf32>,
      tpu.vector_store %arg12[%swap3A_1217], %get3A_1188 {strides = array<i32>} : memref<16256xf32, #tpu.memory_space<vmem>>, vector<16xf32>,
      %add3A_1219 = arith.constant 96 : i32
      %add3A_1220 = arith.addi %mul3A_1170, %add3A_1219 : i32
      %swap3A_1221 = arith.index_cast %add3A_1220 : i32 to index
      %swap3A_1222 = tpu.vector_load %arg12[%swap3A_1221] {strides = array<i32>} : memref<16256xf32, #tpu.memory_space<vmem>>, vector<16xf32>,
      tpu.vector_store %arg12[%swap3A_1221], %get3A_1191 {strides = array<i32>} : memref<16256xf32, #tpu.memory_space<vmem>>, vector<16xf32>,
      %add3A_1223 = arith.constant 111 : i32
      %add3A_1224 = arith.addi %mul3A_1170, %add3A_1223 : i32
      %swap3A_1225 = arith.index_cast %add3A_1224 : i32 to index
      %swap3A_1226 = tpu.vector_load %arg12[%swap3A_1225] {strides = array<i32>} : memref<16256xf32, #tpu.memory_space<vmem>>, vector<16xf32>,
      tpu.vector_store %arg12[%swap3A_1225], %get3A_1194 {strides = array<i32>} : memref<16256xf32, #tpu.memory_space<vmem>>, vector<16xf32>,
    }
    %scan3A_853 = arith.constant 64 : i32
    %mul3A_854 = arith.constant 127 : i32
    %mul3A_855 = vector.broadcast %mul3A_854 : i32 to vector<16xi32>
    %mul3A_856 = arith.muli %iota3A, %mul3A_855 : vector<16xi32>
    %add3A_857 = arith.constant 0 : i32
    %add3A_858 = vector.broadcast %add3A_857 : i32 to vector<16xi32>
    %add3A_859 = arith.addi %mul3A_856, %add3A_858 : vector<16xi32>
    %mul3A_860 = arith.constant 127 : i32
    %mul3A_861 = vector.broadcast %mul3A_860 : i32 to vector<16xi32>
    %mul3A_862 = arith.muli %iota3A, %mul3A_861 : vector<16xi32>
    %add3A_863 = arith.constant 2032 : i32
    %add3A_864 = vector.broadcast %add3A_863 : i32 to vector<16xi32>
    %add3A_865 = arith.addi %mul3A_862, %add3A_864 : vector<16xi32>
    %mul3A_866 = arith.constant 127 : i32
    %mul3A_867 = vector.broadcast %mul3A_866 : i32 to vector<16xi32>
    %mul3A_868 = arith.muli %iota3A, %mul3A_867 : vector<16xi32>
    %add3A_869 = arith.constant 4064 : i32
    %add3A_870 = vector.broadcast %add3A_869 : i32 to vector<16xi32>
    %add3A_871 = arith.addi %mul3A_868, %add3A_870 : vector<16xi32>
    %mul3A_872 = arith.constant 127 : i32
    %mul3A_873 = vector.broadcast %mul3A_872 : i32 to vector<16xi32>
    %mul3A_874 = arith.muli %iota3A, %mul3A_873 : vector<16xi32>
    %add3A_875 = arith.constant 6096 : i32
    %add3A_876 = vector.broadcast %add3A_875 : i32 to vector<16xi32>
    %add3A_877 = arith.addi %mul3A_874, %add3A_876 : vector<16xi32>
    %mul3A_878 = arith.constant 127 : i32
    %mul3A_879 = vector.broadcast %mul3A_878 : i32 to vector<16xi32>
    %mul3A_880 = arith.muli %iota3A, %mul3A_879 : vector<16xi32>
    %add3A_881 = arith.constant 8128 : i32
    %add3A_882 = vector.broadcast %add3A_881 : i32 to vector<16xi32>
    %add3A_883 = arith.addi %mul3A_880, %add3A_882 : vector<16xi32>
    %mul3A_884 = arith.constant 127 : i32
    %mul3A_885 = vector.broadcast %mul3A_884 : i32 to vector<16xi32>
    %mul3A_886 = arith.muli %iota3A, %mul3A_885 : vector<16xi32>
    %add3A_887 = arith.constant 10160 : i32
    %add3A_888 = vector.broadcast %add3A_887 : i32 to vector<16xi32>
    %add3A_889 = arith.addi %mul3A_886, %add3A_888 : vector<16xi32>
    %mul3A_890 = arith.constant 127 : i32
    %mul3A_891 = vector.broadcast %mul3A_890 : i32 to vector<16xi32>
    %mul3A_892 = arith.muli %iota3A, %mul3A_891 : vector<16xi32>
    %add3A_893 = arith.constant 12192 : i32
    %add3A_894 = vector.broadcast %add3A_893 : i32 to vector<16xi32>
    %add3A_895 = arith.addi %mul3A_892, %add3A_894 : vector<16xi32>
    %mul3A_896 = arith.constant 127 : i32
    %mul3A_897 = vector.broadcast %mul3A_896 : i32 to vector<16xi32>
    %mul3A_898 = arith.muli %iota3A, %mul3A_897 : vector<16xi32>
    %add3A_899 = arith.constant 14224 : i32
    %add3A_900 = vector.broadcast %add3A_899 : i32 to vector<16xi32>
    %add3A_901 = arith.addi %mul3A_898, %add3A_900 : vector<16xi32>
    %scan3A_902 = arith.constant 0 : i32
    %scan3A_903 = arith.constant 0 : i32
    %scan3A_904 = arith.constant 59 : i32
    %scan3A_905 = arith.addi %scan3A_903, %scan3A_904 : i32
    %scan3A_906 = arith.constant 1 : i32
    scf.for %scan3A_1104 = %scan3A_903 to %scan3A_905 step %scan3A_906  : i32 {
      %mul3A_1105 = arith.constant 2 : i32
      %mul3A_1106 = arith.muli %scan3A_1104, %mul3A_1105 : i32
      %add3A_1107 = arith.constant 0 : i32
      %add3A_1108 = arith.addi %mul3A_1106, %add3A_1107 : i32
      %mul3A_1109 = arith.constant 16 : i32
      %mul3A_1110 = arith.muli %add3A_1108, %mul3A_1109 : i32
      %get3A = arith.index_cast %mul3A_1110 : i32 to index
      %get3A_1111 = tpu.vector_load %arg5[%get3A] {strides = array<i32>} : memref<1888xi32, #tpu.memory_space<vmem>>, vector<16xi32>,
      %add3A_1112 = arith.addi %add3A_859, %get3A_1111 : vector<16xi32>
      %gather3A = tpu.vector_load_idx %arg12[%add3A_1112] : memref<16256xf32, #tpu.memory_space<vmem>>[vector<16xi32>], vector<16xf32>,
      %add3A_1113 = arith.addi %add3A_865, %get3A_1111 : vector<16xi32>
      %gather3A_1114 = tpu.vector_load_idx %arg12[%add3A_1113] : memref<16256xf32, #tpu.memory_space<vmem>>[vector<16xi32>], vector<16xf32>,
      %add3A_1115 = arith.addi %add3A_871, %get3A_1111 : vector<16xi32>
      %gather3A_1116 = tpu.vector_load_idx %arg12[%add3A_1115] : memref<16256xf32, #tpu.memory_space<vmem>>[vector<16xi32>], vector<16xf32>,
      %add3A_1117 = arith.addi %add3A_877, %get3A_1111 : vector<16xi32>
      %gather3A_1118 = tpu.vector_load_idx %arg12[%add3A_1117] : memref<16256xf32, #tpu.memory_space<vmem>>[vector<16xi32>], vector<16xf32>,
      %add3A_1119 = arith.addi %add3A_883, %get3A_1111 : vector<16xi32>
      %gather3A_1120 = tpu.vector_load_idx %arg12[%add3A_1119] : memref<16256xf32, #tpu.memory_space<vmem>>[vector<16xi32>], vector<16xf32>,
      %add3A_1121 = arith.addi %add3A_889, %get3A_1111 : vector<16xi32>
      %gather3A_1122 = tpu.vector_load_idx %arg12[%add3A_1121] : memref<16256xf32, #tpu.memory_space<vmem>>[vector<16xi32>], vector<16xf32>,
      %add3A_1123 = arith.addi %add3A_895, %get3A_1111 : vector<16xi32>
      %gather3A_1124 = tpu.vector_load_idx %arg12[%add3A_1123] : memref<16256xf32, #tpu.memory_space<vmem>>[vector<16xi32>], vector<16xf32>,
      %add3A_1125 = arith.addi %add3A_901, %get3A_1111 : vector<16xi32>
      %gather3A_1126 = tpu.vector_load_idx %arg12[%add3A_1125] : memref<16256xf32, #tpu.memory_space<vmem>>[vector<16xi32>], vector<16xf32>,
      %swap3A = arith.index_cast %add3A_1108 : i32 to index
      %swap3A_1127 = arith.constant 0 : index
      %swap3A_1128 = tpu.vector_load %arg9[%swap3A, %swap3A_1127] {strides = array<i32>} : memref<118x128xf32, #tpu.memory_space<vmem>>, vector<16xf32>,
      tpu.vector_store %arg9[%swap3A, %swap3A_1127], %gather3A {strides = array<i32>} : memref<118x128xf32, #tpu.memory_space<vmem>>, vector<16xf32>,
      %swap3A_1129 = arith.index_cast %add3A_1108 : i32 to index
      %swap3A_1130 = arith.constant 16 : index
      %swap3A_1131 = tpu.vector_load %arg9[%swap3A_1129, %swap3A_1130] {strides = array<i32>} : memref<118x128xf32, #tpu.memory_space<vmem>>, vector<16xf32>,
      tpu.vector_store %arg9[%swap3A_1129, %swap3A_1130], %gather3A_1114 {strides = array<i32>} : memref<118x128xf32, #tpu.memory_space<vmem>>, vector<16xf32>,
      %swap3A_1132 = arith.index_cast %add3A_1108 : i32 to index
      %swap3A_1133 = arith.constant 32 : index
      %swap3A_1134 = tpu.vector_load %arg9[%swap3A_1132, %swap3A_1133] {strides = array<i32>} : memref<118x128xf32, #tpu.memory_space<vmem>>, vector<16xf32>,
      tpu.vector_store %arg9[%swap3A_1132, %swap3A_1133], %gather3A_1116 {strides = array<i32>} : memref<118x128xf32, #tpu.memory_space<vmem>>, vector<16xf32>,
      %swap3A_1135 = arith.index_cast %add3A_1108 : i32 to index
      %swap3A_1136 = arith.constant 48 : index
      %swap3A_1137 = tpu.vector_load %arg9[%swap3A_1135, %swap3A_1136] {strides = array<i32>} : memref<118x128xf32, #tpu.memory_space<vmem>>, vector<16xf32>,
      tpu.vector_store %arg9[%swap3A_1135, %swap3A_1136], %gather3A_1118 {strides = array<i32>} : memref<118x128xf32, #tpu.memory_space<vmem>>, vector<16xf32>,
      %swap3A_1138 = arith.index_cast %add3A_1108 : i32 to index
      %swap3A_1139 = arith.constant 64 : index
      %swap3A_1140 = tpu.vector_load %arg9[%swap3A_1138, %swap3A_1139] {strides = array<i32>} : memref<118x128xf32, #tpu.memory_space<vmem>>, vector<16xf32>,
      tpu.vector_store %arg9[%swap3A_1138, %swap3A_1139], %gather3A_1120 {strides = array<i32>} : memref<118x128xf32, #tpu.memory_space<vmem>>, vector<16xf32>,
      %swap3A_1141 = arith.index_cast %add3A_1108 : i32 to index
      %swap3A_1142 = arith.constant 80 : index
      %swap3A_1143 = tpu.vector_load %arg9[%swap3A_1141, %swap3A_1142] {strides = array<i32>} : memref<118x128xf32, #tpu.memory_space<vmem>>, vector<16xf32>,
      tpu.vector_store %arg9[%swap3A_1141, %swap3A_1142], %gather3A_1122 {strides = array<i32>} : memref<118x128xf32, #tpu.memory_space<vmem>>, vector<16xf32>,
      %swap3A_1144 = arith.index_cast %add3A_1108 : i32 to index
      %swap3A_1145 = arith.constant 96 : index
      %swap3A_1146 = tpu.vector_load %arg9[%swap3A_1144, %swap3A_1145] {strides = array<i32>} : memref<118x128xf32, #tpu.memory_space<vmem>>, vector<16xf32>,
      tpu.vector_store %arg9[%swap3A_1144, %swap3A_1145], %gather3A_1124 {strides = array<i32>} : memref<118x128xf32, #tpu.memory_space<vmem>>, vector<16xf32>,
      %swap3A_1147 = arith.index_cast %add3A_1108 : i32 to index
      %swap3A_1148 = arith.constant 112 : index
      %swap3A_1149 = tpu.vector_load %arg9[%swap3A_1147, %swap3A_1148] {strides = array<i32>} : memref<118x128xf32, #tpu.memory_space<vmem>>, vector<16xf32>,
      tpu.vector_store %arg9[%swap3A_1147, %swap3A_1148], %gather3A_1126 {strides = array<i32>} : memref<118x128xf32, #tpu.memory_space<vmem>>, vector<16xf32>,
      %mul3A_1150 = arith.constant 2 : i32
      %mul3A_1151 = arith.muli %scan3A_1104, %mul3A_1150 : i32
      %add3A_1152 = arith.constant 1 : i32
      %add3A_1153 = arith.addi %mul3A_1151, %add3A_1152 : i32
      %mul3A_1154 = arith.constant 16 : i32
      %mul3A_1155 = arith.muli %add3A_1153, %mul3A_1154 : i32
      %get3A_1156 = arith.index_cast %mul3A_1155 : i32 to index
      %get3A_1157 = tpu.vector_load %arg5[%get3A_1156] {strides = array<i32>} : memref<1888xi32, #tpu.memory_space<vmem>>, vector<16xi32>,
      %add3A_1158 = arith.addi %add3A_859, %get3A_1157 : vector<16xi32>
      %gather3A_1159 = tpu.vector_load_idx %arg12[%add3A_1158] : memref<16256xf32, #tpu.memory_space<vmem>>[vector<16xi32>], vector<16xf32>,
      %add3A_1160 = arith.addi %add3A_865, %get3A_1157 : vector<16xi32>
      %gather3A_1161 = tpu.vector_load_idx %arg12[%add3A_1160] : memref<16256xf32, #tpu.memory_space<vmem>>[vector<16xi32>], vector<16xf32>,
      %add3A_1162 = arith.addi %add3A_871, %get3A_1157 : vector<16xi32>
      %gather3A_1163 = tpu.vector_load_idx %arg12[%add3A_1162] : memref<16256xf32, #tpu.memory_space<vmem>>[vector<16xi32>], vector<16xf32>,
      %add3A_1164 = arith.addi %add3A_877, %get3A_1157 : vector<16xi32>
      %gather3A_1165 = tpu.vector_load_idx %arg12[%add3A_1164] : memref<16256xf32, #tpu.memory_space<vmem>>[vector<16xi32>], vector<16xf32>,
      %add3A_1166 = arith.addi %add3A_883, %get3A_1157 : vector<16xi32>
      %gather3A_1167 = tpu.vector_load_idx %arg12[%add3A_1166] : memref<16256xf32, #tpu.memory_space<vmem>>[vector<16xi32>], vector<16xf32>,
      %add3A_1168 = arith.addi %add3A_889, %get3A_1157 : vector<16xi32>
      %gather3A_1169 = tpu.vector_load_idx %arg12[%add3A_1168] : memref<16256xf32, #tpu.memory_space<vmem>>[vector<16xi32>], vector<16xf32>,
      %add3A_1170 = arith.addi %add3A_895, %get3A_1157 : vector<16xi32>
      %gather3A_1171 = tpu.vector_load_idx %arg12[%add3A_1170] : memref<16256xf32, #tpu.memory_space<vmem>>[vector<16xi32>], vector<16xf32>,
      %add3A_1172 = arith.addi %add3A_901, %get3A_1157 : vector<16xi32>
      %gather3A_1173 = tpu.vector_load_idx %arg12[%add3A_1172] : memref<16256xf32, #tpu.memory_space<vmem>>[vector<16xi32>], vector<16xf32>,
      %swap3A_1174 = arith.index_cast %add3A_1153 : i32 to index
      %swap3A_1175 = arith.constant 0 : index
      %swap3A_1176 = tpu.vector_load %arg9[%swap3A_1174, %swap3A_1175] {strides = array<i32>} : memref<118x128xf32, #tpu.memory_space<vmem>>, vector<16xf32>,
      tpu.vector_store %arg9[%swap3A_1174, %swap3A_1175], %gather3A_1159 {strides = array<i32>} : memref<118x128xf32, #tpu.memory_space<vmem>>, vector<16xf32>,
      %swap3A_1177 = arith.index_cast %add3A_1153 : i32 to index
      %swap3A_1178 = arith.constant 16 : index
      %swap3A_1179 = tpu.vector_load %arg9[%swap3A_1177, %swap3A_1178] {strides = array<i32>} : memref<118x128xf32, #tpu.memory_space<vmem>>, vector<16xf32>,
      tpu.vector_store %arg9[%swap3A_1177, %swap3A_1178], %gather3A_1161 {strides = array<i32>} : memref<118x128xf32, #tpu.memory_space<vmem>>, vector<16xf32>,
      %swap3A_1180 = arith.index_cast %add3A_1153 : i32 to index
      %swap3A_1181 = arith.constant 32 : index
      %swap3A_1182 = tpu.vector_load %arg9[%swap3A_1180, %swap3A_1181] {strides = array<i32>} : memref<118x128xf32, #tpu.memory_space<vmem>>, vector<16xf32>,
      tpu.vector_store %arg9[%swap3A_1180, %swap3A_1181], %gather3A_1163 {strides = array<i32>} : memref<118x128xf32, #tpu.memory_space<vmem>>, vector<16xf32>,
      %swap3A_1183 = arith.index_cast %add3A_1153 : i32 to index
      %swap3A_1184 = arith.constant 48 : index
      %swap3A_1185 = tpu.vector_load %arg9[%swap3A_1183, %swap3A_1184] {strides = array<i32>} : memref<118x128xf32, #tpu.memory_space<vmem>>, vector<16xf32>,
      tpu.vector_store %arg9[%swap3A_1183, %swap3A_1184], %gather3A_1165 {strides = array<i32>} : memref<118x128xf32, #tpu.memory_space<vmem>>, vector<16xf32>,
      %swap3A_1186 = arith.index_cast %add3A_1153 : i32 to index
      %swap3A_1187 = arith.constant 64 : index
      %swap3A_1188 = tpu.vector_load %arg9[%swap3A_1186, %swap3A_1187] {strides = array<i32>} : memref<118x128xf32, #tpu.memory_space<vmem>>, vector<16xf32>,
      tpu.vector_store %arg9[%swap3A_1186, %swap3A_1187], %gather3A_1167 {strides = array<i32>} : memref<118x128xf32, #tpu.memory_space<vmem>>, vector<16xf32>,
      %swap3A_1189 = arith.index_cast %add3A_1153 : i32 to index
      %swap3A_1190 = arith.constant 80 : index
      %swap3A_1191 = tpu.vector_load %arg9[%swap3A_1189, %swap3A_1190] {strides = array<i32>} : memref<118x128xf32, #tpu.memory_space<vmem>>, vector<16xf32>,
      tpu.vector_store %arg9[%swap3A_1189, %swap3A_1190], %gather3A_1169 {strides = array<i32>} : memref<118x128xf32, #tpu.memory_space<vmem>>, vector<16xf32>,
      %swap3A_1192 = arith.index_cast %add3A_1153 : i32 to index
      %swap3A_1193 = arith.constant 96 : index
      %swap3A_1194 = tpu.vector_load %arg9[%swap3A_1192, %swap3A_1193] {strides = array<i32>} : memref<118x128xf32, #tpu.memory_space<vmem>>, vector<16xf32>,
      tpu.vector_store %arg9[%swap3A_1192, %swap3A_1193], %gather3A_1171 {strides = array<i32>} : memref<118x128xf32, #tpu.memory_space<vmem>>, vector<16xf32>,
      %swap3A_1195 = arith.index_cast %add3A_1153 : i32 to index
      %swap3A_1196 = arith.constant 112 : index
      %swap3A_1197 = tpu.vector_load %arg9[%swap3A_1195, %swap3A_1196] {strides = array<i32>} : memref<118x128xf32, #tpu.memory_space<vmem>>, vector<16xf32>,
      tpu.vector_store %arg9[%swap3A_1195, %swap3A_1196], %gather3A_1173 {strides = array<i32>} : memref<118x128xf32, #tpu.memory_space<vmem>>, vector<16xf32>,
    }
    %scan3A_907 = arith.constant 59 : i32
    %add3A_908 = arith.constant 384 : i32
    %add3A_909 = arith.addi %mul3A_2, %add3A_908 : i32
    %dma_start3A_910 = arith.constant 0 : i32
    %dma_start3A_911 = arith.constant 0 : i32
    %dma_start3A_912 = tpu.memref_slice %arg4[%dma_start3A_910, %dma_start3A_911, %add3A_909] : memref<3x118x16384xf32, #tpu.memory_space<hbm>> -> memref<1x118x128xf32, #tpu.memory_space<hbm>>
    %dma_start3A_913 = tpu.memref_squeeze %dma_start3A_912 : memref<1x118x128xf32, #tpu.memory_space<hbm>> -> memref<118x128xf32, #tpu.memory_space<hbm>>
    %dma_start3A_914 = arith.constant 0 : i32
    %dma_start3A_915 = tpu.memref_slice %arg4[%dma_start3A_910, %dma_start3A_914, %add3A_909] : memref<3x118x16384xf32, #tpu.memory_space<hbm>> -> memref<1x118x128xf32, #tpu.memory_space<hbm>>
    %dma_start3A_916 = tpu.memref_squeeze %dma_start3A_915 : memref<1x118x128xf32, #tpu.memory_space<hbm>> -> memref<118x128xf32, #tpu.memory_space<hbm>>
    tpu.enqueue_dma source(%arg9 : memref<118x128xf32, #tpu.memory_space<vmem>>) target(%dma_start3A_916 : memref<118x128xf32, #tpu.memory_space<hbm>>) target_semaphore(%arg17 : memref<!tpu.dma_semaphore, #tpu.memory_space<semaphore_mem>>)
    %dma_wait3A_917 = arith.constant 1 : i32
    %dma_wait3A_918 = arith.constant 0 : i32
    %dma_wait3A_919 = tpu.memref_slice %arg2[%dma_wait3A_917, %add3A_734, %dma_wait3A_918] : memref<3x16384x127xf32, #tpu.memory_space<hbm>> -> memref<1x128x127xf32, #tpu.memory_space<hbm>>
    %dma_wait3A_920 = tpu.memref_squeeze %dma_wait3A_919 : memref<1x128x127xf32, #tpu.memory_space<hbm>> -> memref<128x127xf32, #tpu.memory_space<hbm>>
    %dma_wait3A_921 = arith.constant 0 : i32
    %dma_wait3A_922 = tpu.memref_slice %arg2[%dma_wait3A_917, %add3A_734, %dma_wait3A_921] : memref<3x16384x127xf32, #tpu.memory_space<hbm>> -> memref<1x128x127xf32, #tpu.memory_space<hbm>>
    %dma_wait3A_923 = tpu.memref_squeeze %dma_wait3A_922 : memref<1x128x127xf32, #tpu.memory_space<hbm>> -> memref<128x127xf32, #tpu.memory_space<hbm>>
    tpu.wait_dma2 semaphore(%arg15 : memref<!tpu.dma_semaphore, #tpu.memory_space<semaphore_mem>>) src(%dma_wait3A_923 : memref<128x127xf32, #tpu.memory_space<hbm>>) dst(%arg7 : memref<128x127xf32, #tpu.memory_space<vmem>>)
    %dma_wait3A_924 = arith.constant 1 : i32
    %dma_wait3A_925 = arith.constant 0 : i32
    %dma_wait3A_926 = tpu.memref_slice %arg4[%dma_wait3A_924, %dma_wait3A_925, %add3A_725] : memref<3x118x16384xf32, #tpu.memory_space<hbm>> -> memref<1x118x128xf32, #tpu.memory_space<hbm>>
    %dma_wait3A_927 = tpu.memref_squeeze %dma_wait3A_926 : memref<1x118x128xf32, #tpu.memory_space<hbm>> -> memref<118x128xf32, #tpu.memory_space<hbm>>
    %dma_wait3A_928 = arith.constant 0 : i32
    %dma_wait3A_929 = tpu.memref_slice %arg4[%dma_wait3A_924, %dma_wait3A_928, %add3A_725] : memref<3x118x16384xf32, #tpu.memory_space<hbm>> -> memref<1x118x128xf32, #tpu.memory_space<hbm>>
    %dma_wait3A_930 = tpu.memref_squeeze %dma_wait3A_929 : memref<1x118x128xf32, #tpu.memory_space<hbm>> -> memref<118x128xf32, #tpu.memory_space<hbm>>
    tpu.wait_dma2 semaphore(%arg18 : memref<!tpu.dma_semaphore, #tpu.memory_space<semaphore_mem>>) src(%arg10 : memref<118x128xf32, #tpu.memory_space<vmem>>) dst(%dma_wait3A_930 : memref<118x128xf32, #tpu.memory_space<hbm>>)
    %scan3A_931 = arith.constant 0 : i32
    %scan3A_932 = arith.constant 0 : i32
    %scan3A_933 = arith.constant 64 : i32
    %scan3A_934 = arith.addi %scan3A_932, %scan3A_933 : i32
    %scan3A_935 = arith.constant 1 : i32
    scf.for %scan3A_1104 = %scan3A_932 to %scan3A_934 step %scan3A_935  : i32 {
      %mul3A_1105 = arith.constant 2 : i32
      %mul3A_1106 = arith.muli %scan3A_1104, %mul3A_1105 : i32
      %add3A_1107 = arith.constant 0 : i32
      %add3A_1108 = arith.addi %mul3A_1106, %add3A_1107 : i32
      %mul3A_1109 = arith.constant 127 : i32
      %mul3A_1110 = arith.muli %add3A_1108, %mul3A_1109 : i32
      %get3A = arith.index_cast %add3A_1108 : i32 to index
      %get3A_1111 = arith.constant 0 : index
      %get3A_1112 = tpu.vector_load %arg7[%get3A, %get3A_1111] {strides = array<i32>} : memref<128x127xf32, #tpu.memory_space<vmem>>, vector<16xf32>,
      %get3A_1113 = arith.index_cast %add3A_1108 : i32 to index
      %get3A_1114 = arith.constant 16 : index
      %get3A_1115 = tpu.vector_load %arg7[%get3A_1113, %get3A_1114] {strides = array<i32>} : memref<128x127xf32, #tpu.memory_space<vmem>>, vector<16xf32>,
      %get3A_1116 = arith.index_cast %add3A_1108 : i32 to index
      %get3A_1117 = arith.constant 32 : index
      %get3A_1118 = tpu.vector_load %arg7[%get3A_1116, %get3A_1117] {strides = array<i32>} : memref<128x127xf32, #tpu.memory_space<vmem>>, vector<16xf32>,
      %get3A_1119 = arith.index_cast %add3A_1108 : i32 to index
      %get3A_1120 = arith.constant 48 : index
      %get3A_1121 = tpu.vector_load %arg7[%get3A_1119, %get3A_1120] {strides = array<i32>} : memref<128x127xf32, #tpu.memory_space<vmem>>, vector<16xf32>,
      %get3A_1122 = arith.index_cast %add3A_1108 : i32 to index
      %get3A_1123 = arith.constant 64 : index
      %get3A_1124 = tpu.vector_load %arg7[%get3A_1122, %get3A_1123] {strides = array<i32>} : memref<128x127xf32, #tpu.memory_space<vmem>>, vector<16xf32>,
      %get3A_1125 = arith.index_cast %add3A_1108 : i32 to index
      %get3A_1126 = arith.constant 80 : index
      %get3A_1127 = tpu.vector_load %arg7[%get3A_1125, %get3A_1126] {strides = array<i32>} : memref<128x127xf32, #tpu.memory_space<vmem>>, vector<16xf32>,
      %get3A_1128 = arith.index_cast %add3A_1108 : i32 to index
      %get3A_1129 = arith.constant 96 : index
      %get3A_1130 = tpu.vector_load %arg7[%get3A_1128, %get3A_1129] {strides = array<i32>} : memref<128x127xf32, #tpu.memory_space<vmem>>, vector<16xf32>,
      %get3A_1131 = arith.index_cast %add3A_1108 : i32 to index
      %get3A_1132 = arith.constant 111 : index
      %get3A_1133 = tpu.vector_load %arg7[%get3A_1131, %get3A_1132] {strides = array<i32>} : memref<128x127xf32, #tpu.memory_space<vmem>>, vector<16xf32>,
      %add3A_1134 = arith.constant 0 : i32
      %add3A_1135 = arith.addi %mul3A_1110, %add3A_1134 : i32
      %swap3A = arith.index_cast %add3A_1135 : i32 to index
      %swap3A_1136 = tpu.vector_load %arg12[%swap3A] {strides = array<i32>} : memref<16256xf32, #tpu.memory_space<vmem>>, vector<16xf32>,
      tpu.vector_store %arg12[%swap3A], %get3A_1112 {strides = array<i32>} : memref<16256xf32, #tpu.memory_space<vmem>>, vector<16xf32>,
      %add3A_1137 = arith.constant 16 : i32
      %add3A_1138 = arith.addi %mul3A_1110, %add3A_1137 : i32
      %swap3A_1139 = arith.index_cast %add3A_1138 : i32 to index
      %swap3A_1140 = tpu.vector_load %arg12[%swap3A_1139] {strides = array<i32>} : memref<16256xf32, #tpu.memory_space<vmem>>, vector<16xf32>,
      tpu.vector_store %arg12[%swap3A_1139], %get3A_1115 {strides = array<i32>} : memref<16256xf32, #tpu.memory_space<vmem>>, vector<16xf32>,
      %add3A_1141 = arith.constant 32 : i32
      %add3A_1142 = arith.addi %mul3A_1110, %add3A_1141 : i32
      %swap3A_1143 = arith.index_cast %add3A_1142 : i32 to index
      %swap3A_1144 = tpu.vector_load %arg12[%swap3A_1143] {strides = array<i32>} : memref<16256xf32, #tpu.memory_space<vmem>>, vector<16xf32>,
      tpu.vector_store %arg12[%swap3A_1143], %get3A_1118 {strides = array<i32>} : memref<16256xf32, #tpu.memory_space<vmem>>, vector<16xf32>,
      %add3A_1145 = arith.constant 48 : i32
      %add3A_1146 = arith.addi %mul3A_1110, %add3A_1145 : i32
      %swap3A_1147 = arith.index_cast %add3A_1146 : i32 to index
      %swap3A_1148 = tpu.vector_load %arg12[%swap3A_1147] {strides = array<i32>} : memref<16256xf32, #tpu.memory_space<vmem>>, vector<16xf32>,
      tpu.vector_store %arg12[%swap3A_1147], %get3A_1121 {strides = array<i32>} : memref<16256xf32, #tpu.memory_space<vmem>>, vector<16xf32>,
      %add3A_1149 = arith.constant 64 : i32
      %add3A_1150 = arith.addi %mul3A_1110, %add3A_1149 : i32
      %swap3A_1151 = arith.index_cast %add3A_1150 : i32 to index
      %swap3A_1152 = tpu.vector_load %arg12[%swap3A_1151] {strides = array<i32>} : memref<16256xf32, #tpu.memory_space<vmem>>, vector<16xf32>,
      tpu.vector_store %arg12[%swap3A_1151], %get3A_1124 {strides = array<i32>} : memref<16256xf32, #tpu.memory_space<vmem>>, vector<16xf32>,
      %add3A_1153 = arith.constant 80 : i32
      %add3A_1154 = arith.addi %mul3A_1110, %add3A_1153 : i32
      %swap3A_1155 = arith.index_cast %add3A_1154 : i32 to index
      %swap3A_1156 = tpu.vector_load %arg12[%swap3A_1155] {strides = array<i32>} : memref<16256xf32, #tpu.memory_space<vmem>>, vector<16xf32>,
      tpu.vector_store %arg12[%swap3A_1155], %get3A_1127 {strides = array<i32>} : memref<16256xf32, #tpu.memory_space<vmem>>, vector<16xf32>,
      %add3A_1157 = arith.constant 96 : i32
      %add3A_1158 = arith.addi %mul3A_1110, %add3A_1157 : i32
      %swap3A_1159 = arith.index_cast %add3A_1158 : i32 to index
      %swap3A_1160 = tpu.vector_load %arg12[%swap3A_1159] {strides = array<i32>} : memref<16256xf32, #tpu.memory_space<vmem>>, vector<16xf32>,
      tpu.vector_store %arg12[%swap3A_1159], %get3A_1130 {strides = array<i32>} : memref<16256xf32, #tpu.memory_space<vmem>>, vector<16xf32>,
      %add3A_1161 = arith.constant 111 : i32
      %add3A_1162 = arith.addi %mul3A_1110, %add3A_1161 : i32
      %swap3A_1163 = arith.index_cast %add3A_1162 : i32 to index
      %swap3A_1164 = tpu.vector_load %arg12[%swap3A_1163] {strides = array<i32>} : memref<16256xf32, #tpu.memory_space<vmem>>, vector<16xf32>,
      tpu.vector_store %arg12[%swap3A_1163], %get3A_1133 {strides = array<i32>} : memref<16256xf32, #tpu.memory_space<vmem>>, vector<16xf32>,
      %mul3A_1165 = arith.constant 2 : i32
      %mul3A_1166 = arith.muli %scan3A_1104, %mul3A_1165 : i32
      %add3A_1167 = arith.constant 1 : i32
      %add3A_1168 = arith.addi %mul3A_1166, %add3A_1167 : i32
      %mul3A_1169 = arith.constant 127 : i32
      %mul3A_1170 = arith.muli %add3A_1168, %mul3A_1169 : i32
      %get3A_1171 = arith.index_cast %add3A_1168 : i32 to index
      %get3A_1172 = arith.constant 0 : index
      %get3A_1173 = tpu.vector_load %arg7[%get3A_1171, %get3A_1172] {strides = array<i32>} : memref<128x127xf32, #tpu.memory_space<vmem>>, vector<16xf32>,
      %get3A_1174 = arith.index_cast %add3A_1168 : i32 to index
      %get3A_1175 = arith.constant 16 : index
      %get3A_1176 = tpu.vector_load %arg7[%get3A_1174, %get3A_1175] {strides = array<i32>} : memref<128x127xf32, #tpu.memory_space<vmem>>, vector<16xf32>,
      %get3A_1177 = arith.index_cast %add3A_1168 : i32 to index
      %get3A_1178 = arith.constant 32 : index
      %get3A_1179 = tpu.vector_load %arg7[%get3A_1177, %get3A_1178] {strides = array<i32>} : memref<128x127xf32, #tpu.memory_space<vmem>>, vector<16xf32>,
      %get3A_1180 = arith.index_cast %add3A_1168 : i32 to index
      %get3A_1181 = arith.constant 48 : index
      %get3A_1182 = tpu.vector_load %arg7[%get3A_1180, %get3A_1181] {strides = array<i32>} : memref<128x127xf32, #tpu.memory_space<vmem>>, vector<16xf32>,
      %get3A_1183 = arith.index_cast %add3A_1168 : i32 to index
      %get3A_1184 = arith.constant 64 : index
      %get3A_1185 = tpu.vector_load %arg7[%get3A_1183, %get3A_1184] {strides = array<i32>} : memref<128x127xf32, #tpu.memory_space<vmem>>, vector<16xf32>,
      %get3A_1186 = arith.index_cast %add3A_1168 : i32 to index
      %get3A_1187 = arith.constant 80 : index
      %get3A_1188 = tpu.vector_load %arg7[%get3A_1186, %get3A_1187] {strides = array<i32>} : memref<128x127xf32, #tpu.memory_space<vmem>>, vector<16xf32>,
      %get3A_1189 = arith.index_cast %add3A_1168 : i32 to index
      %get3A_1190 = arith.constant 96 : index
      %get3A_1191 = tpu.vector_load %arg7[%get3A_1189, %get3A_1190] {strides = array<i32>} : memref<128x127xf32, #tpu.memory_space<vmem>>, vector<16xf32>,
      %get3A_1192 = arith.index_cast %add3A_1168 : i32 to index
      %get3A_1193 = arith.constant 111 : index
      %get3A_1194 = tpu.vector_load %arg7[%get3A_1192, %get3A_1193] {strides = array<i32>} : memref<128x127xf32, #tpu.memory_space<vmem>>, vector<16xf32>,
      %add3A_1195 = arith.constant 0 : i32
      %add3A_1196 = arith.addi %mul3A_1170, %add3A_1195 : i32
      %swap3A_1197 = arith.index_cast %add3A_1196 : i32 to index
      %swap3A_1198 = tpu.vector_load %arg12[%swap3A_1197] {strides = array<i32>} : memref<16256xf32, #tpu.memory_space<vmem>>, vector<16xf32>,
      tpu.vector_store %arg12[%swap3A_1197], %get3A_1173 {strides = array<i32>} : memref<16256xf32, #tpu.memory_space<vmem>>, vector<16xf32>,
      %add3A_1199 = arith.constant 16 : i32
      %add3A_1200 = arith.addi %mul3A_1170, %add3A_1199 : i32
      %swap3A_1201 = arith.index_cast %add3A_1200 : i32 to index
      %swap3A_1202 = tpu.vector_load %arg12[%swap3A_1201] {strides = array<i32>} : memref<16256xf32, #tpu.memory_space<vmem>>, vector<16xf32>,
      tpu.vector_store %arg12[%swap3A_1201], %get3A_1176 {strides = array<i32>} : memref<16256xf32, #tpu.memory_space<vmem>>, vector<16xf32>,
      %add3A_1203 = arith.constant 32 : i32
      %add3A_1204 = arith.addi %mul3A_1170, %add3A_1203 : i32
      %swap3A_1205 = arith.index_cast %add3A_1204 : i32 to index
      %swap3A_1206 = tpu.vector_load %arg12[%swap3A_1205] {strides = array<i32>} : memref<16256xf32, #tpu.memory_space<vmem>>, vector<16xf32>,
      tpu.vector_store %arg12[%swap3A_1205], %get3A_1179 {strides = array<i32>} : memref<16256xf32, #tpu.memory_space<vmem>>, vector<16xf32>,
      %add3A_1207 = arith.constant 48 : i32
      %add3A_1208 = arith.addi %mul3A_1170, %add3A_1207 : i32
      %swap3A_1209 = arith.index_cast %add3A_1208 : i32 to index
      %swap3A_1210 = tpu.vector_load %arg12[%swap3A_1209] {strides = array<i32>} : memref<16256xf32, #tpu.memory_space<vmem>>, vector<16xf32>,
      tpu.vector_store %arg12[%swap3A_1209], %get3A_1182 {strides = array<i32>} : memref<16256xf32, #tpu.memory_space<vmem>>, vector<16xf32>,
      %add3A_1211 = arith.constant 64 : i32
      %add3A_1212 = arith.addi %mul3A_1170, %add3A_1211 : i32
      %swap3A_1213 = arith.index_cast %add3A_1212 : i32 to index
      %swap3A_1214 = tpu.vector_load %arg12[%swap3A_1213] {strides = array<i32>} : memref<16256xf32, #tpu.memory_space<vmem>>, vector<16xf32>,
      tpu.vector_store %arg12[%swap3A_1213], %get3A_1185 {strides = array<i32>} : memref<16256xf32, #tpu.memory_space<vmem>>, vector<16xf32>,
      %add3A_1215 = arith.constant 80 : i32
      %add3A_1216 = arith.addi %mul3A_1170, %add3A_1215 : i32
      %swap3A_1217 = arith.index_cast %add3A_1216 : i32 to index
      %swap3A_1218 = tpu.vector_load %arg12[%swap3A_1217] {strides = array<i32>} : memref<16256xf32, #tpu.memory_space<vmem>>, vector<16xf32>,
      tpu.vector_store %arg12[%swap3A_1217], %get3A_1188 {strides = array<i32>} : memref<16256xf32, #tpu.memory_space<vmem>>, vector<16xf32>,
      %add3A_1219 = arith.constant 96 : i32
      %add3A_1220 = arith.addi %mul3A_1170, %add3A_1219 : i32
      %swap3A_1221 = arith.index_cast %add3A_1220 : i32 to index
      %swap3A_1222 = tpu.vector_load %arg12[%swap3A_1221] {strides = array<i32>} : memref<16256xf32, #tpu.memory_space<vmem>>, vector<16xf32>,
      tpu.vector_store %arg12[%swap3A_1221], %get3A_1191 {strides = array<i32>} : memref<16256xf32, #tpu.memory_space<vmem>>, vector<16xf32>,
      %add3A_1223 = arith.constant 111 : i32
      %add3A_1224 = arith.addi %mul3A_1170, %add3A_1223 : i32
      %swap3A_1225 = arith.index_cast %add3A_1224 : i32 to index
      %swap3A_1226 = tpu.vector_load %arg12[%swap3A_1225] {strides = array<i32>} : memref<16256xf32, #tpu.memory_space<vmem>>, vector<16xf32>,
      tpu.vector_store %arg12[%swap3A_1225], %get3A_1194 {strides = array<i32>} : memref<16256xf32, #tpu.memory_space<vmem>>, vector<16xf32>,
    }
    %scan3A_936 = arith.constant 64 : i32
    %mul3A_937 = arith.constant 127 : i32
    %mul3A_938 = vector.broadcast %mul3A_937 : i32 to vector<16xi32>
    %mul3A_939 = arith.muli %iota3A, %mul3A_938 : vector<16xi32>
    %add3A_940 = arith.constant 0 : i32
    %add3A_941 = vector.broadcast %add3A_940 : i32 to vector<16xi32>
    %add3A_942 = arith.addi %mul3A_939, %add3A_941 : vector<16xi32>
    %mul3A_943 = arith.constant 127 : i32
    %mul3A_944 = vector.broadcast %mul3A_943 : i32 to vector<16xi32>
    %mul3A_945 = arith.muli %iota3A, %mul3A_944 : vector<16xi32>
    %add3A_946 = arith.constant 2032 : i32
    %add3A_947 = vector.broadcast %add3A_946 : i32 to vector<16xi32>
    %add3A_948 = arith.addi %mul3A_945, %add3A_947 : vector<16xi32>
    %mul3A_949 = arith.constant 127 : i32
    %mul3A_950 = vector.broadcast %mul3A_949 : i32 to vector<16xi32>
    %mul3A_951 = arith.muli %iota3A, %mul3A_950 : vector<16xi32>
    %add3A_952 = arith.constant 4064 : i32
    %add3A_953 = vector.broadcast %add3A_952 : i32 to vector<16xi32>
    %add3A_954 = arith.addi %mul3A_951, %add3A_953 : vector<16xi32>
    %mul3A_955 = arith.constant 127 : i32
    %mul3A_956 = vector.broadcast %mul3A_955 : i32 to vector<16xi32>
    %mul3A_957 = arith.muli %iota3A, %mul3A_956 : vector<16xi32>
    %add3A_958 = arith.constant 6096 : i32
    %add3A_959 = vector.broadcast %add3A_958 : i32 to vector<16xi32>
    %add3A_960 = arith.addi %mul3A_957, %add3A_959 : vector<16xi32>
    %mul3A_961 = arith.constant 127 : i32
    %mul3A_962 = vector.broadcast %mul3A_961 : i32 to vector<16xi32>
    %mul3A_963 = arith.muli %iota3A, %mul3A_962 : vector<16xi32>
    %add3A_964 = arith.constant 8128 : i32
    %add3A_965 = vector.broadcast %add3A_964 : i32 to vector<16xi32>
    %add3A_966 = arith.addi %mul3A_963, %add3A_965 : vector<16xi32>
    %mul3A_967 = arith.constant 127 : i32
    %mul3A_968 = vector.broadcast %mul3A_967 : i32 to vector<16xi32>
    %mul3A_969 = arith.muli %iota3A, %mul3A_968 : vector<16xi32>
    %add3A_970 = arith.constant 10160 : i32
    %add3A_971 = vector.broadcast %add3A_970 : i32 to vector<16xi32>
    %add3A_972 = arith.addi %mul3A_969, %add3A_971 : vector<16xi32>
    %mul3A_973 = arith.constant 127 : i32
    %mul3A_974 = vector.broadcast %mul3A_973 : i32 to vector<16xi32>
    %mul3A_975 = arith.muli %iota3A, %mul3A_974 : vector<16xi32>
    %add3A_976 = arith.constant 12192 : i32
    %add3A_977 = vector.broadcast %add3A_976 : i32 to vector<16xi32>
    %add3A_978 = arith.addi %mul3A_975, %add3A_977 : vector<16xi32>
    %mul3A_979 = arith.constant 127 : i32
    %mul3A_980 = vector.broadcast %mul3A_979 : i32 to vector<16xi32>
    %mul3A_981 = arith.muli %iota3A, %mul3A_980 : vector<16xi32>
    %add3A_982 = arith.constant 14224 : i32
    %add3A_983 = vector.broadcast %add3A_982 : i32 to vector<16xi32>
    %add3A_984 = arith.addi %mul3A_981, %add3A_983 : vector<16xi32>
    %scan3A_985 = arith.constant 0 : i32
    %scan3A_986 = arith.constant 0 : i32
    %scan3A_987 = arith.constant 59 : i32
    %scan3A_988 = arith.addi %scan3A_986, %scan3A_987 : i32
    %scan3A_989 = arith.constant 1 : i32
    scf.for %scan3A_1104 = %scan3A_986 to %scan3A_988 step %scan3A_989  : i32 {
      %mul3A_1105 = arith.constant 2 : i32
      %mul3A_1106 = arith.muli %scan3A_1104, %mul3A_1105 : i32
      %add3A_1107 = arith.constant 0 : i32
      %add3A_1108 = arith.addi %mul3A_1106, %add3A_1107 : i32
      %mul3A_1109 = arith.constant 16 : i32
      %mul3A_1110 = arith.muli %add3A_1108, %mul3A_1109 : i32
      %get3A = arith.index_cast %mul3A_1110 : i32 to index
      %get3A_1111 = tpu.vector_load %arg5[%get3A] {strides = array<i32>} : memref<1888xi32, #tpu.memory_space<vmem>>, vector<16xi32>,
      %add3A_1112 = arith.addi %add3A_942, %get3A_1111 : vector<16xi32>
      %gather3A = tpu.vector_load_idx %arg12[%add3A_1112] : memref<16256xf32, #tpu.memory_space<vmem>>[vector<16xi32>], vector<16xf32>,
      %add3A_1113 = arith.addi %add3A_948, %get3A_1111 : vector<16xi32>
      %gather3A_1114 = tpu.vector_load_idx %arg12[%add3A_1113] : memref<16256xf32, #tpu.memory_space<vmem>>[vector<16xi32>], vector<16xf32>,
      %add3A_1115 = arith.addi %add3A_954, %get3A_1111 : vector<16xi32>
      %gather3A_1116 = tpu.vector_load_idx %arg12[%add3A_1115] : memref<16256xf32, #tpu.memory_space<vmem>>[vector<16xi32>], vector<16xf32>,
      %add3A_1117 = arith.addi %add3A_960, %get3A_1111 : vector<16xi32>
      %gather3A_1118 = tpu.vector_load_idx %arg12[%add3A_1117] : memref<16256xf32, #tpu.memory_space<vmem>>[vector<16xi32>], vector<16xf32>,
      %add3A_1119 = arith.addi %add3A_966, %get3A_1111 : vector<16xi32>
      %gather3A_1120 = tpu.vector_load_idx %arg12[%add3A_1119] : memref<16256xf32, #tpu.memory_space<vmem>>[vector<16xi32>], vector<16xf32>,
      %add3A_1121 = arith.addi %add3A_972, %get3A_1111 : vector<16xi32>
      %gather3A_1122 = tpu.vector_load_idx %arg12[%add3A_1121] : memref<16256xf32, #tpu.memory_space<vmem>>[vector<16xi32>], vector<16xf32>,
      %add3A_1123 = arith.addi %add3A_978, %get3A_1111 : vector<16xi32>
      %gather3A_1124 = tpu.vector_load_idx %arg12[%add3A_1123] : memref<16256xf32, #tpu.memory_space<vmem>>[vector<16xi32>], vector<16xf32>,
      %add3A_1125 = arith.addi %add3A_984, %get3A_1111 : vector<16xi32>
      %gather3A_1126 = tpu.vector_load_idx %arg12[%add3A_1125] : memref<16256xf32, #tpu.memory_space<vmem>>[vector<16xi32>], vector<16xf32>,
      %swap3A = arith.index_cast %add3A_1108 : i32 to index
      %swap3A_1127 = arith.constant 0 : index
      %swap3A_1128 = tpu.vector_load %arg10[%swap3A, %swap3A_1127] {strides = array<i32>} : memref<118x128xf32, #tpu.memory_space<vmem>>, vector<16xf32>,
      tpu.vector_store %arg10[%swap3A, %swap3A_1127], %gather3A {strides = array<i32>} : memref<118x128xf32, #tpu.memory_space<vmem>>, vector<16xf32>,
      %swap3A_1129 = arith.index_cast %add3A_1108 : i32 to index
      %swap3A_1130 = arith.constant 16 : index
      %swap3A_1131 = tpu.vector_load %arg10[%swap3A_1129, %swap3A_1130] {strides = array<i32>} : memref<118x128xf32, #tpu.memory_space<vmem>>, vector<16xf32>,
      tpu.vector_store %arg10[%swap3A_1129, %swap3A_1130], %gather3A_1114 {strides = array<i32>} : memref<118x128xf32, #tpu.memory_space<vmem>>, vector<16xf32>,
      %swap3A_1132 = arith.index_cast %add3A_1108 : i32 to index
      %swap3A_1133 = arith.constant 32 : index
      %swap3A_1134 = tpu.vector_load %arg10[%swap3A_1132, %swap3A_1133] {strides = array<i32>} : memref<118x128xf32, #tpu.memory_space<vmem>>, vector<16xf32>,
      tpu.vector_store %arg10[%swap3A_1132, %swap3A_1133], %gather3A_1116 {strides = array<i32>} : memref<118x128xf32, #tpu.memory_space<vmem>>, vector<16xf32>,
      %swap3A_1135 = arith.index_cast %add3A_1108 : i32 to index
      %swap3A_1136 = arith.constant 48 : index
      %swap3A_1137 = tpu.vector_load %arg10[%swap3A_1135, %swap3A_1136] {strides = array<i32>} : memref<118x128xf32, #tpu.memory_space<vmem>>, vector<16xf32>,
      tpu.vector_store %arg10[%swap3A_1135, %swap3A_1136], %gather3A_1118 {strides = array<i32>} : memref<118x128xf32, #tpu.memory_space<vmem>>, vector<16xf32>,
      %swap3A_1138 = arith.index_cast %add3A_1108 : i32 to index
      %swap3A_1139 = arith.constant 64 : index
      %swap3A_1140 = tpu.vector_load %arg10[%swap3A_1138, %swap3A_1139] {strides = array<i32>} : memref<118x128xf32, #tpu.memory_space<vmem>>, vector<16xf32>,
      tpu.vector_store %arg10[%swap3A_1138, %swap3A_1139], %gather3A_1120 {strides = array<i32>} : memref<118x128xf32, #tpu.memory_space<vmem>>, vector<16xf32>,
      %swap3A_1141 = arith.index_cast %add3A_1108 : i32 to index
      %swap3A_1142 = arith.constant 80 : index
      %swap3A_1143 = tpu.vector_load %arg10[%swap3A_1141, %swap3A_1142] {strides = array<i32>} : memref<118x128xf32, #tpu.memory_space<vmem>>, vector<16xf32>,
      tpu.vector_store %arg10[%swap3A_1141, %swap3A_1142], %gather3A_1122 {strides = array<i32>} : memref<118x128xf32, #tpu.memory_space<vmem>>, vector<16xf32>,
      %swap3A_1144 = arith.index_cast %add3A_1108 : i32 to index
      %swap3A_1145 = arith.constant 96 : index
      %swap3A_1146 = tpu.vector_load %arg10[%swap3A_1144, %swap3A_1145] {strides = array<i32>} : memref<118x128xf32, #tpu.memory_space<vmem>>, vector<16xf32>,
      tpu.vector_store %arg10[%swap3A_1144, %swap3A_1145], %gather3A_1124 {strides = array<i32>} : memref<118x128xf32, #tpu.memory_space<vmem>>, vector<16xf32>,
      %swap3A_1147 = arith.index_cast %add3A_1108 : i32 to index
      %swap3A_1148 = arith.constant 112 : index
      %swap3A_1149 = tpu.vector_load %arg10[%swap3A_1147, %swap3A_1148] {strides = array<i32>} : memref<118x128xf32, #tpu.memory_space<vmem>>, vector<16xf32>,
      tpu.vector_store %arg10[%swap3A_1147, %swap3A_1148], %gather3A_1126 {strides = array<i32>} : memref<118x128xf32, #tpu.memory_space<vmem>>, vector<16xf32>,
      %mul3A_1150 = arith.constant 2 : i32
      %mul3A_1151 = arith.muli %scan3A_1104, %mul3A_1150 : i32
      %add3A_1152 = arith.constant 1 : i32
      %add3A_1153 = arith.addi %mul3A_1151, %add3A_1152 : i32
      %mul3A_1154 = arith.constant 16 : i32
      %mul3A_1155 = arith.muli %add3A_1153, %mul3A_1154 : i32
      %get3A_1156 = arith.index_cast %mul3A_1155 : i32 to index
      %get3A_1157 = tpu.vector_load %arg5[%get3A_1156] {strides = array<i32>} : memref<1888xi32, #tpu.memory_space<vmem>>, vector<16xi32>,
      %add3A_1158 = arith.addi %add3A_942, %get3A_1157 : vector<16xi32>
      %gather3A_1159 = tpu.vector_load_idx %arg12[%add3A_1158] : memref<16256xf32, #tpu.memory_space<vmem>>[vector<16xi32>], vector<16xf32>,
      %add3A_1160 = arith.addi %add3A_948, %get3A_1157 : vector<16xi32>
      %gather3A_1161 = tpu.vector_load_idx %arg12[%add3A_1160] : memref<16256xf32, #tpu.memory_space<vmem>>[vector<16xi32>], vector<16xf32>,
      %add3A_1162 = arith.addi %add3A_954, %get3A_1157 : vector<16xi32>
      %gather3A_1163 = tpu.vector_load_idx %arg12[%add3A_1162] : memref<16256xf32, #tpu.memory_space<vmem>>[vector<16xi32>], vector<16xf32>,
      %add3A_1164 = arith.addi %add3A_960, %get3A_1157 : vector<16xi32>
      %gather3A_1165 = tpu.vector_load_idx %arg12[%add3A_1164] : memref<16256xf32, #tpu.memory_space<vmem>>[vector<16xi32>], vector<16xf32>,
      %add3A_1166 = arith.addi %add3A_966, %get3A_1157 : vector<16xi32>
      %gather3A_1167 = tpu.vector_load_idx %arg12[%add3A_1166] : memref<16256xf32, #tpu.memory_space<vmem>>[vector<16xi32>], vector<16xf32>,
      %add3A_1168 = arith.addi %add3A_972, %get3A_1157 : vector<16xi32>
      %gather3A_1169 = tpu.vector_load_idx %arg12[%add3A_1168] : memref<16256xf32, #tpu.memory_space<vmem>>[vector<16xi32>], vector<16xf32>,
      %add3A_1170 = arith.addi %add3A_978, %get3A_1157 : vector<16xi32>
      %gather3A_1171 = tpu.vector_load_idx %arg12[%add3A_1170] : memref<16256xf32, #tpu.memory_space<vmem>>[vector<16xi32>], vector<16xf32>,
      %add3A_1172 = arith.addi %add3A_984, %get3A_1157 : vector<16xi32>
      %gather3A_1173 = tpu.vector_load_idx %arg12[%add3A_1172] : memref<16256xf32, #tpu.memory_space<vmem>>[vector<16xi32>], vector<16xf32>,
      %swap3A_1174 = arith.index_cast %add3A_1153 : i32 to index
      %swap3A_1175 = arith.constant 0 : index
      %swap3A_1176 = tpu.vector_load %arg10[%swap3A_1174, %swap3A_1175] {strides = array<i32>} : memref<118x128xf32, #tpu.memory_space<vmem>>, vector<16xf32>,
      tpu.vector_store %arg10[%swap3A_1174, %swap3A_1175], %gather3A_1159 {strides = array<i32>} : memref<118x128xf32, #tpu.memory_space<vmem>>, vector<16xf32>,
      %swap3A_1177 = arith.index_cast %add3A_1153 : i32 to index
      %swap3A_1178 = arith.constant 16 : index
      %swap3A_1179 = tpu.vector_load %arg10[%swap3A_1177, %swap3A_1178] {strides = array<i32>} : memref<118x128xf32, #tpu.memory_space<vmem>>, vector<16xf32>,
      tpu.vector_store %arg10[%swap3A_1177, %swap3A_1178], %gather3A_1161 {strides = array<i32>} : memref<118x128xf32, #tpu.memory_space<vmem>>, vector<16xf32>,
      %swap3A_1180 = arith.index_cast %add3A_1153 : i32 to index
      %swap3A_1181 = arith.constant 32 : index
      %swap3A_1182 = tpu.vector_load %arg10[%swap3A_1180, %swap3A_1181] {strides = array<i32>} : memref<118x128xf32, #tpu.memory_space<vmem>>, vector<16xf32>,
      tpu.vector_store %arg10[%swap3A_1180, %swap3A_1181], %gather3A_1163 {strides = array<i32>} : memref<118x128xf32, #tpu.memory_space<vmem>>, vector<16xf32>,
      %swap3A_1183 = arith.index_cast %add3A_1153 : i32 to index
      %swap3A_1184 = arith.constant 48 : index
      %swap3A_1185 = tpu.vector_load %arg10[%swap3A_1183, %swap3A_1184] {strides = array<i32>} : memref<118x128xf32, #tpu.memory_space<vmem>>, vector<16xf32>,
      tpu.vector_store %arg10[%swap3A_1183, %swap3A_1184], %gather3A_1165 {strides = array<i32>} : memref<118x128xf32, #tpu.memory_space<vmem>>, vector<16xf32>,
      %swap3A_1186 = arith.index_cast %add3A_1153 : i32 to index
      %swap3A_1187 = arith.constant 64 : index
      %swap3A_1188 = tpu.vector_load %arg10[%swap3A_1186, %swap3A_1187] {strides = array<i32>} : memref<118x128xf32, #tpu.memory_space<vmem>>, vector<16xf32>,
      tpu.vector_store %arg10[%swap3A_1186, %swap3A_1187], %gather3A_1167 {strides = array<i32>} : memref<118x128xf32, #tpu.memory_space<vmem>>, vector<16xf32>,
      %swap3A_1189 = arith.index_cast %add3A_1153 : i32 to index
      %swap3A_1190 = arith.constant 80 : index
      %swap3A_1191 = tpu.vector_load %arg10[%swap3A_1189, %swap3A_1190] {strides = array<i32>} : memref<118x128xf32, #tpu.memory_space<vmem>>, vector<16xf32>,
      tpu.vector_store %arg10[%swap3A_1189, %swap3A_1190], %gather3A_1169 {strides = array<i32>} : memref<118x128xf32, #tpu.memory_space<vmem>>, vector<16xf32>,
      %swap3A_1192 = arith.index_cast %add3A_1153 : i32 to index
      %swap3A_1193 = arith.constant 96 : index
      %swap3A_1194 = tpu.vector_load %arg10[%swap3A_1192, %swap3A_1193] {strides = array<i32>} : memref<118x128xf32, #tpu.memory_space<vmem>>, vector<16xf32>,
      tpu.vector_store %arg10[%swap3A_1192, %swap3A_1193], %gather3A_1171 {strides = array<i32>} : memref<118x128xf32, #tpu.memory_space<vmem>>, vector<16xf32>,
      %swap3A_1195 = arith.index_cast %add3A_1153 : i32 to index
      %swap3A_1196 = arith.constant 112 : index
      %swap3A_1197 = tpu.vector_load %arg10[%swap3A_1195, %swap3A_1196] {strides = array<i32>} : memref<118x128xf32, #tpu.memory_space<vmem>>, vector<16xf32>,
      tpu.vector_store %arg10[%swap3A_1195, %swap3A_1196], %gather3A_1173 {strides = array<i32>} : memref<118x128xf32, #tpu.memory_space<vmem>>, vector<16xf32>,
    }
    %scan3A_990 = arith.constant 59 : i32
    %add3A_991 = arith.constant 384 : i32
    %add3A_992 = arith.addi %mul3A_2, %add3A_991 : i32
    %dma_start3A_993 = arith.constant 1 : i32
    %dma_start3A_994 = arith.constant 0 : i32
    %dma_start3A_995 = tpu.memref_slice %arg4[%dma_start3A_993, %dma_start3A_994, %add3A_992] : memref<3x118x16384xf32, #tpu.memory_space<hbm>> -> memref<1x118x128xf32, #tpu.memory_space<hbm>>
    %dma_start3A_996 = tpu.memref_squeeze %dma_start3A_995 : memref<1x118x128xf32, #tpu.memory_space<hbm>> -> memref<118x128xf32, #tpu.memory_space<hbm>>
    %dma_start3A_997 = arith.constant 0 : i32
    %dma_start3A_998 = tpu.memref_slice %arg4[%dma_start3A_993, %dma_start3A_997, %add3A_992] : memref<3x118x16384xf32, #tpu.memory_space<hbm>> -> memref<1x118x128xf32, #tpu.memory_space<hbm>>
    %dma_start3A_999 = tpu.memref_squeeze %dma_start3A_998 : memref<1x118x128xf32, #tpu.memory_space<hbm>> -> memref<118x128xf32, #tpu.memory_space<hbm>>
    tpu.enqueue_dma source(%arg10 : memref<118x128xf32, #tpu.memory_space<vmem>>) target(%dma_start3A_999 : memref<118x128xf32, #tpu.memory_space<hbm>>) target_semaphore(%arg18 : memref<!tpu.dma_semaphore, #tpu.memory_space<semaphore_mem>>)
    %dma_wait3A_1000 = arith.constant 2 : i32
    %dma_wait3A_1001 = arith.constant 0 : i32
    %dma_wait3A_1002 = tpu.memref_slice %arg2[%dma_wait3A_1000, %add3A_826, %dma_wait3A_1001] : memref<3x16384x127xf32, #tpu.memory_space<hbm>> -> memref<1x128x127xf32, #tpu.memory_space<hbm>>
    %dma_wait3A_1003 = tpu.memref_squeeze %dma_wait3A_1002 : memref<1x128x127xf32, #tpu.memory_space<hbm>> -> memref<128x127xf32, #tpu.memory_space<hbm>>
    %dma_wait3A_1004 = arith.constant 0 : i32
    %dma_wait3A_1005 = tpu.memref_slice %arg2[%dma_wait3A_1000, %add3A_826, %dma_wait3A_1004] : memref<3x16384x127xf32, #tpu.memory_space<hbm>> -> memref<1x128x127xf32, #tpu.memory_space<hbm>>
    %dma_wait3A_1006 = tpu.memref_squeeze %dma_wait3A_1005 : memref<1x128x127xf32, #tpu.memory_space<hbm>> -> memref<128x127xf32, #tpu.memory_space<hbm>>
    tpu.wait_dma2 semaphore(%arg16 : memref<!tpu.dma_semaphore, #tpu.memory_space<semaphore_mem>>) src(%dma_wait3A_1006 : memref<128x127xf32, #tpu.memory_space<hbm>>) dst(%arg8 : memref<128x127xf32, #tpu.memory_space<vmem>>)
    %dma_wait3A_1007 = arith.constant 2 : i32
    %dma_wait3A_1008 = arith.constant 0 : i32
    %dma_wait3A_1009 = tpu.memref_slice %arg4[%dma_wait3A_1007, %dma_wait3A_1008, %add3A_817] : memref<3x118x16384xf32, #tpu.memory_space<hbm>> -> memref<1x118x128xf32, #tpu.memory_space<hbm>>
    %dma_wait3A_1010 = tpu.memref_squeeze %dma_wait3A_1009 : memref<1x118x128xf32, #tpu.memory_space<hbm>> -> memref<118x128xf32, #tpu.memory_space<hbm>>
    %dma_wait3A_1011 = arith.constant 0 : i32
    %dma_wait3A_1012 = tpu.memref_slice %arg4[%dma_wait3A_1007, %dma_wait3A_1011, %add3A_817] : memref<3x118x16384xf32, #tpu.memory_space<hbm>> -> memref<1x118x128xf32, #tpu.memory_space<hbm>>
    %dma_wait3A_1013 = tpu.memref_squeeze %dma_wait3A_1012 : memref<1x118x128xf32, #tpu.memory_space<hbm>> -> memref<118x128xf32, #tpu.memory_space<hbm>>
    tpu.wait_dma2 semaphore(%arg19 : memref<!tpu.dma_semaphore, #tpu.memory_space<semaphore_mem>>) src(%arg11 : memref<118x128xf32, #tpu.memory_space<vmem>>) dst(%dma_wait3A_1013 : memref<118x128xf32, #tpu.memory_space<hbm>>)
    %scan3A_1014 = arith.constant 0 : i32
    %scan3A_1015 = arith.constant 0 : i32
    %scan3A_1016 = arith.constant 64 : i32
    %scan3A_1017 = arith.addi %scan3A_1015, %scan3A_1016 : i32
    %scan3A_1018 = arith.constant 1 : i32
    scf.for %scan3A_1104 = %scan3A_1015 to %scan3A_1017 step %scan3A_1018  : i32 {
      %mul3A_1105 = arith.constant 2 : i32
      %mul3A_1106 = arith.muli %scan3A_1104, %mul3A_1105 : i32
      %add3A_1107 = arith.constant 0 : i32
      %add3A_1108 = arith.addi %mul3A_1106, %add3A_1107 : i32
      %mul3A_1109 = arith.constant 127 : i32
      %mul3A_1110 = arith.muli %add3A_1108, %mul3A_1109 : i32
      %get3A = arith.index_cast %add3A_1108 : i32 to index
      %get3A_1111 = arith.constant 0 : index
      %get3A_1112 = tpu.vector_load %arg8[%get3A, %get3A_1111] {strides = array<i32>} : memref<128x127xf32, #tpu.memory_space<vmem>>, vector<16xf32>,
      %get3A_1113 = arith.index_cast %add3A_1108 : i32 to index
      %get3A_1114 = arith.constant 16 : index
      %get3A_1115 = tpu.vector_load %arg8[%get3A_1113, %get3A_1114] {strides = array<i32>} : memref<128x127xf32, #tpu.memory_space<vmem>>, vector<16xf32>,
      %get3A_1116 = arith.index_cast %add3A_1108 : i32 to index
      %get3A_1117 = arith.constant 32 : index
      %get3A_1118 = tpu.vector_load %arg8[%get3A_1116, %get3A_1117] {strides = array<i32>} : memref<128x127xf32, #tpu.memory_space<vmem>>, vector<16xf32>,
      %get3A_1119 = arith.index_cast %add3A_1108 : i32 to index
      %get3A_1120 = arith.constant 48 : index
      %get3A_1121 = tpu.vector_load %arg8[%get3A_1119, %get3A_1120] {strides = array<i32>} : memref<128x127xf32, #tpu.memory_space<vmem>>, vector<16xf32>,
      %get3A_1122 = arith.index_cast %add3A_1108 : i32 to index
      %get3A_1123 = arith.constant 64 : index
      %get3A_1124 = tpu.vector_load %arg8[%get3A_1122, %get3A_1123] {strides = array<i32>} : memref<128x127xf32, #tpu.memory_space<vmem>>, vector<16xf32>,
      %get3A_1125 = arith.index_cast %add3A_1108 : i32 to index
      %get3A_1126 = arith.constant 80 : index
      %get3A_1127 = tpu.vector_load %arg8[%get3A_1125, %get3A_1126] {strides = array<i32>} : memref<128x127xf32, #tpu.memory_space<vmem>>, vector<16xf32>,
      %get3A_1128 = arith.index_cast %add3A_1108 : i32 to index
      %get3A_1129 = arith.constant 96 : index
      %get3A_1130 = tpu.vector_load %arg8[%get3A_1128, %get3A_1129] {strides = array<i32>} : memref<128x127xf32, #tpu.memory_space<vmem>>, vector<16xf32>,
      %get3A_1131 = arith.index_cast %add3A_1108 : i32 to index
      %get3A_1132 = arith.constant 111 : index
      %get3A_1133 = tpu.vector_load %arg8[%get3A_1131, %get3A_1132] {strides = array<i32>} : memref<128x127xf32, #tpu.memory_space<vmem>>, vector<16xf32>,
      %add3A_1134 = arith.constant 0 : i32
      %add3A_1135 = arith.addi %mul3A_1110, %add3A_1134 : i32
      %swap3A = arith.index_cast %add3A_1135 : i32 to index
      %swap3A_1136 = tpu.vector_load %arg12[%swap3A] {strides = array<i32>} : memref<16256xf32, #tpu.memory_space<vmem>>, vector<16xf32>,
      tpu.vector_store %arg12[%swap3A], %get3A_1112 {strides = array<i32>} : memref<16256xf32, #tpu.memory_space<vmem>>, vector<16xf32>,
      %add3A_1137 = arith.constant 16 : i32
      %add3A_1138 = arith.addi %mul3A_1110, %add3A_1137 : i32
      %swap3A_1139 = arith.index_cast %add3A_1138 : i32 to index
      %swap3A_1140 = tpu.vector_load %arg12[%swap3A_1139] {strides = array<i32>} : memref<16256xf32, #tpu.memory_space<vmem>>, vector<16xf32>,
      tpu.vector_store %arg12[%swap3A_1139], %get3A_1115 {strides = array<i32>} : memref<16256xf32, #tpu.memory_space<vmem>>, vector<16xf32>,
      %add3A_1141 = arith.constant 32 : i32
      %add3A_1142 = arith.addi %mul3A_1110, %add3A_1141 : i32
      %swap3A_1143 = arith.index_cast %add3A_1142 : i32 to index
      %swap3A_1144 = tpu.vector_load %arg12[%swap3A_1143] {strides = array<i32>} : memref<16256xf32, #tpu.memory_space<vmem>>, vector<16xf32>,
      tpu.vector_store %arg12[%swap3A_1143], %get3A_1118 {strides = array<i32>} : memref<16256xf32, #tpu.memory_space<vmem>>, vector<16xf32>,
      %add3A_1145 = arith.constant 48 : i32
      %add3A_1146 = arith.addi %mul3A_1110, %add3A_1145 : i32
      %swap3A_1147 = arith.index_cast %add3A_1146 : i32 to index
      %swap3A_1148 = tpu.vector_load %arg12[%swap3A_1147] {strides = array<i32>} : memref<16256xf32, #tpu.memory_space<vmem>>, vector<16xf32>,
      tpu.vector_store %arg12[%swap3A_1147], %get3A_1121 {strides = array<i32>} : memref<16256xf32, #tpu.memory_space<vmem>>, vector<16xf32>,
      %add3A_1149 = arith.constant 64 : i32
      %add3A_1150 = arith.addi %mul3A_1110, %add3A_1149 : i32
      %swap3A_1151 = arith.index_cast %add3A_1150 : i32 to index
      %swap3A_1152 = tpu.vector_load %arg12[%swap3A_1151] {strides = array<i32>} : memref<16256xf32, #tpu.memory_space<vmem>>, vector<16xf32>,
      tpu.vector_store %arg12[%swap3A_1151], %get3A_1124 {strides = array<i32>} : memref<16256xf32, #tpu.memory_space<vmem>>, vector<16xf32>,
      %add3A_1153 = arith.constant 80 : i32
      %add3A_1154 = arith.addi %mul3A_1110, %add3A_1153 : i32
      %swap3A_1155 = arith.index_cast %add3A_1154 : i32 to index
      %swap3A_1156 = tpu.vector_load %arg12[%swap3A_1155] {strides = array<i32>} : memref<16256xf32, #tpu.memory_space<vmem>>, vector<16xf32>,
      tpu.vector_store %arg12[%swap3A_1155], %get3A_1127 {strides = array<i32>} : memref<16256xf32, #tpu.memory_space<vmem>>, vector<16xf32>,
      %add3A_1157 = arith.constant 96 : i32
      %add3A_1158 = arith.addi %mul3A_1110, %add3A_1157 : i32
      %swap3A_1159 = arith.index_cast %add3A_1158 : i32 to index
      %swap3A_1160 = tpu.vector_load %arg12[%swap3A_1159] {strides = array<i32>} : memref<16256xf32, #tpu.memory_space<vmem>>, vector<16xf32>,
      tpu.vector_store %arg12[%swap3A_1159], %get3A_1130 {strides = array<i32>} : memref<16256xf32, #tpu.memory_space<vmem>>, vector<16xf32>,
      %add3A_1161 = arith.constant 111 : i32
      %add3A_1162 = arith.addi %mul3A_1110, %add3A_1161 : i32
      %swap3A_1163 = arith.index_cast %add3A_1162 : i32 to index
      %swap3A_1164 = tpu.vector_load %arg12[%swap3A_1163] {strides = array<i32>} : memref<16256xf32, #tpu.memory_space<vmem>>, vector<16xf32>,
      tpu.vector_store %arg12[%swap3A_1163], %get3A_1133 {strides = array<i32>} : memref<16256xf32, #tpu.memory_space<vmem>>, vector<16xf32>,
      %mul3A_1165 = arith.constant 2 : i32
      %mul3A_1166 = arith.muli %scan3A_1104, %mul3A_1165 : i32
      %add3A_1167 = arith.constant 1 : i32
      %add3A_1168 = arith.addi %mul3A_1166, %add3A_1167 : i32
      %mul3A_1169 = arith.constant 127 : i32
      %mul3A_1170 = arith.muli %add3A_1168, %mul3A_1169 : i32
      %get3A_1171 = arith.index_cast %add3A_1168 : i32 to index
      %get3A_1172 = arith.constant 0 : index
      %get3A_1173 = tpu.vector_load %arg8[%get3A_1171, %get3A_1172] {strides = array<i32>} : memref<128x127xf32, #tpu.memory_space<vmem>>, vector<16xf32>,
      %get3A_1174 = arith.index_cast %add3A_1168 : i32 to index
      %get3A_1175 = arith.constant 16 : index
      %get3A_1176 = tpu.vector_load %arg8[%get3A_1174, %get3A_1175] {strides = array<i32>} : memref<128x127xf32, #tpu.memory_space<vmem>>, vector<16xf32>,
      %get3A_1177 = arith.index_cast %add3A_1168 : i32 to index
      %get3A_1178 = arith.constant 32 : index
      %get3A_1179 = tpu.vector_load %arg8[%get3A_1177, %get3A_1178] {strides = array<i32>} : memref<128x127xf32, #tpu.memory_space<vmem>>, vector<16xf32>,
      %get3A_1180 = arith.index_cast %add3A_1168 : i32 to index
      %get3A_1181 = arith.constant 48 : index
      %get3A_1182 = tpu.vector_load %arg8[%get3A_1180, %get3A_1181] {strides = array<i32>} : memref<128x127xf32, #tpu.memory_space<vmem>>, vector<16xf32>,
      %get3A_1183 = arith.index_cast %add3A_1168 : i32 to index
      %get3A_1184 = arith.constant 64 : index
      %get3A_1185 = tpu.vector_load %arg8[%get3A_1183, %get3A_1184] {strides = array<i32>} : memref<128x127xf32, #tpu.memory_space<vmem>>, vector<16xf32>,
      %get3A_1186 = arith.index_cast %add3A_1168 : i32 to index
      %get3A_1187 = arith.constant 80 : index
      %get3A_1188 = tpu.vector_load %arg8[%get3A_1186, %get3A_1187] {strides = array<i32>} : memref<128x127xf32, #tpu.memory_space<vmem>>, vector<16xf32>,
      %get3A_1189 = arith.index_cast %add3A_1168 : i32 to index
      %get3A_1190 = arith.constant 96 : index
      %get3A_1191 = tpu.vector_load %arg8[%get3A_1189, %get3A_1190] {strides = array<i32>} : memref<128x127xf32, #tpu.memory_space<vmem>>, vector<16xf32>,
      %get3A_1192 = arith.index_cast %add3A_1168 : i32 to index
      %get3A_1193 = arith.constant 111 : index
      %get3A_1194 = tpu.vector_load %arg8[%get3A_1192, %get3A_1193] {strides = array<i32>} : memref<128x127xf32, #tpu.memory_space<vmem>>, vector<16xf32>,
      %add3A_1195 = arith.constant 0 : i32
      %add3A_1196 = arith.addi %mul3A_1170, %add3A_1195 : i32
      %swap3A_1197 = arith.index_cast %add3A_1196 : i32 to index
      %swap3A_1198 = tpu.vector_load %arg12[%swap3A_1197] {strides = array<i32>} : memref<16256xf32, #tpu.memory_space<vmem>>, vector<16xf32>,
      tpu.vector_store %arg12[%swap3A_1197], %get3A_1173 {strides = array<i32>} : memref<16256xf32, #tpu.memory_space<vmem>>, vector<16xf32>,
      %add3A_1199 = arith.constant 16 : i32
      %add3A_1200 = arith.addi %mul3A_1170, %add3A_1199 : i32
      %swap3A_1201 = arith.index_cast %add3A_1200 : i32 to index
      %swap3A_1202 = tpu.vector_load %arg12[%swap3A_1201] {strides = array<i32>} : memref<16256xf32, #tpu.memory_space<vmem>>, vector<16xf32>,
      tpu.vector_store %arg12[%swap3A_1201], %get3A_1176 {strides = array<i32>} : memref<16256xf32, #tpu.memory_space<vmem>>, vector<16xf32>,
      %add3A_1203 = arith.constant 32 : i32
      %add3A_1204 = arith.addi %mul3A_1170, %add3A_1203 : i32
      %swap3A_1205 = arith.index_cast %add3A_1204 : i32 to index
      %swap3A_1206 = tpu.vector_load %arg12[%swap3A_1205] {strides = array<i32>} : memref<16256xf32, #tpu.memory_space<vmem>>, vector<16xf32>,
      tpu.vector_store %arg12[%swap3A_1205], %get3A_1179 {strides = array<i32>} : memref<16256xf32, #tpu.memory_space<vmem>>, vector<16xf32>,
      %add3A_1207 = arith.constant 48 : i32
      %add3A_1208 = arith.addi %mul3A_1170, %add3A_1207 : i32
      %swap3A_1209 = arith.index_cast %add3A_1208 : i32 to index
      %swap3A_1210 = tpu.vector_load %arg12[%swap3A_1209] {strides = array<i32>} : memref<16256xf32, #tpu.memory_space<vmem>>, vector<16xf32>,
      tpu.vector_store %arg12[%swap3A_1209], %get3A_1182 {strides = array<i32>} : memref<16256xf32, #tpu.memory_space<vmem>>, vector<16xf32>,
      %add3A_1211 = arith.constant 64 : i32
      %add3A_1212 = arith.addi %mul3A_1170, %add3A_1211 : i32
      %swap3A_1213 = arith.index_cast %add3A_1212 : i32 to index
      %swap3A_1214 = tpu.vector_load %arg12[%swap3A_1213] {strides = array<i32>} : memref<16256xf32, #tpu.memory_space<vmem>>, vector<16xf32>,
      tpu.vector_store %arg12[%swap3A_1213], %get3A_1185 {strides = array<i32>} : memref<16256xf32, #tpu.memory_space<vmem>>, vector<16xf32>,
      %add3A_1215 = arith.constant 80 : i32
      %add3A_1216 = arith.addi %mul3A_1170, %add3A_1215 : i32
      %swap3A_1217 = arith.index_cast %add3A_1216 : i32 to index
      %swap3A_1218 = tpu.vector_load %arg12[%swap3A_1217] {strides = array<i32>} : memref<16256xf32, #tpu.memory_space<vmem>>, vector<16xf32>,
      tpu.vector_store %arg12[%swap3A_1217], %get3A_1188 {strides = array<i32>} : memref<16256xf32, #tpu.memory_space<vmem>>, vector<16xf32>,
      %add3A_1219 = arith.constant 96 : i32
      %add3A_1220 = arith.addi %mul3A_1170, %add3A_1219 : i32
      %swap3A_1221 = arith.index_cast %add3A_1220 : i32 to index
      %swap3A_1222 = tpu.vector_load %arg12[%swap3A_1221] {strides = array<i32>} : memref<16256xf32, #tpu.memory_space<vmem>>, vector<16xf32>,
      tpu.vector_store %arg12[%swap3A_1221], %get3A_1191 {strides = array<i32>} : memref<16256xf32, #tpu.memory_space<vmem>>, vector<16xf32>,
      %add3A_1223 = arith.constant 111 : i32
      %add3A_1224 = arith.addi %mul3A_1170, %add3A_1223 : i32
      %swap3A_1225 = arith.index_cast %add3A_1224 : i32 to index
      %swap3A_1226 = tpu.vector_load %arg12[%swap3A_1225] {strides = array<i32>} : memref<16256xf32, #tpu.memory_space<vmem>>, vector<16xf32>,
      tpu.vector_store %arg12[%swap3A_1225], %get3A_1194 {strides = array<i32>} : memref<16256xf32, #tpu.memory_space<vmem>>, vector<16xf32>,
    }
    %scan3A_1019 = arith.constant 64 : i32
    %mul3A_1020 = arith.constant 127 : i32
    %mul3A_1021 = vector.broadcast %mul3A_1020 : i32 to vector<16xi32>
    %mul3A_1022 = arith.muli %iota3A, %mul3A_1021 : vector<16xi32>
    %add3A_1023 = arith.constant 0 : i32
    %add3A_1024 = vector.broadcast %add3A_1023 : i32 to vector<16xi32>
    %add3A_1025 = arith.addi %mul3A_1022, %add3A_1024 : vector<16xi32>
    %mul3A_1026 = arith.constant 127 : i32
    %mul3A_1027 = vector.broadcast %mul3A_1026 : i32 to vector<16xi32>
    %mul3A_1028 = arith.muli %iota3A, %mul3A_1027 : vector<16xi32>
    %add3A_1029 = arith.constant 2032 : i32
    %add3A_1030 = vector.broadcast %add3A_1029 : i32 to vector<16xi32>
    %add3A_1031 = arith.addi %mul3A_1028, %add3A_1030 : vector<16xi32>
    %mul3A_1032 = arith.constant 127 : i32
    %mul3A_1033 = vector.broadcast %mul3A_1032 : i32 to vector<16xi32>
    %mul3A_1034 = arith.muli %iota3A, %mul3A_1033 : vector<16xi32>
    %add3A_1035 = arith.constant 4064 : i32
    %add3A_1036 = vector.broadcast %add3A_1035 : i32 to vector<16xi32>
    %add3A_1037 = arith.addi %mul3A_1034, %add3A_1036 : vector<16xi32>
    %mul3A_1038 = arith.constant 127 : i32
    %mul3A_1039 = vector.broadcast %mul3A_1038 : i32 to vector<16xi32>
    %mul3A_1040 = arith.muli %iota3A, %mul3A_1039 : vector<16xi32>
    %add3A_1041 = arith.constant 6096 : i32
    %add3A_1042 = vector.broadcast %add3A_1041 : i32 to vector<16xi32>
    %add3A_1043 = arith.addi %mul3A_1040, %add3A_1042 : vector<16xi32>
    %mul3A_1044 = arith.constant 127 : i32
    %mul3A_1045 = vector.broadcast %mul3A_1044 : i32 to vector<16xi32>
    %mul3A_1046 = arith.muli %iota3A, %mul3A_1045 : vector<16xi32>
    %add3A_1047 = arith.constant 8128 : i32
    %add3A_1048 = vector.broadcast %add3A_1047 : i32 to vector<16xi32>
    %add3A_1049 = arith.addi %mul3A_1046, %add3A_1048 : vector<16xi32>
    %mul3A_1050 = arith.constant 127 : i32
    %mul3A_1051 = vector.broadcast %mul3A_1050 : i32 to vector<16xi32>
    %mul3A_1052 = arith.muli %iota3A, %mul3A_1051 : vector<16xi32>
    %add3A_1053 = arith.constant 10160 : i32
    %add3A_1054 = vector.broadcast %add3A_1053 : i32 to vector<16xi32>
    %add3A_1055 = arith.addi %mul3A_1052, %add3A_1054 : vector<16xi32>
    %mul3A_1056 = arith.constant 127 : i32
    %mul3A_1057 = vector.broadcast %mul3A_1056 : i32 to vector<16xi32>
    %mul3A_1058 = arith.muli %iota3A, %mul3A_1057 : vector<16xi32>
    %add3A_1059 = arith.constant 12192 : i32
    %add3A_1060 = vector.broadcast %add3A_1059 : i32 to vector<16xi32>
    %add3A_1061 = arith.addi %mul3A_1058, %add3A_1060 : vector<16xi32>
    %mul3A_1062 = arith.constant 127 : i32
    %mul3A_1063 = vector.broadcast %mul3A_1062 : i32 to vector<16xi32>
    %mul3A_1064 = arith.muli %iota3A, %mul3A_1063 : vector<16xi32>
    %add3A_1065 = arith.constant 14224 : i32
    %add3A_1066 = vector.broadcast %add3A_1065 : i32 to vector<16xi32>
    %add3A_1067 = arith.addi %mul3A_1064, %add3A_1066 : vector<16xi32>
    %scan3A_1068 = arith.constant 0 : i32
    %scan3A_1069 = arith.constant 0 : i32
    %scan3A_1070 = arith.constant 59 : i32
    %scan3A_1071 = arith.addi %scan3A_1069, %scan3A_1070 : i32
    %scan3A_1072 = arith.constant 1 : i32
    scf.for %scan3A_1104 = %scan3A_1069 to %scan3A_1071 step %scan3A_1072  : i32 {
      %mul3A_1105 = arith.constant 2 : i32
      %mul3A_1106 = arith.muli %scan3A_1104, %mul3A_1105 : i32
      %add3A_1107 = arith.constant 0 : i32
      %add3A_1108 = arith.addi %mul3A_1106, %add3A_1107 : i32
      %mul3A_1109 = arith.constant 16 : i32
      %mul3A_1110 = arith.muli %add3A_1108, %mul3A_1109 : i32
      %get3A = arith.index_cast %mul3A_1110 : i32 to index
      %get3A_1111 = tpu.vector_load %arg5[%get3A] {strides = array<i32>} : memref<1888xi32, #tpu.memory_space<vmem>>, vector<16xi32>,
      %add3A_1112 = arith.addi %add3A_1025, %get3A_1111 : vector<16xi32>
      %gather3A = tpu.vector_load_idx %arg12[%add3A_1112] : memref<16256xf32, #tpu.memory_space<vmem>>[vector<16xi32>], vector<16xf32>,
      %add3A_1113 = arith.addi %add3A_1031, %get3A_1111 : vector<16xi32>
      %gather3A_1114 = tpu.vector_load_idx %arg12[%add3A_1113] : memref<16256xf32, #tpu.memory_space<vmem>>[vector<16xi32>], vector<16xf32>,
      %add3A_1115 = arith.addi %add3A_1037, %get3A_1111 : vector<16xi32>
      %gather3A_1116 = tpu.vector_load_idx %arg12[%add3A_1115] : memref<16256xf32, #tpu.memory_space<vmem>>[vector<16xi32>], vector<16xf32>,
      %add3A_1117 = arith.addi %add3A_1043, %get3A_1111 : vector<16xi32>
      %gather3A_1118 = tpu.vector_load_idx %arg12[%add3A_1117] : memref<16256xf32, #tpu.memory_space<vmem>>[vector<16xi32>], vector<16xf32>,
      %add3A_1119 = arith.addi %add3A_1049, %get3A_1111 : vector<16xi32>
      %gather3A_1120 = tpu.vector_load_idx %arg12[%add3A_1119] : memref<16256xf32, #tpu.memory_space<vmem>>[vector<16xi32>], vector<16xf32>,
      %add3A_1121 = arith.addi %add3A_1055, %get3A_1111 : vector<16xi32>
      %gather3A_1122 = tpu.vector_load_idx %arg12[%add3A_1121] : memref<16256xf32, #tpu.memory_space<vmem>>[vector<16xi32>], vector<16xf32>,
      %add3A_1123 = arith.addi %add3A_1061, %get3A_1111 : vector<16xi32>
      %gather3A_1124 = tpu.vector_load_idx %arg12[%add3A_1123] : memref<16256xf32, #tpu.memory_space<vmem>>[vector<16xi32>], vector<16xf32>,
      %add3A_1125 = arith.addi %add3A_1067, %get3A_1111 : vector<16xi32>
      %gather3A_1126 = tpu.vector_load_idx %arg12[%add3A_1125] : memref<16256xf32, #tpu.memory_space<vmem>>[vector<16xi32>], vector<16xf32>,
      %swap3A = arith.index_cast %add3A_1108 : i32 to index
      %swap3A_1127 = arith.constant 0 : index
      %swap3A_1128 = tpu.vector_load %arg11[%swap3A, %swap3A_1127] {strides = array<i32>} : memref<118x128xf32, #tpu.memory_space<vmem>>, vector<16xf32>,
      tpu.vector_store %arg11[%swap3A, %swap3A_1127], %gather3A {strides = array<i32>} : memref<118x128xf32, #tpu.memory_space<vmem>>, vector<16xf32>,
      %swap3A_1129 = arith.index_cast %add3A_1108 : i32 to index
      %swap3A_1130 = arith.constant 16 : index
      %swap3A_1131 = tpu.vector_load %arg11[%swap3A_1129, %swap3A_1130] {strides = array<i32>} : memref<118x128xf32, #tpu.memory_space<vmem>>, vector<16xf32>,
      tpu.vector_store %arg11[%swap3A_1129, %swap3A_1130], %gather3A_1114 {strides = array<i32>} : memref<118x128xf32, #tpu.memory_space<vmem>>, vector<16xf32>,
      %swap3A_1132 = arith.index_cast %add3A_1108 : i32 to index
      %swap3A_1133 = arith.constant 32 : index
      %swap3A_1134 = tpu.vector_load %arg11[%swap3A_1132, %swap3A_1133] {strides = array<i32>} : memref<118x128xf32, #tpu.memory_space<vmem>>, vector<16xf32>,
      tpu.vector_store %arg11[%swap3A_1132, %swap3A_1133], %gather3A_1116 {strides = array<i32>} : memref<118x128xf32, #tpu.memory_space<vmem>>, vector<16xf32>,
      %swap3A_1135 = arith.index_cast %add3A_1108 : i32 to index
      %swap3A_1136 = arith.constant 48 : index
      %swap3A_1137 = tpu.vector_load %arg11[%swap3A_1135, %swap3A_1136] {strides = array<i32>} : memref<118x128xf32, #tpu.memory_space<vmem>>, vector<16xf32>,
      tpu.vector_store %arg11[%swap3A_1135, %swap3A_1136], %gather3A_1118 {strides = array<i32>} : memref<118x128xf32, #tpu.memory_space<vmem>>, vector<16xf32>,
      %swap3A_1138 = arith.index_cast %add3A_1108 : i32 to index
      %swap3A_1139 = arith.constant 64 : index
      %swap3A_1140 = tpu.vector_load %arg11[%swap3A_1138, %swap3A_1139] {strides = array<i32>} : memref<118x128xf32, #tpu.memory_space<vmem>>, vector<16xf32>,
      tpu.vector_store %arg11[%swap3A_1138, %swap3A_1139], %gather3A_1120 {strides = array<i32>} : memref<118x128xf32, #tpu.memory_space<vmem>>, vector<16xf32>,
      %swap3A_1141 = arith.index_cast %add3A_1108 : i32 to index
      %swap3A_1142 = arith.constant 80 : index
      %swap3A_1143 = tpu.vector_load %arg11[%swap3A_1141, %swap3A_1142] {strides = array<i32>} : memref<118x128xf32, #tpu.memory_space<vmem>>, vector<16xf32>,
      tpu.vector_store %arg11[%swap3A_1141, %swap3A_1142], %gather3A_1122 {strides = array<i32>} : memref<118x128xf32, #tpu.memory_space<vmem>>, vector<16xf32>,
      %swap3A_1144 = arith.index_cast %add3A_1108 : i32 to index
      %swap3A_1145 = arith.constant 96 : index
      %swap3A_1146 = tpu.vector_load %arg11[%swap3A_1144, %swap3A_1145] {strides = array<i32>} : memref<118x128xf32, #tpu.memory_space<vmem>>, vector<16xf32>,
      tpu.vector_store %arg11[%swap3A_1144, %swap3A_1145], %gather3A_1124 {strides = array<i32>} : memref<118x128xf32, #tpu.memory_space<vmem>>, vector<16xf32>,
      %swap3A_1147 = arith.index_cast %add3A_1108 : i32 to index
      %swap3A_1148 = arith.constant 112 : index
      %swap3A_1149 = tpu.vector_load %arg11[%swap3A_1147, %swap3A_1148] {strides = array<i32>} : memref<118x128xf32, #tpu.memory_space<vmem>>, vector<16xf32>,
      tpu.vector_store %arg11[%swap3A_1147, %swap3A_1148], %gather3A_1126 {strides = array<i32>} : memref<118x128xf32, #tpu.memory_space<vmem>>, vector<16xf32>,
      %mul3A_1150 = arith.constant 2 : i32
      %mul3A_1151 = arith.muli %scan3A_1104, %mul3A_1150 : i32
      %add3A_1152 = arith.constant 1 : i32
      %add3A_1153 = arith.addi %mul3A_1151, %add3A_1152 : i32
      %mul3A_1154 = arith.constant 16 : i32
      %mul3A_1155 = arith.muli %add3A_1153, %mul3A_1154 : i32
      %get3A_1156 = arith.index_cast %mul3A_1155 : i32 to index
      %get3A_1157 = tpu.vector_load %arg5[%get3A_1156] {strides = array<i32>} : memref<1888xi32, #tpu.memory_space<vmem>>, vector<16xi32>,
      %add3A_1158 = arith.addi %add3A_1025, %get3A_1157 : vector<16xi32>
      %gather3A_1159 = tpu.vector_load_idx %arg12[%add3A_1158] : memref<16256xf32, #tpu.memory_space<vmem>>[vector<16xi32>], vector<16xf32>,
      %add3A_1160 = arith.addi %add3A_1031, %get3A_1157 : vector<16xi32>
      %gather3A_1161 = tpu.vector_load_idx %arg12[%add3A_1160] : memref<16256xf32, #tpu.memory_space<vmem>>[vector<16xi32>], vector<16xf32>,
      %add3A_1162 = arith.addi %add3A_1037, %get3A_1157 : vector<16xi32>
      %gather3A_1163 = tpu.vector_load_idx %arg12[%add3A_1162] : memref<16256xf32, #tpu.memory_space<vmem>>[vector<16xi32>], vector<16xf32>,
      %add3A_1164 = arith.addi %add3A_1043, %get3A_1157 : vector<16xi32>
      %gather3A_1165 = tpu.vector_load_idx %arg12[%add3A_1164] : memref<16256xf32, #tpu.memory_space<vmem>>[vector<16xi32>], vector<16xf32>,
      %add3A_1166 = arith.addi %add3A_1049, %get3A_1157 : vector<16xi32>
      %gather3A_1167 = tpu.vector_load_idx %arg12[%add3A_1166] : memref<16256xf32, #tpu.memory_space<vmem>>[vector<16xi32>], vector<16xf32>,
      %add3A_1168 = arith.addi %add3A_1055, %get3A_1157 : vector<16xi32>
      %gather3A_1169 = tpu.vector_load_idx %arg12[%add3A_1168] : memref<16256xf32, #tpu.memory_space<vmem>>[vector<16xi32>], vector<16xf32>,
      %add3A_1170 = arith.addi %add3A_1061, %get3A_1157 : vector<16xi32>
      %gather3A_1171 = tpu.vector_load_idx %arg12[%add3A_1170] : memref<16256xf32, #tpu.memory_space<vmem>>[vector<16xi32>], vector<16xf32>,
      %add3A_1172 = arith.addi %add3A_1067, %get3A_1157 : vector<16xi32>
      %gather3A_1173 = tpu.vector_load_idx %arg12[%add3A_1172] : memref<16256xf32, #tpu.memory_space<vmem>>[vector<16xi32>], vector<16xf32>,
      %swap3A_1174 = arith.index_cast %add3A_1153 : i32 to index
      %swap3A_1175 = arith.constant 0 : index
      %swap3A_1176 = tpu.vector_load %arg11[%swap3A_1174, %swap3A_1175] {strides = array<i32>} : memref<118x128xf32, #tpu.memory_space<vmem>>, vector<16xf32>,
      tpu.vector_store %arg11[%swap3A_1174, %swap3A_1175], %gather3A_1159 {strides = array<i32>} : memref<118x128xf32, #tpu.memory_space<vmem>>, vector<16xf32>,
      %swap3A_1177 = arith.index_cast %add3A_1153 : i32 to index
      %swap3A_1178 = arith.constant 16 : index
      %swap3A_1179 = tpu.vector_load %arg11[%swap3A_1177, %swap3A_1178] {strides = array<i32>} : memref<118x128xf32, #tpu.memory_space<vmem>>, vector<16xf32>,
      tpu.vector_store %arg11[%swap3A_1177, %swap3A_1178], %gather3A_1161 {strides = array<i32>} : memref<118x128xf32, #tpu.memory_space<vmem>>, vector<16xf32>,
      %swap3A_1180 = arith.index_cast %add3A_1153 : i32 to index
      %swap3A_1181 = arith.constant 32 : index
      %swap3A_1182 = tpu.vector_load %arg11[%swap3A_1180, %swap3A_1181] {strides = array<i32>} : memref<118x128xf32, #tpu.memory_space<vmem>>, vector<16xf32>,
      tpu.vector_store %arg11[%swap3A_1180, %swap3A_1181], %gather3A_1163 {strides = array<i32>} : memref<118x128xf32, #tpu.memory_space<vmem>>, vector<16xf32>,
      %swap3A_1183 = arith.index_cast %add3A_1153 : i32 to index
      %swap3A_1184 = arith.constant 48 : index
      %swap3A_1185 = tpu.vector_load %arg11[%swap3A_1183, %swap3A_1184] {strides = array<i32>} : memref<118x128xf32, #tpu.memory_space<vmem>>, vector<16xf32>,
      tpu.vector_store %arg11[%swap3A_1183, %swap3A_1184], %gather3A_1165 {strides = array<i32>} : memref<118x128xf32, #tpu.memory_space<vmem>>, vector<16xf32>,
      %swap3A_1186 = arith.index_cast %add3A_1153 : i32 to index
      %swap3A_1187 = arith.constant 64 : index
      %swap3A_1188 = tpu.vector_load %arg11[%swap3A_1186, %swap3A_1187] {strides = array<i32>} : memref<118x128xf32, #tpu.memory_space<vmem>>, vector<16xf32>,
      tpu.vector_store %arg11[%swap3A_1186, %swap3A_1187], %gather3A_1167 {strides = array<i32>} : memref<118x128xf32, #tpu.memory_space<vmem>>, vector<16xf32>,
      %swap3A_1189 = arith.index_cast %add3A_1153 : i32 to index
      %swap3A_1190 = arith.constant 80 : index
      %swap3A_1191 = tpu.vector_load %arg11[%swap3A_1189, %swap3A_1190] {strides = array<i32>} : memref<118x128xf32, #tpu.memory_space<vmem>>, vector<16xf32>,
      tpu.vector_store %arg11[%swap3A_1189, %swap3A_1190], %gather3A_1169 {strides = array<i32>} : memref<118x128xf32, #tpu.memory_space<vmem>>, vector<16xf32>,
      %swap3A_1192 = arith.index_cast %add3A_1153 : i32 to index
      %swap3A_1193 = arith.constant 96 : index
      %swap3A_1194 = tpu.vector_load %arg11[%swap3A_1192, %swap3A_1193] {strides = array<i32>} : memref<118x128xf32, #tpu.memory_space<vmem>>, vector<16xf32>,
      tpu.vector_store %arg11[%swap3A_1192, %swap3A_1193], %gather3A_1171 {strides = array<i32>} : memref<118x128xf32, #tpu.memory_space<vmem>>, vector<16xf32>,
      %swap3A_1195 = arith.index_cast %add3A_1153 : i32 to index
      %swap3A_1196 = arith.constant 112 : index
      %swap3A_1197 = tpu.vector_load %arg11[%swap3A_1195, %swap3A_1196] {strides = array<i32>} : memref<118x128xf32, #tpu.memory_space<vmem>>, vector<16xf32>,
      tpu.vector_store %arg11[%swap3A_1195, %swap3A_1196], %gather3A_1173 {strides = array<i32>} : memref<118x128xf32, #tpu.memory_space<vmem>>, vector<16xf32>,
    }
    %scan3A_1073 = arith.constant 59 : i32
    %add3A_1074 = arith.constant 384 : i32
    %add3A_1075 = arith.addi %mul3A_2, %add3A_1074 : i32
    %dma_start3A_1076 = arith.constant 2 : i32
    %dma_start3A_1077 = arith.constant 0 : i32
    %dma_start3A_1078 = tpu.memref_slice %arg4[%dma_start3A_1076, %dma_start3A_1077, %add3A_1075] : memref<3x118x16384xf32, #tpu.memory_space<hbm>> -> memref<1x118x128xf32, #tpu.memory_space<hbm>>
    %dma_start3A_1079 = tpu.memref_squeeze %dma_start3A_1078 : memref<1x118x128xf32, #tpu.memory_space<hbm>> -> memref<118x128xf32, #tpu.memory_space<hbm>>
    %dma_start3A_1080 = arith.constant 0 : i32
    %dma_start3A_1081 = tpu.memref_slice %arg4[%dma_start3A_1076, %dma_start3A_1080, %add3A_1075] : memref<3x118x16384xf32, #tpu.memory_space<hbm>> -> memref<1x118x128xf32, #tpu.memory_space<hbm>>
    %dma_start3A_1082 = tpu.memref_squeeze %dma_start3A_1081 : memref<1x118x128xf32, #tpu.memory_space<hbm>> -> memref<118x128xf32, #tpu.memory_space<hbm>>
    tpu.enqueue_dma source(%arg11 : memref<118x128xf32, #tpu.memory_space<vmem>>) target(%dma_start3A_1082 : memref<118x128xf32, #tpu.memory_space<hbm>>) target_semaphore(%arg19 : memref<!tpu.dma_semaphore, #tpu.memory_space<semaphore_mem>>)
    %dma_wait3A_1083 = arith.constant 0 : i32
    %dma_wait3A_1084 = arith.constant 0 : i32
    %dma_wait3A_1085 = tpu.memref_slice %arg4[%dma_wait3A_1083, %dma_wait3A_1084, %add3A_909] : memref<3x118x16384xf32, #tpu.memory_space<hbm>> -> memref<1x118x128xf32, #tpu.memory_space<hbm>>
    %dma_wait3A_1086 = tpu.memref_squeeze %dma_wait3A_1085 : memref<1x118x128xf32, #tpu.memory_space<hbm>> -> memref<118x128xf32, #tpu.memory_space<hbm>>
    %dma_wait3A_1087 = arith.constant 0 : i32
    %dma_wait3A_1088 = tpu.memref_slice %arg4[%dma_wait3A_1083, %dma_wait3A_1087, %add3A_909] : memref<3x118x16384xf32, #tpu.memory_space<hbm>> -> memref<1x118x128xf32, #tpu.memory_space<hbm>>
    %dma_wait3A_1089 = tpu.memref_squeeze %dma_wait3A_1088 : memref<1x118x128xf32, #tpu.memory_space<hbm>> -> memref<118x128xf32, #tpu.memory_space<hbm>>
    tpu.wait_dma2 semaphore(%arg17 : memref<!tpu.dma_semaphore, #tpu.memory_space<semaphore_mem>>) src(%arg9 : memref<118x128xf32, #tpu.memory_space<vmem>>) dst(%dma_wait3A_1089 : memref<118x128xf32, #tpu.memory_space<hbm>>)
    %dma_wait3A_1090 = arith.constant 1 : i32
    %dma_wait3A_1091 = arith.constant 0 : i32
    %dma_wait3A_1092 = tpu.memref_slice %arg4[%dma_wait3A_1090, %dma_wait3A_1091, %add3A_992] : memref<3x118x16384xf32, #tpu.memory_space<hbm>> -> memref<1x118x128xf32, #tpu.memory_space<hbm>>
    %dma_wait3A_1093 = tpu.memref_squeeze %dma_wait3A_1092 : memref<1x118x128xf32, #tpu.memory_space<hbm>> -> memref<118x128xf32, #tpu.memory_space<hbm>>
    %dma_wait3A_1094 = arith.constant 0 : i32
    %dma_wait3A_1095 = tpu.memref_slice %arg4[%dma_wait3A_1090, %dma_wait3A_1094, %add3A_992] : memref<3x118x16384xf32, #tpu.memory_space<hbm>> -> memref<1x118x128xf32, #tpu.memory_space<hbm>>
    %dma_wait3A_1096 = tpu.memref_squeeze %dma_wait3A_1095 : memref<1x118x128xf32, #tpu.memory_space<hbm>> -> memref<118x128xf32, #tpu.memory_space<hbm>>
    tpu.wait_dma2 semaphore(%arg18 : memref<!tpu.dma_semaphore, #tpu.memory_space<semaphore_mem>>) src(%arg10 : memref<118x128xf32, #tpu.memory_space<vmem>>) dst(%dma_wait3A_1096 : memref<118x128xf32, #tpu.memory_space<hbm>>)
    %dma_wait3A_1097 = arith.constant 2 : i32
    %dma_wait3A_1098 = arith.constant 0 : i32
    %dma_wait3A_1099 = tpu.memref_slice %arg4[%dma_wait3A_1097, %dma_wait3A_1098, %add3A_1075] : memref<3x118x16384xf32, #tpu.memory_space<hbm>> -> memref<1x118x128xf32, #tpu.memory_space<hbm>>
    %dma_wait3A_1100 = tpu.memref_squeeze %dma_wait3A_1099 : memref<1x118x128xf32, #tpu.memory_space<hbm>> -> memref<118x128xf32, #tpu.memory_space<hbm>>
    %dma_wait3A_1101 = arith.constant 0 : i32
    %dma_wait3A_1102 = tpu.memref_slice %arg4[%dma_wait3A_1097, %dma_wait3A_1101, %add3A_1075] : memref<3x118x16384xf32, #tpu.memory_space<hbm>> -> memref<1x118x128xf32, #tpu.memory_space<hbm>>
    %dma_wait3A_1103 = tpu.memref_squeeze %dma_wait3A_1102 : memref<1x118x128xf32, #tpu.memory_space<hbm>> -> memref<118x128xf32, #tpu.memory_space<hbm>>
    tpu.wait_dma2 semaphore(%arg19 : memref<!tpu.dma_semaphore, #tpu.memory_space<semaphore_mem>>) src(%arg11 : memref<118x128xf32, #tpu.memory_space<vmem>>) dst(%dma_wait3A_1103 : memref<118x128xf32, #tpu.memory_space<hbm>>)
    return
  }
}

</mosaic_0001>

<sc_bundles>
// kernel: kernel.3.cloned.1.call-start
scs
__scs_entry_jumppad:
0x0: {  	(pc) =	sbr.rel $0x88, $3  }
0x1: {  	(tag) =	ssettag $0x0;
	lr =	simm.s32 $0x1  }
0x2: {  	[smem:$0x3F9F] =	sst lr;
	_ =	strace $0xD0000000  }
0x3: {  	_ = 	snop  }
0x4: {  	_ = 	snop  }
0x5: {  	_ = 	snop  }
0x6: {  	_ = 	snop  }
0x7: {  	_ = 	snop  }
__scs_overlays_trampoline_lowered:
0x8: {  	[smem:$0x3FAE] =	sst s0  }
0x9: {  	[smem:$0x3FAF] =	sst s1  }
0xa: {  	[smem:$0x3FB0] =	sst s2  }
0xb: {  	[smem:$0x3FB1] =	sst s3  }
0xc: {  	[smem:$0x3FB2] =	sst s4  }
0xd: {  	[smem:$0x3FB3] =	sst s5  }
0xe: {  	[smem:$0x3FB4] =	sst s6  }
0xf: {  	[smem:$0x3FB5] =	sst s7  }
0x10: {  	[smem:$0x3FB6] =	sst s8  }
0x11: {  	[smem:$0x3FB7] =	sst s9;
	s0 =	simm.s32 @!p0 $0x0  }
0x12: {  	s1 =	sld [smem:$0x3F9D];
	s0 =	simm.s32 @p0 $0x1  }
0x13: {  	[smem:$0x3FB8] =	sst s0;
	s0 =	simm.s32 @!p1 $0x0  }
0x14: {  	s2 =	sld [smem:$0x3F9C];
	s0 =	simm.s32 @p1 $0x1  }
0x15: {  	[smem:$0x3FB9] =	sst s0;
	s0 =	simm.s32 @!p2 $0x0  }
0x16: {  	s3 =	sld [smem:$0x3FDB];
	s0 =	simm.s32 @p2 $0x1  }
0x17: {  	s4 =	simm.s32 $0x1BF5;
	[smem:$0x3FBB] =	sst s0  }
0x18: {  	s0 =	sld [smem:$0x3F9E];
	_ =	swait.ge [sflag:s4], $0x0  }
0x19: {  	s7 =	sld [smem:$0x3F9F]  }
0x1a: {  	s8 =	sadd.s32 $0xFFFFE003, lr  }
0x1b: {  	s9 =	sadd.s32 $0xFFFFFEF7, lr;
	s5 =	simm.s32 $0xFFFFFFFF;
	p2 =	slt.u32 s8, $0xFFFFF086  }
0x1c: {  	p1 =	slt.u32 s9, $0xF7A;
	s5 =	simm.s32 @!p2 $0x0  }
0x1d: {  	s5 =	simm.s32 @p1 $0x1;
	p0 =	seq.s32 s7, s2  }
0x1e: {  	s7 =	smul.u32 @!p0 $0xF7A, s2;
	p2 =	seq.s32 @!p0 s5, $0x0  }
0x1f: {  	s9 =	smul.u32 $0xF7A, s1;
	s8 =	simm.s32 @!p0 $0x1BF5;
	p2 =	por !p2, p0  }
0x20: {  	[sflag:s8] =	ssyncset.s32 @!p0 $0xFFFFF086;
	s6 =	sadd.s32 @!p0 s3, s7;
	s7 =	simm.s32 @!p0 $0x108  }
0x21: {  	s3 =	sadd.s32 s3, s9;
	s6 =	sadd.s32 @!p0 $0x88, s6;
	s7 =	simm.s32 @p2 $0x1082  }
0x22: {  	[simem:s7], [sflag:s8] =	dma.local @!p0 [hbm:s6], $0xF7A  }
0x23: {  	s9 =	sor.u32 $0xD0000000, s2;
	s6 =	simm.s32 $0x108;
	_ =	swait.ge @!p0 [sflag:s8], $0x0  }
0x24: {  	s3 =	sadd.s32 $0x88, s3;
	s6 =	simm.s32 @!p1 $0x1082;
	[sflag:s4] =	ssyncset.s32 $0xFFFFF086  }
0x25: {  	[simem:s6], [sflag:s4] =	dma.local [hbm:s3], $0xF7A  }
0x26: {  	[smem:$0x3F9F] =	sst s1;
	(tag) =	ssettag s2;
	_ =	strace s9  }
0x27: {  	s1 =	sld [smem:$0x3FAF]  }
0x28: {  	s2 =	sld [smem:$0x3FB0]  }
0x29: {  	s4 =	sld [smem:$0x3FB2]  }
0x2a: {  	p0 =	seq.s32 s5, $0x0;
	s5 =	sld [smem:$0x3FB3]  }
0x2b: {  	s6 =	sld [smem:$0x3FB4]  }
0x2c: {  	s7 =	sld [smem:$0x3FB5]  }
0x2d: {  	s3 =	simm.s32 $0x108;
	s8 =	sld [smem:$0x3FB6]  }
0x2e: {  	s3 =	simm.s32 @!p0 $0x1082;
	s9 =	sld [smem:$0x3FB7]  }
0x2f: {  	lr =	sadd.s32 s0, s3;
	s0 =	sld [smem:$0x3FAE]  }
0x30: {  	s3 =	sld [smem:$0x3FB1]  }
0x31: {  	[smem:$0x3FBA] =	sst s10  }
0x32: {  	s10 =	sld [smem:$0x3FB8];
	_ =	sdelay $0x3  }
0x33: {  	p0 =	seq.s32 s10, $0x1;
	s10 =	sld [smem:$0x3FBA];
	_ =	sdelay $0x3  }
0x34: {  	[smem:$0x3FBA] =	sst s10  }
0x35: {  	s10 =	sld [smem:$0x3FB9];
	_ =	sdelay $0x3  }
0x36: {  	p1 =	seq.s32 s10, $0x1;
	s10 =	sld [smem:$0x3FBA];
	_ =	sdelay $0x3  }
0x37: {  	[smem:$0x3FBA] =	sst s10  }
0x38: {  	s10 =	sld [smem:$0x3FBB]  }
0x39: {  	_ = 	snop;
	(pc) =	sbr.ind lr, $3  }
0x3a: {  	_ = 	snop  }
0x3b: {  	_ = 	snop  }
0x3c: {  	p2 =	seq.s32 s10, $0x1;
	s10 =	sld [smem:$0x3FBA]  }
0x3d: {  	_ =	shalt  }
0x3e: {  	_ =	shalt  }
0x3f: {  	_ =	shalt  }
0x40: {  	_ =	shalt  }
0x41: {  	_ =	shalt  }
0x42: {  	_ =	shalt  }
0x43: {  	_ =	shalt  }
0x44: {  	_ =	shalt  }
0x45: {  	_ =	shalt  }
0x46: {  	_ =	shalt  }
0x47: {  	_ =	shalt  }
0x48: {  	_ =	shalt  }
0x49: {  	_ =	shalt  }
0x4a: {  	_ =	shalt  }
0x4b: {  	_ =	shalt  }
0x4c: {  	_ =	shalt  }
0x4d: {  	_ =	shalt  }
0x4e: {  	_ =	shalt  }
0x4f: {  	_ =	shalt  }
0x50: {  	_ =	shalt  }
0x51: {  	_ =	shalt  }
0x52: {  	_ =	shalt  }
0x53: {  	_ =	shalt  }
0x54: {  	_ =	shalt  }
0x55: {  	_ =	shalt  }
0x56: {  	_ =	shalt  }
0x57: {  	_ =	shalt  }
0x58: {  	_ =	shalt  }
0x59: {  	_ =	shalt  }
0x5a: {  	_ =	shalt  }
0x5b: {  	_ =	shalt  }
0x5c: {  	_ =	shalt  }
0x5d: {  	_ =	shalt  }
0x5e: {  	_ =	shalt  }
0x5f: {  	_ =	shalt  }
0x60: {  	_ =	shalt  }
0x61: {  	_ =	shalt  }
0x62: {  	_ =	shalt  }
0x63: {  	_ =	shalt  }
0x64: {  	_ =	shalt  }
0x65: {  	_ =	shalt  }
0x66: {  	_ =	shalt  }
0x67: {  	_ =	shalt  }
0x68: {  	_ =	shalt  }
0x69: {  	_ =	shalt  }
0x6a: {  	_ =	shalt  }
0x6b: {  	_ =	shalt  }
0x6c: {  	_ =	shalt  }
0x6d: {  	_ =	shalt  }
0x6e: {  	_ =	shalt  }
0x6f: {  	_ =	shalt  }
0x70: {  	_ =	shalt  }
0x71: {  	_ =	shalt  }
0x72: {  	_ =	shalt  }
0x73: {  	_ =	shalt  }
0x74: {  	_ =	shalt  }
0x75: {  	_ =	shalt  }
0x76: {  	_ =	shalt  }
0x77: {  	_ =	shalt  }
0x78: {  	_ =	shalt  }
0x79: {  	_ =	shalt  }
0x7a: {  	_ =	shalt  }
0x7b: {  	_ =	shalt  }
0x7c: {  	_ =	shalt  }
0x7d: {  	_ =	shalt  }
0x7e: {  	_ =	shalt  }
0x7f: {  	_ =	shalt  }
0x80: {  	_ =	shalt  }
0x81: {  	_ =	shalt  }
0x82: {  	_ =	shalt  }
0x83: {  	_ =	shalt  }
0x84: {  	_ =	shalt  }
0x85: {  	_ =	shalt  }
0x86: {  	_ =	shalt  }
0x87: {  	_ =	shalt  }
.Lfunc_end0:
.L_simem_size_0:
called_computation_lowered:
.L_overlay_start_0:
0x88: {  	s2 =	sld [smem:$0x3FD9]  }
0x89: {  	s3 =	sld [smem:$0x3FFE];
	_ =	sdelay $0x1  }
0x8a: {  	s1 =	srdreg.scid  }
0x8b: {  	s0 =	sand.u32 $0x1, s1  }
0x8c: {  	s17 =	sshll.u32 s0, $0xA;
	s2 =	sadd.s32 s3, s2  }
0x8d: {  	s2 =	sadd.s32 s2, s17  }
0x8e: {  	[smem:$0x3FC6] =	sst s2  }
0x8f: {  	_ = 	snop  }
0x90: {  	s2 =	sld [smem:$0x3FC9]  }
0x91: {  	s18 =	sld [smem:$0x3FD0];
	(tm) =	ssettm $0x1  }
0x92: {  	s4 =	sld [smem:$0x3FFB];
	_ =	sdelay $0x3  }
0x93: {  	_ =	strace s4  }
0x94: {  	s4 =	sld [smem:$0x3FFC];
	_ =	sdelay $0x3  }
0x95: {  	_ =	strace s4  }
0x96: {  	s4 =	sld [smem:$0x3FFD];
	_ =	sdelay $0x3  }
0x97: {  	_ =	strace s4  }
0x98: {  	_ =	strace $0x8FFFFFFF  }
0x99: {  	s19 =	sld [smem:$0x3FDB];
	_ =	sdelay $0x1  }
0x9a: {  	s5 =	simm.s32 $_scs_section_size  }
0x9b: {  	s6 =	simm.s32 $_size__tile_overlayer_lowered;
	s7 =	simm.s32 $_tile_overlayer_lowered  }
0x9c: {  	s22 =	simm.s32 $0x1BFF;
	s21 =	sshll.u32 s7, $0x1;
	s4 =	sadd.s32 s5, s19  }
0x9d: {  	s8 =	simm.s32 $0x0;
	s20 =	sshll.u32 s6, $0x1;
	s6 =	sadd.s32 s21, s4  }
0x9e: {  	[timem:s8], [sflag:s22] =	dma.local [hbm:s6], s20  }
0x9f: {  	_ =	swait.ge [sflag:s22], s20  }
0xa0: {  	s5 =	ssub.s32 $0x0, s20;
	[sflag:s22] =	ssyncset.done $0x0  }
0xa1: {  	[sflag:s22] =	ssyncadd.s32 s5;
	_ =	sdelay $0x1  }
0xa2: {  	s23 =	simm.s32 $0x1B8B  }
0xa3: {  	_ =	swait.ge [sflag:s23], $0x1  }
0xa4: {  	[sflag:s23] =	ssyncset.done $0x0  }
0xa5: {  	s25 =	simm.s32 $0x1B8E;
	s24 =	sld [smem:$0x3FFE];
	[sflag:s23] =	ssyncadd.s32 $0xFFFFFFFF  }
0xa6: {  	s26 =	simm.s32 $execute0_lowered;
	[smem:$0x3FD2] =	sst s25  }
0xa7: {  	s6 =	sshll.u32 s26, $0x1;
	_ =	strace $0x80000046;
	[dreg:$0x1] =	wrdreg $0xFFFFFFFF  }
0xa8: {  	s28 =	simm.s32 $_size_execute0_lowered;
	s4 =	sadd.s32 s4, s6;
	[dreg:$0x0] =	wrdreg $0x0  }
0xa9: {  	s6 =	sshll.u32 s28, $0x1;
	[dreg:$0x2] =	wrdreg s4  }
0xaa: {  	[dreg:$0x3] =	wrdreg s6  }
0xab: {  	[dreg:$0x4] =	wrdreg $0xC0  }
0xac: {  	_ =	task [dreg:s8], $0x5FFFF  }
0xad: {  	[dreg:$0x1] =	wrdreg $0xFFFFFFFF  }
0xae: {  	[dreg:$0x0] =	wrdreg $0x60  }
0xaf: {  	[dreg:$0x2] =	wrdreg s2  }
0xb0: {  	[dreg:$0x3] =	wrdreg s24  }
0xb1: {  	[dreg:$0x4] =	wrdreg s18  }
0xb2: {  	[dreg:$0x5] =	wrdreg $0x9  }
0xb3: {  	_ =	task.clear_ibuf [dreg:s8], $0x6FFFF;
	_ =	strace $0x90000046  }
0xb4: {  	s29 =	simm.s32 $0x9;
	_ =	strace $0x80000048  }
0xb5: {  	_ =	swait.ge [sflag:s29], $0x1  }
0xb6: {  	[sflag:s29] =	ssyncadd.s32 $0xFFFFFFFF  }
0xb7: {  	_ =	strace $0x90000048  }
0xb8: {  	_ =	sfence  }
0xb9: {  	s30 =	sld [smem:$0x0];
	_ =	sdelay $0x2  }
0xba: {  	s31 =	sshll.u32 s1, $0xD;
	s1 =	sshrl.u32 s1, $0x2  }
0xbb: {  	s3 =	sand.u32 $0x4000, s31;
	s1 =	sadd.s32 s1, s30  }
0xbc: {  	s0 =	sor.u32 s3, s0;
	s1 =	sshll.u32 s1, $0x11  }
0xbd: {  	s0 =	sor.u32 s1, s0  }
0xbe: {  	s0 =	sadd.s32 $0x8F2B, s0  }
0xbf: {  	[sflag:s0] =	ssyncadd.remote.s32 $0x1  }
0xc0: {  	_ =	sfence.sel $0xFFFF  }
0xc1: {  	[dreg:$0x0] =	wrdreg $0xFFFFFFFF;
	(pc) =	sbr.abs _section_cstart, $3  }
0xc2: {  	[dreg:$0x1] =	wrdreg $0xFFFFFFFF  }
0xc3: {  	_ =	task.clear_ibuf [dreg:s8], $0x2FFFF;
	_ =	strace $0x9FFFFFFF  }
0xc4: {  	(tm) =	ssettm $0x7FFFFFFF  }
0xc5: {  	_ =	shalt  }
tec
execute0_lowered:
.L_overlay_start_1:
0x0: {  	(tag) =	ssettag $0x1  }
0x1: {  	s0 =	rddreg [dreg:$0x0]  }
0x2: {  	s1 =	rddreg [dreg:$0x1]  }
0x3: {  	s3 =	rddreg [dreg:$0x2]  }
0x4: {  	s4 =	srdreg.scid;
	s2 =	simm.s32 $0x0;
	s5 =	stileid.u32  }
0x5: {  	s30 =	simm.s32 $0x780;
	s31 =	simm.s32 $0x4780;
	s4 =	sand.u32 $0x1, s4  }
0x6: {  	[smem:$0x7FF] =	sst s2;
	s5 =	sshll.u32 s5, $0xA;
	s1 =	sadd.s32 $0x400, s1  }
0x7: {  	s14 =	sadd.s32 $0x40000, s0;
	s8 =	sadd.s32 $0x80000, s0;
	s6 =	sshll.u32 s4, $0x9  }
0x8: {  	_ =	strace $0x80000047;
	s4 =	ssub.s32 $0x2, s4;
	s5 =	sor.u32 s6, s5  }
0x9: {  	[dreg:$0x4] =	wrdreg s1;
	s12 =	sshrl.u32 s4, $0x1;
	s6 =	sshll.u32 s5, $0x4  }
0xa: {  	s1 =	ssub.s32 s4, s12;
	s9 =	sor.u32 $0x80, s5;
	s19 =	sor.u32 $0x100, s5  }
0xb: {  	s4 =	simm.s32 $0x17B80;
	s12 =	simm.s32 $0x3;
	s13 =	sadd.s32 s0, s6  }
0xc: {  	s7 =	sadd.s32 s6, s14;
	s6 =	sadd.s32 s6, s8;
	[dreg:$0x5] =	wrdreg s13  }
0xd: {  	s15 =	sshll.u32 s9, $0x4;
	s9 =	sadd.s32 s3, s9;
	[dreg:$0x6] =	wrdreg s7  }
0xe: {  	s20 =	sshll.u32 s19, $0x4;
	s26 =	smax.u32 s1, $0x1;
	[dreg:$0x7] =	wrdreg s6  }
0xf: {  	s1 =	simm.s32 $0x8780;
	s7 =	sadd.s32 s3, s5;
	[dreg:$0xd] =	wrdreg s9  }
0x10: {  	s10 =	sadd.s32 s0, s15;
	s17 =	sadd.s32 s15, s14;
	[dreg:$0x15] =	wrdreg s26  }
0x11: {  	s6 =	sadd.s32 s15, s8;
	s5 =	sor.u32 $0x180, s5;
	[dreg:$0x8] =	wrdreg s10  }
0x12: {  	s21 =	sadd.s32 s0, s20;
	s11 =	sadd.s32 s20, s14;
	[dreg:$0xa] =	wrdreg s17  }
0x13: {  	s9 =	sadd.s32 s20, s8;
	s20 =	simm.s32 $0x5;
	[dreg:$0xc] =	wrdreg s6  }
0x14: {  	s16 =	sadd.s32 $0x3C000, s7;
	s18 =	sadd.s32 $0x78000, s7;
	[dreg:$0xe] =	wrdreg s21  }
0x15: {  	s22 =	sadd.s32 $0x3C080, s7;
	s23 =	sshll.u32 s5, $0x4;
	[dreg:$0x10] =	wrdreg s11  }
0x16: {  	[dreg:$0x11] =	wrdreg s9;
	s21 =	sadd.s32 $0x78080, s7;
	s26 =	sadd.s32 $0x78100, s7  }
0x17: {  	s28 =	sadd.s32 $0x3C180, s7;
	s29 =	sadd.s32 $0x78180, s7;
	[dreg:$0x9] =	wrdreg s16  }
0x18: {  	s6 =	simm.s32 $0x20000;
	s10 =	simm.s32 $0xFF80;
	[dreg:$0xb] =	wrdreg s18  }
0x19: {  	s17 =	simm.s32 $0x4;
	s9 =	simm.s32 $0x0;
	[dreg:$0xf] =	wrdreg s22  }
0x1a: {  	v0 =	vlaneseq.u32;
	s0 =	sadd.s32 s0, s23;
	s24 =	sadd.s32 s23, s14;
	s25 =	sadd.s32 s23, s8  }
0x1b: {  	v0 =	vmul.u32 $0x7F, v0;
	s22 =	sadd.s32 s3, s19;
	s23 =	sadd.s32 s3, s5;
	s3 =	simm.s32 $0x2  }
0x1c: {  	s5 =	simm.s32 $0x400;
	s8 =	simm.s32 $0xC780;
	[dreg:$0x12] =	wrdreg s0  }
0x1d: {  	v1 =	vadd.s32 $0x7F0, v0;
	s14 =	simm.s32 $0x10380;
	s16 =	simm.s32 $0x13B80;
	[dreg:$0x13] =	wrdreg s24  }
0x1e: {  	v2 =	vadd.s32 $0xFE0, v0;
	v3 =	vadd.s32 $0x17D0, v0;
	v4 =	vadd.s32 $0x1FC0, v0;
	s18 =	simm.s32 $0x13F80;
	s19 =	simm.s32 $0x17780;
	[dreg:$0x14] =	wrdreg s25  }
0x1f: {  	v5 =	vadd.s32 $0x27B0, v0;
	v6 =	vadd.s32 $0x2FA0, v0;
	v7 =	vadd.s32 $0x3790, v0;
	s24 =	sadd.s32 $0x3C100, s7;
	s25 =	simm.s32 $0x6;
	s0 =	simm.s32 $0x7  }
.LBB2_1:
0x20: {  	s11 =	rddreg [dreg:$0x4]  }
0x21: {  	[tilespmem:s2], [sflag:$0x1] =	stream.linear.gather [hbm4b:s11+s2], $0x780, $0x38;
	[tilespmem:$0x1BB00] =	vst v63  }
0x22: {  	s13 =	rddreg [dreg:$0x5]  }
0x23: {  	[tilespmem:s30], [sflag:$0x2] =	stream.linear.gather [hbm4b:s13+s2], $0x4000, $0x38;
	[tilespmem:$0x1BB00] =	vst v63  }
0x24: {  	s15 =	rddreg [dreg:$0x6];
	s13 =	simm.s32 $0x1  }
0x25: {  	[tilespmem:s31], [sflag:$0x3] =	stream.linear.gather [hbm4b:s15+s2], $0x4000, $0x38;
	[tilespmem:$0x1BB00] =	vst v63  }
0x26: {  	_ =	swait.ge [sflag:s13], $0x780  }
0x27: {  	[sflag:s13] =	ssyncset.done $0x0  }
0x28: {  	s15 =	rddreg [dreg:$0x7];
	[sflag:s13] =	ssyncadd.s32 $0xFFFFF880  }
0x29: {  	[tilespmem:s1], [sflag:$0x4] =	stream.linear.gather [hbm4b:s15+s2], $0x4000, $0x38;
	[tilespmem:$0x1BB00] =	vst v63  }
0x2a: {  	_ =	swait.ge [sflag:s3], $0x4000  }
0x2b: {  	[sflag:s3] =	ssyncset.done $0x0  }
0x2c: {  	s11 =	simm.s32 $0x17BFF;
	s13 =	simm.s32 $0x0;
	[sflag:s3] =	ssyncadd.s32 $0xFFFFC000  }
.LBB2_2:
0x2d: {  	s15 =	sshra.s32 s13, $0x2  }
0x2e: {  	v8 =	vld [tilespmem:s15+$0x780]  }
0x2f: {  	v9 =	vld [tilespmem:s15+$0x790]  }
0x30: {  	v10 =	vld [tilespmem:s15+$0x7A0]  }
0x31: {  	v11 =	vld [tilespmem:s15+$0x7B0]  }
0x32: {  	v12 =	vld [tilespmem:s15+$0x7C0]  }
0x33: {  	v13 =	vld [tilespmem:s15+$0x7D0]  }
0x34: {  	v14 =	vld [tilespmem:s15+$0x7E0]  }
0x35: {  	v15 =	vld [tilespmem:s15+$0x7EF];
	[tilespmem:s11+$0xFFFFFF81] =	vst v8  }
0x36: {  	[tilespmem:s11+$0xFFFFFF91] =	vst v9  }
0x37: {  	[tilespmem:s11+$0xFFFFFFA1] =	vst v10  }
0x38: {  	[tilespmem:s11+$0xFFFFFFB1] =	vst v11  }
0x39: {  	[tilespmem:s11+$0xFFFFFFC1] =	vst v12  }
0x3a: {  	[tilespmem:s11+$0xFFFFFFD1] =	vst v13  }
0x3b: {  	[tilespmem:s11+$0xFFFFFFE1] =	vst v14  }
0x3c: {  	[tilespmem:s11+$0xFFFFFFF0] =	vst v15  }
0x3d: {  	v8 =	vld [tilespmem:s15+$0x800]  }
0x3e: {  	v9 =	vld [tilespmem:s15+$0x810]  }
0x3f: {  	v10 =	vld [tilespmem:s15+$0x820]  }
0x40: {  	v11 =	vld [tilespmem:s15+$0x830]  }
0x41: {  	v12 =	vld [tilespmem:s15+$0x840]  }
0x42: {  	v13 =	vld [tilespmem:s15+$0x850]  }
0x43: {  	v14 =	vld [tilespmem:s15+$0x860]  }
0x44: {  	v15 =	vld [tilespmem:s15+$0x86F];
	[tilespmem:s11+$0x0] =	vst v8  }
0x45: {  	[tilespmem:s11+$0x10] =	vst v9  }
0x46: {  	p0 =	sne.s32 s13, $0xFC00;
	[tilespmem:s11+$0x20] =	vst v10  }
.Ltmp0:
0x47: {  	[tilespmem:s11+$0x30] =	vst v11;
	(pc) =	sbr.rel @p0 .LBB2_2-.Ltmp0, $4  }
0x48: {  	[tilespmem:s11+$0x40] =	vst v12  }
0x49: {  	[tilespmem:s11+$0x50] =	vst v13  }
0x4a: {  	[tilespmem:s11+$0x60] =	vst v14  }
0x4b: {  	s13 =	sadd.s32 $0x400, s13;
	[tilespmem:s11+$0x6F] =	vst v15;
	s11 =	sadd.s32 $0xFE, s11  }
0x4c: {  	s11 =	simm.s32 $0x40;
	s13 =	simm.s32 $0xC800  }
.LBB2_4:
0x4d: {  	s15 =	sshra.s32 s11, $0x2  }
0x4e: {  	v8 =	vld [tilespmem:s15+$0xFFFFFFF0];
	_ =	sdelay $0x4  }
0x4f: {  	v9 =	vadd.s32 v0, v8  }
0x50: {  	v10 =	vadd.s32 v1, v8  }
0x51: {  	v11 =	vadd.s32 v2, v8  }
0x52: {  	v12 =	vadd.s32 v3, v8  }
0x53: {  	v13 =	vadd.s32 v4, v8  }
0x54: {  	v14 =	vadd.s32 v5, v8;
	v9 =	vld.idx.msk [tilespmem:v9+s4+$0x0], $0xffff  }
0x55: {  	v15 =	vadd.s32 v6, v8;
	v10 =	vld.idx.msk [tilespmem:v10+s4+$0x0], $0xffff  }
0x56: {  	v8 =	vadd.s32 v7, v8;
	v11 =	vld.idx.msk [tilespmem:v11+s4+$0x0], $0xffff  }
0x57: {  	v12 =	vld.idx.msk [tilespmem:v12+s4+$0x0], $0xffff  }
0x58: {  	v13 =	vld.idx.msk [tilespmem:v13+s4+$0x0], $0xffff  }
0x59: {  	v14 =	vld.idx.msk [tilespmem:v14+s4+$0x0], $0xffff  }
0x5a: {  	v15 =	vld.idx.msk [tilespmem:v15+s4+$0x0], $0xffff  }
0x5b: {  	v8 =	vld.idx.msk [tilespmem:v8+s4+$0x0], $0xffff;
	[tilespmem:s13+$0xFFFFFF80] =	vst v9  }
0x5c: {  	[tilespmem:s13+$0xFFFFFF90] =	vst v10  }
0x5d: {  	[tilespmem:s13+$0xFFFFFFA0] =	vst v11  }
0x5e: {  	[tilespmem:s13+$0xFFFFFFB0] =	vst v12  }
0x5f: {  	[tilespmem:s13+$0xFFFFFFC0] =	vst v13  }
0x60: {  	[tilespmem:s13+$0xFFFFFFD0] =	vst v14  }
0x61: {  	[tilespmem:s13+$0xFFFFFFE0] =	vst v15  }
0x62: {  	[tilespmem:s13+$0xFFFFFFF0] =	vst v8  }
0x63: {  	v8 =	vld [tilespmem:s15+$0x0];
	_ =	sdelay $0x4  }
0x64: {  	v57 =	vadd.s32 v0, v8  }
0x65: {  	v58 =	vadd.s32 v1, v8  }
0x66: {  	v59 =	vadd.s32 v2, v8  }
0x67: {  	v60 =	vadd.s32 v3, v8  }
0x68: {  	v61 =	vadd.s32 v4, v8  }
0x69: {  	v62 =	vadd.s32 v5, v8;
	v9 =	vld.idx.msk [tilespmem:v57+s4+$0x0], $0xffff  }
0x6a: {  	v63 =	vadd.s32 v6, v8;
	v10 =	vld.idx.msk [tilespmem:v58+s4+$0x0], $0xffff  }
0x6b: {  	v8 =	vadd.s32 v7, v8;
	v11 =	vld.idx.msk [tilespmem:v59+s4+$0x0], $0xffff  }
0x6c: {  	v12 =	vld.idx.msk [tilespmem:v60+s4+$0x0], $0xffff  }
0x6d: {  	v13 =	vld.idx.msk [tilespmem:v61+s4+$0x0], $0xffff  }
0x6e: {  	v14 =	vld.idx.msk [tilespmem:v62+s4+$0x0], $0xffff  }
0x6f: {  	v15 =	vld.idx.msk [tilespmem:v63+s4+$0x0], $0xffff  }
0x70: {  	v8 =	vld.idx.msk [tilespmem:v8+s4+$0x0], $0xffff;
	[tilespmem:s13+$0x0] =	vst v9  }
0x71: {  	[tilespmem:s13+$0x10] =	vst v10  }
0x72: {  	p0 =	sne.s32 s11, $0x1D40;
	[tilespmem:s13+$0x20] =	vst v11  }
.Ltmp1:
0x73: {  	[tilespmem:s13+$0x30] =	vst v12;
	(pc) =	sbr.rel @p0 .LBB2_4-.Ltmp1, $4  }
0x74: {  	[tilespmem:s13+$0x40] =	vst v13  }
0x75: {  	[tilespmem:s13+$0x50] =	vst v14  }
0x76: {  	[tilespmem:s13+$0x60] =	vst v15  }
0x77: {  	s11 =	sadd.s32 $0x80, s11;
	[tilespmem:s13+$0x70] =	vst v8;
	s13 =	sadd.s32 $0x100, s13  }
0x78: {  	[hbm4b:s7+s5] =	stream.strided.scatter [tilespmem:s8], [sflag:$0x5], $0x3800, s6, s5, $0x38;
	[tilespmem:$0x1BB00] =	vst v63  }
0x79: {  	s13 =	sadd.s32 $0x38000, s7;
	s11 =	simm.s32 $0x0  }
0x7a: {  	[hbm4b:s13+s11] =	stream.linear.scatter [tilespmem:s10], [sflag:$0x5], $0x300, $0x38;
	[tilespmem:$0x1BB00] =	vst v63  }
0x7b: {  	s15 =	rddreg [dreg:$0x8]  }
0x7c: {  	[tilespmem:s30], [sflag:$0x2] =	stream.linear.gather [hbm4b:s15+s11], $0x4000, $0x38;
	[tilespmem:$0x1BB00] =	vst v63  }
0x7d: {  	_ =	swait.ge [sflag:s12], $0x4000  }
0x7e: {  	[sflag:s12] =	ssyncset.done $0x0  }
0x7f: {  	s13 =	simm.s32 $0x17BFF;
	[sflag:s12] =	ssyncadd.s32 $0xFFFFC000  }
.LBB2_6:
0x80: {  	s15 =	sshra.s32 s11, $0x2  }
0x81: {  	v8 =	vld [tilespmem:s15+$0x4780]  }
0x82: {  	v9 =	vld [tilespmem:s15+$0x4790]  }
0x83: {  	v10 =	vld [tilespmem:s15+$0x47A0]  }
0x84: {  	v11 =	vld [tilespmem:s15+$0x47B0]  }
0x85: {  	v12 =	vld [tilespmem:s15+$0x47C0]  }
0x86: {  	v13 =	vld [tilespmem:s15+$0x47D0]  }
0x87: {  	v14 =	vld [tilespmem:s15+$0x47E0]  }
0x88: {  	v15 =	vld [tilespmem:s15+$0x47EF];
	[tilespmem:s13+$0xFFFFFF81] =	vst v8  }
0x89: {  	[tilespmem:s13+$0xFFFFFF91] =	vst v9  }
0x8a: {  	[tilespmem:s13+$0xFFFFFFA1] =	vst v10  }
0x8b: {  	[tilespmem:s13+$0xFFFFFFB1] =	vst v11  }
0x8c: {  	[tilespmem:s13+$0xFFFFFFC1] =	vst v12  }
0x8d: {  	[tilespmem:s13+$0xFFFFFFD1] =	vst v13  }
0x8e: {  	[tilespmem:s13+$0xFFFFFFE1] =	vst v14  }
0x8f: {  	[tilespmem:s13+$0xFFFFFFF0] =	vst v15  }
0x90: {  	v8 =	vld [tilespmem:s15+$0x4800]  }
0x91: {  	v9 =	vld [tilespmem:s15+$0x4810]  }
0x92: {  	v10 =	vld [tilespmem:s15+$0x4820]  }
0x93: {  	v11 =	vld [tilespmem:s15+$0x4830]  }
0x94: {  	v12 =	vld [tilespmem:s15+$0x4840]  }
0x95: {  	v13 =	vld [tilespmem:s15+$0x4850]  }
0x96: {  	v14 =	vld [tilespmem:s15+$0x4860]  }
0x97: {  	v15 =	vld [tilespmem:s15+$0x486F];
	[tilespmem:s13+$0x0] =	vst v8  }
0x98: {  	[tilespmem:s13+$0x10] =	vst v9  }
0x99: {  	p0 =	sne.s32 s11, $0xFC00;
	[tilespmem:s13+$0x20] =	vst v10  }
.Ltmp2:
0x9a: {  	[tilespmem:s13+$0x30] =	vst v11;
	(pc) =	sbr.rel @p0 .LBB2_6-.Ltmp2, $4  }
0x9b: {  	[tilespmem:s13+$0x40] =	vst v12  }
0x9c: {  	[tilespmem:s13+$0x50] =	vst v13  }
0x9d: {  	[tilespmem:s13+$0x60] =	vst v14  }
0x9e: {  	s11 =	sadd.s32 $0x400, s11;
	[tilespmem:s13+$0x6F] =	vst v15;
	s13 =	sadd.s32 $0xFE, s13  }
0x9f: {  	s11 =	simm.s32 $0x40;
	s13 =	simm.s32 $0x10400  }
.LBB2_8:
0xa0: {  	s15 =	sshra.s32 s11, $0x2  }
0xa1: {  	v8 =	vld [tilespmem:s15+$0xFFFFFFF0];
	_ =	sdelay $0x4  }
0xa2: {  	v9 =	vadd.s32 v0, v8  }
0xa3: {  	v10 =	vadd.s32 v1, v8  }
0xa4: {  	v11 =	vadd.s32 v2, v8  }
0xa5: {  	v12 =	vadd.s32 v3, v8  }
0xa6: {  	v13 =	vadd.s32 v4, v8  }
0xa7: {  	v14 =	vadd.s32 v5, v8;
	v9 =	vld.idx.msk [tilespmem:v9+s4+$0x0], $0xffff  }
0xa8: {  	v15 =	vadd.s32 v6, v8;
	v10 =	vld.idx.msk [tilespmem:v10+s4+$0x0], $0xffff  }
0xa9: {  	v8 =	vadd.s32 v7, v8;
	v11 =	vld.idx.msk [tilespmem:v11+s4+$0x0], $0xffff  }
0xaa: {  	v12 =	vld.idx.msk [tilespmem:v12+s4+$0x0], $0xffff  }
0xab: {  	v13 =	vld.idx.msk [tilespmem:v13+s4+$0x0], $0xffff  }
0xac: {  	v14 =	vld.idx.msk [tilespmem:v14+s4+$0x0], $0xffff  }
0xad: {  	v15 =	vld.idx.msk [tilespmem:v15+s4+$0x0], $0xffff  }
0xae: {  	v8 =	vld.idx.msk [tilespmem:v8+s4+$0x0], $0xffff;
	[tilespmem:s13+$0xFFFFFF80] =	vst v9  }
0xaf: {  	[tilespmem:s13+$0xFFFFFF90] =	vst v10  }
0xb0: {  	[tilespmem:s13+$0xFFFFFFA0] =	vst v11  }
0xb1: {  	[tilespmem:s13+$0xFFFFFFB0] =	vst v12  }
0xb2: {  	[tilespmem:s13+$0xFFFFFFC0] =	vst v13  }
0xb3: {  	[tilespmem:s13+$0xFFFFFFD0] =	vst v14  }
0xb4: {  	[tilespmem:s13+$0xFFFFFFE0] =	vst v15  }
0xb5: {  	[tilespmem:s13+$0xFFFFFFF0] =	vst v8  }
0xb6: {  	v8 =	vld [tilespmem:s15+$0x0];
	_ =	sdelay $0x4  }
0xb7: {  	v57 =	vadd.s32 v0, v8  }
0xb8: {  	v58 =	vadd.s32 v1, v8  }
0xb9: {  	v59 =	vadd.s32 v2, v8  }
0xba: {  	v60 =	vadd.s32 v3, v8  }
0xbb: {  	v61 =	vadd.s32 v4, v8  }
0xbc: {  	v62 =	vadd.s32 v5, v8;
	v9 =	vld.idx.msk [tilespmem:v57+s4+$0x0], $0xffff  }
0xbd: {  	v63 =	vadd.s32 v6, v8;
	v10 =	vld.idx.msk [tilespmem:v58+s4+$0x0], $0xffff  }
0xbe: {  	v8 =	vadd.s32 v7, v8;
	v11 =	vld.idx.msk [tilespmem:v59+s4+$0x0], $0xffff  }
0xbf: {  	v12 =	vld.idx.msk [tilespmem:v60+s4+$0x0], $0xffff  }
0xc0: {  	v13 =	vld.idx.msk [tilespmem:v61+s4+$0x0], $0xffff  }
0xc1: {  	v14 =	vld.idx.msk [tilespmem:v62+s4+$0x0], $0xffff  }
0xc2: {  	v15 =	vld.idx.msk [tilespmem:v63+s4+$0x0], $0xffff  }
0xc3: {  	v8 =	vld.idx.msk [tilespmem:v8+s4+$0x0], $0xffff;
	[tilespmem:s13+$0x0] =	vst v9  }
0xc4: {  	[tilespmem:s13+$0x10] =	vst v10  }
0xc5: {  	p0 =	sne.s32 s11, $0x1D40;
	[tilespmem:s13+$0x20] =	vst v11  }
.Ltmp3:
0xc6: {  	[tilespmem:s13+$0x30] =	vst v12;
	(pc) =	sbr.rel @p0 .LBB2_8-.Ltmp3, $4  }
0xc7: {  	[tilespmem:s13+$0x40] =	vst v13  }
0xc8: {  	[tilespmem:s13+$0x50] =	vst v14  }
0xc9: {  	[tilespmem:s13+$0x60] =	vst v15  }
0xca: {  	s11 =	sadd.s32 $0x80, s11;
	[tilespmem:s13+$0x70] =	vst v8;
	s13 =	sadd.s32 $0x100, s13  }
0xcb: {  	s11 =	rddreg [dreg:$0x9]  }
0xcc: {  	[hbm4b:s11+s5] =	stream.strided.scatter [tilespmem:s14], [sflag:$0x6], $0x3800, s6, s5, $0x38;
	[tilespmem:$0x1BB00] =	vst v63  }
0xcd: {  	s13 =	sadd.s32 $0x38000, s11;
	s11 =	simm.s32 $0x0  }
0xce: {  	[hbm4b:s13+s11] =	stream.linear.scatter [tilespmem:s16], [sflag:$0x6], $0x300, $0x38;
	[tilespmem:$0x1BB00] =	vst v63  }
0xcf: {  	s15 =	rddreg [dreg:$0xa]  }
0xd0: {  	[tilespmem:s31], [sflag:$0x3] =	stream.linear.gather [hbm4b:s15+s11], $0x4000, $0x38;
	[tilespmem:$0x1BB00] =	vst v63  }
0xd1: {  	_ =	swait.ge [sflag:s17], $0x4000  }
0xd2: {  	[sflag:s17] =	ssyncset.done $0x0  }
0xd3: {  	s13 =	simm.s32 $0x17BFF;
	[sflag:s17] =	ssyncadd.s32 $0xFFFFC000  }
.LBB2_10:
0xd4: {  	s15 =	sshra.s32 s11, $0x2  }
0xd5: {  	v8 =	vld [tilespmem:s15+$0x8780]  }
0xd6: {  	v9 =	vld [tilespmem:s15+$0x8790]  }
0xd7: {  	v10 =	vld [tilespmem:s15+$0x87A0]  }
0xd8: {  	v11 =	vld [tilespmem:s15+$0x87B0]  }
0xd9: {  	v12 =	vld [tilespmem:s15+$0x87C0]  }
0xda: {  	v13 =	vld [tilespmem:s15+$0x87D0]  }
0xdb: {  	v14 =	vld [tilespmem:s15+$0x87E0]  }
0xdc: {  	v15 =	vld [tilespmem:s15+$0x87EF];
	[tilespmem:s13+$0xFFFFFF81] =	vst v8  }
0xdd: {  	[tilespmem:s13+$0xFFFFFF91] =	vst v9  }
0xde: {  	[tilespmem:s13+$0xFFFFFFA1] =	vst v10  }
0xdf: {  	[tilespmem:s13+$0xFFFFFFB1] =	vst v11  }
0xe0: {  	[tilespmem:s13+$0xFFFFFFC1] =	vst v12  }
0xe1: {  	[tilespmem:s13+$0xFFFFFFD1] =	vst v13  }
0xe2: {  	[tilespmem:s13+$0xFFFFFFE1] =	vst v14  }
0xe3: {  	[tilespmem:s13+$0xFFFFFFF0] =	vst v15  }
0xe4: {  	v8 =	vld [tilespmem:s15+$0x8800]  }
0xe5: {  	v9 =	vld [tilespmem:s15+$0x8810]  }
0xe6: {  	v10 =	vld [tilespmem:s15+$0x8820]  }
0xe7: {  	v11 =	vld [tilespmem:s15+$0x8830]  }
0xe8: {  	v12 =	vld [tilespmem:s15+$0x8840]  }
0xe9: {  	v13 =	vld [tilespmem:s15+$0x8850]  }
0xea: {  	v14 =	vld [tilespmem:s15+$0x8860]  }
0xeb: {  	v15 =	vld [tilespmem:s15+$0x886F];
	[tilespmem:s13+$0x0] =	vst v8  }
0xec: {  	[tilespmem:s13+$0x10] =	vst v9  }
0xed: {  	p0 =	sne.s32 s11, $0xFC00;
	[tilespmem:s13+$0x20] =	vst v10  }
.Ltmp4:
0xee: {  	[tilespmem:s13+$0x30] =	vst v11;
	(pc) =	sbr.rel @p0 .LBB2_10-.Ltmp4, $4  }
0xef: {  	[tilespmem:s13+$0x40] =	vst v12  }
0xf0: {  	[tilespmem:s13+$0x50] =	vst v13  }
0xf1: {  	[tilespmem:s13+$0x60] =	vst v14  }
0xf2: {  	s11 =	sadd.s32 $0x400, s11;
	[tilespmem:s13+$0x6F] =	vst v15;
	s13 =	sadd.s32 $0xFE, s13  }
0xf3: {  	s11 =	simm.s32 $0x40;
	s13 =	simm.s32 $0x14000  }
.LBB2_12:
0xf4: {  	s15 =	sshra.s32 s11, $0x2  }
0xf5: {  	v8 =	vld [tilespmem:s15+$0xFFFFFFF0];
	_ =	sdelay $0x4  }
0xf6: {  	v9 =	vadd.s32 v0, v8  }
0xf7: {  	v10 =	vadd.s32 v1, v8  }
0xf8: {  	v11 =	vadd.s32 v2, v8  }
0xf9: {  	v12 =	vadd.s32 v3, v8  }
0xfa: {  	v13 =	vadd.s32 v4, v8  }
0xfb: {  	v14 =	vadd.s32 v5, v8;
	v9 =	vld.idx.msk [tilespmem:v9+s4+$0x0], $0xffff  }
0xfc: {  	v15 =	vadd.s32 v6, v8;
	v10 =	vld.idx.msk [tilespmem:v10+s4+$0x0], $0xffff  }
0xfd: {  	v8 =	vadd.s32 v7, v8;
	v11 =	vld.idx.msk [tilespmem:v11+s4+$0x0], $0xffff  }
0xfe: {  	v12 =	vld.idx.msk [tilespmem:v12+s4+$0x0], $0xffff  }
0xff: {  	v13 =	vld.idx.msk [tilespmem:v13+s4+$0x0], $0xffff  }
0x100: {  	v14 =	vld.idx.msk [tilespmem:v14+s4+$0x0], $0xffff  }
0x101: {  	v15 =	vld.idx.msk [tilespmem:v15+s4+$0x0], $0xffff  }
0x102: {  	v8 =	vld.idx.msk [tilespmem:v8+s4+$0x0], $0xffff;
	[tilespmem:s13+$0xFFFFFF80] =	vst v9  }
0x103: {  	[tilespmem:s13+$0xFFFFFF90] =	vst v10  }
0x104: {  	[tilespmem:s13+$0xFFFFFFA0] =	vst v11  }
0x105: {  	[tilespmem:s13+$0xFFFFFFB0] =	vst v12  }
0x106: {  	[tilespmem:s13+$0xFFFFFFC0] =	vst v13  }
0x107: {  	[tilespmem:s13+$0xFFFFFFD0] =	vst v14  }
0x108: {  	[tilespmem:s13+$0xFFFFFFE0] =	vst v15  }
0x109: {  	[tilespmem:s13+$0xFFFFFFF0] =	vst v8  }
0x10a: {  	v8 =	vld [tilespmem:s15+$0x0];
	_ =	sdelay $0x4  }
0x10b: {  	v57 =	vadd.s32 v0, v8  }
0x10c: {  	v58 =	vadd.s32 v1, v8  }
0x10d: {  	v59 =	vadd.s32 v2, v8  }
0x10e: {  	v60 =	vadd.s32 v3, v8  }
0x10f: {  	v61 =	vadd.s32 v4, v8  }
0x110: {  	v62 =	vadd.s32 v5, v8;
	v9 =	vld.idx.msk [tilespmem:v57+s4+$0x0], $0xffff  }
0x111: {  	v63 =	vadd.s32 v6, v8;
	v10 =	vld.idx.msk [tilespmem:v58+s4+$0x0], $0xffff  }
0x112: {  	v8 =	vadd.s32 v7, v8;
	v11 =	vld.idx.msk [tilespmem:v59+s4+$0x0], $0xffff  }
0x113: {  	v12 =	vld.idx.msk [tilespmem:v60+s4+$0x0], $0xffff  }
0x114: {  	v13 =	vld.idx.msk [tilespmem:v61+s4+$0x0], $0xffff  }
0x115: {  	v14 =	vld.idx.msk [tilespmem:v62+s4+$0x0], $0xffff  }
0x116: {  	v15 =	vld.idx.msk [tilespmem:v63+s4+$0x0], $0xffff  }
0x117: {  	v8 =	vld.idx.msk [tilespmem:v8+s4+$0x0], $0xffff;
	[tilespmem:s13+$0x0] =	vst v9  }
0x118: {  	[tilespmem:s13+$0x10] =	vst v10  }
0x119: {  	p0 =	sne.s32 s11, $0x1D40;
	[tilespmem:s13+$0x20] =	vst v11  }
.Ltmp5:
0x11a: {  	[tilespmem:s13+$0x30] =	vst v12;
	(pc) =	sbr.rel @p0 .LBB2_12-.Ltmp5, $4  }
0x11b: {  	[tilespmem:s13+$0x40] =	vst v13  }
0x11c: {  	[tilespmem:s13+$0x50] =	vst v14  }
0x11d: {  	[tilespmem:s13+$0x60] =	vst v15  }
0x11e: {  	s11 =	sadd.s32 $0x80, s11;
	[tilespmem:s13+$0x70] =	vst v8;
	s13 =	sadd.s32 $0x100, s13  }
0x11f: {  	s11 =	rddreg [dreg:$0xb]  }
0x120: {  	[hbm4b:s11+s5] =	stream.strided.scatter [tilespmem:s18], [sflag:$0x7], $0x3800, s6, s5, $0x38;
	[tilespmem:$0x1BB00] =	vst v63  }
0x121: {  	s13 =	sadd.s32 $0x38000, s11;
	s11 =	simm.s32 $0x0  }
0x122: {  	[hbm4b:s13+s11] =	stream.linear.scatter [tilespmem:s19], [sflag:$0x7], $0x300, $0x38;
	[tilespmem:$0x1BB00] =	vst v63  }
0x123: {  	s15 =	rddreg [dreg:$0xc]  }
0x124: {  	[tilespmem:s1], [sflag:$0x4] =	stream.linear.gather [hbm4b:s15+s11], $0x4000, $0x38;
	[tilespmem:$0x1BB00] =	vst v63  }
0x125: {  	_ =	swait.ge [sflag:s3], $0x4000  }
0x126: {  	[sflag:s3] =	ssyncset.done $0x0  }
0x127: {  	[sflag:s3] =	ssyncadd.s32 $0xFFFFC000  }
0x128: {  	_ =	swait.ge [sflag:s20], $0x3B00  }
0x129: {  	[sflag:s20] =	ssyncset.done $0x0  }
0x12a: {  	s13 =	simm.s32 $0x17BFF;
	[sflag:s20] =	ssyncadd.s32 $0xFFFFC500  }
.LBB2_14:
0x12b: {  	s15 =	sshra.s32 s11, $0x2  }
0x12c: {  	v8 =	vld [tilespmem:s15+$0x780]  }
0x12d: {  	v9 =	vld [tilespmem:s15+$0x790]  }
0x12e: {  	v10 =	vld [tilespmem:s15+$0x7A0]  }
0x12f: {  	v11 =	vld [tilespmem:s15+$0x7B0]  }
0x130: {  	v12 =	vld [tilespmem:s15+$0x7C0]  }
0x131: {  	v13 =	vld [tilespmem:s15+$0x7D0]  }
0x132: {  	v14 =	vld [tilespmem:s15+$0x7E0]  }
0x133: {  	v15 =	vld [tilespmem:s15+$0x7EF];
	[tilespmem:s13+$0xFFFFFF81] =	vst v8  }
0x134: {  	[tilespmem:s13+$0xFFFFFF91] =	vst v9  }
0x135: {  	[tilespmem:s13+$0xFFFFFFA1] =	vst v10  }
0x136: {  	[tilespmem:s13+$0xFFFFFFB1] =	vst v11  }
0x137: {  	[tilespmem:s13+$0xFFFFFFC1] =	vst v12  }
0x138: {  	[tilespmem:s13+$0xFFFFFFD1] =	vst v13  }
0x139: {  	[tilespmem:s13+$0xFFFFFFE1] =	vst v14  }
0x13a: {  	[tilespmem:s13+$0xFFFFFFF0] =	vst v15  }
0x13b: {  	v8 =	vld [tilespmem:s15+$0x800]  }
0x13c: {  	v9 =	vld [tilespmem:s15+$0x810]  }
0x13d: {  	v10 =	vld [tilespmem:s15+$0x820]  }
0x13e: {  	v11 =	vld [tilespmem:s15+$0x830]  }
0x13f: {  	v12 =	vld [tilespmem:s15+$0x840]  }
0x140: {  	v13 =	vld [tilespmem:s15+$0x850]  }
0x141: {  	v14 =	vld [tilespmem:s15+$0x860]  }
0x142: {  	v15 =	vld [tilespmem:s15+$0x86F];
	[tilespmem:s13+$0x0] =	vst v8  }
0x143: {  	[tilespmem:s13+$0x10] =	vst v9  }
0x144: {  	p0 =	sne.s32 s11, $0xFC00;
	[tilespmem:s13+$0x20] =	vst v10  }
.Ltmp6:
0x145: {  	[tilespmem:s13+$0x30] =	vst v11;
	(pc) =	sbr.rel @p0 .LBB2_14-.Ltmp6, $4  }
0x146: {  	[tilespmem:s13+$0x40] =	vst v12  }
0x147: {  	[tilespmem:s13+$0x50] =	vst v13  }
0x148: {  	[tilespmem:s13+$0x60] =	vst v14  }
0x149: {  	s11 =	sadd.s32 $0x400, s11;
	[tilespmem:s13+$0x6F] =	vst v15;
	s13 =	sadd.s32 $0xFE, s13  }
0x14a: {  	s11 =	simm.s32 $0x40;
	s13 =	simm.s32 $0xC800  }
.LBB2_16:
0x14b: {  	s15 =	sshra.s32 s11, $0x2  }
0x14c: {  	v8 =	vld [tilespmem:s15+$0xFFFFFFF0];
	_ =	sdelay $0x4  }
0x14d: {  	v9 =	vadd.s32 v0, v8  }
0x14e: {  	v10 =	vadd.s32 v1, v8  }
0x14f: {  	v11 =	vadd.s32 v2, v8  }
0x150: {  	v12 =	vadd.s32 v3, v8  }
0x151: {  	v13 =	vadd.s32 v4, v8  }
0x152: {  	v14 =	vadd.s32 v5, v8;
	v9 =	vld.idx.msk [tilespmem:v9+s4+$0x0], $0xffff  }
0x153: {  	v15 =	vadd.s32 v6, v8;
	v10 =	vld.idx.msk [tilespmem:v10+s4+$0x0], $0xffff  }
0x154: {  	v8 =	vadd.s32 v7, v8;
	v11 =	vld.idx.msk [tilespmem:v11+s4+$0x0], $0xffff  }
0x155: {  	v12 =	vld.idx.msk [tilespmem:v12+s4+$0x0], $0xffff  }
0x156: {  	v13 =	vld.idx.msk [tilespmem:v13+s4+$0x0], $0xffff  }
0x157: {  	v14 =	vld.idx.msk [tilespmem:v14+s4+$0x0], $0xffff  }
0x158: {  	v15 =	vld.idx.msk [tilespmem:v15+s4+$0x0], $0xffff  }
0x159: {  	v8 =	vld.idx.msk [tilespmem:v8+s4+$0x0], $0xffff;
	[tilespmem:s13+$0xFFFFFF80] =	vst v9  }
0x15a: {  	[tilespmem:s13+$0xFFFFFF90] =	vst v10  }
0x15b: {  	[tilespmem:s13+$0xFFFFFFA0] =	vst v11  }
0x15c: {  	[tilespmem:s13+$0xFFFFFFB0] =	vst v12  }
0x15d: {  	[tilespmem:s13+$0xFFFFFFC0] =	vst v13  }
0x15e: {  	[tilespmem:s13+$0xFFFFFFD0] =	vst v14  }
0x15f: {  	[tilespmem:s13+$0xFFFFFFE0] =	vst v15  }
0x160: {  	[tilespmem:s13+$0xFFFFFFF0] =	vst v8  }
0x161: {  	v8 =	vld [tilespmem:s15+$0x0];
	_ =	sdelay $0x4  }
0x162: {  	v57 =	vadd.s32 v0, v8  }
0x163: {  	v58 =	vadd.s32 v1, v8  }
0x164: {  	v59 =	vadd.s32 v2, v8  }
0x165: {  	v60 =	vadd.s32 v3, v8  }
0x166: {  	v61 =	vadd.s32 v4, v8  }
0x167: {  	v62 =	vadd.s32 v5, v8;
	v9 =	vld.idx.msk [tilespmem:v57+s4+$0x0], $0xffff  }
0x168: {  	v63 =	vadd.s32 v6, v8;
	v10 =	vld.idx.msk [tilespmem:v58+s4+$0x0], $0xffff  }
0x169: {  	v8 =	vadd.s32 v7, v8;
	v11 =	vld.idx.msk [tilespmem:v59+s4+$0x0], $0xffff  }
0x16a: {  	v12 =	vld.idx.msk [tilespmem:v60+s4+$0x0], $0xffff  }
0x16b: {  	v13 =	vld.idx.msk [tilespmem:v61+s4+$0x0], $0xffff  }
0x16c: {  	v14 =	vld.idx.msk [tilespmem:v62+s4+$0x0], $0xffff  }
0x16d: {  	v15 =	vld.idx.msk [tilespmem:v63+s4+$0x0], $0xffff  }
0x16e: {  	v8 =	vld.idx.msk [tilespmem:v8+s4+$0x0], $0xffff;
	[tilespmem:s13+$0x0] =	vst v9  }
0x16f: {  	[tilespmem:s13+$0x10] =	vst v10  }
0x170: {  	p0 =	sne.s32 s11, $0x1D40;
	[tilespmem:s13+$0x20] =	vst v11  }
.Ltmp7:
0x171: {  	[tilespmem:s13+$0x30] =	vst v12;
	(pc) =	sbr.rel @p0 .LBB2_16-.Ltmp7, $4  }
0x172: {  	[tilespmem:s13+$0x40] =	vst v13  }
0x173: {  	[tilespmem:s13+$0x50] =	vst v14  }
0x174: {  	[tilespmem:s13+$0x60] =	vst v15  }
0x175: {  	s11 =	sadd.s32 $0x80, s11;
	[tilespmem:s13+$0x70] =	vst v8;
	s13 =	sadd.s32 $0x100, s13  }
0x176: {  	s11 =	rddreg [dreg:$0xd]  }
0x177: {  	[hbm4b:s11+s5] =	stream.strided.scatter [tilespmem:s8], [sflag:$0x5], $0x3800, s6, s5, $0x38;
	[tilespmem:$0x1BB00] =	vst v63  }
0x178: {  	s13 =	sadd.s32 $0x38000, s11;
	s11 =	simm.s32 $0x0  }
0x179: {  	[hbm4b:s13+s11] =	stream.linear.scatter [tilespmem:s10], [sflag:$0x5], $0x300, $0x38;
	[tilespmem:$0x1BB00] =	vst v63  }
0x17a: {  	s15 =	rddreg [dreg:$0xe]  }
0x17b: {  	[tilespmem:s30], [sflag:$0x2] =	stream.linear.gather [hbm4b:s15+s11], $0x4000, $0x38;
	[tilespmem:$0x1BB00] =	vst v63  }
0x17c: {  	_ =	swait.ge [sflag:s12], $0x4000  }
0x17d: {  	[sflag:s12] =	ssyncset.done $0x0  }
0x17e: {  	[sflag:s12] =	ssyncadd.s32 $0xFFFFC000  }
0x17f: {  	_ =	swait.ge [sflag:s25], $0x3B00  }
0x180: {  	[sflag:s25] =	ssyncset.done $0x0  }
0x181: {  	s13 =	simm.s32 $0x17BFF;
	[sflag:s25] =	ssyncadd.s32 $0xFFFFC500  }
.LBB2_18:
0x182: {  	s15 =	sshra.s32 s11, $0x2  }
0x183: {  	v8 =	vld [tilespmem:s15+$0x4780]  }
0x184: {  	v9 =	vld [tilespmem:s15+$0x4790]  }
0x185: {  	v10 =	vld [tilespmem:s15+$0x47A0]  }
0x186: {  	v11 =	vld [tilespmem:s15+$0x47B0]  }
0x187: {  	v12 =	vld [tilespmem:s15+$0x47C0]  }
0x188: {  	v13 =	vld [tilespmem:s15+$0x47D0]  }
0x189: {  	v14 =	vld [tilespmem:s15+$0x47E0]  }
0x18a: {  	v15 =	vld [tilespmem:s15+$0x47EF];
	[tilespmem:s13+$0xFFFFFF81] =	vst v8  }
0x18b: {  	[tilespmem:s13+$0xFFFFFF91] =	vst v9  }
0x18c: {  	[tilespmem:s13+$0xFFFFFFA1] =	vst v10  }
0x18d: {  	[tilespmem:s13+$0xFFFFFFB1] =	vst v11  }
0x18e: {  	[tilespmem:s13+$0xFFFFFFC1] =	vst v12  }
0x18f: {  	[tilespmem:s13+$0xFFFFFFD1] =	vst v13  }
0x190: {  	[tilespmem:s13+$0xFFFFFFE1] =	vst v14  }
0x191: {  	[tilespmem:s13+$0xFFFFFFF0] =	vst v15  }
0x192: {  	v8 =	vld [tilespmem:s15+$0x4800]  }
0x193: {  	v9 =	vld [tilespmem:s15+$0x4810]  }
0x194: {  	v10 =	vld [tilespmem:s15+$0x4820]  }
0x195: {  	v11 =	vld [tilespmem:s15+$0x4830]  }
0x196: {  	v12 =	vld [tilespmem:s15+$0x4840]  }
0x197: {  	v13 =	vld [tilespmem:s15+$0x4850]  }
0x198: {  	v14 =	vld [tilespmem:s15+$0x4860]  }
0x199: {  	v15 =	vld [tilespmem:s15+$0x486F];
	[tilespmem:s13+$0x0] =	vst v8  }
0x19a: {  	[tilespmem:s13+$0x10] =	vst v9  }
0x19b: {  	p0 =	sne.s32 s11, $0xFC00;
	[tilespmem:s13+$0x20] =	vst v10  }
.Ltmp8:
0x19c: {  	[tilespmem:s13+$0x30] =	vst v11;
	(pc) =	sbr.rel @p0 .LBB2_18-.Ltmp8, $4  }
0x19d: {  	[tilespmem:s13+$0x40] =	vst v12  }
0x19e: {  	[tilespmem:s13+$0x50] =	vst v13  }
0x19f: {  	[tilespmem:s13+$0x60] =	vst v14  }
0x1a0: {  	s11 =	sadd.s32 $0x400, s11;
	[tilespmem:s13+$0x6F] =	vst v15;
	s13 =	sadd.s32 $0xFE, s13  }
0x1a1: {  	s11 =	simm.s32 $0x40;
	s13 =	simm.s32 $0x10400  }
.LBB2_20:
0x1a2: {  	s15 =	sshra.s32 s11, $0x2  }
0x1a3: {  	v8 =	vld [tilespmem:s15+$0xFFFFFFF0];
	_ =	sdelay $0x4  }
0x1a4: {  	v9 =	vadd.s32 v0, v8  }
0x1a5: {  	v10 =	vadd.s32 v1, v8  }
0x1a6: {  	v11 =	vadd.s32 v2, v8  }
0x1a7: {  	v12 =	vadd.s32 v3, v8  }
0x1a8: {  	v13 =	vadd.s32 v4, v8  }
0x1a9: {  	v14 =	vadd.s32 v5, v8;
	v9 =	vld.idx.msk [tilespmem:v9+s4+$0x0], $0xffff  }
0x1aa: {  	v15 =	vadd.s32 v6, v8;
	v10 =	vld.idx.msk [tilespmem:v10+s4+$0x0], $0xffff  }
0x1ab: {  	v8 =	vadd.s32 v7, v8;
	v11 =	vld.idx.msk [tilespmem:v11+s4+$0x0], $0xffff  }
0x1ac: {  	v12 =	vld.idx.msk [tilespmem:v12+s4+$0x0], $0xffff  }
0x1ad: {  	v13 =	vld.idx.msk [tilespmem:v13+s4+$0x0], $0xffff  }
0x1ae: {  	v14 =	vld.idx.msk [tilespmem:v14+s4+$0x0], $0xffff  }
0x1af: {  	v15 =	vld.idx.msk [tilespmem:v15+s4+$0x0], $0xffff  }
0x1b0: {  	v8 =	vld.idx.msk [tilespmem:v8+s4+$0x0], $0xffff;
	[tilespmem:s13+$0xFFFFFF80] =	vst v9  }
0x1b1: {  	[tilespmem:s13+$0xFFFFFF90] =	vst v10  }
0x1b2: {  	[tilespmem:s13+$0xFFFFFFA0] =	vst v11  }
0x1b3: {  	[tilespmem:s13+$0xFFFFFFB0] =	vst v12  }
0x1b4: {  	[tilespmem:s13+$0xFFFFFFC0] =	vst v13  }
0x1b5: {  	[tilespmem:s13+$0xFFFFFFD0] =	vst v14  }
0x1b6: {  	[tilespmem:s13+$0xFFFFFFE0] =	vst v15  }
0x1b7: {  	[tilespmem:s13+$0xFFFFFFF0] =	vst v8  }
0x1b8: {  	v8 =	vld [tilespmem:s15+$0x0];
	_ =	sdelay $0x4  }
0x1b9: {  	v57 =	vadd.s32 v0, v8  }
0x1ba: {  	v58 =	vadd.s32 v1, v8  }
0x1bb: {  	v59 =	vadd.s32 v2, v8  }
0x1bc: {  	v60 =	vadd.s32 v3, v8  }
0x1bd: {  	v61 =	vadd.s32 v4, v8  }
0x1be: {  	v62 =	vadd.s32 v5, v8;
	v9 =	vld.idx.msk [tilespmem:v57+s4+$0x0], $0xffff  }
0x1bf: {  	v63 =	vadd.s32 v6, v8;
	v10 =	vld.idx.msk [tilespmem:v58+s4+$0x0], $0xffff  }
0x1c0: {  	v8 =	vadd.s32 v7, v8;
	v11 =	vld.idx.msk [tilespmem:v59+s4+$0x0], $0xffff  }
0x1c1: {  	v12 =	vld.idx.msk [tilespmem:v60+s4+$0x0], $0xffff  }
0x1c2: {  	v13 =	vld.idx.msk [tilespmem:v61+s4+$0x0], $0xffff  }
0x1c3: {  	v14 =	vld.idx.msk [tilespmem:v62+s4+$0x0], $0xffff  }
0x1c4: {  	v15 =	vld.idx.msk [tilespmem:v63+s4+$0x0], $0xffff  }
0x1c5: {  	v8 =	vld.idx.msk [tilespmem:v8+s4+$0x0], $0xffff;
	[tilespmem:s13+$0x0] =	vst v9  }
0x1c6: {  	[tilespmem:s13+$0x10] =	vst v10  }
0x1c7: {  	p0 =	sne.s32 s11, $0x1D40;
	[tilespmem:s13+$0x20] =	vst v11  }
.Ltmp9:
0x1c8: {  	[tilespmem:s13+$0x30] =	vst v12;
	(pc) =	sbr.rel @p0 .LBB2_20-.Ltmp9, $4  }
0x1c9: {  	[tilespmem:s13+$0x40] =	vst v13  }
0x1ca: {  	[tilespmem:s13+$0x50] =	vst v14  }
0x1cb: {  	[tilespmem:s13+$0x60] =	vst v15  }
0x1cc: {  	s11 =	sadd.s32 $0x80, s11;
	[tilespmem:s13+$0x70] =	vst v8;
	s13 =	sadd.s32 $0x100, s13  }
0x1cd: {  	s11 =	rddreg [dreg:$0xf]  }
0x1ce: {  	[hbm4b:s11+s5] =	stream.strided.scatter [tilespmem:s14], [sflag:$0x6], $0x3800, s6, s5, $0x38;
	[tilespmem:$0x1BB00] =	vst v63  }
0x1cf: {  	s13 =	sadd.s32 $0x38000, s11;
	s11 =	simm.s32 $0x0  }
0x1d0: {  	[hbm4b:s13+s11] =	stream.linear.scatter [tilespmem:s16], [sflag:$0x6], $0x300, $0x38;
	[tilespmem:$0x1BB00] =	vst v63  }
0x1d1: {  	s15 =	rddreg [dreg:$0x10]  }
0x1d2: {  	[tilespmem:s31], [sflag:$0x3] =	stream.linear.gather [hbm4b:s15+s11], $0x4000, $0x38;
	[tilespmem:$0x1BB00] =	vst v63  }
0x1d3: {  	_ =	swait.ge [sflag:s17], $0x4000  }
0x1d4: {  	[sflag:s17] =	ssyncset.done $0x0  }
0x1d5: {  	[sflag:s17] =	ssyncadd.s32 $0xFFFFC000  }
0x1d6: {  	_ =	swait.ge [sflag:s0], $0x3B00  }
0x1d7: {  	[sflag:s0] =	ssyncset.done $0x0  }
0x1d8: {  	s13 =	simm.s32 $0x17BFF;
	[sflag:s0] =	ssyncadd.s32 $0xFFFFC500  }
.LBB2_22:
0x1d9: {  	s15 =	sshra.s32 s11, $0x2  }
0x1da: {  	v8 =	vld [tilespmem:s15+$0x8780]  }
0x1db: {  	v9 =	vld [tilespmem:s15+$0x8790]  }
0x1dc: {  	v10 =	vld [tilespmem:s15+$0x87A0]  }
0x1dd: {  	v11 =	vld [tilespmem:s15+$0x87B0]  }
0x1de: {  	v12 =	vld [tilespmem:s15+$0x87C0]  }
0x1df: {  	v13 =	vld [tilespmem:s15+$0x87D0]  }
0x1e0: {  	v14 =	vld [tilespmem:s15+$0x87E0]  }
0x1e1: {  	v15 =	vld [tilespmem:s15+$0x87EF];
	[tilespmem:s13+$0xFFFFFF81] =	vst v8  }
0x1e2: {  	[tilespmem:s13+$0xFFFFFF91] =	vst v9  }
0x1e3: {  	[tilespmem:s13+$0xFFFFFFA1] =	vst v10  }
0x1e4: {  	[tilespmem:s13+$0xFFFFFFB1] =	vst v11  }
0x1e5: {  	[tilespmem:s13+$0xFFFFFFC1] =	vst v12  }
0x1e6: {  	[tilespmem:s13+$0xFFFFFFD1] =	vst v13  }
0x1e7: {  	[tilespmem:s13+$0xFFFFFFE1] =	vst v14  }
0x1e8: {  	[tilespmem:s13+$0xFFFFFFF0] =	vst v15  }
0x1e9: {  	v8 =	vld [tilespmem:s15+$0x8800]  }
0x1ea: {  	v9 =	vld [tilespmem:s15+$0x8810]  }
0x1eb: {  	v10 =	vld [tilespmem:s15+$0x8820]  }
0x1ec: {  	v11 =	vld [tilespmem:s15+$0x8830]  }
0x1ed: {  	v12 =	vld [tilespmem:s15+$0x8840]  }
0x1ee: {  	v13 =	vld [tilespmem:s15+$0x8850]  }
0x1ef: {  	v14 =	vld [tilespmem:s15+$0x8860]  }
0x1f0: {  	v15 =	vld [tilespmem:s15+$0x886F];
	[tilespmem:s13+$0x0] =	vst v8  }
0x1f1: {  	[tilespmem:s13+$0x10] =	vst v9  }
0x1f2: {  	p0 =	sne.s32 s11, $0xFC00;
	[tilespmem:s13+$0x20] =	vst v10  }
.Ltmp10:
0x1f3: {  	[tilespmem:s13+$0x30] =	vst v11;
	(pc) =	sbr.rel @p0 .LBB2_22-.Ltmp10, $4  }
0x1f4: {  	[tilespmem:s13+$0x40] =	vst v12  }
0x1f5: {  	[tilespmem:s13+$0x50] =	vst v13  }
0x1f6: {  	[tilespmem:s13+$0x60] =	vst v14  }
0x1f7: {  	s11 =	sadd.s32 $0x400, s11;
	[tilespmem:s13+$0x6F] =	vst v15;
	s13 =	sadd.s32 $0xFE, s13  }
0x1f8: {  	s11 =	simm.s32 $0x40;
	s13 =	simm.s32 $0x14000  }
.LBB2_24:
0x1f9: {  	s15 =	sshra.s32 s11, $0x2  }
0x1fa: {  	v8 =	vld [tilespmem:s15+$0xFFFFFFF0];
	_ =	sdelay $0x4  }
0x1fb: {  	v9 =	vadd.s32 v0, v8  }
0x1fc: {  	v10 =	vadd.s32 v1, v8  }
0x1fd: {  	v11 =	vadd.s32 v2, v8  }
0x1fe: {  	v12 =	vadd.s32 v3, v8  }
0x1ff: {  	v13 =	vadd.s32 v4, v8  }
0x200: {  	v14 =	vadd.s32 v5, v8;
	v9 =	vld.idx.msk [tilespmem:v9+s4+$0x0], $0xffff  }
0x201: {  	v15 =	vadd.s32 v6, v8;
	v10 =	vld.idx.msk [tilespmem:v10+s4+$0x0], $0xffff  }
0x202: {  	v8 =	vadd.s32 v7, v8;
	v11 =	vld.idx.msk [tilespmem:v11+s4+$0x0], $0xffff  }
0x203: {  	v12 =	vld.idx.msk [tilespmem:v12+s4+$0x0], $0xffff  }
0x204: {  	v13 =	vld.idx.msk [tilespmem:v13+s4+$0x0], $0xffff  }
0x205: {  	v14 =	vld.idx.msk [tilespmem:v14+s4+$0x0], $0xffff  }
0x206: {  	v15 =	vld.idx.msk [tilespmem:v15+s4+$0x0], $0xffff  }
0x207: {  	v8 =	vld.idx.msk [tilespmem:v8+s4+$0x0], $0xffff;
	[tilespmem:s13+$0xFFFFFF80] =	vst v9  }
0x208: {  	[tilespmem:s13+$0xFFFFFF90] =	vst v10  }
0x209: {  	[tilespmem:s13+$0xFFFFFFA0] =	vst v11  }
0x20a: {  	[tilespmem:s13+$0xFFFFFFB0] =	vst v12  }
0x20b: {  	[tilespmem:s13+$0xFFFFFFC0] =	vst v13  }
0x20c: {  	[tilespmem:s13+$0xFFFFFFD0] =	vst v14  }
0x20d: {  	[tilespmem:s13+$0xFFFFFFE0] =	vst v15  }
0x20e: {  	[tilespmem:s13+$0xFFFFFFF0] =	vst v8  }
0x20f: {  	v8 =	vld [tilespmem:s15+$0x0];
	_ =	sdelay $0x4  }
0x210: {  	v57 =	vadd.s32 v0, v8  }
0x211: {  	v58 =	vadd.s32 v1, v8  }
0x212: {  	v59 =	vadd.s32 v2, v8  }
0x213: {  	v60 =	vadd.s32 v3, v8  }
0x214: {  	v61 =	vadd.s32 v4, v8  }
0x215: {  	v62 =	vadd.s32 v5, v8;
	v9 =	vld.idx.msk [tilespmem:v57+s4+$0x0], $0xffff  }
0x216: {  	v63 =	vadd.s32 v6, v8;
	v10 =	vld.idx.msk [tilespmem:v58+s4+$0x0], $0xffff  }
0x217: {  	v8 =	vadd.s32 v7, v8;
	v11 =	vld.idx.msk [tilespmem:v59+s4+$0x0], $0xffff  }
0x218: {  	v12 =	vld.idx.msk [tilespmem:v60+s4+$0x0], $0xffff  }
0x219: {  	v13 =	vld.idx.msk [tilespmem:v61+s4+$0x0], $0xffff  }
0x21a: {  	v14 =	vld.idx.msk [tilespmem:v62+s4+$0x0], $0xffff  }
0x21b: {  	v15 =	vld.idx.msk [tilespmem:v63+s4+$0x0], $0xffff  }
0x21c: {  	v8 =	vld.idx.msk [tilespmem:v8+s4+$0x0], $0xffff;
	[tilespmem:s13+$0x0] =	vst v9  }
0x21d: {  	[tilespmem:s13+$0x10] =	vst v10  }
0x21e: {  	p0 =	sne.s32 s11, $0x1D40;
	[tilespmem:s13+$0x20] =	vst v11  }
.Ltmp11:
0x21f: {  	[tilespmem:s13+$0x30] =	vst v12;
	(pc) =	sbr.rel @p0 .LBB2_24-.Ltmp11, $4  }
0x220: {  	[tilespmem:s13+$0x40] =	vst v13  }
0x221: {  	[tilespmem:s13+$0x50] =	vst v14  }
0x222: {  	[tilespmem:s13+$0x60] =	vst v15  }
0x223: {  	s11 =	sadd.s32 $0x80, s11;
	[tilespmem:s13+$0x70] =	vst v8;
	s13 =	sadd.s32 $0x100, s13  }
0x224: {  	[hbm4b:s21+s5] =	stream.strided.scatter [tilespmem:s18], [sflag:$0x7], $0x3800, s6, s5, $0x38;
	[tilespmem:$0x1BB00] =	vst v63  }
0x225: {  	s13 =	sadd.s32 $0x38000, s21;
	s11 =	simm.s32 $0x0  }
0x226: {  	[hbm4b:s13+s11] =	stream.linear.scatter [tilespmem:s19], [sflag:$0x7], $0x300, $0x38;
	[tilespmem:$0x1BB00] =	vst v63  }
0x227: {  	s15 =	rddreg [dreg:$0x11]  }
0x228: {  	[tilespmem:s1], [sflag:$0x4] =	stream.linear.gather [hbm4b:s15+s11], $0x4000, $0x38;
	[tilespmem:$0x1BB00] =	vst v63  }
0x229: {  	_ =	swait.ge [sflag:s3], $0x4000  }
0x22a: {  	[sflag:s3] =	ssyncset.done $0x0  }
0x22b: {  	[sflag:s3] =	ssyncadd.s32 $0xFFFFC000  }
0x22c: {  	_ =	swait.ge [sflag:s20], $0x3B00  }
0x22d: {  	[sflag:s20] =	ssyncset.done $0x0  }
0x22e: {  	s13 =	simm.s32 $0x17BFF;
	[sflag:s20] =	ssyncadd.s32 $0xFFFFC500  }
.LBB2_26:
0x22f: {  	s15 =	sshra.s32 s11, $0x2  }
0x230: {  	v8 =	vld [tilespmem:s15+$0x780]  }
0x231: {  	v9 =	vld [tilespmem:s15+$0x790]  }
0x232: {  	v10 =	vld [tilespmem:s15+$0x7A0]  }
0x233: {  	v11 =	vld [tilespmem:s15+$0x7B0]  }
0x234: {  	v12 =	vld [tilespmem:s15+$0x7C0]  }
0x235: {  	v13 =	vld [tilespmem:s15+$0x7D0]  }
0x236: {  	v14 =	vld [tilespmem:s15+$0x7E0]  }
0x237: {  	v15 =	vld [tilespmem:s15+$0x7EF];
	[tilespmem:s13+$0xFFFFFF81] =	vst v8  }
0x238: {  	[tilespmem:s13+$0xFFFFFF91] =	vst v9  }
0x239: {  	[tilespmem:s13+$0xFFFFFFA1] =	vst v10  }
0x23a: {  	[tilespmem:s13+$0xFFFFFFB1] =	vst v11  }
0x23b: {  	[tilespmem:s13+$0xFFFFFFC1] =	vst v12  }
0x23c: {  	[tilespmem:s13+$0xFFFFFFD1] =	vst v13  }
0x23d: {  	[tilespmem:s13+$0xFFFFFFE1] =	vst v14  }
0x23e: {  	[tilespmem:s13+$0xFFFFFFF0] =	vst v15  }
0x23f: {  	v8 =	vld [tilespmem:s15+$0x800]  }
0x240: {  	v9 =	vld [tilespmem:s15+$0x810]  }
0x241: {  	v10 =	vld [tilespmem:s15+$0x820]  }
0x242: {  	v11 =	vld [tilespmem:s15+$0x830]  }
0x243: {  	v12 =	vld [tilespmem:s15+$0x840]  }
0x244: {  	v13 =	vld [tilespmem:s15+$0x850]  }
0x245: {  	v14 =	vld [tilespmem:s15+$0x860]  }
0x246: {  	v15 =	vld [tilespmem:s15+$0x86F];
	[tilespmem:s13+$0x0] =	vst v8  }
0x247: {  	[tilespmem:s13+$0x10] =	vst v9  }
0x248: {  	p0 =	sne.s32 s11, $0xFC00;
	[tilespmem:s13+$0x20] =	vst v10  }
.Ltmp12:
0x249: {  	[tilespmem:s13+$0x30] =	vst v11;
	(pc) =	sbr.rel @p0 .LBB2_26-.Ltmp12, $4  }
0x24a: {  	[tilespmem:s13+$0x40] =	vst v12  }
0x24b: {  	[tilespmem:s13+$0x50] =	vst v13  }
0x24c: {  	[tilespmem:s13+$0x60] =	vst v14  }
0x24d: {  	s11 =	sadd.s32 $0x400, s11;
	[tilespmem:s13+$0x6F] =	vst v15;
	s13 =	sadd.s32 $0xFE, s13  }
0x24e: {  	s11 =	simm.s32 $0x40;
	s13 =	simm.s32 $0xC800  }
.LBB2_28:
0x24f: {  	s15 =	sshra.s32 s11, $0x2  }
0x250: {  	v8 =	vld [tilespmem:s15+$0xFFFFFFF0];
	_ =	sdelay $0x4  }
0x251: {  	v9 =	vadd.s32 v0, v8  }
0x252: {  	v10 =	vadd.s32 v1, v8  }
0x253: {  	v11 =	vadd.s32 v2, v8  }
0x254: {  	v12 =	vadd.s32 v3, v8  }
0x255: {  	v13 =	vadd.s32 v4, v8  }
0x256: {  	v14 =	vadd.s32 v5, v8;
	v9 =	vld.idx.msk [tilespmem:v9+s4+$0x0], $0xffff  }
0x257: {  	v15 =	vadd.s32 v6, v8;
	v10 =	vld.idx.msk [tilespmem:v10+s4+$0x0], $0xffff  }
0x258: {  	v8 =	vadd.s32 v7, v8;
	v11 =	vld.idx.msk [tilespmem:v11+s4+$0x0], $0xffff  }
0x259: {  	v12 =	vld.idx.msk [tilespmem:v12+s4+$0x0], $0xffff  }
0x25a: {  	v13 =	vld.idx.msk [tilespmem:v13+s4+$0x0], $0xffff  }
0x25b: {  	v14 =	vld.idx.msk [tilespmem:v14+s4+$0x0], $0xffff  }
0x25c: {  	v15 =	vld.idx.msk [tilespmem:v15+s4+$0x0], $0xffff  }
0x25d: {  	v8 =	vld.idx.msk [tilespmem:v8+s4+$0x0], $0xffff;
	[tilespmem:s13+$0xFFFFFF80] =	vst v9  }
0x25e: {  	[tilespmem:s13+$0xFFFFFF90] =	vst v10  }
0x25f: {  	[tilespmem:s13+$0xFFFFFFA0] =	vst v11  }
0x260: {  	[tilespmem:s13+$0xFFFFFFB0] =	vst v12  }
0x261: {  	[tilespmem:s13+$0xFFFFFFC0] =	vst v13  }
0x262: {  	[tilespmem:s13+$0xFFFFFFD0] =	vst v14  }
0x263: {  	[tilespmem:s13+$0xFFFFFFE0] =	vst v15  }
0x264: {  	[tilespmem:s13+$0xFFFFFFF0] =	vst v8  }
0x265: {  	v8 =	vld [tilespmem:s15+$0x0];
	_ =	sdelay $0x4  }
0x266: {  	v57 =	vadd.s32 v0, v8  }
0x267: {  	v58 =	vadd.s32 v1, v8  }
0x268: {  	v59 =	vadd.s32 v2, v8  }
0x269: {  	v60 =	vadd.s32 v3, v8  }
0x26a: {  	v61 =	vadd.s32 v4, v8  }
0x26b: {  	v62 =	vadd.s32 v5, v8;
	v9 =	vld.idx.msk [tilespmem:v57+s4+$0x0], $0xffff  }
0x26c: {  	v63 =	vadd.s32 v6, v8;
	v10 =	vld.idx.msk [tilespmem:v58+s4+$0x0], $0xffff  }
0x26d: {  	v8 =	vadd.s32 v7, v8;
	v11 =	vld.idx.msk [tilespmem:v59+s4+$0x0], $0xffff  }
0x26e: {  	v12 =	vld.idx.msk [tilespmem:v60+s4+$0x0], $0xffff  }
0x26f: {  	v13 =	vld.idx.msk [tilespmem:v61+s4+$0x0], $0xffff  }
0x270: {  	v14 =	vld.idx.msk [tilespmem:v62+s4+$0x0], $0xffff  }
0x271: {  	v15 =	vld.idx.msk [tilespmem:v63+s4+$0x0], $0xffff  }
0x272: {  	v8 =	vld.idx.msk [tilespmem:v8+s4+$0x0], $0xffff;
	[tilespmem:s13+$0x0] =	vst v9  }
0x273: {  	[tilespmem:s13+$0x10] =	vst v10  }
0x274: {  	p0 =	sne.s32 s11, $0x1D40;
	[tilespmem:s13+$0x20] =	vst v11  }
.Ltmp13:
0x275: {  	[tilespmem:s13+$0x30] =	vst v12;
	(pc) =	sbr.rel @p0 .LBB2_28-.Ltmp13, $4  }
0x276: {  	[tilespmem:s13+$0x40] =	vst v13  }
0x277: {  	[tilespmem:s13+$0x50] =	vst v14  }
0x278: {  	[tilespmem:s13+$0x60] =	vst v15  }
0x279: {  	s11 =	sadd.s32 $0x80, s11;
	[tilespmem:s13+$0x70] =	vst v8;
	s13 =	sadd.s32 $0x100, s13  }
0x27a: {  	[hbm4b:s22+s5] =	stream.strided.scatter [tilespmem:s8], [sflag:$0x5], $0x3800, s6, s5, $0x38;
	[tilespmem:$0x1BB00] =	vst v63  }
0x27b: {  	s13 =	sadd.s32 $0x38000, s22;
	s11 =	simm.s32 $0x0  }
0x27c: {  	[hbm4b:s13+s11] =	stream.linear.scatter [tilespmem:s10], [sflag:$0x5], $0x300, $0x38;
	[tilespmem:$0x1BB00] =	vst v63  }
0x27d: {  	s15 =	rddreg [dreg:$0x12]  }
0x27e: {  	[tilespmem:s30], [sflag:$0x2] =	stream.linear.gather [hbm4b:s15+s11], $0x4000, $0x38;
	[tilespmem:$0x1BB00] =	vst v63  }
0x27f: {  	_ =	swait.ge [sflag:s12], $0x4000  }
0x280: {  	[sflag:s12] =	ssyncset.done $0x0  }
0x281: {  	[sflag:s12] =	ssyncadd.s32 $0xFFFFC000  }
0x282: {  	_ =	swait.ge [sflag:s25], $0x3B00  }
0x283: {  	[sflag:s25] =	ssyncset.done $0x0  }
0x284: {  	s13 =	simm.s32 $0x17BFF;
	[sflag:s25] =	ssyncadd.s32 $0xFFFFC500  }
.LBB2_30:
0x285: {  	s15 =	sshra.s32 s11, $0x2  }
0x286: {  	v8 =	vld [tilespmem:s15+$0x4780]  }
0x287: {  	v9 =	vld [tilespmem:s15+$0x4790]  }
0x288: {  	v10 =	vld [tilespmem:s15+$0x47A0]  }
0x289: {  	v11 =	vld [tilespmem:s15+$0x47B0]  }
0x28a: {  	v12 =	vld [tilespmem:s15+$0x47C0]  }
0x28b: {  	v13 =	vld [tilespmem:s15+$0x47D0]  }
0x28c: {  	v14 =	vld [tilespmem:s15+$0x47E0]  }
0x28d: {  	v15 =	vld [tilespmem:s15+$0x47EF];
	[tilespmem:s13+$0xFFFFFF81] =	vst v8  }
0x28e: {  	[tilespmem:s13+$0xFFFFFF91] =	vst v9  }
0x28f: {  	[tilespmem:s13+$0xFFFFFFA1] =	vst v10  }
0x290: {  	[tilespmem:s13+$0xFFFFFFB1] =	vst v11  }
0x291: {  	[tilespmem:s13+$0xFFFFFFC1] =	vst v12  }
0x292: {  	[tilespmem:s13+$0xFFFFFFD1] =	vst v13  }
0x293: {  	[tilespmem:s13+$0xFFFFFFE1] =	vst v14  }
0x294: {  	[tilespmem:s13+$0xFFFFFFF0] =	vst v15  }
0x295: {  	v8 =	vld [tilespmem:s15+$0x4800]  }
0x296: {  	v9 =	vld [tilespmem:s15+$0x4810]  }
0x297: {  	v10 =	vld [tilespmem:s15+$0x4820]  }
0x298: {  	v11 =	vld [tilespmem:s15+$0x4830]  }
0x299: {  	v12 =	vld [tilespmem:s15+$0x4840]  }
0x29a: {  	v13 =	vld [tilespmem:s15+$0x4850]  }
0x29b: {  	v14 =	vld [tilespmem:s15+$0x4860]  }
0x29c: {  	v15 =	vld [tilespmem:s15+$0x486F];
	[tilespmem:s13+$0x0] =	vst v8  }
0x29d: {  	[tilespmem:s13+$0x10] =	vst v9  }
0x29e: {  	p0 =	sne.s32 s11, $0xFC00;
	[tilespmem:s13+$0x20] =	vst v10  }
.Ltmp14:
0x29f: {  	[tilespmem:s13+$0x30] =	vst v11;
	(pc) =	sbr.rel @p0 .LBB2_30-.Ltmp14, $4  }
0x2a0: {  	[tilespmem:s13+$0x40] =	vst v12  }
0x2a1: {  	[tilespmem:s13+$0x50] =	vst v13  }
0x2a2: {  	[tilespmem:s13+$0x60] =	vst v14  }
0x2a3: {  	s11 =	sadd.s32 $0x400, s11;
	[tilespmem:s13+$0x6F] =	vst v15;
	s13 =	sadd.s32 $0xFE, s13  }
0x2a4: {  	s11 =	simm.s32 $0x40;
	s13 =	simm.s32 $0x10400  }
.LBB2_32:
0x2a5: {  	s15 =	sshra.s32 s11, $0x2  }
0x2a6: {  	v8 =	vld [tilespmem:s15+$0xFFFFFFF0];
	_ =	sdelay $0x4  }
0x2a7: {  	v9 =	vadd.s32 v0, v8  }
0x2a8: {  	v10 =	vadd.s32 v1, v8  }
0x2a9: {  	v11 =	vadd.s32 v2, v8  }
0x2aa: {  	v12 =	vadd.s32 v3, v8  }
0x2ab: {  	v13 =	vadd.s32 v4, v8  }
0x2ac: {  	v14 =	vadd.s32 v5, v8;
	v9 =	vld.idx.msk [tilespmem:v9+s4+$0x0], $0xffff  }
0x2ad: {  	v15 =	vadd.s32 v6, v8;
	v10 =	vld.idx.msk [tilespmem:v10+s4+$0x0], $0xffff  }
0x2ae: {  	v8 =	vadd.s32 v7, v8;
	v11 =	vld.idx.msk [tilespmem:v11+s4+$0x0], $0xffff  }
0x2af: {  	v12 =	vld.idx.msk [tilespmem:v12+s4+$0x0], $0xffff  }
0x2b0: {  	v13 =	vld.idx.msk [tilespmem:v13+s4+$0x0], $0xffff  }
0x2b1: {  	v14 =	vld.idx.msk [tilespmem:v14+s4+$0x0], $0xffff  }
0x2b2: {  	v15 =	vld.idx.msk [tilespmem:v15+s4+$0x0], $0xffff  }
0x2b3: {  	v8 =	vld.idx.msk [tilespmem:v8+s4+$0x0], $0xffff;
	[tilespmem:s13+$0xFFFFFF80] =	vst v9  }
0x2b4: {  	[tilespmem:s13+$0xFFFFFF90] =	vst v10  }
0x2b5: {  	[tilespmem:s13+$0xFFFFFFA0] =	vst v11  }
0x2b6: {  	[tilespmem:s13+$0xFFFFFFB0] =	vst v12  }
0x2b7: {  	[tilespmem:s13+$0xFFFFFFC0] =	vst v13  }
0x2b8: {  	[tilespmem:s13+$0xFFFFFFD0] =	vst v14  }
0x2b9: {  	[tilespmem:s13+$0xFFFFFFE0] =	vst v15  }
0x2ba: {  	[tilespmem:s13+$0xFFFFFFF0] =	vst v8  }
0x2bb: {  	v8 =	vld [tilespmem:s15+$0x0];
	_ =	sdelay $0x4  }
0x2bc: {  	v57 =	vadd.s32 v0, v8  }
0x2bd: {  	v58 =	vadd.s32 v1, v8  }
0x2be: {  	v59 =	vadd.s32 v2, v8  }
0x2bf: {  	v60 =	vadd.s32 v3, v8  }
0x2c0: {  	v61 =	vadd.s32 v4, v8  }
0x2c1: {  	v62 =	vadd.s32 v5, v8;
	v9 =	vld.idx.msk [tilespmem:v57+s4+$0x0], $0xffff  }
0x2c2: {  	v63 =	vadd.s32 v6, v8;
	v10 =	vld.idx.msk [tilespmem:v58+s4+$0x0], $0xffff  }
0x2c3: {  	v8 =	vadd.s32 v7, v8;
	v11 =	vld.idx.msk [tilespmem:v59+s4+$0x0], $0xffff  }
0x2c4: {  	v12 =	vld.idx.msk [tilespmem:v60+s4+$0x0], $0xffff  }
0x2c5: {  	v13 =	vld.idx.msk [tilespmem:v61+s4+$0x0], $0xffff  }
0x2c6: {  	v14 =	vld.idx.msk [tilespmem:v62+s4+$0x0], $0xffff  }
0x2c7: {  	v15 =	vld.idx.msk [tilespmem:v63+s4+$0x0], $0xffff  }
0x2c8: {  	v8 =	vld.idx.msk [tilespmem:v8+s4+$0x0], $0xffff;
	[tilespmem:s13+$0x0] =	vst v9  }
0x2c9: {  	[tilespmem:s13+$0x10] =	vst v10  }
0x2ca: {  	p0 =	sne.s32 s11, $0x1D40;
	[tilespmem:s13+$0x20] =	vst v11  }
.Ltmp15:
0x2cb: {  	[tilespmem:s13+$0x30] =	vst v12;
	(pc) =	sbr.rel @p0 .LBB2_32-.Ltmp15, $4  }
0x2cc: {  	[tilespmem:s13+$0x40] =	vst v13  }
0x2cd: {  	[tilespmem:s13+$0x50] =	vst v14  }
0x2ce: {  	[tilespmem:s13+$0x60] =	vst v15  }
0x2cf: {  	s11 =	sadd.s32 $0x80, s11;
	[tilespmem:s13+$0x70] =	vst v8;
	s13 =	sadd.s32 $0x100, s13  }
0x2d0: {  	[hbm4b:s24+s5] =	stream.strided.scatter [tilespmem:s14], [sflag:$0x6], $0x3800, s6, s5, $0x38;
	[tilespmem:$0x1BB00] =	vst v63  }
0x2d1: {  	s13 =	sadd.s32 $0x38000, s24;
	s11 =	simm.s32 $0x0  }
0x2d2: {  	[hbm4b:s13+s11] =	stream.linear.scatter [tilespmem:s16], [sflag:$0x6], $0x300, $0x38;
	[tilespmem:$0x1BB00] =	vst v63  }
0x2d3: {  	s15 =	rddreg [dreg:$0x13]  }
0x2d4: {  	[tilespmem:s31], [sflag:$0x3] =	stream.linear.gather [hbm4b:s15+s11], $0x4000, $0x38;
	[tilespmem:$0x1BB00] =	vst v63  }
0x2d5: {  	_ =	swait.ge [sflag:s17], $0x4000  }
0x2d6: {  	[sflag:s17] =	ssyncset.done $0x0  }
0x2d7: {  	[sflag:s17] =	ssyncadd.s32 $0xFFFFC000  }
0x2d8: {  	_ =	swait.ge [sflag:s0], $0x3B00  }
0x2d9: {  	[sflag:s0] =	ssyncset.done $0x0  }
0x2da: {  	s13 =	simm.s32 $0x17BFF;
	[sflag:s0] =	ssyncadd.s32 $0xFFFFC500  }
.LBB2_34:
0x2db: {  	s15 =	sshra.s32 s11, $0x2  }
0x2dc: {  	v8 =	vld [tilespmem:s15+$0x8780]  }
0x2dd: {  	v9 =	vld [tilespmem:s15+$0x8790]  }
0x2de: {  	v10 =	vld [tilespmem:s15+$0x87A0]  }
0x2df: {  	v11 =	vld [tilespmem:s15+$0x87B0]  }
0x2e0: {  	v12 =	vld [tilespmem:s15+$0x87C0]  }
0x2e1: {  	v13 =	vld [tilespmem:s15+$0x87D0]  }
0x2e2: {  	v14 =	vld [tilespmem:s15+$0x87E0]  }
0x2e3: {  	v15 =	vld [tilespmem:s15+$0x87EF];
	[tilespmem:s13+$0xFFFFFF81] =	vst v8  }
0x2e4: {  	[tilespmem:s13+$0xFFFFFF91] =	vst v9  }
0x2e5: {  	[tilespmem:s13+$0xFFFFFFA1] =	vst v10  }
0x2e6: {  	[tilespmem:s13+$0xFFFFFFB1] =	vst v11  }
0x2e7: {  	[tilespmem:s13+$0xFFFFFFC1] =	vst v12  }
0x2e8: {  	[tilespmem:s13+$0xFFFFFFD1] =	vst v13  }
0x2e9: {  	[tilespmem:s13+$0xFFFFFFE1] =	vst v14  }
0x2ea: {  	[tilespmem:s13+$0xFFFFFFF0] =	vst v15  }
0x2eb: {  	v8 =	vld [tilespmem:s15+$0x8800]  }
0x2ec: {  	v9 =	vld [tilespmem:s15+$0x8810]  }
0x2ed: {  	v10 =	vld [tilespmem:s15+$0x8820]  }
0x2ee: {  	v11 =	vld [tilespmem:s15+$0x8830]  }
0x2ef: {  	v12 =	vld [tilespmem:s15+$0x8840]  }
0x2f0: {  	v13 =	vld [tilespmem:s15+$0x8850]  }
0x2f1: {  	v14 =	vld [tilespmem:s15+$0x8860]  }
0x2f2: {  	v15 =	vld [tilespmem:s15+$0x886F];
	[tilespmem:s13+$0x0] =	vst v8  }
0x2f3: {  	[tilespmem:s13+$0x10] =	vst v9  }
0x2f4: {  	p0 =	sne.s32 s11, $0xFC00;
	[tilespmem:s13+$0x20] =	vst v10  }
.Ltmp16:
0x2f5: {  	[tilespmem:s13+$0x30] =	vst v11;
	(pc) =	sbr.rel @p0 .LBB2_34-.Ltmp16, $4  }
0x2f6: {  	[tilespmem:s13+$0x40] =	vst v12  }
0x2f7: {  	[tilespmem:s13+$0x50] =	vst v13  }
0x2f8: {  	[tilespmem:s13+$0x60] =	vst v14  }
0x2f9: {  	s11 =	sadd.s32 $0x400, s11;
	[tilespmem:s13+$0x6F] =	vst v15;
	s13 =	sadd.s32 $0xFE, s13  }
0x2fa: {  	s11 =	simm.s32 $0x40;
	s13 =	simm.s32 $0x14000  }
.LBB2_36:
0x2fb: {  	s15 =	sshra.s32 s11, $0x2  }
0x2fc: {  	v8 =	vld [tilespmem:s15+$0xFFFFFFF0];
	_ =	sdelay $0x4  }
0x2fd: {  	v9 =	vadd.s32 v0, v8  }
0x2fe: {  	v10 =	vadd.s32 v1, v8  }
0x2ff: {  	v11 =	vadd.s32 v2, v8  }
0x300: {  	v12 =	vadd.s32 v3, v8  }
0x301: {  	v13 =	vadd.s32 v4, v8  }
0x302: {  	v14 =	vadd.s32 v5, v8;
	v9 =	vld.idx.msk [tilespmem:v9+s4+$0x0], $0xffff  }
0x303: {  	v15 =	vadd.s32 v6, v8;
	v10 =	vld.idx.msk [tilespmem:v10+s4+$0x0], $0xffff  }
0x304: {  	v8 =	vadd.s32 v7, v8;
	v11 =	vld.idx.msk [tilespmem:v11+s4+$0x0], $0xffff  }
0x305: {  	v12 =	vld.idx.msk [tilespmem:v12+s4+$0x0], $0xffff  }
0x306: {  	v13 =	vld.idx.msk [tilespmem:v13+s4+$0x0], $0xffff  }
0x307: {  	v14 =	vld.idx.msk [tilespmem:v14+s4+$0x0], $0xffff  }
0x308: {  	v15 =	vld.idx.msk [tilespmem:v15+s4+$0x0], $0xffff  }
0x309: {  	v8 =	vld.idx.msk [tilespmem:v8+s4+$0x0], $0xffff;
	[tilespmem:s13+$0xFFFFFF80] =	vst v9  }
0x30a: {  	[tilespmem:s13+$0xFFFFFF90] =	vst v10  }
0x30b: {  	[tilespmem:s13+$0xFFFFFFA0] =	vst v11  }
0x30c: {  	[tilespmem:s13+$0xFFFFFFB0] =	vst v12  }
0x30d: {  	[tilespmem:s13+$0xFFFFFFC0] =	vst v13  }
0x30e: {  	[tilespmem:s13+$0xFFFFFFD0] =	vst v14  }
0x30f: {  	[tilespmem:s13+$0xFFFFFFE0] =	vst v15  }
0x310: {  	[tilespmem:s13+$0xFFFFFFF0] =	vst v8  }
0x311: {  	v8 =	vld [tilespmem:s15+$0x0];
	_ =	sdelay $0x4  }
0x312: {  	v57 =	vadd.s32 v0, v8  }
0x313: {  	v58 =	vadd.s32 v1, v8  }
0x314: {  	v59 =	vadd.s32 v2, v8  }
0x315: {  	v60 =	vadd.s32 v3, v8  }
0x316: {  	v61 =	vadd.s32 v4, v8  }
0x317: {  	v62 =	vadd.s32 v5, v8;
	v9 =	vld.idx.msk [tilespmem:v57+s4+$0x0], $0xffff  }
0x318: {  	v63 =	vadd.s32 v6, v8;
	v10 =	vld.idx.msk [tilespmem:v58+s4+$0x0], $0xffff  }
0x319: {  	v8 =	vadd.s32 v7, v8;
	v11 =	vld.idx.msk [tilespmem:v59+s4+$0x0], $0xffff  }
0x31a: {  	v12 =	vld.idx.msk [tilespmem:v60+s4+$0x0], $0xffff  }
0x31b: {  	v13 =	vld.idx.msk [tilespmem:v61+s4+$0x0], $0xffff  }
0x31c: {  	v14 =	vld.idx.msk [tilespmem:v62+s4+$0x0], $0xffff  }
0x31d: {  	v15 =	vld.idx.msk [tilespmem:v63+s4+$0x0], $0xffff  }
0x31e: {  	v8 =	vld.idx.msk [tilespmem:v8+s4+$0x0], $0xffff;
	[tilespmem:s13+$0x0] =	vst v9  }
0x31f: {  	[tilespmem:s13+$0x10] =	vst v10  }
0x320: {  	p0 =	sne.s32 s11, $0x1D40;
	[tilespmem:s13+$0x20] =	vst v11  }
.Ltmp17:
0x321: {  	[tilespmem:s13+$0x30] =	vst v12;
	(pc) =	sbr.rel @p0 .LBB2_36-.Ltmp17, $4  }
0x322: {  	[tilespmem:s13+$0x40] =	vst v13  }
0x323: {  	[tilespmem:s13+$0x50] =	vst v14  }
0x324: {  	[tilespmem:s13+$0x60] =	vst v15  }
0x325: {  	s11 =	sadd.s32 $0x80, s11;
	[tilespmem:s13+$0x70] =	vst v8;
	s13 =	sadd.s32 $0x100, s13  }
0x326: {  	[hbm4b:s26+s5] =	stream.strided.scatter [tilespmem:s18], [sflag:$0x7], $0x3800, s6, s5, $0x38;
	[tilespmem:$0x1BB00] =	vst v63  }
0x327: {  	s13 =	sadd.s32 $0x38000, s26;
	s11 =	simm.s32 $0x0  }
0x328: {  	[hbm4b:s13+s11] =	stream.linear.scatter [tilespmem:s19], [sflag:$0x7], $0x300, $0x38;
	[tilespmem:$0x1BB00] =	vst v63  }
0x329: {  	s15 =	rddreg [dreg:$0x14]  }
0x32a: {  	[tilespmem:s1], [sflag:$0x4] =	stream.linear.gather [hbm4b:s15+s11], $0x4000, $0x38;
	[tilespmem:$0x1BB00] =	vst v63  }
0x32b: {  	_ =	swait.ge [sflag:s3], $0x4000  }
0x32c: {  	[sflag:s3] =	ssyncset.done $0x0  }
0x32d: {  	[sflag:s3] =	ssyncadd.s32 $0xFFFFC000  }
0x32e: {  	_ =	swait.ge [sflag:s20], $0x3B00  }
0x32f: {  	[sflag:s20] =	ssyncset.done $0x0  }
0x330: {  	s13 =	simm.s32 $0x17BFF;
	[sflag:s20] =	ssyncadd.s32 $0xFFFFC500  }
.LBB2_38:
0x331: {  	s15 =	sshra.s32 s11, $0x2  }
0x332: {  	v8 =	vld [tilespmem:s15+$0x780]  }
0x333: {  	v9 =	vld [tilespmem:s15+$0x790]  }
0x334: {  	v10 =	vld [tilespmem:s15+$0x7A0]  }
0x335: {  	v11 =	vld [tilespmem:s15+$0x7B0]  }
0x336: {  	v12 =	vld [tilespmem:s15+$0x7C0]  }
0x337: {  	v13 =	vld [tilespmem:s15+$0x7D0]  }
0x338: {  	v14 =	vld [tilespmem:s15+$0x7E0]  }
0x339: {  	v15 =	vld [tilespmem:s15+$0x7EF];
	[tilespmem:s13+$0xFFFFFF81] =	vst v8  }
0x33a: {  	[tilespmem:s13+$0xFFFFFF91] =	vst v9  }
0x33b: {  	[tilespmem:s13+$0xFFFFFFA1] =	vst v10  }
0x33c: {  	[tilespmem:s13+$0xFFFFFFB1] =	vst v11  }
0x33d: {  	[tilespmem:s13+$0xFFFFFFC1] =	vst v12  }
0x33e: {  	[tilespmem:s13+$0xFFFFFFD1] =	vst v13  }
0x33f: {  	[tilespmem:s13+$0xFFFFFFE1] =	vst v14  }
0x340: {  	[tilespmem:s13+$0xFFFFFFF0] =	vst v15  }
0x341: {  	v8 =	vld [tilespmem:s15+$0x800]  }
0x342: {  	v9 =	vld [tilespmem:s15+$0x810]  }
0x343: {  	v10 =	vld [tilespmem:s15+$0x820]  }
0x344: {  	v11 =	vld [tilespmem:s15+$0x830]  }
0x345: {  	v12 =	vld [tilespmem:s15+$0x840]  }
0x346: {  	v13 =	vld [tilespmem:s15+$0x850]  }
0x347: {  	v14 =	vld [tilespmem:s15+$0x860]  }
0x348: {  	v15 =	vld [tilespmem:s15+$0x86F];
	[tilespmem:s13+$0x0] =	vst v8  }
0x349: {  	[tilespmem:s13+$0x10] =	vst v9  }
0x34a: {  	p0 =	sne.s32 s11, $0xFC00;
	[tilespmem:s13+$0x20] =	vst v10  }
.Ltmp18:
0x34b: {  	[tilespmem:s13+$0x30] =	vst v11;
	(pc) =	sbr.rel @p0 .LBB2_38-.Ltmp18, $4  }
0x34c: {  	[tilespmem:s13+$0x40] =	vst v12  }
0x34d: {  	[tilespmem:s13+$0x50] =	vst v13  }
0x34e: {  	[tilespmem:s13+$0x60] =	vst v14  }
0x34f: {  	s11 =	sadd.s32 $0x400, s11;
	[tilespmem:s13+$0x6F] =	vst v15;
	s13 =	sadd.s32 $0xFE, s13  }
0x350: {  	s11 =	simm.s32 $0x40;
	s13 =	simm.s32 $0xC800  }
.LBB2_40:
0x351: {  	s15 =	sshra.s32 s11, $0x2  }
0x352: {  	v8 =	vld [tilespmem:s15+$0xFFFFFFF0];
	_ =	sdelay $0x4  }
0x353: {  	v9 =	vadd.s32 v0, v8  }
0x354: {  	v10 =	vadd.s32 v1, v8  }
0x355: {  	v11 =	vadd.s32 v2, v8  }
0x356: {  	v12 =	vadd.s32 v3, v8  }
0x357: {  	v13 =	vadd.s32 v4, v8  }
0x358: {  	v14 =	vadd.s32 v5, v8;
	v9 =	vld.idx.msk [tilespmem:v9+s4+$0x0], $0xffff  }
0x359: {  	v15 =	vadd.s32 v6, v8;
	v10 =	vld.idx.msk [tilespmem:v10+s4+$0x0], $0xffff  }
0x35a: {  	v8 =	vadd.s32 v7, v8;
	v11 =	vld.idx.msk [tilespmem:v11+s4+$0x0], $0xffff  }
0x35b: {  	v12 =	vld.idx.msk [tilespmem:v12+s4+$0x0], $0xffff  }
0x35c: {  	v13 =	vld.idx.msk [tilespmem:v13+s4+$0x0], $0xffff  }
0x35d: {  	v14 =	vld.idx.msk [tilespmem:v14+s4+$0x0], $0xffff  }
0x35e: {  	v15 =	vld.idx.msk [tilespmem:v15+s4+$0x0], $0xffff  }
0x35f: {  	v8 =	vld.idx.msk [tilespmem:v8+s4+$0x0], $0xffff;
	[tilespmem:s13+$0xFFFFFF80] =	vst v9  }
0x360: {  	[tilespmem:s13+$0xFFFFFF90] =	vst v10  }
0x361: {  	[tilespmem:s13+$0xFFFFFFA0] =	vst v11  }
0x362: {  	[tilespmem:s13+$0xFFFFFFB0] =	vst v12  }
0x363: {  	[tilespmem:s13+$0xFFFFFFC0] =	vst v13  }
0x364: {  	[tilespmem:s13+$0xFFFFFFD0] =	vst v14  }
0x365: {  	[tilespmem:s13+$0xFFFFFFE0] =	vst v15  }
0x366: {  	[tilespmem:s13+$0xFFFFFFF0] =	vst v8  }
0x367: {  	v8 =	vld [tilespmem:s15+$0x0];
	_ =	sdelay $0x4  }
0x368: {  	v57 =	vadd.s32 v0, v8  }
0x369: {  	v58 =	vadd.s32 v1, v8  }
0x36a: {  	v59 =	vadd.s32 v2, v8  }
0x36b: {  	v60 =	vadd.s32 v3, v8  }
0x36c: {  	v61 =	vadd.s32 v4, v8  }
0x36d: {  	v62 =	vadd.s32 v5, v8;
	v9 =	vld.idx.msk [tilespmem:v57+s4+$0x0], $0xffff  }
0x36e: {  	v63 =	vadd.s32 v6, v8;
	v10 =	vld.idx.msk [tilespmem:v58+s4+$0x0], $0xffff  }
0x36f: {  	v8 =	vadd.s32 v7, v8;
	v11 =	vld.idx.msk [tilespmem:v59+s4+$0x0], $0xffff  }
0x370: {  	v12 =	vld.idx.msk [tilespmem:v60+s4+$0x0], $0xffff  }
0x371: {  	v13 =	vld.idx.msk [tilespmem:v61+s4+$0x0], $0xffff  }
0x372: {  	v14 =	vld.idx.msk [tilespmem:v62+s4+$0x0], $0xffff  }
0x373: {  	v15 =	vld.idx.msk [tilespmem:v63+s4+$0x0], $0xffff  }
0x374: {  	v8 =	vld.idx.msk [tilespmem:v8+s4+$0x0], $0xffff;
	[tilespmem:s13+$0x0] =	vst v9  }
0x375: {  	[tilespmem:s13+$0x10] =	vst v10  }
0x376: {  	p0 =	sne.s32 s11, $0x1D40;
	[tilespmem:s13+$0x20] =	vst v11  }
.Ltmp19:
0x377: {  	[tilespmem:s13+$0x30] =	vst v12;
	(pc) =	sbr.rel @p0 .LBB2_40-.Ltmp19, $4  }
0x378: {  	[tilespmem:s13+$0x40] =	vst v13  }
0x379: {  	[tilespmem:s13+$0x50] =	vst v14  }
0x37a: {  	[tilespmem:s13+$0x60] =	vst v15  }
0x37b: {  	s11 =	sadd.s32 $0x80, s11;
	[tilespmem:s13+$0x70] =	vst v8;
	s13 =	sadd.s32 $0x100, s13  }
0x37c: {  	[hbm4b:s23+s5] =	stream.strided.scatter [tilespmem:s8], [sflag:$0x5], $0x3800, s6, s5, $0x38;
	[tilespmem:$0x1BB00] =	vst v63  }
0x37d: {  	s13 =	sadd.s32 $0x38000, s23;
	s11 =	simm.s32 $0x0  }
0x37e: {  	[hbm4b:s13+s11] =	stream.linear.scatter [tilespmem:s10], [sflag:$0x5], $0x300, $0x38;
	[tilespmem:$0x1BB00] =	vst v63  }
0x37f: {  	_ =	swait.ge [sflag:s12], $0x4000  }
0x380: {  	[sflag:s12] =	ssyncset.done $0x0  }
0x381: {  	[sflag:s12] =	ssyncadd.s32 $0xFFFFC000  }
0x382: {  	_ =	swait.ge [sflag:s25], $0x3B00  }
0x383: {  	[sflag:s25] =	ssyncset.done $0x0  }
0x384: {  	s13 =	simm.s32 $0x17BFF;
	[sflag:s25] =	ssyncadd.s32 $0xFFFFC500  }
.LBB2_42:
0x385: {  	s15 =	sshra.s32 s11, $0x2  }
0x386: {  	v8 =	vld [tilespmem:s15+$0x4780]  }
0x387: {  	v9 =	vld [tilespmem:s15+$0x4790]  }
0x388: {  	v10 =	vld [tilespmem:s15+$0x47A0]  }
0x389: {  	v11 =	vld [tilespmem:s15+$0x47B0]  }
0x38a: {  	v12 =	vld [tilespmem:s15+$0x47C0]  }
0x38b: {  	v13 =	vld [tilespmem:s15+$0x47D0]  }
0x38c: {  	v14 =	vld [tilespmem:s15+$0x47E0]  }
0x38d: {  	v15 =	vld [tilespmem:s15+$0x47EF];
	[tilespmem:s13+$0xFFFFFF81] =	vst v8  }
0x38e: {  	[tilespmem:s13+$0xFFFFFF91] =	vst v9  }
0x38f: {  	[tilespmem:s13+$0xFFFFFFA1] =	vst v10  }
0x390: {  	[tilespmem:s13+$0xFFFFFFB1] =	vst v11  }
0x391: {  	[tilespmem:s13+$0xFFFFFFC1] =	vst v12  }
0x392: {  	[tilespmem:s13+$0xFFFFFFD1] =	vst v13  }
0x393: {  	[tilespmem:s13+$0xFFFFFFE1] =	vst v14  }
0x394: {  	[tilespmem:s13+$0xFFFFFFF0] =	vst v15  }
0x395: {  	v8 =	vld [tilespmem:s15+$0x4800]  }
0x396: {  	v9 =	vld [tilespmem:s15+$0x4810]  }
0x397: {  	v10 =	vld [tilespmem:s15+$0x4820]  }
0x398: {  	v11 =	vld [tilespmem:s15+$0x4830]  }
0x399: {  	v12 =	vld [tilespmem:s15+$0x4840]  }
0x39a: {  	v13 =	vld [tilespmem:s15+$0x4850]  }
0x39b: {  	v14 =	vld [tilespmem:s15+$0x4860]  }
0x39c: {  	v15 =	vld [tilespmem:s15+$0x486F];
	[tilespmem:s13+$0x0] =	vst v8  }
0x39d: {  	[tilespmem:s13+$0x10] =	vst v9  }
0x39e: {  	p0 =	sne.s32 s11, $0xFC00;
	[tilespmem:s13+$0x20] =	vst v10  }
.Ltmp20:
0x39f: {  	[tilespmem:s13+$0x30] =	vst v11;
	(pc) =	sbr.rel @p0 .LBB2_42-.Ltmp20, $4  }
0x3a0: {  	[tilespmem:s13+$0x40] =	vst v12  }
0x3a1: {  	[tilespmem:s13+$0x50] =	vst v13  }
0x3a2: {  	[tilespmem:s13+$0x60] =	vst v14  }
0x3a3: {  	s11 =	sadd.s32 $0x400, s11;
	[tilespmem:s13+$0x6F] =	vst v15;
	s13 =	sadd.s32 $0xFE, s13  }
0x3a4: {  	s11 =	simm.s32 $0x40;
	s13 =	simm.s32 $0x10400  }
.LBB2_44:
0x3a5: {  	s15 =	sshra.s32 s11, $0x2  }
0x3a6: {  	v8 =	vld [tilespmem:s15+$0xFFFFFFF0];
	_ =	sdelay $0x4  }
0x3a7: {  	v9 =	vadd.s32 v0, v8  }
0x3a8: {  	v10 =	vadd.s32 v1, v8  }
0x3a9: {  	v11 =	vadd.s32 v2, v8  }
0x3aa: {  	v12 =	vadd.s32 v3, v8  }
0x3ab: {  	v13 =	vadd.s32 v4, v8  }
0x3ac: {  	v14 =	vadd.s32 v5, v8;
	v9 =	vld.idx.msk [tilespmem:v9+s4+$0x0], $0xffff  }
0x3ad: {  	v15 =	vadd.s32 v6, v8;
	v10 =	vld.idx.msk [tilespmem:v10+s4+$0x0], $0xffff  }
0x3ae: {  	v8 =	vadd.s32 v7, v8;
	v11 =	vld.idx.msk [tilespmem:v11+s4+$0x0], $0xffff  }
0x3af: {  	v12 =	vld.idx.msk [tilespmem:v12+s4+$0x0], $0xffff  }
0x3b0: {  	v13 =	vld.idx.msk [tilespmem:v13+s4+$0x0], $0xffff  }
0x3b1: {  	v14 =	vld.idx.msk [tilespmem:v14+s4+$0x0], $0xffff  }
0x3b2: {  	v15 =	vld.idx.msk [tilespmem:v15+s4+$0x0], $0xffff  }
0x3b3: {  	v8 =	vld.idx.msk [tilespmem:v8+s4+$0x0], $0xffff;
	[tilespmem:s13+$0xFFFFFF80] =	vst v9  }
0x3b4: {  	[tilespmem:s13+$0xFFFFFF90] =	vst v10  }
0x3b5: {  	[tilespmem:s13+$0xFFFFFFA0] =	vst v11  }
0x3b6: {  	[tilespmem:s13+$0xFFFFFFB0] =	vst v12  }
0x3b7: {  	[tilespmem:s13+$0xFFFFFFC0] =	vst v13  }
0x3b8: {  	[tilespmem:s13+$0xFFFFFFD0] =	vst v14  }
0x3b9: {  	[tilespmem:s13+$0xFFFFFFE0] =	vst v15  }
0x3ba: {  	[tilespmem:s13+$0xFFFFFFF0] =	vst v8  }
0x3bb: {  	v8 =	vld [tilespmem:s15+$0x0];
	_ =	sdelay $0x4  }
0x3bc: {  	v57 =	vadd.s32 v0, v8  }
0x3bd: {  	v58 =	vadd.s32 v1, v8  }
0x3be: {  	v59 =	vadd.s32 v2, v8  }
0x3bf: {  	v60 =	vadd.s32 v3, v8  }
0x3c0: {  	v61 =	vadd.s32 v4, v8  }
0x3c1: {  	v62 =	vadd.s32 v5, v8;
	v9 =	vld.idx.msk [tilespmem:v57+s4+$0x0], $0xffff  }
0x3c2: {  	v63 =	vadd.s32 v6, v8;
	v10 =	vld.idx.msk [tilespmem:v58+s4+$0x0], $0xffff  }
0x3c3: {  	v8 =	vadd.s32 v7, v8;
	v11 =	vld.idx.msk [tilespmem:v59+s4+$0x0], $0xffff  }
0x3c4: {  	v12 =	vld.idx.msk [tilespmem:v60+s4+$0x0], $0xffff  }
0x3c5: {  	v13 =	vld.idx.msk [tilespmem:v61+s4+$0x0], $0xffff  }
0x3c6: {  	v14 =	vld.idx.msk [tilespmem:v62+s4+$0x0], $0xffff  }
0x3c7: {  	v15 =	vld.idx.msk [tilespmem:v63+s4+$0x0], $0xffff  }
0x3c8: {  	v8 =	vld.idx.msk [tilespmem:v8+s4+$0x0], $0xffff;
	[tilespmem:s13+$0x0] =	vst v9  }
0x3c9: {  	[tilespmem:s13+$0x10] =	vst v10  }
0x3ca: {  	p0 =	sne.s32 s11, $0x1D40;
	[tilespmem:s13+$0x20] =	vst v11  }
.Ltmp21:
0x3cb: {  	[tilespmem:s13+$0x30] =	vst v12;
	(pc) =	sbr.rel @p0 .LBB2_44-.Ltmp21, $4  }
0x3cc: {  	[tilespmem:s13+$0x40] =	vst v13  }
0x3cd: {  	[tilespmem:s13+$0x50] =	vst v14  }
0x3ce: {  	[tilespmem:s13+$0x60] =	vst v15  }
0x3cf: {  	s11 =	sadd.s32 $0x80, s11;
	[tilespmem:s13+$0x70] =	vst v8;
	s13 =	sadd.s32 $0x100, s13  }
0x3d0: {  	[hbm4b:s28+s5] =	stream.strided.scatter [tilespmem:s14], [sflag:$0x6], $0x3800, s6, s5, $0x38;
	[tilespmem:$0x1BB00] =	vst v63  }
0x3d1: {  	s13 =	sadd.s32 $0x38000, s28;
	s11 =	simm.s32 $0x0  }
0x3d2: {  	[hbm4b:s13+s11] =	stream.linear.scatter [tilespmem:s16], [sflag:$0x6], $0x300, $0x38;
	[tilespmem:$0x1BB00] =	vst v63  }
0x3d3: {  	_ =	swait.ge [sflag:s17], $0x4000  }
0x3d4: {  	[sflag:s17] =	ssyncset.done $0x0  }
0x3d5: {  	[sflag:s17] =	ssyncadd.s32 $0xFFFFC000  }
0x3d6: {  	_ =	swait.ge [sflag:s0], $0x3B00  }
0x3d7: {  	[sflag:s0] =	ssyncset.done $0x0  }
0x3d8: {  	s13 =	simm.s32 $0x17BFF;
	[sflag:s0] =	ssyncadd.s32 $0xFFFFC500  }
.LBB2_46:
0x3d9: {  	s15 =	sshra.s32 s11, $0x2  }
0x3da: {  	v8 =	vld [tilespmem:s15+$0x8780]  }
0x3db: {  	v9 =	vld [tilespmem:s15+$0x8790]  }
0x3dc: {  	v10 =	vld [tilespmem:s15+$0x87A0]  }
0x3dd: {  	v11 =	vld [tilespmem:s15+$0x87B0]  }
0x3de: {  	v12 =	vld [tilespmem:s15+$0x87C0]  }
0x3df: {  	v13 =	vld [tilespmem:s15+$0x87D0]  }
0x3e0: {  	v14 =	vld [tilespmem:s15+$0x87E0]  }
0x3e1: {  	v15 =	vld [tilespmem:s15+$0x87EF];
	[tilespmem:s13+$0xFFFFFF81] =	vst v8  }
0x3e2: {  	[tilespmem:s13+$0xFFFFFF91] =	vst v9  }
0x3e3: {  	[tilespmem:s13+$0xFFFFFFA1] =	vst v10  }
0x3e4: {  	[tilespmem:s13+$0xFFFFFFB1] =	vst v11  }
0x3e5: {  	[tilespmem:s13+$0xFFFFFFC1] =	vst v12  }
0x3e6: {  	[tilespmem:s13+$0xFFFFFFD1] =	vst v13  }
0x3e7: {  	[tilespmem:s13+$0xFFFFFFE1] =	vst v14  }
0x3e8: {  	[tilespmem:s13+$0xFFFFFFF0] =	vst v15  }
0x3e9: {  	v8 =	vld [tilespmem:s15+$0x8800]  }
0x3ea: {  	v9 =	vld [tilespmem:s15+$0x8810]  }
0x3eb: {  	v10 =	vld [tilespmem:s15+$0x8820]  }
0x3ec: {  	v11 =	vld [tilespmem:s15+$0x8830]  }
0x3ed: {  	v12 =	vld [tilespmem:s15+$0x8840]  }
0x3ee: {  	v13 =	vld [tilespmem:s15+$0x8850]  }
0x3ef: {  	v14 =	vld [tilespmem:s15+$0x8860]  }
0x3f0: {  	v15 =	vld [tilespmem:s15+$0x886F];
	[tilespmem:s13+$0x0] =	vst v8  }
0x3f1: {  	[tilespmem:s13+$0x10] =	vst v9  }
0x3f2: {  	p0 =	sne.s32 s11, $0xFC00;
	[tilespmem:s13+$0x20] =	vst v10  }
.Ltmp22:
0x3f3: {  	[tilespmem:s13+$0x30] =	vst v11;
	(pc) =	sbr.rel @p0 .LBB2_46-.Ltmp22, $4  }
0x3f4: {  	[tilespmem:s13+$0x40] =	vst v12  }
0x3f5: {  	[tilespmem:s13+$0x50] =	vst v13  }
0x3f6: {  	[tilespmem:s13+$0x60] =	vst v14  }
0x3f7: {  	s11 =	sadd.s32 $0x400, s11;
	[tilespmem:s13+$0x6F] =	vst v15;
	s13 =	sadd.s32 $0xFE, s13  }
0x3f8: {  	s11 =	simm.s32 $0x40;
	s13 =	simm.s32 $0x14000  }
.LBB2_48:
0x3f9: {  	s15 =	sshra.s32 s11, $0x2  }
0x3fa: {  	v8 =	vld [tilespmem:s15+$0xFFFFFFF0];
	_ =	sdelay $0x4  }
0x3fb: {  	v9 =	vadd.s32 v0, v8  }
0x3fc: {  	v10 =	vadd.s32 v1, v8  }
0x3fd: {  	v11 =	vadd.s32 v2, v8  }
0x3fe: {  	v12 =	vadd.s32 v3, v8  }
0x3ff: {  	v13 =	vadd.s32 v4, v8  }
0x400: {  	v14 =	vadd.s32 v5, v8;
	v9 =	vld.idx.msk [tilespmem:v9+s4+$0x0], $0xffff  }
0x401: {  	v15 =	vadd.s32 v6, v8;
	v10 =	vld.idx.msk [tilespmem:v10+s4+$0x0], $0xffff  }
0x402: {  	v8 =	vadd.s32 v7, v8;
	v11 =	vld.idx.msk [tilespmem:v11+s4+$0x0], $0xffff  }
0x403: {  	v12 =	vld.idx.msk [tilespmem:v12+s4+$0x0], $0xffff  }
0x404: {  	v13 =	vld.idx.msk [tilespmem:v13+s4+$0x0], $0xffff  }
0x405: {  	v14 =	vld.idx.msk [tilespmem:v14+s4+$0x0], $0xffff  }
0x406: {  	v15 =	vld.idx.msk [tilespmem:v15+s4+$0x0], $0xffff  }
0x407: {  	v8 =	vld.idx.msk [tilespmem:v8+s4+$0x0], $0xffff;
	[tilespmem:s13+$0xFFFFFF80] =	vst v9  }
0x408: {  	[tilespmem:s13+$0xFFFFFF90] =	vst v10  }
0x409: {  	[tilespmem:s13+$0xFFFFFFA0] =	vst v11  }
0x40a: {  	[tilespmem:s13+$0xFFFFFFB0] =	vst v12  }
0x40b: {  	[tilespmem:s13+$0xFFFFFFC0] =	vst v13  }
0x40c: {  	[tilespmem:s13+$0xFFFFFFD0] =	vst v14  }
0x40d: {  	[tilespmem:s13+$0xFFFFFFE0] =	vst v15  }
0x40e: {  	[tilespmem:s13+$0xFFFFFFF0] =	vst v8  }
0x40f: {  	v8 =	vld [tilespmem:s15+$0x0];
	_ =	sdelay $0x4  }
0x410: {  	v57 =	vadd.s32 v0, v8  }
0x411: {  	v58 =	vadd.s32 v1, v8  }
0x412: {  	v59 =	vadd.s32 v2, v8  }
0x413: {  	v60 =	vadd.s32 v3, v8  }
0x414: {  	v61 =	vadd.s32 v4, v8  }
0x415: {  	v62 =	vadd.s32 v5, v8;
	v9 =	vld.idx.msk [tilespmem:v57+s4+$0x0], $0xffff  }
0x416: {  	v63 =	vadd.s32 v6, v8;
	v10 =	vld.idx.msk [tilespmem:v58+s4+$0x0], $0xffff  }
0x417: {  	v8 =	vadd.s32 v7, v8;
	v11 =	vld.idx.msk [tilespmem:v59+s4+$0x0], $0xffff  }
0x418: {  	v12 =	vld.idx.msk [tilespmem:v60+s4+$0x0], $0xffff  }
0x419: {  	v13 =	vld.idx.msk [tilespmem:v61+s4+$0x0], $0xffff  }
0x41a: {  	v14 =	vld.idx.msk [tilespmem:v62+s4+$0x0], $0xffff  }
0x41b: {  	v15 =	vld.idx.msk [tilespmem:v63+s4+$0x0], $0xffff  }
0x41c: {  	v8 =	vld.idx.msk [tilespmem:v8+s4+$0x0], $0xffff;
	[tilespmem:s13+$0x0] =	vst v9  }
0x41d: {  	[tilespmem:s13+$0x10] =	vst v10  }
0x41e: {  	p0 =	sne.s32 s11, $0x1D40;
	[tilespmem:s13+$0x20] =	vst v11  }
.Ltmp23:
0x41f: {  	[tilespmem:s13+$0x30] =	vst v12;
	(pc) =	sbr.rel @p0 .LBB2_48-.Ltmp23, $4  }
0x420: {  	[tilespmem:s13+$0x40] =	vst v13  }
0x421: {  	[tilespmem:s13+$0x50] =	vst v14  }
0x422: {  	[tilespmem:s13+$0x60] =	vst v15  }
0x423: {  	s11 =	sadd.s32 $0x80, s11;
	[tilespmem:s13+$0x70] =	vst v8;
	s13 =	sadd.s32 $0x100, s13  }
0x424: {  	[hbm4b:s29+s5] =	stream.strided.scatter [tilespmem:s18], [sflag:$0x7], $0x3800, s6, s5, $0x38;
	[tilespmem:$0x1BB00] =	vst v63  }
0x425: {  	s11 =	sadd.s32 $0x38000, s29  }
0x426: {  	[hbm4b:s11+s2] =	stream.linear.scatter [tilespmem:s19], [sflag:$0x7], $0x300, $0x38;
	[tilespmem:$0x1BB00] =	vst v63  }
0x427: {  	_ =	swait.ge [sflag:s20], $0x3B00  }
0x428: {  	[sflag:s20] =	ssyncset.done $0x0  }
0x429: {  	[sflag:s20] =	ssyncadd.s32 $0xFFFFC500  }
0x42a: {  	_ =	swait.ge [sflag:s25], $0x3B00  }
0x42b: {  	[sflag:s25] =	ssyncset.done $0x0  }
0x42c: {  	[sflag:s25] =	ssyncadd.s32 $0xFFFFC500  }
0x42d: {  	_ =	swait.ge [sflag:s0], $0x3B00  }
0x42e: {  	s9 =	sadd.s32 $0x1, s9;
	s15 =	rddreg [dreg:$0x15]  }
0x42f: {  	p0 =	sne.s32 s9, s15  }
.Ltmp24:
0x430: {  	_ = 	snop;
	(pc) =	sbr.rel @p0 .LBB2_1-.Ltmp24, $3  }
0x431: {  	_ =	sdelay $0x1  }
0x432: {  	[sflag:s0] =	ssyncset.done $0x0  }
0x433: {  	[sflag:s0] =	ssyncadd.s32 $0xFFFFC500  }
0x434: {  	_ =	sfence.sel $0x180000  }
0x435: {  	[bflag:$0x0] =	sbarrier.arrive $0xFFFF  }
0x436: {  	_ =	strace $0x90000047  }
0x437: {  	s0 =	stileid.u32;
	[bflag:$0x2] =	sbarrier.arrive $0xFFFF  }
0x438: {  	p0 =	sne.s32 s0, $0x0;
	s0 =	rddreg [dreg:$0x3]  }
0x439: {  	s0 =	sadd.s32 @!p0 $0x100000, s0  }
0x43a: {  	[sflag:s0] =	ssyncadd.tile.s32 @!p0 $0x1;
	_ =	shalt  }
.Lfunc_end2:
_tile_overlayer_lowered:
.L_overlay_start_2:
0x43b: {  	(tag) =	ssettag $0x2  }
0x43c: {  	s0 =	rddreg [dreg:$0x0];
	s2 =	stileid.u32  }
0x43d: {  	s1 =	rddreg [dreg:$0x1];
	p0 =	sne.s32 s2, $0x0  }
0x43e: {  	s3 =	rddreg [dreg:$0x2];
	[bflag:$0x3] =	sbarrier.arrive $0xFFFF;
	s2 =	simm.s32 @!p0 $0x1C08  }
0x43f: {  	[timem:s3], [sflag:s2] =	dma.local @!p0 [hbm:s0], s1  }
0x440: {  	s0 =	simm.s32 @!p0 $0x8  }
0x441: {  	_ =	swait.ge @!p0 [sflag:s0], s1  }
0x442: {  	s1 =	ssub.s32 @!p0 $0x0, s1;
	[sflag:s0] =	ssyncset.done @!p0 $0x0  }
0x443: {  	[sflag:s0] =	ssyncadd.s32 @!p0 s1  }
0x444: {  	[bflag:$0x3] =	sbarrier.arrive $0xFFFF  }
0x445: {  	_ =	shalt  }

</sc_bundles>
